<compile_context>
chip_gen: v7x
topology: tpu7x:2x2x1
jax: 0.10.2.dev20260603
libtpu: 0.0.44.dev20260713+nightly
codegen_flags: <defaults>
</compile_context>

<pallas_src>
import jax
import jax.numpy as jnp
from jax import lax
from jax.experimental import pallas as pl
from jax.experimental.pallas import tpu as pltpu
from jax.experimental.pallas import tpu_sc as plsc

N = 131072
D = 32
NC, NS, L = 2, 16, 16
NW = NC * NS
SAMPLES_PER_W = N // NW
CHUNK_S = 512
NCHUNK = SAMPLES_PER_W // CHUNK_S
SWEEP_S = 128
SWEEPS = CHUNK_S // SWEEP_S
NG = SWEEP_S // L
NBUF = 4
NOBUF = 2


def _sqrt16(x):
    i = lax.bitcast_convert_type(x, jnp.int32)
    y = lax.bitcast_convert_type(jnp.int32(0x5F3759DF) - (i >> 1),
                                 jnp.float32)
    for _ in range(3):
        y = y * (1.5 - 0.5 * x * y * y)
    return x * y


def _sc_body(emb_hbm, cen_hbm, out_hbm,
             cen_v, in_v0, in_v1, in_v2, in_v3, out_v0, out_v1,
             isem0, isem1, isem2, isem3, osem0, osem1):
    wid = lax.axis_index("s") * NC + lax.axis_index("c")
    sbase = wid * SAMPLES_PER_W

    in_v = (in_v0, in_v1, in_v2, in_v3)
    out_v = (out_v0, out_v1)
    isem = (isem0, isem1, isem2, isem3)
    osem = (osem0, osem1)

    pltpu.sync_copy(cen_hbm, cen_v)

    iota = lax.iota(jnp.int32, L)
    zero16 = jnp.zeros((L,), jnp.int32)
    one16 = jnp.full((L,), 1, jnp.int32)
    rots = [(iota + j) & (D - 1) for j in range(D)]

    for b in range(NBUF):
        pltpu.async_copy(emb_hbm.at[pl.ds(sbase + b * CHUNK_S, CHUNK_S)],
                         in_v[b], isem[b])

    @pl.loop(0, NCHUNK, step=NBUF)
    def _chunk_quad(c):
        for b in range(NBUF):
            cid = c + b
            ob = b & 1
            pltpu.make_async_copy(emb_hbm.at[pl.ds(0, CHUNK_S)],
                                  in_v[b], isem[b]).wait()

            @pl.when(cid >= NOBUF)
            def _():
                pltpu.make_async_copy(out_v[ob],
                                      out_hbm.at[pl.ds(0, CHUNK_S)],
                                      osem[ob]).wait()

            @pl.loop(0, SWEEPS)
            def _sweep(s):
                srow = s * SWEEP_S
                zeros = tuple(jnp.zeros((L,), jnp.float32)
                              for _ in range(2 * NG))
                rows = [iota + (srow + g * L) for g in range(NG)]

                @pl.loop(0, D, init_carry=zeros, unroll=4)
                def _feat(j, carry):
                    rot = (iota + j) & (D - 1)
                    c0 = plsc.load_gather(cen_v, [zero16, rot])
                    c1 = plsc.load_gather(cen_v, [one16, rot])
                    acc = list(carry)
                    for g in range(NG):
                        x = plsc.load_gather(in_v[b], [rows[g], rot])
                        u0 = x - c0
                        acc[2 * g] = acc[2 * g] + u0 * u0
                        u1 = x - c1
                        acc[2 * g + 1] = acc[2 * g + 1] + u1 * u1
                    return tuple(acc)

                for g in range(NG):
                    m = jnp.minimum(_feat[2 * g], _feat[2 * g + 1]) + 1e-12
                    out_v[ob][pl.ds(srow + g * L, L)] = _sqrt16(m)

            pltpu.async_copy(out_v[ob],
                             out_hbm.at[pl.ds(sbase + cid * CHUNK_S,
                                              CHUNK_S)],
                             osem[ob])

            @pl.when(cid + NBUF < NCHUNK)
            def _():
                pltpu.async_copy(
                    emb_hbm.at[pl.ds(sbase + (cid + NBUF) * CHUNK_S,
                                     CHUNK_S)],
                    in_v[b], isem[b])

    for ob in range(NOBUF):
        pltpu.make_async_copy(out_v[ob], out_hbm.at[pl.ds(0, CHUNK_S)],
                              osem[ob]).wait()


def kernel(embedded, centers):
    mesh = plsc.VectorSubcoreMesh(core_axis_name="c", subcore_axis_name="s",
                                  num_cores=NC, num_subcores=NS)
    run = pl.kernel(
        _sc_body,
        out_type=jax.ShapeDtypeStruct((N,), jnp.float32),
        mesh=mesh,
        compiler_params=pltpu.CompilerParams(needs_layout_passes=False,
                                             use_tc_tiling_on_sc=False),
        scratch_types=[
            pltpu.VMEM((2, D), jnp.float32),
            pltpu.VMEM((CHUNK_S, D), jnp.float32),
            pltpu.VMEM((CHUNK_S, D), jnp.float32),
            pltpu.VMEM((CHUNK_S, D), jnp.float32),
            pltpu.VMEM((CHUNK_S, D), jnp.float32),
            pltpu.VMEM((CHUNK_S,), jnp.float32),
            pltpu.VMEM((CHUNK_S,), jnp.float32),
            pltpu.SemaphoreType.DMA,
            pltpu.SemaphoreType.DMA,
            pltpu.SemaphoreType.DMA,
            pltpu.SemaphoreType.DMA,
            pltpu.SemaphoreType.DMA,
            pltpu.SemaphoreType.DMA,
        ],
    )
    return run(embedded, centers)

# --- scband reference (transcript-rebuilt; emitter-appended) ---
"""Pipeline reference for scband-deep-ect-module-28965259444796 (READ-ONLY COPY).

The authoritative reference and input builder live on the scoring server;
editing this copy changes nothing except your own understanding.
"""

import jax, jax.numpy as jnp
import numpy as np


def setup_inputs(seed: int = 0) -> dict:
    key = jax.random.key(seed)
    embedded = jax.random.normal(key, (131072, 32), dtype=jnp.float32)
    centers = jnp.stack([
        jnp.full((32,), 0.5, dtype=jnp.float32),
        jnp.full((32,), -0.5, dtype=jnp.float32),
    ])
    return {"embedded": embedded, "centers": centers}


def reference(embedded, centers):
    # DeepECT assign_to_nodes: squared euclidean distance from every embedded
    # sample to every leaf-node center, hard argmin assignment (VQ-style),
    # then per-sample euclidean distance to its assigned center (the quantity
    # accumulated in the NC loss / sum_squared_dist of each Cluster_Node).
    d2 = jnp.sum((embedded[:, None, :] - centers[None, :, :]) ** 2, axis=-1)
    assign = jnp.argmin(d2, axis=1)
    assigned_centers = jnp.take(centers, assign, axis=0)
    dist = jnp.sqrt(jnp.sum((embedded - assigned_centers) ** 2, axis=-1) + 1e-12)
    return dist

if __name__ == "__main__":
    import jax
    _d = setup_inputs()
    print(jax.jit(kernel)(*tuple(_d.values())))

</pallas_src>

<mosaic_0001>
#map = affine_map<(d0, d1) -> (0, 0)>
#map1 = affine_map<(d0, d1) -> (0)>
module attributes {stable_mosaic.version = 14 : i64} {
  func.func @_sc_body(%arg0: i32, %arg1: i32, %arg2: memref<131072x32xf32, #tpu.memory_space<hbm>>, %arg3: memref<2x32xf32, #tpu.memory_space<hbm>>, %arg4: memref<131072xf32, #tpu.memory_space<hbm>>, %arg5: memref<2x32xf32, #tpu.memory_space<vmem>>, %arg6: memref<512x32xf32, #tpu.memory_space<vmem>>, %arg7: memref<512x32xf32, #tpu.memory_space<vmem>>, %arg8: memref<512x32xf32, #tpu.memory_space<vmem>>, %arg9: memref<512x32xf32, #tpu.memory_space<vmem>>, %arg10: memref<512xf32, #tpu.memory_space<vmem>>, %arg11: memref<512xf32, #tpu.memory_space<vmem>>, %arg12: memref<!tpu.dma_semaphore, #tpu.memory_space<semaphore_mem>>, %arg13: memref<!tpu.dma_semaphore, #tpu.memory_space<semaphore_mem>>, %arg14: memref<!tpu.dma_semaphore, #tpu.memory_space<semaphore_mem>>, %arg15: memref<!tpu.dma_semaphore, #tpu.memory_space<semaphore_mem>>, %arg16: memref<!tpu.dma_semaphore, #tpu.memory_space<semaphore_mem>>, %arg17: memref<!tpu.dma_semaphore, #tpu.memory_space<semaphore_mem>>) attributes {dimension_semantics = [#tpu.dimension_semantics<core_parallel>, #tpu.dimension_semantics<subcore_parallel>], iteration_bounds = array<i64: 2, 16>, scalar_prefetch = 0 : i64, scratch_operands = 13 : i64, tpu.core_type = #tpu.core_type<sc_vector_subcore>, window_params = [{transform_indices = #map}, {transform_indices = #map}, {transform_indices = #map1}]} {
    %mul3A = arith.constant 2 : i32
    %mul3A_0 = arith.muli %arg1, %mul3A : i32
    %add3A = arith.addi %mul3A_0, %arg0 : i32
    %mul3A_1 = arith.constant 4096 : i32
    %mul3A_2 = arith.muli %add3A, %mul3A_1 : i32
    "tpu.region"() ({
      %run_scoped3A = tpu.sem_alloc : memref<!tpu.dma_semaphore, #tpu.memory_space<semaphore_mem>>
      tpu.enqueue_dma source(%arg3 : memref<2x32xf32, #tpu.memory_space<hbm>>) target(%arg5 : memref<2x32xf32, #tpu.memory_space<vmem>>) target_semaphore(%run_scoped3A : memref<!tpu.dma_semaphore, #tpu.memory_space<semaphore_mem>>)
      tpu.wait_dma2 semaphore(%run_scoped3A : memref<!tpu.dma_semaphore, #tpu.memory_space<semaphore_mem>>) src(%arg3 : memref<2x32xf32, #tpu.memory_space<hbm>>) dst(%arg5 : memref<2x32xf32, #tpu.memory_space<vmem>>)
      tpu.yield
    }) : () -> ()
    %iota3A = tpu.iota {dimensions = array<i32: 0>} : vector<16xi32>
    %broadcast_in_dim3A = arith.constant 0 : i32
    %broadcast_in_dim3A_3 = vector.broadcast %broadcast_in_dim3A : i32 to vector<16xi32>
    %broadcast_in_dim3A_4 = arith.constant 1 : i32
    %broadcast_in_dim3A_5 = vector.broadcast %broadcast_in_dim3A_4 : i32 to vector<16xi32>
    %add3A_6 = arith.constant 0 : i32
    %add3A_7 = vector.broadcast %add3A_6 : i32 to vector<16xi32>
    %add3A_8 = arith.addi %iota3A, %add3A_7 : vector<16xi32>
    %and3A = arith.constant 31 : i32
    %and3A_9 = vector.broadcast %and3A : i32 to vector<16xi32>
    %and3A_10 = arith.andi %add3A_8, %and3A_9 : vector<16xi32>
    %add3A_11 = arith.constant 1 : i32
    %add3A_12 = vector.broadcast %add3A_11 : i32 to vector<16xi32>
    %add3A_13 = arith.addi %iota3A, %add3A_12 : vector<16xi32>
    %and3A_14 = arith.constant 31 : i32
    %and3A_15 = vector.broadcast %and3A_14 : i32 to vector<16xi32>
    %and3A_16 = arith.andi %add3A_13, %and3A_15 : vector<16xi32>
    %add3A_17 = arith.constant 2 : i32
    %add3A_18 = vector.broadcast %add3A_17 : i32 to vector<16xi32>
    %add3A_19 = arith.addi %iota3A, %add3A_18 : vector<16xi32>
    %and3A_20 = arith.constant 31 : i32
    %and3A_21 = vector.broadcast %and3A_20 : i32 to vector<16xi32>
    %and3A_22 = arith.andi %add3A_19, %and3A_21 : vector<16xi32>
    %add3A_23 = arith.constant 3 : i32
    %add3A_24 = vector.broadcast %add3A_23 : i32 to vector<16xi32>
    %add3A_25 = arith.addi %iota3A, %add3A_24 : vector<16xi32>
    %and3A_26 = arith.constant 31 : i32
    %and3A_27 = vector.broadcast %and3A_26 : i32 to vector<16xi32>
    %and3A_28 = arith.andi %add3A_25, %and3A_27 : vector<16xi32>
    %add3A_29 = arith.constant 4 : i32
    %add3A_30 = vector.broadcast %add3A_29 : i32 to vector<16xi32>
    %add3A_31 = arith.addi %iota3A, %add3A_30 : vector<16xi32>
    %and3A_32 = arith.constant 31 : i32
    %and3A_33 = vector.broadcast %and3A_32 : i32 to vector<16xi32>
    %and3A_34 = arith.andi %add3A_31, %and3A_33 : vector<16xi32>
    %add3A_35 = arith.constant 5 : i32
    %add3A_36 = vector.broadcast %add3A_35 : i32 to vector<16xi32>
    %add3A_37 = arith.addi %iota3A, %add3A_36 : vector<16xi32>
    %and3A_38 = arith.constant 31 : i32
    %and3A_39 = vector.broadcast %and3A_38 : i32 to vector<16xi32>
    %and3A_40 = arith.andi %add3A_37, %and3A_39 : vector<16xi32>
    %add3A_41 = arith.constant 6 : i32
    %add3A_42 = vector.broadcast %add3A_41 : i32 to vector<16xi32>
    %add3A_43 = arith.addi %iota3A, %add3A_42 : vector<16xi32>
    %and3A_44 = arith.constant 31 : i32
    %and3A_45 = vector.broadcast %and3A_44 : i32 to vector<16xi32>
    %and3A_46 = arith.andi %add3A_43, %and3A_45 : vector<16xi32>
    %add3A_47 = arith.constant 7 : i32
    %add3A_48 = vector.broadcast %add3A_47 : i32 to vector<16xi32>
    %add3A_49 = arith.addi %iota3A, %add3A_48 : vector<16xi32>
    %and3A_50 = arith.constant 31 : i32
    %and3A_51 = vector.broadcast %and3A_50 : i32 to vector<16xi32>
    %and3A_52 = arith.andi %add3A_49, %and3A_51 : vector<16xi32>
    %add3A_53 = arith.constant 8 : i32
    %add3A_54 = vector.broadcast %add3A_53 : i32 to vector<16xi32>
    %add3A_55 = arith.addi %iota3A, %add3A_54 : vector<16xi32>
    %and3A_56 = arith.constant 31 : i32
    %and3A_57 = vector.broadcast %and3A_56 : i32 to vector<16xi32>
    %and3A_58 = arith.andi %add3A_55, %and3A_57 : vector<16xi32>
    %add3A_59 = arith.constant 9 : i32
    %add3A_60 = vector.broadcast %add3A_59 : i32 to vector<16xi32>
    %add3A_61 = arith.addi %iota3A, %add3A_60 : vector<16xi32>
    %and3A_62 = arith.constant 31 : i32
    %and3A_63 = vector.broadcast %and3A_62 : i32 to vector<16xi32>
    %and3A_64 = arith.andi %add3A_61, %and3A_63 : vector<16xi32>
    %add3A_65 = arith.constant 10 : i32
    %add3A_66 = vector.broadcast %add3A_65 : i32 to vector<16xi32>
    %add3A_67 = arith.addi %iota3A, %add3A_66 : vector<16xi32>
    %and3A_68 = arith.constant 31 : i32
    %and3A_69 = vector.broadcast %and3A_68 : i32 to vector<16xi32>
    %and3A_70 = arith.andi %add3A_67, %and3A_69 : vector<16xi32>
    %add3A_71 = arith.constant 11 : i32
    %add3A_72 = vector.broadcast %add3A_71 : i32 to vector<16xi32>
    %add3A_73 = arith.addi %iota3A, %add3A_72 : vector<16xi32>
    %and3A_74 = arith.constant 31 : i32
    %and3A_75 = vector.broadcast %and3A_74 : i32 to vector<16xi32>
    %and3A_76 = arith.andi %add3A_73, %and3A_75 : vector<16xi32>
    %add3A_77 = arith.constant 12 : i32
    %add3A_78 = vector.broadcast %add3A_77 : i32 to vector<16xi32>
    %add3A_79 = arith.addi %iota3A, %add3A_78 : vector<16xi32>
    %and3A_80 = arith.constant 31 : i32
    %and3A_81 = vector.broadcast %and3A_80 : i32 to vector<16xi32>
    %and3A_82 = arith.andi %add3A_79, %and3A_81 : vector<16xi32>
    %add3A_83 = arith.constant 13 : i32
    %add3A_84 = vector.broadcast %add3A_83 : i32 to vector<16xi32>
    %add3A_85 = arith.addi %iota3A, %add3A_84 : vector<16xi32>
    %and3A_86 = arith.constant 31 : i32
    %and3A_87 = vector.broadcast %and3A_86 : i32 to vector<16xi32>
    %and3A_88 = arith.andi %add3A_85, %and3A_87 : vector<16xi32>
    %add3A_89 = arith.constant 14 : i32
    %add3A_90 = vector.broadcast %add3A_89 : i32 to vector<16xi32>
    %add3A_91 = arith.addi %iota3A, %add3A_90 : vector<16xi32>
    %and3A_92 = arith.constant 31 : i32
    %and3A_93 = vector.broadcast %and3A_92 : i32 to vector<16xi32>
    %and3A_94 = arith.andi %add3A_91, %and3A_93 : vector<16xi32>
    %add3A_95 = arith.constant 15 : i32
    %add3A_96 = vector.broadcast %add3A_95 : i32 to vector<16xi32>
    %add3A_97 = arith.addi %iota3A, %add3A_96 : vector<16xi32>
    %and3A_98 = arith.constant 31 : i32
    %and3A_99 = vector.broadcast %and3A_98 : i32 to vector<16xi32>
    %and3A_100 = arith.andi %add3A_97, %and3A_99 : vector<16xi32>
    %add3A_101 = arith.constant 16 : i32
    %add3A_102 = vector.broadcast %add3A_101 : i32 to vector<16xi32>
    %add3A_103 = arith.addi %iota3A, %add3A_102 : vector<16xi32>
    %and3A_104 = arith.constant 31 : i32
    %and3A_105 = vector.broadcast %and3A_104 : i32 to vector<16xi32>
    %and3A_106 = arith.andi %add3A_103, %and3A_105 : vector<16xi32>
    %add3A_107 = arith.constant 17 : i32
    %add3A_108 = vector.broadcast %add3A_107 : i32 to vector<16xi32>
    %add3A_109 = arith.addi %iota3A, %add3A_108 : vector<16xi32>
    %and3A_110 = arith.constant 31 : i32
    %and3A_111 = vector.broadcast %and3A_110 : i32 to vector<16xi32>
    %and3A_112 = arith.andi %add3A_109, %and3A_111 : vector<16xi32>
    %add3A_113 = arith.constant 18 : i32
    %add3A_114 = vector.broadcast %add3A_113 : i32 to vector<16xi32>
    %add3A_115 = arith.addi %iota3A, %add3A_114 : vector<16xi32>
    %and3A_116 = arith.constant 31 : i32
    %and3A_117 = vector.broadcast %and3A_116 : i32 to vector<16xi32>
    %and3A_118 = arith.andi %add3A_115, %and3A_117 : vector<16xi32>
    %add3A_119 = arith.constant 19 : i32
    %add3A_120 = vector.broadcast %add3A_119 : i32 to vector<16xi32>
    %add3A_121 = arith.addi %iota3A, %add3A_120 : vector<16xi32>
    %and3A_122 = arith.constant 31 : i32
    %and3A_123 = vector.broadcast %and3A_122 : i32 to vector<16xi32>
    %and3A_124 = arith.andi %add3A_121, %and3A_123 : vector<16xi32>
    %add3A_125 = arith.constant 20 : i32
    %add3A_126 = vector.broadcast %add3A_125 : i32 to vector<16xi32>
    %add3A_127 = arith.addi %iota3A, %add3A_126 : vector<16xi32>
    %and3A_128 = arith.constant 31 : i32
    %and3A_129 = vector.broadcast %and3A_128 : i32 to vector<16xi32>
    %and3A_130 = arith.andi %add3A_127, %and3A_129 : vector<16xi32>
    %add3A_131 = arith.constant 21 : i32
    %add3A_132 = vector.broadcast %add3A_131 : i32 to vector<16xi32>
    %add3A_133 = arith.addi %iota3A, %add3A_132 : vector<16xi32>
    %and3A_134 = arith.constant 31 : i32
    %and3A_135 = vector.broadcast %and3A_134 : i32 to vector<16xi32>
    %and3A_136 = arith.andi %add3A_133, %and3A_135 : vector<16xi32>
    %add3A_137 = arith.constant 22 : i32
    %add3A_138 = vector.broadcast %add3A_137 : i32 to vector<16xi32>
    %add3A_139 = arith.addi %iota3A, %add3A_138 : vector<16xi32>
    %and3A_140 = arith.constant 31 : i32
    %and3A_141 = vector.broadcast %and3A_140 : i32 to vector<16xi32>
    %and3A_142 = arith.andi %add3A_139, %and3A_141 : vector<16xi32>
    %add3A_143 = arith.constant 23 : i32
    %add3A_144 = vector.broadcast %add3A_143 : i32 to vector<16xi32>
    %add3A_145 = arith.addi %iota3A, %add3A_144 : vector<16xi32>
    %and3A_146 = arith.constant 31 : i32
    %and3A_147 = vector.broadcast %and3A_146 : i32 to vector<16xi32>
    %and3A_148 = arith.andi %add3A_145, %and3A_147 : vector<16xi32>
    %add3A_149 = arith.constant 24 : i32
    %add3A_150 = vector.broadcast %add3A_149 : i32 to vector<16xi32>
    %add3A_151 = arith.addi %iota3A, %add3A_150 : vector<16xi32>
    %and3A_152 = arith.constant 31 : i32
    %and3A_153 = vector.broadcast %and3A_152 : i32 to vector<16xi32>
    %and3A_154 = arith.andi %add3A_151, %and3A_153 : vector<16xi32>
    %add3A_155 = arith.constant 25 : i32
    %add3A_156 = vector.broadcast %add3A_155 : i32 to vector<16xi32>
    %add3A_157 = arith.addi %iota3A, %add3A_156 : vector<16xi32>
    %and3A_158 = arith.constant 31 : i32
    %and3A_159 = vector.broadcast %and3A_158 : i32 to vector<16xi32>
    %and3A_160 = arith.andi %add3A_157, %and3A_159 : vector<16xi32>
    %add3A_161 = arith.constant 26 : i32
    %add3A_162 = vector.broadcast %add3A_161 : i32 to vector<16xi32>
    %add3A_163 = arith.addi %iota3A, %add3A_162 : vector<16xi32>
    %and3A_164 = arith.constant 31 : i32
    %and3A_165 = vector.broadcast %and3A_164 : i32 to vector<16xi32>
    %and3A_166 = arith.andi %add3A_163, %and3A_165 : vector<16xi32>
    %add3A_167 = arith.constant 27 : i32
    %add3A_168 = vector.broadcast %add3A_167 : i32 to vector<16xi32>
    %add3A_169 = arith.addi %iota3A, %add3A_168 : vector<16xi32>
    %and3A_170 = arith.constant 31 : i32
    %and3A_171 = vector.broadcast %and3A_170 : i32 to vector<16xi32>
    %and3A_172 = arith.andi %add3A_169, %and3A_171 : vector<16xi32>
    %add3A_173 = arith.constant 28 : i32
    %add3A_174 = vector.broadcast %add3A_173 : i32 to vector<16xi32>
    %add3A_175 = arith.addi %iota3A, %add3A_174 : vector<16xi32>
    %and3A_176 = arith.constant 31 : i32
    %and3A_177 = vector.broadcast %and3A_176 : i32 to vector<16xi32>
    %and3A_178 = arith.andi %add3A_175, %and3A_177 : vector<16xi32>
    %add3A_179 = arith.constant 29 : i32
    %add3A_180 = vector.broadcast %add3A_179 : i32 to vector<16xi32>
    %add3A_181 = arith.addi %iota3A, %add3A_180 : vector<16xi32>
    %and3A_182 = arith.constant 31 : i32
    %and3A_183 = vector.broadcast %and3A_182 : i32 to vector<16xi32>
    %and3A_184 = arith.andi %add3A_181, %and3A_183 : vector<16xi32>
    %add3A_185 = arith.constant 30 : i32
    %add3A_186 = vector.broadcast %add3A_185 : i32 to vector<16xi32>
    %add3A_187 = arith.addi %iota3A, %add3A_186 : vector<16xi32>
    %and3A_188 = arith.constant 31 : i32
    %and3A_189 = vector.broadcast %and3A_188 : i32 to vector<16xi32>
    %and3A_190 = arith.andi %add3A_187, %and3A_189 : vector<16xi32>
    %add3A_191 = arith.constant 31 : i32
    %add3A_192 = vector.broadcast %add3A_191 : i32 to vector<16xi32>
    %add3A_193 = arith.addi %iota3A, %add3A_192 : vector<16xi32>
    %and3A_194 = arith.constant 31 : i32
    %and3A_195 = vector.broadcast %and3A_194 : i32 to vector<16xi32>
    %and3A_196 = arith.andi %add3A_193, %and3A_195 : vector<16xi32>
    %add3A_197 = arith.constant 0 : i32
    %add3A_198 = arith.addi %mul3A_2, %add3A_197 : i32
    %dma_start3A = arith.constant 0 : i32
    %dma_start3A_199 = tpu.memref_slice %arg2[%add3A_198, %dma_start3A] : memref<131072x32xf32, #tpu.memory_space<hbm>> -> memref<512x32xf32, #tpu.memory_space<hbm>>
    %dma_start3A_200 = arith.constant 0 : i32
    %dma_start3A_201 = tpu.memref_slice %arg2[%add3A_198, %dma_start3A_200] : memref<131072x32xf32, #tpu.memory_space<hbm>> -> memref<512x32xf32, #tpu.memory_space<hbm>>
    tpu.enqueue_dma source(%dma_start3A_201 : memref<512x32xf32, #tpu.memory_space<hbm>>) target(%arg6 : memref<512x32xf32, #tpu.memory_space<vmem>>) target_semaphore(%arg12 : memref<!tpu.dma_semaphore, #tpu.memory_space<semaphore_mem>>)
    %add3A_202 = arith.constant 512 : i32
    %add3A_203 = arith.addi %mul3A_2, %add3A_202 : i32
    %dma_start3A_204 = arith.constant 0 : i32
    %dma_start3A_205 = tpu.memref_slice %arg2[%add3A_203, %dma_start3A_204] : memref<131072x32xf32, #tpu.memory_space<hbm>> -> memref<512x32xf32, #tpu.memory_space<hbm>>
    %dma_start3A_206 = arith.constant 0 : i32
    %dma_start3A_207 = tpu.memref_slice %arg2[%add3A_203, %dma_start3A_206] : memref<131072x32xf32, #tpu.memory_space<hbm>> -> memref<512x32xf32, #tpu.memory_space<hbm>>
    tpu.enqueue_dma source(%dma_start3A_207 : memref<512x32xf32, #tpu.memory_space<hbm>>) target(%arg7 : memref<512x32xf32, #tpu.memory_space<vmem>>) target_semaphore(%arg13 : memref<!tpu.dma_semaphore, #tpu.memory_space<semaphore_mem>>)
    %add3A_208 = arith.constant 1024 : i32
    %add3A_209 = arith.addi %mul3A_2, %add3A_208 : i32
    %dma_start3A_210 = arith.constant 0 : i32
    %dma_start3A_211 = tpu.memref_slice %arg2[%add3A_209, %dma_start3A_210] : memref<131072x32xf32, #tpu.memory_space<hbm>> -> memref<512x32xf32, #tpu.memory_space<hbm>>
    %dma_start3A_212 = arith.constant 0 : i32
    %dma_start3A_213 = tpu.memref_slice %arg2[%add3A_209, %dma_start3A_212] : memref<131072x32xf32, #tpu.memory_space<hbm>> -> memref<512x32xf32, #tpu.memory_space<hbm>>
    tpu.enqueue_dma source(%dma_start3A_213 : memref<512x32xf32, #tpu.memory_space<hbm>>) target(%arg8 : memref<512x32xf32, #tpu.memory_space<vmem>>) target_semaphore(%arg14 : memref<!tpu.dma_semaphore, #tpu.memory_space<semaphore_mem>>)
    %add3A_214 = arith.constant 1536 : i32
    %add3A_215 = arith.addi %mul3A_2, %add3A_214 : i32
    %dma_start3A_216 = arith.constant 0 : i32
    %dma_start3A_217 = tpu.memref_slice %arg2[%add3A_215, %dma_start3A_216] : memref<131072x32xf32, #tpu.memory_space<hbm>> -> memref<512x32xf32, #tpu.memory_space<hbm>>
    %dma_start3A_218 = arith.constant 0 : i32
    %dma_start3A_219 = tpu.memref_slice %arg2[%add3A_215, %dma_start3A_218] : memref<131072x32xf32, #tpu.memory_space<hbm>> -> memref<512x32xf32, #tpu.memory_space<hbm>>
    tpu.enqueue_dma source(%dma_start3A_219 : memref<512x32xf32, #tpu.memory_space<hbm>>) target(%arg9 : memref<512x32xf32, #tpu.memory_space<vmem>>) target_semaphore(%arg15 : memref<!tpu.dma_semaphore, #tpu.memory_space<semaphore_mem>>)
    %scan3A = arith.constant 0 : i32
    %scan3A_220 = arith.constant 2 : i32
    %scan3A_221 = arith.addi %scan3A, %scan3A_220 : i32
    %scan3A_222 = arith.constant 1 : i32
    scf.for %scan3A_231 = %scan3A to %scan3A_221 step %scan3A_222  : i32 {
      %mul3A_232 = arith.constant 4 : i32
      %mul3A_233 = arith.muli %scan3A_231, %mul3A_232 : i32
      %add3A_234 = arith.constant 0 : i32
      %add3A_235 = arith.addi %add3A_234, %mul3A_233 : i32
      %add3A_236 = arith.constant 0 : i32
      %add3A_237 = arith.addi %add3A_235, %add3A_236 : i32
      %dma_wait3A_238 = arith.constant 0 : i32
      %dma_wait3A_239 = arith.constant 0 : i32
      %dma_wait3A_240 = tpu.memref_slice %arg2[%dma_wait3A_238, %dma_wait3A_239] : memref<131072x32xf32, #tpu.memory_space<hbm>> -> memref<512x32xf32, #tpu.memory_space<hbm>>
      %dma_wait3A_241 = arith.constant 0 : i32
      %dma_wait3A_242 = arith.constant 0 : i32
      %dma_wait3A_243 = tpu.memref_slice %arg2[%dma_wait3A_241, %dma_wait3A_242] : memref<131072x32xf32, #tpu.memory_space<hbm>> -> memref<512x32xf32, #tpu.memory_space<hbm>>
      tpu.wait_dma2 semaphore(%arg12 : memref<!tpu.dma_semaphore, #tpu.memory_space<semaphore_mem>>) src(%dma_wait3A_243 : memref<512x32xf32, #tpu.memory_space<hbm>>) dst(%arg6 : memref<512x32xf32, #tpu.memory_space<vmem>>)
      %ge3A = arith.constant 2 : i32
      %ge3A_244 = arith.cmpi sge, %add3A_237, %ge3A : i32
      %convert_element_type3A = arith.extui %ge3A_244 : i1 to i32
      %cond3A = arith.constant 0 : i32
      %cond3A_245 = arith.cmpi ne, %convert_element_type3A, %cond3A : i32
      scf.if %cond3A_245 {
        %dma_wait3A_352 = arith.constant 0 : i32
        %dma_wait3A_353 = tpu.memref_slice %arg4[%dma_wait3A_352] : memref<131072xf32, #tpu.memory_space<hbm>> -> memref<512xf32, #tpu.memory_space<hbm>>
        %dma_wait3A_354 = arith.constant 0 : i32
        %dma_wait3A_355 = tpu.memref_slice %arg4[%dma_wait3A_354] : memref<131072xf32, #tpu.memory_space<hbm>> -> memref<512xf32, #tpu.memory_space<hbm>>
        tpu.wait_dma2 semaphore(%arg16 : memref<!tpu.dma_semaphore, #tpu.memory_space<semaphore_mem>>) src(%arg10 : memref<512xf32, #tpu.memory_space<vmem>>) dst(%dma_wait3A_355 : memref<512xf32, #tpu.memory_space<hbm>>)
      } else {
      }
      %scan3A_246 = arith.constant 0 : i32
      %scan3A_247 = arith.constant 4 : i32
      %scan3A_248 = arith.addi %scan3A_246, %scan3A_247 : i32
      %scan3A_249 = arith.constant 1 : i32
      scf.for %scan3A_352 = %scan3A_246 to %scan3A_248 step %scan3A_249  : i32 {
        %mul3A_353 = arith.constant 1 : i32
        %mul3A_354 = arith.muli %scan3A_352, %mul3A_353 : i32
        %add3A_355 = arith.constant 0 : i32
        %add3A_356 = arith.addi %add3A_355, %mul3A_354 : i32
        %mul3A_357 = arith.constant 128 : i32
        %mul3A_358 = arith.muli %add3A_356, %mul3A_357 : i32
        %broadcast_in_dim3A_359 = arith.constant 0.000000e+00 : f32
        %broadcast_in_dim3A_360 = vector.broadcast %broadcast_in_dim3A_359 : f32 to vector<16xf32>
        %broadcast_in_dim3A_361 = arith.constant 0.000000e+00 : f32
        %broadcast_in_dim3A_362 = vector.broadcast %broadcast_in_dim3A_361 : f32 to vector<16xf32>
        %broadcast_in_dim3A_363 = arith.constant 0.000000e+00 : f32
        %broadcast_in_dim3A_364 = vector.broadcast %broadcast_in_dim3A_363 : f32 to vector<16xf32>
        %broadcast_in_dim3A_365 = arith.constant 0.000000e+00 : f32
        %broadcast_in_dim3A_366 = vector.broadcast %broadcast_in_dim3A_365 : f32 to vector<16xf32>
        %broadcast_in_dim3A_367 = arith.constant 0.000000e+00 : f32
        %broadcast_in_dim3A_368 = vector.broadcast %broadcast_in_dim3A_367 : f32 to vector<16xf32>
        %broadcast_in_dim3A_369 = arith.constant 0.000000e+00 : f32
        %broadcast_in_dim3A_370 = vector.broadcast %broadcast_in_dim3A_369 : f32 to vector<16xf32>
        %broadcast_in_dim3A_371 = arith.constant 0.000000e+00 : f32
        %broadcast_in_dim3A_372 = vector.broadcast %broadcast_in_dim3A_371 : f32 to vector<16xf32>
        %broadcast_in_dim3A_373 = arith.constant 0.000000e+00 : f32
        %broadcast_in_dim3A_374 = vector.broadcast %broadcast_in_dim3A_373 : f32 to vector<16xf32>
        %broadcast_in_dim3A_375 = arith.constant 0.000000e+00 : f32
        %broadcast_in_dim3A_376 = vector.broadcast %broadcast_in_dim3A_375 : f32 to vector<16xf32>
        %broadcast_in_dim3A_377 = arith.constant 0.000000e+00 : f32
        %broadcast_in_dim3A_378 = vector.broadcast %broadcast_in_dim3A_377 : f32 to vector<16xf32>
        %broadcast_in_dim3A_379 = arith.constant 0.000000e+00 : f32
        %broadcast_in_dim3A_380 = vector.broadcast %broadcast_in_dim3A_379 : f32 to vector<16xf32>
        %broadcast_in_dim3A_381 = arith.constant 0.000000e+00 : f32
        %broadcast_in_dim3A_382 = vector.broadcast %broadcast_in_dim3A_381 : f32 to vector<16xf32>
        %broadcast_in_dim3A_383 = arith.constant 0.000000e+00 : f32
        %broadcast_in_dim3A_384 = vector.broadcast %broadcast_in_dim3A_383 : f32 to vector<16xf32>
        %broadcast_in_dim3A_385 = arith.constant 0.000000e+00 : f32
        %broadcast_in_dim3A_386 = vector.broadcast %broadcast_in_dim3A_385 : f32 to vector<16xf32>
        %broadcast_in_dim3A_387 = arith.constant 0.000000e+00 : f32
        %broadcast_in_dim3A_388 = vector.broadcast %broadcast_in_dim3A_387 : f32 to vector<16xf32>
        %broadcast_in_dim3A_389 = arith.constant 0.000000e+00 : f32
        %broadcast_in_dim3A_390 = vector.broadcast %broadcast_in_dim3A_389 : f32 to vector<16xf32>
        %add3A_391 = arith.constant 0 : i32
        %add3A_392 = arith.addi %mul3A_358, %add3A_391 : i32
        %add3A_393 = vector.broadcast %add3A_392 : i32 to vector<16xi32>
        %add3A_394 = arith.addi %iota3A, %add3A_393 : vector<16xi32>
        %add3A_395 = arith.constant 16 : i32
        %add3A_396 = arith.addi %mul3A_358, %add3A_395 : i32
        %add3A_397 = vector.broadcast %add3A_396 : i32 to vector<16xi32>
        %add3A_398 = arith.addi %iota3A, %add3A_397 : vector<16xi32>
        %add3A_399 = arith.constant 32 : i32
        %add3A_400 = arith.addi %mul3A_358, %add3A_399 : i32
        %add3A_401 = vector.broadcast %add3A_400 : i32 to vector<16xi32>
        %add3A_402 = arith.addi %iota3A, %add3A_401 : vector<16xi32>
        %add3A_403 = arith.constant 48 : i32
        %add3A_404 = arith.addi %mul3A_358, %add3A_403 : i32
        %add3A_405 = vector.broadcast %add3A_404 : i32 to vector<16xi32>
        %add3A_406 = arith.addi %iota3A, %add3A_405 : vector<16xi32>
        %add3A_407 = arith.constant 64 : i32
        %add3A_408 = arith.addi %mul3A_358, %add3A_407 : i32
        %add3A_409 = vector.broadcast %add3A_408 : i32 to vector<16xi32>
        %add3A_410 = arith.addi %iota3A, %add3A_409 : vector<16xi32>
        %add3A_411 = arith.constant 80 : i32
        %add3A_412 = arith.addi %mul3A_358, %add3A_411 : i32
        %add3A_413 = vector.broadcast %add3A_412 : i32 to vector<16xi32>
        %add3A_414 = arith.addi %iota3A, %add3A_413 : vector<16xi32>
        %add3A_415 = arith.constant 96 : i32
        %add3A_416 = arith.addi %mul3A_358, %add3A_415 : i32
        %add3A_417 = vector.broadcast %add3A_416 : i32 to vector<16xi32>
        %add3A_418 = arith.addi %iota3A, %add3A_417 : vector<16xi32>
        %add3A_419 = arith.constant 112 : i32
        %add3A_420 = arith.addi %mul3A_358, %add3A_419 : i32
        %add3A_421 = vector.broadcast %add3A_420 : i32 to vector<16xi32>
        %add3A_422 = arith.addi %iota3A, %add3A_421 : vector<16xi32>
        %scan3A_423 = arith.constant 0 : i32
        %scan3A_424 = arith.constant 32 : i32
        %scan3A_425 = arith.addi %scan3A_423, %scan3A_424 : i32
        %scan3A_426 = arith.constant 4 : i32
        %scan3A_427:16 = scf.for %scan3A_776 = %scan3A_423 to %scan3A_425 step %scan3A_426 iter_args(%scan3A_777 = %broadcast_in_dim3A_360, %scan3A_778 = %broadcast_in_dim3A_362, %scan3A_779 = %broadcast_in_dim3A_364, %scan3A_780 = %broadcast_in_dim3A_366, %scan3A_781 = %broadcast_in_dim3A_368, %scan3A_782 = %broadcast_in_dim3A_370, %scan3A_783 = %broadcast_in_dim3A_372, %scan3A_784 = %broadcast_in_dim3A_374, %scan3A_785 = %broadcast_in_dim3A_376, %scan3A_786 = %broadcast_in_dim3A_378, %scan3A_787 = %broadcast_in_dim3A_380, %scan3A_788 = %broadcast_in_dim3A_382, %scan3A_789 = %broadcast_in_dim3A_384, %scan3A_790 = %broadcast_in_dim3A_386, %scan3A_791 = %broadcast_in_dim3A_388, %scan3A_792 = %broadcast_in_dim3A_390) -> (vector<16xf32>, vector<16xf32>, vector<16xf32>, vector<16xf32>, vector<16xf32>, vector<16xf32>, vector<16xf32>, vector<16xf32>, vector<16xf32>, vector<16xf32>, vector<16xf32>, vector<16xf32>, vector<16xf32>, vector<16xf32>, vector<16xf32>, vector<16xf32>)  : i32 {
          %mul3A_793 = arith.constant 1 : i32
          %mul3A_794 = arith.muli %scan3A_776, %mul3A_793 : i32
          %add3A_795 = arith.constant 0 : i32
          %add3A_796 = arith.addi %add3A_795, %mul3A_794 : i32
          %add3A_797 = vector.broadcast %add3A_796 : i32 to vector<16xi32>
          %add3A_798 = arith.addi %iota3A, %add3A_797 : vector<16xi32>
          %and3A_799 = arith.constant 31 : i32
          %and3A_800 = vector.broadcast %and3A_799 : i32 to vector<16xi32>
          %and3A_801 = arith.andi %add3A_798, %and3A_800 : vector<16xi32>
          %gather3A = tpu.vector_load_idx %arg5[%broadcast_in_dim3A_3, %and3A_801] : memref<2x32xf32, #tpu.memory_space<vmem>>[vector<16xi32>, vector<16xi32>], vector<16xf32>,
          %gather3A_802 = tpu.vector_load_idx %arg5[%broadcast_in_dim3A_5, %and3A_801] : memref<2x32xf32, #tpu.memory_space<vmem>>[vector<16xi32>, vector<16xi32>], vector<16xf32>,
          %gather3A_803 = tpu.vector_load_idx %arg6[%add3A_394, %and3A_801] : memref<512x32xf32, #tpu.memory_space<vmem>>[vector<16xi32>, vector<16xi32>], vector<16xf32>,
          %sub3A_804 = arith.subf %gather3A_803, %gather3A : vector<16xf32>
          %mul3A_805 = arith.mulf %sub3A_804, %sub3A_804 : vector<16xf32>
          %add3A_806 = arith.addf %scan3A_777, %mul3A_805 : vector<16xf32>
          %sub3A_807 = arith.subf %gather3A_803, %gather3A_802 : vector<16xf32>
          %mul3A_808 = arith.mulf %sub3A_807, %sub3A_807 : vector<16xf32>
          %add3A_809 = arith.addf %scan3A_778, %mul3A_808 : vector<16xf32>
          %gather3A_810 = tpu.vector_load_idx %arg6[%add3A_398, %and3A_801] : memref<512x32xf32, #tpu.memory_space<vmem>>[vector<16xi32>, vector<16xi32>], vector<16xf32>,
          %sub3A_811 = arith.subf %gather3A_810, %gather3A : vector<16xf32>
          %mul3A_812 = arith.mulf %sub3A_811, %sub3A_811 : vector<16xf32>
          %add3A_813 = arith.addf %scan3A_779, %mul3A_812 : vector<16xf32>
          %sub3A_814 = arith.subf %gather3A_810, %gather3A_802 : vector<16xf32>
          %mul3A_815 = arith.mulf %sub3A_814, %sub3A_814 : vector<16xf32>
          %add3A_816 = arith.addf %scan3A_780, %mul3A_815 : vector<16xf32>
          %gather3A_817 = tpu.vector_load_idx %arg6[%add3A_402, %and3A_801] : memref<512x32xf32, #tpu.memory_space<vmem>>[vector<16xi32>, vector<16xi32>], vector<16xf32>,
          %sub3A_818 = arith.subf %gather3A_817, %gather3A : vector<16xf32>
          %mul3A_819 = arith.mulf %sub3A_818, %sub3A_818 : vector<16xf32>
          %add3A_820 = arith.addf %scan3A_781, %mul3A_819 : vector<16xf32>
          %sub3A_821 = arith.subf %gather3A_817, %gather3A_802 : vector<16xf32>
          %mul3A_822 = arith.mulf %sub3A_821, %sub3A_821 : vector<16xf32>
          %add3A_823 = arith.addf %scan3A_782, %mul3A_822 : vector<16xf32>
          %gather3A_824 = tpu.vector_load_idx %arg6[%add3A_406, %and3A_801] : memref<512x32xf32, #tpu.memory_space<vmem>>[vector<16xi32>, vector<16xi32>], vector<16xf32>,
          %sub3A_825 = arith.subf %gather3A_824, %gather3A : vector<16xf32>
          %mul3A_826 = arith.mulf %sub3A_825, %sub3A_825 : vector<16xf32>
          %add3A_827 = arith.addf %scan3A_783, %mul3A_826 : vector<16xf32>
          %sub3A_828 = arith.subf %gather3A_824, %gather3A_802 : vector<16xf32>
          %mul3A_829 = arith.mulf %sub3A_828, %sub3A_828 : vector<16xf32>
          %add3A_830 = arith.addf %scan3A_784, %mul3A_829 : vector<16xf32>
          %gather3A_831 = tpu.vector_load_idx %arg6[%add3A_410, %and3A_801] : memref<512x32xf32, #tpu.memory_space<vmem>>[vector<16xi32>, vector<16xi32>], vector<16xf32>,
          %sub3A_832 = arith.subf %gather3A_831, %gather3A : vector<16xf32>
          %mul3A_833 = arith.mulf %sub3A_832, %sub3A_832 : vector<16xf32>
          %add3A_834 = arith.addf %scan3A_785, %mul3A_833 : vector<16xf32>
          %sub3A_835 = arith.subf %gather3A_831, %gather3A_802 : vector<16xf32>
          %mul3A_836 = arith.mulf %sub3A_835, %sub3A_835 : vector<16xf32>
          %add3A_837 = arith.addf %scan3A_786, %mul3A_836 : vector<16xf32>
          %gather3A_838 = tpu.vector_load_idx %arg6[%add3A_414, %and3A_801] : memref<512x32xf32, #tpu.memory_space<vmem>>[vector<16xi32>, vector<16xi32>], vector<16xf32>,
          %sub3A_839 = arith.subf %gather3A_838, %gather3A : vector<16xf32>
          %mul3A_840 = arith.mulf %sub3A_839, %sub3A_839 : vector<16xf32>
          %add3A_841 = arith.addf %scan3A_787, %mul3A_840 : vector<16xf32>
          %sub3A_842 = arith.subf %gather3A_838, %gather3A_802 : vector<16xf32>
          %mul3A_843 = arith.mulf %sub3A_842, %sub3A_842 : vector<16xf32>
          %add3A_844 = arith.addf %scan3A_788, %mul3A_843 : vector<16xf32>
          %gather3A_845 = tpu.vector_load_idx %arg6[%add3A_418, %and3A_801] : memref<512x32xf32, #tpu.memory_space<vmem>>[vector<16xi32>, vector<16xi32>], vector<16xf32>,
          %sub3A_846 = arith.subf %gather3A_845, %gather3A : vector<16xf32>
          %mul3A_847 = arith.mulf %sub3A_846, %sub3A_846 : vector<16xf32>
          %add3A_848 = arith.addf %scan3A_789, %mul3A_847 : vector<16xf32>
          %sub3A_849 = arith.subf %gather3A_845, %gather3A_802 : vector<16xf32>
          %mul3A_850 = arith.mulf %sub3A_849, %sub3A_849 : vector<16xf32>
          %add3A_851 = arith.addf %scan3A_790, %mul3A_850 : vector<16xf32>
          %gather3A_852 = tpu.vector_load_idx %arg6[%add3A_422, %and3A_801] : memref<512x32xf32, #tpu.memory_space<vmem>>[vector<16xi32>, vector<16xi32>], vector<16xf32>,
          %sub3A_853 = arith.subf %gather3A_852, %gather3A : vector<16xf32>
          %mul3A_854 = arith.mulf %sub3A_853, %sub3A_853 : vector<16xf32>
          %add3A_855 = arith.addf %scan3A_791, %mul3A_854 : vector<16xf32>
          %sub3A_856 = arith.subf %gather3A_852, %gather3A_802 : vector<16xf32>
          %mul3A_857 = arith.mulf %sub3A_856, %sub3A_856 : vector<16xf32>
          %add3A_858 = arith.addf %scan3A_792, %mul3A_857 : vector<16xf32>
          %scan3A_859 = arith.constant 1 : i32
          %scan3A_860 = arith.addi %scan3A_776, %scan3A_859 : i32
          %mul3A_861 = arith.constant 1 : i32
          %mul3A_862 = arith.muli %scan3A_860, %mul3A_861 : i32
          %add3A_863 = arith.constant 0 : i32
          %add3A_864 = arith.addi %add3A_863, %mul3A_862 : i32
          %add3A_865 = vector.broadcast %add3A_864 : i32 to vector<16xi32>
          %add3A_866 = arith.addi %iota3A, %add3A_865 : vector<16xi32>
          %and3A_867 = arith.constant 31 : i32
          %and3A_868 = vector.broadcast %and3A_867 : i32 to vector<16xi32>
          %and3A_869 = arith.andi %add3A_866, %and3A_868 : vector<16xi32>
          %gather3A_870 = tpu.vector_load_idx %arg5[%broadcast_in_dim3A_3, %and3A_869] : memref<2x32xf32, #tpu.memory_space<vmem>>[vector<16xi32>, vector<16xi32>], vector<16xf32>,
          %gather3A_871 = tpu.vector_load_idx %arg5[%broadcast_in_dim3A_5, %and3A_869] : memref<2x32xf32, #tpu.memory_space<vmem>>[vector<16xi32>, vector<16xi32>], vector<16xf32>,
          %gather3A_872 = tpu.vector_load_idx %arg6[%add3A_394, %and3A_869] : memref<512x32xf32, #tpu.memory_space<vmem>>[vector<16xi32>, vector<16xi32>], vector<16xf32>,
          %sub3A_873 = arith.subf %gather3A_872, %gather3A_870 : vector<16xf32>
          %mul3A_874 = arith.mulf %sub3A_873, %sub3A_873 : vector<16xf32>
          %add3A_875 = arith.addf %add3A_806, %mul3A_874 : vector<16xf32>
          %sub3A_876 = arith.subf %gather3A_872, %gather3A_871 : vector<16xf32>
          %mul3A_877 = arith.mulf %sub3A_876, %sub3A_876 : vector<16xf32>
          %add3A_878 = arith.addf %add3A_809, %mul3A_877 : vector<16xf32>
          %gather3A_879 = tpu.vector_load_idx %arg6[%add3A_398, %and3A_869] : memref<512x32xf32, #tpu.memory_space<vmem>>[vector<16xi32>, vector<16xi32>], vector<16xf32>,
          %sub3A_880 = arith.subf %gather3A_879, %gather3A_870 : vector<16xf32>
          %mul3A_881 = arith.mulf %sub3A_880, %sub3A_880 : vector<16xf32>
          %add3A_882 = arith.addf %add3A_813, %mul3A_881 : vector<16xf32>
          %sub3A_883 = arith.subf %gather3A_879, %gather3A_871 : vector<16xf32>
          %mul3A_884 = arith.mulf %sub3A_883, %sub3A_883 : vector<16xf32>
          %add3A_885 = arith.addf %add3A_816, %mul3A_884 : vector<16xf32>
          %gather3A_886 = tpu.vector_load_idx %arg6[%add3A_402, %and3A_869] : memref<512x32xf32, #tpu.memory_space<vmem>>[vector<16xi32>, vector<16xi32>], vector<16xf32>,
          %sub3A_887 = arith.subf %gather3A_886, %gather3A_870 : vector<16xf32>
          %mul3A_888 = arith.mulf %sub3A_887, %sub3A_887 : vector<16xf32>
          %add3A_889 = arith.addf %add3A_820, %mul3A_888 : vector<16xf32>
          %sub3A_890 = arith.subf %gather3A_886, %gather3A_871 : vector<16xf32>
          %mul3A_891 = arith.mulf %sub3A_890, %sub3A_890 : vector<16xf32>
          %add3A_892 = arith.addf %add3A_823, %mul3A_891 : vector<16xf32>
          %gather3A_893 = tpu.vector_load_idx %arg6[%add3A_406, %and3A_869] : memref<512x32xf32, #tpu.memory_space<vmem>>[vector<16xi32>, vector<16xi32>], vector<16xf32>,
          %sub3A_894 = arith.subf %gather3A_893, %gather3A_870 : vector<16xf32>
          %mul3A_895 = arith.mulf %sub3A_894, %sub3A_894 : vector<16xf32>
          %add3A_896 = arith.addf %add3A_827, %mul3A_895 : vector<16xf32>
          %sub3A_897 = arith.subf %gather3A_893, %gather3A_871 : vector<16xf32>
          %mul3A_898 = arith.mulf %sub3A_897, %sub3A_897 : vector<16xf32>
          %add3A_899 = arith.addf %add3A_830, %mul3A_898 : vector<16xf32>
          %gather3A_900 = tpu.vector_load_idx %arg6[%add3A_410, %and3A_869] : memref<512x32xf32, #tpu.memory_space<vmem>>[vector<16xi32>, vector<16xi32>], vector<16xf32>,
          %sub3A_901 = arith.subf %gather3A_900, %gather3A_870 : vector<16xf32>
          %mul3A_902 = arith.mulf %sub3A_901, %sub3A_901 : vector<16xf32>
          %add3A_903 = arith.addf %add3A_834, %mul3A_902 : vector<16xf32>
          %sub3A_904 = arith.subf %gather3A_900, %gather3A_871 : vector<16xf32>
          %mul3A_905 = arith.mulf %sub3A_904, %sub3A_904 : vector<16xf32>
          %add3A_906 = arith.addf %add3A_837, %mul3A_905 : vector<16xf32>
          %gather3A_907 = tpu.vector_load_idx %arg6[%add3A_414, %and3A_869] : memref<512x32xf32, #tpu.memory_space<vmem>>[vector<16xi32>, vector<16xi32>], vector<16xf32>,
          %sub3A_908 = arith.subf %gather3A_907, %gather3A_870 : vector<16xf32>
          %mul3A_909 = arith.mulf %sub3A_908, %sub3A_908 : vector<16xf32>
          %add3A_910 = arith.addf %add3A_841, %mul3A_909 : vector<16xf32>
          %sub3A_911 = arith.subf %gather3A_907, %gather3A_871 : vector<16xf32>
          %mul3A_912 = arith.mulf %sub3A_911, %sub3A_911 : vector<16xf32>
          %add3A_913 = arith.addf %add3A_844, %mul3A_912 : vector<16xf32>
          %gather3A_914 = tpu.vector_load_idx %arg6[%add3A_418, %and3A_869] : memref<512x32xf32, #tpu.memory_space<vmem>>[vector<16xi32>, vector<16xi32>], vector<16xf32>,
          %sub3A_915 = arith.subf %gather3A_914, %gather3A_870 : vector<16xf32>
          %mul3A_916 = arith.mulf %sub3A_915, %sub3A_915 : vector<16xf32>
          %add3A_917 = arith.addf %add3A_848, %mul3A_916 : vector<16xf32>
          %sub3A_918 = arith.subf %gather3A_914, %gather3A_871 : vector<16xf32>
          %mul3A_919 = arith.mulf %sub3A_918, %sub3A_918 : vector<16xf32>
          %add3A_920 = arith.addf %add3A_851, %mul3A_919 : vector<16xf32>
          %gather3A_921 = tpu.vector_load_idx %arg6[%add3A_422, %and3A_869] : memref<512x32xf32, #tpu.memory_space<vmem>>[vector<16xi32>, vector<16xi32>], vector<16xf32>,
          %sub3A_922 = arith.subf %gather3A_921, %gather3A_870 : vector<16xf32>
          %mul3A_923 = arith.mulf %sub3A_922, %sub3A_922 : vector<16xf32>
          %add3A_924 = arith.addf %add3A_855, %mul3A_923 : vector<16xf32>
          %sub3A_925 = arith.subf %gather3A_921, %gather3A_871 : vector<16xf32>
          %mul3A_926 = arith.mulf %sub3A_925, %sub3A_925 : vector<16xf32>
          %add3A_927 = arith.addf %add3A_858, %mul3A_926 : vector<16xf32>
          %scan3A_928 = arith.constant 2 : i32
          %scan3A_929 = arith.addi %scan3A_776, %scan3A_928 : i32
          %mul3A_930 = arith.constant 1 : i32
          %mul3A_931 = arith.muli %scan3A_929, %mul3A_930 : i32
          %add3A_932 = arith.constant 0 : i32
          %add3A_933 = arith.addi %add3A_932, %mul3A_931 : i32
          %add3A_934 = vector.broadcast %add3A_933 : i32 to vector<16xi32>
          %add3A_935 = arith.addi %iota3A, %add3A_934 : vector<16xi32>
          %and3A_936 = arith.constant 31 : i32
          %and3A_937 = vector.broadcast %and3A_936 : i32 to vector<16xi32>
          %and3A_938 = arith.andi %add3A_935, %and3A_937 : vector<16xi32>
          %gather3A_939 = tpu.vector_load_idx %arg5[%broadcast_in_dim3A_3, %and3A_938] : memref<2x32xf32, #tpu.memory_space<vmem>>[vector<16xi32>, vector<16xi32>], vector<16xf32>,
          %gather3A_940 = tpu.vector_load_idx %arg5[%broadcast_in_dim3A_5, %and3A_938] : memref<2x32xf32, #tpu.memory_space<vmem>>[vector<16xi32>, vector<16xi32>], vector<16xf32>,
          %gather3A_941 = tpu.vector_load_idx %arg6[%add3A_394, %and3A_938] : memref<512x32xf32, #tpu.memory_space<vmem>>[vector<16xi32>, vector<16xi32>], vector<16xf32>,
          %sub3A_942 = arith.subf %gather3A_941, %gather3A_939 : vector<16xf32>
          %mul3A_943 = arith.mulf %sub3A_942, %sub3A_942 : vector<16xf32>
          %add3A_944 = arith.addf %add3A_875, %mul3A_943 : vector<16xf32>
          %sub3A_945 = arith.subf %gather3A_941, %gather3A_940 : vector<16xf32>
          %mul3A_946 = arith.mulf %sub3A_945, %sub3A_945 : vector<16xf32>
          %add3A_947 = arith.addf %add3A_878, %mul3A_946 : vector<16xf32>
          %gather3A_948 = tpu.vector_load_idx %arg6[%add3A_398, %and3A_938] : memref<512x32xf32, #tpu.memory_space<vmem>>[vector<16xi32>, vector<16xi32>], vector<16xf32>,
          %sub3A_949 = arith.subf %gather3A_948, %gather3A_939 : vector<16xf32>
          %mul3A_950 = arith.mulf %sub3A_949, %sub3A_949 : vector<16xf32>
          %add3A_951 = arith.addf %add3A_882, %mul3A_950 : vector<16xf32>
          %sub3A_952 = arith.subf %gather3A_948, %gather3A_940 : vector<16xf32>
          %mul3A_953 = arith.mulf %sub3A_952, %sub3A_952 : vector<16xf32>
          %add3A_954 = arith.addf %add3A_885, %mul3A_953 : vector<16xf32>
          %gather3A_955 = tpu.vector_load_idx %arg6[%add3A_402, %and3A_938] : memref<512x32xf32, #tpu.memory_space<vmem>>[vector<16xi32>, vector<16xi32>], vector<16xf32>,
          %sub3A_956 = arith.subf %gather3A_955, %gather3A_939 : vector<16xf32>
          %mul3A_957 = arith.mulf %sub3A_956, %sub3A_956 : vector<16xf32>
          %add3A_958 = arith.addf %add3A_889, %mul3A_957 : vector<16xf32>
          %sub3A_959 = arith.subf %gather3A_955, %gather3A_940 : vector<16xf32>
          %mul3A_960 = arith.mulf %sub3A_959, %sub3A_959 : vector<16xf32>
          %add3A_961 = arith.addf %add3A_892, %mul3A_960 : vector<16xf32>
          %gather3A_962 = tpu.vector_load_idx %arg6[%add3A_406, %and3A_938] : memref<512x32xf32, #tpu.memory_space<vmem>>[vector<16xi32>, vector<16xi32>], vector<16xf32>,
          %sub3A_963 = arith.subf %gather3A_962, %gather3A_939 : vector<16xf32>
          %mul3A_964 = arith.mulf %sub3A_963, %sub3A_963 : vector<16xf32>
          %add3A_965 = arith.addf %add3A_896, %mul3A_964 : vector<16xf32>
          %sub3A_966 = arith.subf %gather3A_962, %gather3A_940 : vector<16xf32>
          %mul3A_967 = arith.mulf %sub3A_966, %sub3A_966 : vector<16xf32>
          %add3A_968 = arith.addf %add3A_899, %mul3A_967 : vector<16xf32>
          %gather3A_969 = tpu.vector_load_idx %arg6[%add3A_410, %and3A_938] : memref<512x32xf32, #tpu.memory_space<vmem>>[vector<16xi32>, vector<16xi32>], vector<16xf32>,
          %sub3A_970 = arith.subf %gather3A_969, %gather3A_939 : vector<16xf32>
          %mul3A_971 = arith.mulf %sub3A_970, %sub3A_970 : vector<16xf32>
          %add3A_972 = arith.addf %add3A_903, %mul3A_971 : vector<16xf32>
          %sub3A_973 = arith.subf %gather3A_969, %gather3A_940 : vector<16xf32>
          %mul3A_974 = arith.mulf %sub3A_973, %sub3A_973 : vector<16xf32>
          %add3A_975 = arith.addf %add3A_906, %mul3A_974 : vector<16xf32>
          %gather3A_976 = tpu.vector_load_idx %arg6[%add3A_414, %and3A_938] : memref<512x32xf32, #tpu.memory_space<vmem>>[vector<16xi32>, vector<16xi32>], vector<16xf32>,
          %sub3A_977 = arith.subf %gather3A_976, %gather3A_939 : vector<16xf32>
          %mul3A_978 = arith.mulf %sub3A_977, %sub3A_977 : vector<16xf32>
          %add3A_979 = arith.addf %add3A_910, %mul3A_978 : vector<16xf32>
          %sub3A_980 = arith.subf %gather3A_976, %gather3A_940 : vector<16xf32>
          %mul3A_981 = arith.mulf %sub3A_980, %sub3A_980 : vector<16xf32>
          %add3A_982 = arith.addf %add3A_913, %mul3A_981 : vector<16xf32>
          %gather3A_983 = tpu.vector_load_idx %arg6[%add3A_418, %and3A_938] : memref<512x32xf32, #tpu.memory_space<vmem>>[vector<16xi32>, vector<16xi32>], vector<16xf32>,
          %sub3A_984 = arith.subf %gather3A_983, %gather3A_939 : vector<16xf32>
          %mul3A_985 = arith.mulf %sub3A_984, %sub3A_984 : vector<16xf32>
          %add3A_986 = arith.addf %add3A_917, %mul3A_985 : vector<16xf32>
          %sub3A_987 = arith.subf %gather3A_983, %gather3A_940 : vector<16xf32>
          %mul3A_988 = arith.mulf %sub3A_987, %sub3A_987 : vector<16xf32>
          %add3A_989 = arith.addf %add3A_920, %mul3A_988 : vector<16xf32>
          %gather3A_990 = tpu.vector_load_idx %arg6[%add3A_422, %and3A_938] : memref<512x32xf32, #tpu.memory_space<vmem>>[vector<16xi32>, vector<16xi32>], vector<16xf32>,
          %sub3A_991 = arith.subf %gather3A_990, %gather3A_939 : vector<16xf32>
          %mul3A_992 = arith.mulf %sub3A_991, %sub3A_991 : vector<16xf32>
          %add3A_993 = arith.addf %add3A_924, %mul3A_992 : vector<16xf32>
          %sub3A_994 = arith.subf %gather3A_990, %gather3A_940 : vector<16xf32>
          %mul3A_995 = arith.mulf %sub3A_994, %sub3A_994 : vector<16xf32>
          %add3A_996 = arith.addf %add3A_927, %mul3A_995 : vector<16xf32>
          %scan3A_997 = arith.constant 3 : i32
          %scan3A_998 = arith.addi %scan3A_776, %scan3A_997 : i32
          %mul3A_999 = arith.constant 1 : i32
          %mul3A_1000 = arith.muli %scan3A_998, %mul3A_999 : i32
          %add3A_1001 = arith.constant 0 : i32
          %add3A_1002 = arith.addi %add3A_1001, %mul3A_1000 : i32
          %add3A_1003 = vector.broadcast %add3A_1002 : i32 to vector<16xi32>
          %add3A_1004 = arith.addi %iota3A, %add3A_1003 : vector<16xi32>
          %and3A_1005 = arith.constant 31 : i32
          %and3A_1006 = vector.broadcast %and3A_1005 : i32 to vector<16xi32>
          %and3A_1007 = arith.andi %add3A_1004, %and3A_1006 : vector<16xi32>
          %gather3A_1008 = tpu.vector_load_idx %arg5[%broadcast_in_dim3A_3, %and3A_1007] : memref<2x32xf32, #tpu.memory_space<vmem>>[vector<16xi32>, vector<16xi32>], vector<16xf32>,
          %gather3A_1009 = tpu.vector_load_idx %arg5[%broadcast_in_dim3A_5, %and3A_1007] : memref<2x32xf32, #tpu.memory_space<vmem>>[vector<16xi32>, vector<16xi32>], vector<16xf32>,
          %gather3A_1010 = tpu.vector_load_idx %arg6[%add3A_394, %and3A_1007] : memref<512x32xf32, #tpu.memory_space<vmem>>[vector<16xi32>, vector<16xi32>], vector<16xf32>,
          %sub3A_1011 = arith.subf %gather3A_1010, %gather3A_1008 : vector<16xf32>
          %mul3A_1012 = arith.mulf %sub3A_1011, %sub3A_1011 : vector<16xf32>
          %add3A_1013 = arith.addf %add3A_944, %mul3A_1012 : vector<16xf32>
          %sub3A_1014 = arith.subf %gather3A_1010, %gather3A_1009 : vector<16xf32>
          %mul3A_1015 = arith.mulf %sub3A_1014, %sub3A_1014 : vector<16xf32>
          %add3A_1016 = arith.addf %add3A_947, %mul3A_1015 : vector<16xf32>
          %gather3A_1017 = tpu.vector_load_idx %arg6[%add3A_398, %and3A_1007] : memref<512x32xf32, #tpu.memory_space<vmem>>[vector<16xi32>, vector<16xi32>], vector<16xf32>,
          %sub3A_1018 = arith.subf %gather3A_1017, %gather3A_1008 : vector<16xf32>
          %mul3A_1019 = arith.mulf %sub3A_1018, %sub3A_1018 : vector<16xf32>
          %add3A_1020 = arith.addf %add3A_951, %mul3A_1019 : vector<16xf32>
          %sub3A_1021 = arith.subf %gather3A_1017, %gather3A_1009 : vector<16xf32>
          %mul3A_1022 = arith.mulf %sub3A_1021, %sub3A_1021 : vector<16xf32>
          %add3A_1023 = arith.addf %add3A_954, %mul3A_1022 : vector<16xf32>
          %gather3A_1024 = tpu.vector_load_idx %arg6[%add3A_402, %and3A_1007] : memref<512x32xf32, #tpu.memory_space<vmem>>[vector<16xi32>, vector<16xi32>], vector<16xf32>,
          %sub3A_1025 = arith.subf %gather3A_1024, %gather3A_1008 : vector<16xf32>
          %mul3A_1026 = arith.mulf %sub3A_1025, %sub3A_1025 : vector<16xf32>
          %add3A_1027 = arith.addf %add3A_958, %mul3A_1026 : vector<16xf32>
          %sub3A_1028 = arith.subf %gather3A_1024, %gather3A_1009 : vector<16xf32>
          %mul3A_1029 = arith.mulf %sub3A_1028, %sub3A_1028 : vector<16xf32>
          %add3A_1030 = arith.addf %add3A_961, %mul3A_1029 : vector<16xf32>
          %gather3A_1031 = tpu.vector_load_idx %arg6[%add3A_406, %and3A_1007] : memref<512x32xf32, #tpu.memory_space<vmem>>[vector<16xi32>, vector<16xi32>], vector<16xf32>,
          %sub3A_1032 = arith.subf %gather3A_1031, %gather3A_1008 : vector<16xf32>
          %mul3A_1033 = arith.mulf %sub3A_1032, %sub3A_1032 : vector<16xf32>
          %add3A_1034 = arith.addf %add3A_965, %mul3A_1033 : vector<16xf32>
          %sub3A_1035 = arith.subf %gather3A_1031, %gather3A_1009 : vector<16xf32>
          %mul3A_1036 = arith.mulf %sub3A_1035, %sub3A_1035 : vector<16xf32>
          %add3A_1037 = arith.addf %add3A_968, %mul3A_1036 : vector<16xf32>
          %gather3A_1038 = tpu.vector_load_idx %arg6[%add3A_410, %and3A_1007] : memref<512x32xf32, #tpu.memory_space<vmem>>[vector<16xi32>, vector<16xi32>], vector<16xf32>,
          %sub3A_1039 = arith.subf %gather3A_1038, %gather3A_1008 : vector<16xf32>
          %mul3A_1040 = arith.mulf %sub3A_1039, %sub3A_1039 : vector<16xf32>
          %add3A_1041 = arith.addf %add3A_972, %mul3A_1040 : vector<16xf32>
          %sub3A_1042 = arith.subf %gather3A_1038, %gather3A_1009 : vector<16xf32>
          %mul3A_1043 = arith.mulf %sub3A_1042, %sub3A_1042 : vector<16xf32>
          %add3A_1044 = arith.addf %add3A_975, %mul3A_1043 : vector<16xf32>
          %gather3A_1045 = tpu.vector_load_idx %arg6[%add3A_414, %and3A_1007] : memref<512x32xf32, #tpu.memory_space<vmem>>[vector<16xi32>, vector<16xi32>], vector<16xf32>,
          %sub3A_1046 = arith.subf %gather3A_1045, %gather3A_1008 : vector<16xf32>
          %mul3A_1047 = arith.mulf %sub3A_1046, %sub3A_1046 : vector<16xf32>
          %add3A_1048 = arith.addf %add3A_979, %mul3A_1047 : vector<16xf32>
          %sub3A_1049 = arith.subf %gather3A_1045, %gather3A_1009 : vector<16xf32>
          %mul3A_1050 = arith.mulf %sub3A_1049, %sub3A_1049 : vector<16xf32>
          %add3A_1051 = arith.addf %add3A_982, %mul3A_1050 : vector<16xf32>
          %gather3A_1052 = tpu.vector_load_idx %arg6[%add3A_418, %and3A_1007] : memref<512x32xf32, #tpu.memory_space<vmem>>[vector<16xi32>, vector<16xi32>], vector<16xf32>,
          %sub3A_1053 = arith.subf %gather3A_1052, %gather3A_1008 : vector<16xf32>
          %mul3A_1054 = arith.mulf %sub3A_1053, %sub3A_1053 : vector<16xf32>
          %add3A_1055 = arith.addf %add3A_986, %mul3A_1054 : vector<16xf32>
          %sub3A_1056 = arith.subf %gather3A_1052, %gather3A_1009 : vector<16xf32>
          %mul3A_1057 = arith.mulf %sub3A_1056, %sub3A_1056 : vector<16xf32>
          %add3A_1058 = arith.addf %add3A_989, %mul3A_1057 : vector<16xf32>
          %gather3A_1059 = tpu.vector_load_idx %arg6[%add3A_422, %and3A_1007] : memref<512x32xf32, #tpu.memory_space<vmem>>[vector<16xi32>, vector<16xi32>], vector<16xf32>,
          %sub3A_1060 = arith.subf %gather3A_1059, %gather3A_1008 : vector<16xf32>
          %mul3A_1061 = arith.mulf %sub3A_1060, %sub3A_1060 : vector<16xf32>
          %add3A_1062 = arith.addf %add3A_993, %mul3A_1061 : vector<16xf32>
          %sub3A_1063 = arith.subf %gather3A_1059, %gather3A_1009 : vector<16xf32>
          %mul3A_1064 = arith.mulf %sub3A_1063, %sub3A_1063 : vector<16xf32>
          %add3A_1065 = arith.addf %add3A_996, %mul3A_1064 : vector<16xf32>
          scf.yield %add3A_1013, %add3A_1016, %add3A_1020, %add3A_1023, %add3A_1027, %add3A_1030, %add3A_1034, %add3A_1037, %add3A_1041, %add3A_1044, %add3A_1048, %add3A_1051, %add3A_1055, %add3A_1058, %add3A_1062, %add3A_1065 : vector<16xf32>, vector<16xf32>, vector<16xf32>, vector<16xf32>, vector<16xf32>, vector<16xf32>, vector<16xf32>, vector<16xf32>, vector<16xf32>, vector<16xf32>, vector<16xf32>, vector<16xf32>, vector<16xf32>, vector<16xf32>, vector<16xf32>, vector<16xf32>
        }
        %scan3A_428 = arith.constant 32 : i32
        %min3A = arith.minimumf %scan3A_427#0, %scan3A_427#1 : vector<16xf32>
        %add3A_429 = arith.constant 9.99999996E-13 : f32
        %add3A_430 = vector.broadcast %add3A_429 : f32 to vector<16xf32>
        %add3A_431 = arith.addf %min3A, %add3A_430 : vector<16xf32>
        %bitcast_convert_type3A = tpu.bitcast %add3A_431 : vector<16xf32> -> vector<16xi32>
        %shift_right_arithmetic3A = arith.constant 1 : i32
        %shift_right_arithmetic3A_432 = vector.broadcast %shift_right_arithmetic3A : i32 to vector<16xi32>
        %shift_right_arithmetic3A_433 = arith.shrsi %bitcast_convert_type3A, %shift_right_arithmetic3A_432 : vector<16xi32>
        %sub3A = arith.constant 1597463007 : i32
        %sub3A_434 = vector.broadcast %sub3A : i32 to vector<16xi32>
        %sub3A_435 = arith.subi %sub3A_434, %shift_right_arithmetic3A_433 : vector<16xi32>
        %bitcast_convert_type3A_436 = tpu.bitcast %sub3A_435 : vector<16xi32> -> vector<16xf32>
        %mul3A_437 = arith.constant 5.000000e-01 : f32
        %mul3A_438 = vector.broadcast %mul3A_437 : f32 to vector<16xf32>
        %mul3A_439 = arith.mulf %mul3A_438, %add3A_431 : vector<16xf32>
        %mul3A_440 = arith.mulf %mul3A_439, %bitcast_convert_type3A_436 : vector<16xf32>
        %mul3A_441 = arith.mulf %mul3A_440, %bitcast_convert_type3A_436 : vector<16xf32>
        %sub3A_442 = arith.constant 1.500000e+00 : f32
        %sub3A_443 = vector.broadcast %sub3A_442 : f32 to vector<16xf32>
        %sub3A_444 = arith.subf %sub3A_443, %mul3A_441 : vector<16xf32>
        %mul3A_445 = arith.mulf %bitcast_convert_type3A_436, %sub3A_444 : vector<16xf32>
        %mul3A_446 = arith.constant 5.000000e-01 : f32
        %mul3A_447 = vector.broadcast %mul3A_446 : f32 to vector<16xf32>
        %mul3A_448 = arith.mulf %mul3A_447, %add3A_431 : vector<16xf32>
        %mul3A_449 = arith.mulf %mul3A_448, %mul3A_445 : vector<16xf32>
        %mul3A_450 = arith.mulf %mul3A_449, %mul3A_445 : vector<16xf32>
        %sub3A_451 = arith.constant 1.500000e+00 : f32
        %sub3A_452 = vector.broadcast %sub3A_451 : f32 to vector<16xf32>
        %sub3A_453 = arith.subf %sub3A_452, %mul3A_450 : vector<16xf32>
        %mul3A_454 = arith.mulf %mul3A_445, %sub3A_453 : vector<16xf32>
        %mul3A_455 = arith.constant 5.000000e-01 : f32
        %mul3A_456 = vector.broadcast %mul3A_455 : f32 to vector<16xf32>
        %mul3A_457 = arith.mulf %mul3A_456, %add3A_431 : vector<16xf32>
        %mul3A_458 = arith.mulf %mul3A_457, %mul3A_454 : vector<16xf32>
        %mul3A_459 = arith.mulf %mul3A_458, %mul3A_454 : vector<16xf32>
        %sub3A_460 = arith.constant 1.500000e+00 : f32
        %sub3A_461 = vector.broadcast %sub3A_460 : f32 to vector<16xf32>
        %sub3A_462 = arith.subf %sub3A_461, %mul3A_459 : vector<16xf32>
        %mul3A_463 = arith.mulf %mul3A_454, %sub3A_462 : vector<16xf32>
        %mul3A_464 = arith.mulf %add3A_431, %mul3A_463 : vector<16xf32>
        %add3A_465 = arith.constant 0 : i32
        %add3A_466 = arith.addi %mul3A_358, %add3A_465 : i32
        %swap3A = arith.index_cast %add3A_466 : i32 to index
        %swap3A_467 = tpu.vector_load %arg10[%swap3A] {strides = array<i32>} : memref<512xf32, #tpu.memory_space<vmem>>, vector<16xf32>,
        tpu.vector_store %arg10[%swap3A], %mul3A_464 {strides = array<i32>} : memref<512xf32, #tpu.memory_space<vmem>>, vector<16xf32>,
        %min3A_468 = arith.minimumf %scan3A_427#2, %scan3A_427#3 : vector<16xf32>
        %add3A_469 = arith.constant 9.99999996E-13 : f32
        %add3A_470 = vector.broadcast %add3A_469 : f32 to vector<16xf32>
        %add3A_471 = arith.addf %min3A_468, %add3A_470 : vector<16xf32>
        %bitcast_convert_type3A_472 = tpu.bitcast %add3A_471 : vector<16xf32> -> vector<16xi32>
        %shift_right_arithmetic3A_473 = arith.constant 1 : i32
        %shift_right_arithmetic3A_474 = vector.broadcast %shift_right_arithmetic3A_473 : i32 to vector<16xi32>
        %shift_right_arithmetic3A_475 = arith.shrsi %bitcast_convert_type3A_472, %shift_right_arithmetic3A_474 : vector<16xi32>
        %sub3A_476 = arith.constant 1597463007 : i32
        %sub3A_477 = vector.broadcast %sub3A_476 : i32 to vector<16xi32>
        %sub3A_478 = arith.subi %sub3A_477, %shift_right_arithmetic3A_475 : vector<16xi32>
        %bitcast_convert_type3A_479 = tpu.bitcast %sub3A_478 : vector<16xi32> -> vector<16xf32>
        %mul3A_480 = arith.constant 5.000000e-01 : f32
        %mul3A_481 = vector.broadcast %mul3A_480 : f32 to vector<16xf32>
        %mul3A_482 = arith.mulf %mul3A_481, %add3A_471 : vector<16xf32>
        %mul3A_483 = arith.mulf %mul3A_482, %bitcast_convert_type3A_479 : vector<16xf32>
        %mul3A_484 = arith.mulf %mul3A_483, %bitcast_convert_type3A_479 : vector<16xf32>
        %sub3A_485 = arith.constant 1.500000e+00 : f32
        %sub3A_486 = vector.broadcast %sub3A_485 : f32 to vector<16xf32>
        %sub3A_487 = arith.subf %sub3A_486, %mul3A_484 : vector<16xf32>
        %mul3A_488 = arith.mulf %bitcast_convert_type3A_479, %sub3A_487 : vector<16xf32>
        %mul3A_489 = arith.constant 5.000000e-01 : f32
        %mul3A_490 = vector.broadcast %mul3A_489 : f32 to vector<16xf32>
        %mul3A_491 = arith.mulf %mul3A_490, %add3A_471 : vector<16xf32>
        %mul3A_492 = arith.mulf %mul3A_491, %mul3A_488 : vector<16xf32>
        %mul3A_493 = arith.mulf %mul3A_492, %mul3A_488 : vector<16xf32>
        %sub3A_494 = arith.constant 1.500000e+00 : f32
        %sub3A_495 = vector.broadcast %sub3A_494 : f32 to vector<16xf32>
        %sub3A_496 = arith.subf %sub3A_495, %mul3A_493 : vector<16xf32>
        %mul3A_497 = arith.mulf %mul3A_488, %sub3A_496 : vector<16xf32>
        %mul3A_498 = arith.constant 5.000000e-01 : f32
        %mul3A_499 = vector.broadcast %mul3A_498 : f32 to vector<16xf32>
        %mul3A_500 = arith.mulf %mul3A_499, %add3A_471 : vector<16xf32>
        %mul3A_501 = arith.mulf %mul3A_500, %mul3A_497 : vector<16xf32>
        %mul3A_502 = arith.mulf %mul3A_501, %mul3A_497 : vector<16xf32>
        %sub3A_503 = arith.constant 1.500000e+00 : f32
        %sub3A_504 = vector.broadcast %sub3A_503 : f32 to vector<16xf32>
        %sub3A_505 = arith.subf %sub3A_504, %mul3A_502 : vector<16xf32>
        %mul3A_506 = arith.mulf %mul3A_497, %sub3A_505 : vector<16xf32>
        %mul3A_507 = arith.mulf %add3A_471, %mul3A_506 : vector<16xf32>
        %add3A_508 = arith.constant 16 : i32
        %add3A_509 = arith.addi %mul3A_358, %add3A_508 : i32
        %swap3A_510 = arith.index_cast %add3A_509 : i32 to index
        %swap3A_511 = tpu.vector_load %arg10[%swap3A_510] {strides = array<i32>} : memref<512xf32, #tpu.memory_space<vmem>>, vector<16xf32>,
        tpu.vector_store %arg10[%swap3A_510], %mul3A_507 {strides = array<i32>} : memref<512xf32, #tpu.memory_space<vmem>>, vector<16xf32>,
        %min3A_512 = arith.minimumf %scan3A_427#4, %scan3A_427#5 : vector<16xf32>
        %add3A_513 = arith.constant 9.99999996E-13 : f32
        %add3A_514 = vector.broadcast %add3A_513 : f32 to vector<16xf32>
        %add3A_515 = arith.addf %min3A_512, %add3A_514 : vector<16xf32>
        %bitcast_convert_type3A_516 = tpu.bitcast %add3A_515 : vector<16xf32> -> vector<16xi32>
        %shift_right_arithmetic3A_517 = arith.constant 1 : i32
        %shift_right_arithmetic3A_518 = vector.broadcast %shift_right_arithmetic3A_517 : i32 to vector<16xi32>
        %shift_right_arithmetic3A_519 = arith.shrsi %bitcast_convert_type3A_516, %shift_right_arithmetic3A_518 : vector<16xi32>
        %sub3A_520 = arith.constant 1597463007 : i32
        %sub3A_521 = vector.broadcast %sub3A_520 : i32 to vector<16xi32>
        %sub3A_522 = arith.subi %sub3A_521, %shift_right_arithmetic3A_519 : vector<16xi32>
        %bitcast_convert_type3A_523 = tpu.bitcast %sub3A_522 : vector<16xi32> -> vector<16xf32>
        %mul3A_524 = arith.constant 5.000000e-01 : f32
        %mul3A_525 = vector.broadcast %mul3A_524 : f32 to vector<16xf32>
        %mul3A_526 = arith.mulf %mul3A_525, %add3A_515 : vector<16xf32>
        %mul3A_527 = arith.mulf %mul3A_526, %bitcast_convert_type3A_523 : vector<16xf32>
        %mul3A_528 = arith.mulf %mul3A_527, %bitcast_convert_type3A_523 : vector<16xf32>
        %sub3A_529 = arith.constant 1.500000e+00 : f32
        %sub3A_530 = vector.broadcast %sub3A_529 : f32 to vector<16xf32>
        %sub3A_531 = arith.subf %sub3A_530, %mul3A_528 : vector<16xf32>
        %mul3A_532 = arith.mulf %bitcast_convert_type3A_523, %sub3A_531 : vector<16xf32>
        %mul3A_533 = arith.constant 5.000000e-01 : f32
        %mul3A_534 = vector.broadcast %mul3A_533 : f32 to vector<16xf32>
        %mul3A_535 = arith.mulf %mul3A_534, %add3A_515 : vector<16xf32>
        %mul3A_536 = arith.mulf %mul3A_535, %mul3A_532 : vector<16xf32>
        %mul3A_537 = arith.mulf %mul3A_536, %mul3A_532 : vector<16xf32>
        %sub3A_538 = arith.constant 1.500000e+00 : f32
        %sub3A_539 = vector.broadcast %sub3A_538 : f32 to vector<16xf32>
        %sub3A_540 = arith.subf %sub3A_539, %mul3A_537 : vector<16xf32>
        %mul3A_541 = arith.mulf %mul3A_532, %sub3A_540 : vector<16xf32>
        %mul3A_542 = arith.constant 5.000000e-01 : f32
        %mul3A_543 = vector.broadcast %mul3A_542 : f32 to vector<16xf32>
        %mul3A_544 = arith.mulf %mul3A_543, %add3A_515 : vector<16xf32>
        %mul3A_545 = arith.mulf %mul3A_544, %mul3A_541 : vector<16xf32>
        %mul3A_546 = arith.mulf %mul3A_545, %mul3A_541 : vector<16xf32>
        %sub3A_547 = arith.constant 1.500000e+00 : f32
        %sub3A_548 = vector.broadcast %sub3A_547 : f32 to vector<16xf32>
        %sub3A_549 = arith.subf %sub3A_548, %mul3A_546 : vector<16xf32>
        %mul3A_550 = arith.mulf %mul3A_541, %sub3A_549 : vector<16xf32>
        %mul3A_551 = arith.mulf %add3A_515, %mul3A_550 : vector<16xf32>
        %add3A_552 = arith.constant 32 : i32
        %add3A_553 = arith.addi %mul3A_358, %add3A_552 : i32
        %swap3A_554 = arith.index_cast %add3A_553 : i32 to index
        %swap3A_555 = tpu.vector_load %arg10[%swap3A_554] {strides = array<i32>} : memref<512xf32, #tpu.memory_space<vmem>>, vector<16xf32>,
        tpu.vector_store %arg10[%swap3A_554], %mul3A_551 {strides = array<i32>} : memref<512xf32, #tpu.memory_space<vmem>>, vector<16xf32>,
        %min3A_556 = arith.minimumf %scan3A_427#6, %scan3A_427#7 : vector<16xf32>
        %add3A_557 = arith.constant 9.99999996E-13 : f32
        %add3A_558 = vector.broadcast %add3A_557 : f32 to vector<16xf32>
        %add3A_559 = arith.addf %min3A_556, %add3A_558 : vector<16xf32>
        %bitcast_convert_type3A_560 = tpu.bitcast %add3A_559 : vector<16xf32> -> vector<16xi32>
        %shift_right_arithmetic3A_561 = arith.constant 1 : i32
        %shift_right_arithmetic3A_562 = vector.broadcast %shift_right_arithmetic3A_561 : i32 to vector<16xi32>
        %shift_right_arithmetic3A_563 = arith.shrsi %bitcast_convert_type3A_560, %shift_right_arithmetic3A_562 : vector<16xi32>
        %sub3A_564 = arith.constant 1597463007 : i32
        %sub3A_565 = vector.broadcast %sub3A_564 : i32 to vector<16xi32>
        %sub3A_566 = arith.subi %sub3A_565, %shift_right_arithmetic3A_563 : vector<16xi32>
        %bitcast_convert_type3A_567 = tpu.bitcast %sub3A_566 : vector<16xi32> -> vector<16xf32>
        %mul3A_568 = arith.constant 5.000000e-01 : f32
        %mul3A_569 = vector.broadcast %mul3A_568 : f32 to vector<16xf32>
        %mul3A_570 = arith.mulf %mul3A_569, %add3A_559 : vector<16xf32>
        %mul3A_571 = arith.mulf %mul3A_570, %bitcast_convert_type3A_567 : vector<16xf32>
        %mul3A_572 = arith.mulf %mul3A_571, %bitcast_convert_type3A_567 : vector<16xf32>
        %sub3A_573 = arith.constant 1.500000e+00 : f32
        %sub3A_574 = vector.broadcast %sub3A_573 : f32 to vector<16xf32>
        %sub3A_575 = arith.subf %sub3A_574, %mul3A_572 : vector<16xf32>
        %mul3A_576 = arith.mulf %bitcast_convert_type3A_567, %sub3A_575 : vector<16xf32>
        %mul3A_577 = arith.constant 5.000000e-01 : f32
        %mul3A_578 = vector.broadcast %mul3A_577 : f32 to vector<16xf32>
        %mul3A_579 = arith.mulf %mul3A_578, %add3A_559 : vector<16xf32>
        %mul3A_580 = arith.mulf %mul3A_579, %mul3A_576 : vector<16xf32>
        %mul3A_581 = arith.mulf %mul3A_580, %mul3A_576 : vector<16xf32>
        %sub3A_582 = arith.constant 1.500000e+00 : f32
        %sub3A_583 = vector.broadcast %sub3A_582 : f32 to vector<16xf32>
        %sub3A_584 = arith.subf %sub3A_583, %mul3A_581 : vector<16xf32>
        %mul3A_585 = arith.mulf %mul3A_576, %sub3A_584 : vector<16xf32>
        %mul3A_586 = arith.constant 5.000000e-01 : f32
        %mul3A_587 = vector.broadcast %mul3A_586 : f32 to vector<16xf32>
        %mul3A_588 = arith.mulf %mul3A_587, %add3A_559 : vector<16xf32>
        %mul3A_589 = arith.mulf %mul3A_588, %mul3A_585 : vector<16xf32>
        %mul3A_590 = arith.mulf %mul3A_589, %mul3A_585 : vector<16xf32>
        %sub3A_591 = arith.constant 1.500000e+00 : f32
        %sub3A_592 = vector.broadcast %sub3A_591 : f32 to vector<16xf32>
        %sub3A_593 = arith.subf %sub3A_592, %mul3A_590 : vector<16xf32>
        %mul3A_594 = arith.mulf %mul3A_585, %sub3A_593 : vector<16xf32>
        %mul3A_595 = arith.mulf %add3A_559, %mul3A_594 : vector<16xf32>
        %add3A_596 = arith.constant 48 : i32
        %add3A_597 = arith.addi %mul3A_358, %add3A_596 : i32
        %swap3A_598 = arith.index_cast %add3A_597 : i32 to index
        %swap3A_599 = tpu.vector_load %arg10[%swap3A_598] {strides = array<i32>} : memref<512xf32, #tpu.memory_space<vmem>>, vector<16xf32>,
        tpu.vector_store %arg10[%swap3A_598], %mul3A_595 {strides = array<i32>} : memref<512xf32, #tpu.memory_space<vmem>>, vector<16xf32>,
        %min3A_600 = arith.minimumf %scan3A_427#8, %scan3A_427#9 : vector<16xf32>
        %add3A_601 = arith.constant 9.99999996E-13 : f32
        %add3A_602 = vector.broadcast %add3A_601 : f32 to vector<16xf32>
        %add3A_603 = arith.addf %min3A_600, %add3A_602 : vector<16xf32>
        %bitcast_convert_type3A_604 = tpu.bitcast %add3A_603 : vector<16xf32> -> vector<16xi32>
        %shift_right_arithmetic3A_605 = arith.constant 1 : i32
        %shift_right_arithmetic3A_606 = vector.broadcast %shift_right_arithmetic3A_605 : i32 to vector<16xi32>
        %shift_right_arithmetic3A_607 = arith.shrsi %bitcast_convert_type3A_604, %shift_right_arithmetic3A_606 : vector<16xi32>
        %sub3A_608 = arith.constant 1597463007 : i32
        %sub3A_609 = vector.broadcast %sub3A_608 : i32 to vector<16xi32>
        %sub3A_610 = arith.subi %sub3A_609, %shift_right_arithmetic3A_607 : vector<16xi32>
        %bitcast_convert_type3A_611 = tpu.bitcast %sub3A_610 : vector<16xi32> -> vector<16xf32>
        %mul3A_612 = arith.constant 5.000000e-01 : f32
        %mul3A_613 = vector.broadcast %mul3A_612 : f32 to vector<16xf32>
        %mul3A_614 = arith.mulf %mul3A_613, %add3A_603 : vector<16xf32>
        %mul3A_615 = arith.mulf %mul3A_614, %bitcast_convert_type3A_611 : vector<16xf32>
        %mul3A_616 = arith.mulf %mul3A_615, %bitcast_convert_type3A_611 : vector<16xf32>
        %sub3A_617 = arith.constant 1.500000e+00 : f32
        %sub3A_618 = vector.broadcast %sub3A_617 : f32 to vector<16xf32>
        %sub3A_619 = arith.subf %sub3A_618, %mul3A_616 : vector<16xf32>
        %mul3A_620 = arith.mulf %bitcast_convert_type3A_611, %sub3A_619 : vector<16xf32>
        %mul3A_621 = arith.constant 5.000000e-01 : f32
        %mul3A_622 = vector.broadcast %mul3A_621 : f32 to vector<16xf32>
        %mul3A_623 = arith.mulf %mul3A_622, %add3A_603 : vector<16xf32>
        %mul3A_624 = arith.mulf %mul3A_623, %mul3A_620 : vector<16xf32>
        %mul3A_625 = arith.mulf %mul3A_624, %mul3A_620 : vector<16xf32>
        %sub3A_626 = arith.constant 1.500000e+00 : f32
        %sub3A_627 = vector.broadcast %sub3A_626 : f32 to vector<16xf32>
        %sub3A_628 = arith.subf %sub3A_627, %mul3A_625 : vector<16xf32>
        %mul3A_629 = arith.mulf %mul3A_620, %sub3A_628 : vector<16xf32>
        %mul3A_630 = arith.constant 5.000000e-01 : f32
        %mul3A_631 = vector.broadcast %mul3A_630 : f32 to vector<16xf32>
        %mul3A_632 = arith.mulf %mul3A_631, %add3A_603 : vector<16xf32>
        %mul3A_633 = arith.mulf %mul3A_632, %mul3A_629 : vector<16xf32>
        %mul3A_634 = arith.mulf %mul3A_633, %mul3A_629 : vector<16xf32>
        %sub3A_635 = arith.constant 1.500000e+00 : f32
        %sub3A_636 = vector.broadcast %sub3A_635 : f32 to vector<16xf32>
        %sub3A_637 = arith.subf %sub3A_636, %mul3A_634 : vector<16xf32>
        %mul3A_638 = arith.mulf %mul3A_629, %sub3A_637 : vector<16xf32>
        %mul3A_639 = arith.mulf %add3A_603, %mul3A_638 : vector<16xf32>
        %add3A_640 = arith.constant 64 : i32
        %add3A_641 = arith.addi %mul3A_358, %add3A_640 : i32
        %swap3A_642 = arith.index_cast %add3A_641 : i32 to index
        %swap3A_643 = tpu.vector_load %arg10[%swap3A_642] {strides = array<i32>} : memref<512xf32, #tpu.memory_space<vmem>>, vector<16xf32>,
        tpu.vector_store %arg10[%swap3A_642], %mul3A_639 {strides = array<i32>} : memref<512xf32, #tpu.memory_space<vmem>>, vector<16xf32>,
        %min3A_644 = arith.minimumf %scan3A_427#10, %scan3A_427#11 : vector<16xf32>
        %add3A_645 = arith.constant 9.99999996E-13 : f32
        %add3A_646 = vector.broadcast %add3A_645 : f32 to vector<16xf32>
        %add3A_647 = arith.addf %min3A_644, %add3A_646 : vector<16xf32>
        %bitcast_convert_type3A_648 = tpu.bitcast %add3A_647 : vector<16xf32> -> vector<16xi32>
        %shift_right_arithmetic3A_649 = arith.constant 1 : i32
        %shift_right_arithmetic3A_650 = vector.broadcast %shift_right_arithmetic3A_649 : i32 to vector<16xi32>
        %shift_right_arithmetic3A_651 = arith.shrsi %bitcast_convert_type3A_648, %shift_right_arithmetic3A_650 : vector<16xi32>
        %sub3A_652 = arith.constant 1597463007 : i32
        %sub3A_653 = vector.broadcast %sub3A_652 : i32 to vector<16xi32>
        %sub3A_654 = arith.subi %sub3A_653, %shift_right_arithmetic3A_651 : vector<16xi32>
        %bitcast_convert_type3A_655 = tpu.bitcast %sub3A_654 : vector<16xi32> -> vector<16xf32>
        %mul3A_656 = arith.constant 5.000000e-01 : f32
        %mul3A_657 = vector.broadcast %mul3A_656 : f32 to vector<16xf32>
        %mul3A_658 = arith.mulf %mul3A_657, %add3A_647 : vector<16xf32>
        %mul3A_659 = arith.mulf %mul3A_658, %bitcast_convert_type3A_655 : vector<16xf32>
        %mul3A_660 = arith.mulf %mul3A_659, %bitcast_convert_type3A_655 : vector<16xf32>
        %sub3A_661 = arith.constant 1.500000e+00 : f32
        %sub3A_662 = vector.broadcast %sub3A_661 : f32 to vector<16xf32>
        %sub3A_663 = arith.subf %sub3A_662, %mul3A_660 : vector<16xf32>
        %mul3A_664 = arith.mulf %bitcast_convert_type3A_655, %sub3A_663 : vector<16xf32>
        %mul3A_665 = arith.constant 5.000000e-01 : f32
        %mul3A_666 = vector.broadcast %mul3A_665 : f32 to vector<16xf32>
        %mul3A_667 = arith.mulf %mul3A_666, %add3A_647 : vector<16xf32>
        %mul3A_668 = arith.mulf %mul3A_667, %mul3A_664 : vector<16xf32>
        %mul3A_669 = arith.mulf %mul3A_668, %mul3A_664 : vector<16xf32>
        %sub3A_670 = arith.constant 1.500000e+00 : f32
        %sub3A_671 = vector.broadcast %sub3A_670 : f32 to vector<16xf32>
        %sub3A_672 = arith.subf %sub3A_671, %mul3A_669 : vector<16xf32>
        %mul3A_673 = arith.mulf %mul3A_664, %sub3A_672 : vector<16xf32>
        %mul3A_674 = arith.constant 5.000000e-01 : f32
        %mul3A_675 = vector.broadcast %mul3A_674 : f32 to vector<16xf32>
        %mul3A_676 = arith.mulf %mul3A_675, %add3A_647 : vector<16xf32>
        %mul3A_677 = arith.mulf %mul3A_676, %mul3A_673 : vector<16xf32>
        %mul3A_678 = arith.mulf %mul3A_677, %mul3A_673 : vector<16xf32>
        %sub3A_679 = arith.constant 1.500000e+00 : f32
        %sub3A_680 = vector.broadcast %sub3A_679 : f32 to vector<16xf32>
        %sub3A_681 = arith.subf %sub3A_680, %mul3A_678 : vector<16xf32>
        %mul3A_682 = arith.mulf %mul3A_673, %sub3A_681 : vector<16xf32>
        %mul3A_683 = arith.mulf %add3A_647, %mul3A_682 : vector<16xf32>
        %add3A_684 = arith.constant 80 : i32
        %add3A_685 = arith.addi %mul3A_358, %add3A_684 : i32
        %swap3A_686 = arith.index_cast %add3A_685 : i32 to index
        %swap3A_687 = tpu.vector_load %arg10[%swap3A_686] {strides = array<i32>} : memref<512xf32, #tpu.memory_space<vmem>>, vector<16xf32>,
        tpu.vector_store %arg10[%swap3A_686], %mul3A_683 {strides = array<i32>} : memref<512xf32, #tpu.memory_space<vmem>>, vector<16xf32>,
        %min3A_688 = arith.minimumf %scan3A_427#12, %scan3A_427#13 : vector<16xf32>
        %add3A_689 = arith.constant 9.99999996E-13 : f32
        %add3A_690 = vector.broadcast %add3A_689 : f32 to vector<16xf32>
        %add3A_691 = arith.addf %min3A_688, %add3A_690 : vector<16xf32>
        %bitcast_convert_type3A_692 = tpu.bitcast %add3A_691 : vector<16xf32> -> vector<16xi32>
        %shift_right_arithmetic3A_693 = arith.constant 1 : i32
        %shift_right_arithmetic3A_694 = vector.broadcast %shift_right_arithmetic3A_693 : i32 to vector<16xi32>
        %shift_right_arithmetic3A_695 = arith.shrsi %bitcast_convert_type3A_692, %shift_right_arithmetic3A_694 : vector<16xi32>
        %sub3A_696 = arith.constant 1597463007 : i32
        %sub3A_697 = vector.broadcast %sub3A_696 : i32 to vector<16xi32>
        %sub3A_698 = arith.subi %sub3A_697, %shift_right_arithmetic3A_695 : vector<16xi32>
        %bitcast_convert_type3A_699 = tpu.bitcast %sub3A_698 : vector<16xi32> -> vector<16xf32>
        %mul3A_700 = arith.constant 5.000000e-01 : f32
        %mul3A_701 = vector.broadcast %mul3A_700 : f32 to vector<16xf32>
        %mul3A_702 = arith.mulf %mul3A_701, %add3A_691 : vector<16xf32>
        %mul3A_703 = arith.mulf %mul3A_702, %bitcast_convert_type3A_699 : vector<16xf32>
        %mul3A_704 = arith.mulf %mul3A_703, %bitcast_convert_type3A_699 : vector<16xf32>
        %sub3A_705 = arith.constant 1.500000e+00 : f32
        %sub3A_706 = vector.broadcast %sub3A_705 : f32 to vector<16xf32>
        %sub3A_707 = arith.subf %sub3A_706, %mul3A_704 : vector<16xf32>
        %mul3A_708 = arith.mulf %bitcast_convert_type3A_699, %sub3A_707 : vector<16xf32>
        %mul3A_709 = arith.constant 5.000000e-01 : f32
        %mul3A_710 = vector.broadcast %mul3A_709 : f32 to vector<16xf32>
        %mul3A_711 = arith.mulf %mul3A_710, %add3A_691 : vector<16xf32>
        %mul3A_712 = arith.mulf %mul3A_711, %mul3A_708 : vector<16xf32>
        %mul3A_713 = arith.mulf %mul3A_712, %mul3A_708 : vector<16xf32>
        %sub3A_714 = arith.constant 1.500000e+00 : f32
        %sub3A_715 = vector.broadcast %sub3A_714 : f32 to vector<16xf32>
        %sub3A_716 = arith.subf %sub3A_715, %mul3A_713 : vector<16xf32>
        %mul3A_717 = arith.mulf %mul3A_708, %sub3A_716 : vector<16xf32>
        %mul3A_718 = arith.constant 5.000000e-01 : f32
        %mul3A_719 = vector.broadcast %mul3A_718 : f32 to vector<16xf32>
        %mul3A_720 = arith.mulf %mul3A_719, %add3A_691 : vector<16xf32>
        %mul3A_721 = arith.mulf %mul3A_720, %mul3A_717 : vector<16xf32>
        %mul3A_722 = arith.mulf %mul3A_721, %mul3A_717 : vector<16xf32>
        %sub3A_723 = arith.constant 1.500000e+00 : f32
        %sub3A_724 = vector.broadcast %sub3A_723 : f32 to vector<16xf32>
        %sub3A_725 = arith.subf %sub3A_724, %mul3A_722 : vector<16xf32>
        %mul3A_726 = arith.mulf %mul3A_717, %sub3A_725 : vector<16xf32>
        %mul3A_727 = arith.mulf %add3A_691, %mul3A_726 : vector<16xf32>
        %add3A_728 = arith.constant 96 : i32
        %add3A_729 = arith.addi %mul3A_358, %add3A_728 : i32
        %swap3A_730 = arith.index_cast %add3A_729 : i32 to index
        %swap3A_731 = tpu.vector_load %arg10[%swap3A_730] {strides = array<i32>} : memref<512xf32, #tpu.memory_space<vmem>>, vector<16xf32>,
        tpu.vector_store %arg10[%swap3A_730], %mul3A_727 {strides = array<i32>} : memref<512xf32, #tpu.memory_space<vmem>>, vector<16xf32>,
        %min3A_732 = arith.minimumf %scan3A_427#14, %scan3A_427#15 : vector<16xf32>
        %add3A_733 = arith.constant 9.99999996E-13 : f32
        %add3A_734 = vector.broadcast %add3A_733 : f32 to vector<16xf32>
        %add3A_735 = arith.addf %min3A_732, %add3A_734 : vector<16xf32>
        %bitcast_convert_type3A_736 = tpu.bitcast %add3A_735 : vector<16xf32> -> vector<16xi32>
        %shift_right_arithmetic3A_737 = arith.constant 1 : i32
        %shift_right_arithmetic3A_738 = vector.broadcast %shift_right_arithmetic3A_737 : i32 to vector<16xi32>
        %shift_right_arithmetic3A_739 = arith.shrsi %bitcast_convert_type3A_736, %shift_right_arithmetic3A_738 : vector<16xi32>
        %sub3A_740 = arith.constant 1597463007 : i32
        %sub3A_741 = vector.broadcast %sub3A_740 : i32 to vector<16xi32>
        %sub3A_742 = arith.subi %sub3A_741, %shift_right_arithmetic3A_739 : vector<16xi32>
        %bitcast_convert_type3A_743 = tpu.bitcast %sub3A_742 : vector<16xi32> -> vector<16xf32>
        %mul3A_744 = arith.constant 5.000000e-01 : f32
        %mul3A_745 = vector.broadcast %mul3A_744 : f32 to vector<16xf32>
        %mul3A_746 = arith.mulf %mul3A_745, %add3A_735 : vector<16xf32>
        %mul3A_747 = arith.mulf %mul3A_746, %bitcast_convert_type3A_743 : vector<16xf32>
        %mul3A_748 = arith.mulf %mul3A_747, %bitcast_convert_type3A_743 : vector<16xf32>
        %sub3A_749 = arith.constant 1.500000e+00 : f32
        %sub3A_750 = vector.broadcast %sub3A_749 : f32 to vector<16xf32>
        %sub3A_751 = arith.subf %sub3A_750, %mul3A_748 : vector<16xf32>
        %mul3A_752 = arith.mulf %bitcast_convert_type3A_743, %sub3A_751 : vector<16xf32>
        %mul3A_753 = arith.constant 5.000000e-01 : f32
        %mul3A_754 = vector.broadcast %mul3A_753 : f32 to vector<16xf32>
        %mul3A_755 = arith.mulf %mul3A_754, %add3A_735 : vector<16xf32>
        %mul3A_756 = arith.mulf %mul3A_755, %mul3A_752 : vector<16xf32>
        %mul3A_757 = arith.mulf %mul3A_756, %mul3A_752 : vector<16xf32>
        %sub3A_758 = arith.constant 1.500000e+00 : f32
        %sub3A_759 = vector.broadcast %sub3A_758 : f32 to vector<16xf32>
        %sub3A_760 = arith.subf %sub3A_759, %mul3A_757 : vector<16xf32>
        %mul3A_761 = arith.mulf %mul3A_752, %sub3A_760 : vector<16xf32>
        %mul3A_762 = arith.constant 5.000000e-01 : f32
        %mul3A_763 = vector.broadcast %mul3A_762 : f32 to vector<16xf32>
        %mul3A_764 = arith.mulf %mul3A_763, %add3A_735 : vector<16xf32>
        %mul3A_765 = arith.mulf %mul3A_764, %mul3A_761 : vector<16xf32>
        %mul3A_766 = arith.mulf %mul3A_765, %mul3A_761 : vector<16xf32>
        %sub3A_767 = arith.constant 1.500000e+00 : f32
        %sub3A_768 = vector.broadcast %sub3A_767 : f32 to vector<16xf32>
        %sub3A_769 = arith.subf %sub3A_768, %mul3A_766 : vector<16xf32>
        %mul3A_770 = arith.mulf %mul3A_761, %sub3A_769 : vector<16xf32>
        %mul3A_771 = arith.mulf %add3A_735, %mul3A_770 : vector<16xf32>
        %add3A_772 = arith.constant 112 : i32
        %add3A_773 = arith.addi %mul3A_358, %add3A_772 : i32
        %swap3A_774 = arith.index_cast %add3A_773 : i32 to index
        %swap3A_775 = tpu.vector_load %arg10[%swap3A_774] {strides = array<i32>} : memref<512xf32, #tpu.memory_space<vmem>>, vector<16xf32>,
        tpu.vector_store %arg10[%swap3A_774], %mul3A_771 {strides = array<i32>} : memref<512xf32, #tpu.memory_space<vmem>>, vector<16xf32>,
      }
      %scan3A_250 = arith.constant 4 : i32
      %mul3A_251 = arith.constant 512 : i32
      %mul3A_252 = arith.muli %add3A_237, %mul3A_251 : i32
      %add3A_253 = arith.addi %mul3A_2, %mul3A_252 : i32
      %dma_start3A_254 = tpu.memref_slice %arg4[%add3A_253] : memref<131072xf32, #tpu.memory_space<hbm>> -> memref<512xf32, #tpu.memory_space<hbm>>
      %dma_start3A_255 = tpu.memref_slice %arg4[%add3A_253] : memref<131072xf32, #tpu.memory_space<hbm>> -> memref<512xf32, #tpu.memory_space<hbm>>
      tpu.enqueue_dma source(%arg10 : memref<512xf32, #tpu.memory_space<vmem>>) target(%dma_start3A_255 : memref<512xf32, #tpu.memory_space<hbm>>) target_semaphore(%arg16 : memref<!tpu.dma_semaphore, #tpu.memory_space<semaphore_mem>>)
      %add3A_256 = arith.constant 4 : i32
      %add3A_257 = arith.addi %add3A_237, %add3A_256 : i32
      %lt3A = arith.constant 8 : i32
      %lt3A_258 = arith.cmpi slt, %add3A_257, %lt3A : i32
      %convert_element_type3A_259 = arith.extui %lt3A_258 : i1 to i32
      %cond3A_260 = arith.constant 0 : i32
      %cond3A_261 = arith.cmpi ne, %convert_element_type3A_259, %cond3A_260 : i32
      scf.if %cond3A_261 {
        %add3A_352 = arith.constant 4 : i32
        %add3A_353 = arith.addi %add3A_237, %add3A_352 : i32
        %mul3A_354 = arith.constant 512 : i32
        %mul3A_355 = arith.muli %add3A_353, %mul3A_354 : i32
        %add3A_356 = arith.addi %mul3A_2, %mul3A_355 : i32
        %dma_start3A_357 = arith.constant 0 : i32
        %dma_start3A_358 = tpu.memref_slice %arg2[%add3A_356, %dma_start3A_357] : memref<131072x32xf32, #tpu.memory_space<hbm>> -> memref<512x32xf32, #tpu.memory_space<hbm>>
        %dma_start3A_359 = arith.constant 0 : i32
        %dma_start3A_360 = tpu.memref_slice %arg2[%add3A_356, %dma_start3A_359] : memref<131072x32xf32, #tpu.memory_space<hbm>> -> memref<512x32xf32, #tpu.memory_space<hbm>>
        tpu.enqueue_dma source(%dma_start3A_360 : memref<512x32xf32, #tpu.memory_space<hbm>>) target(%arg6 : memref<512x32xf32, #tpu.memory_space<vmem>>) target_semaphore(%arg12 : memref<!tpu.dma_semaphore, #tpu.memory_space<semaphore_mem>>)
      } else {
      }
      %add3A_262 = arith.constant 1 : i32
      %add3A_263 = arith.addi %add3A_235, %add3A_262 : i32
      %dma_wait3A_264 = arith.constant 0 : i32
      %dma_wait3A_265 = arith.constant 0 : i32
      %dma_wait3A_266 = tpu.memref_slice %arg2[%dma_wait3A_264, %dma_wait3A_265] : memref<131072x32xf32, #tpu.memory_space<hbm>> -> memref<512x32xf32, #tpu.memory_space<hbm>>
      %dma_wait3A_267 = arith.constant 0 : i32
      %dma_wait3A_268 = arith.constant 0 : i32
      %dma_wait3A_269 = tpu.memref_slice %arg2[%dma_wait3A_267, %dma_wait3A_268] : memref<131072x32xf32, #tpu.memory_space<hbm>> -> memref<512x32xf32, #tpu.memory_space<hbm>>
      tpu.wait_dma2 semaphore(%arg13 : memref<!tpu.dma_semaphore, #tpu.memory_space<semaphore_mem>>) src(%dma_wait3A_269 : memref<512x32xf32, #tpu.memory_space<hbm>>) dst(%arg7 : memref<512x32xf32, #tpu.memory_space<vmem>>)
      %ge3A_270 = arith.constant 2 : i32
      %ge3A_271 = arith.cmpi sge, %add3A_263, %ge3A_270 : i32
      %convert_element_type3A_272 = arith.extui %ge3A_271 : i1 to i32
      %cond3A_273 = arith.constant 0 : i32
      %cond3A_274 = arith.cmpi ne, %convert_element_type3A_272, %cond3A_273 : i32
      scf.if %cond3A_274 {
        %dma_wait3A_352 = arith.constant 0 : i32
        %dma_wait3A_353 = tpu.memref_slice %arg4[%dma_wait3A_352] : memref<131072xf32, #tpu.memory_space<hbm>> -> memref<512xf32, #tpu.memory_space<hbm>>
        %dma_wait3A_354 = arith.constant 0 : i32
        %dma_wait3A_355 = tpu.memref_slice %arg4[%dma_wait3A_354] : memref<131072xf32, #tpu.memory_space<hbm>> -> memref<512xf32, #tpu.memory_space<hbm>>
        tpu.wait_dma2 semaphore(%arg17 : memref<!tpu.dma_semaphore, #tpu.memory_space<semaphore_mem>>) src(%arg11 : memref<512xf32, #tpu.memory_space<vmem>>) dst(%dma_wait3A_355 : memref<512xf32, #tpu.memory_space<hbm>>)
      } else {
      }
      %scan3A_275 = arith.constant 0 : i32
      %scan3A_276 = arith.constant 4 : i32
      %scan3A_277 = arith.addi %scan3A_275, %scan3A_276 : i32
      %scan3A_278 = arith.constant 1 : i32
      scf.for %scan3A_352 = %scan3A_275 to %scan3A_277 step %scan3A_278  : i32 {
        %mul3A_353 = arith.constant 1 : i32
        %mul3A_354 = arith.muli %scan3A_352, %mul3A_353 : i32
        %add3A_355 = arith.constant 0 : i32
        %add3A_356 = arith.addi %add3A_355, %mul3A_354 : i32
        %mul3A_357 = arith.constant 128 : i32
        %mul3A_358 = arith.muli %add3A_356, %mul3A_357 : i32
        %broadcast_in_dim3A_359 = arith.constant 0.000000e+00 : f32
        %broadcast_in_dim3A_360 = vector.broadcast %broadcast_in_dim3A_359 : f32 to vector<16xf32>
        %broadcast_in_dim3A_361 = arith.constant 0.000000e+00 : f32
        %broadcast_in_dim3A_362 = vector.broadcast %broadcast_in_dim3A_361 : f32 to vector<16xf32>
        %broadcast_in_dim3A_363 = arith.constant 0.000000e+00 : f32
        %broadcast_in_dim3A_364 = vector.broadcast %broadcast_in_dim3A_363 : f32 to vector<16xf32>
        %broadcast_in_dim3A_365 = arith.constant 0.000000e+00 : f32
        %broadcast_in_dim3A_366 = vector.broadcast %broadcast_in_dim3A_365 : f32 to vector<16xf32>
        %broadcast_in_dim3A_367 = arith.constant 0.000000e+00 : f32
        %broadcast_in_dim3A_368 = vector.broadcast %broadcast_in_dim3A_367 : f32 to vector<16xf32>
        %broadcast_in_dim3A_369 = arith.constant 0.000000e+00 : f32
        %broadcast_in_dim3A_370 = vector.broadcast %broadcast_in_dim3A_369 : f32 to vector<16xf32>
        %broadcast_in_dim3A_371 = arith.constant 0.000000e+00 : f32
        %broadcast_in_dim3A_372 = vector.broadcast %broadcast_in_dim3A_371 : f32 to vector<16xf32>
        %broadcast_in_dim3A_373 = arith.constant 0.000000e+00 : f32
        %broadcast_in_dim3A_374 = vector.broadcast %broadcast_in_dim3A_373 : f32 to vector<16xf32>
        %broadcast_in_dim3A_375 = arith.constant 0.000000e+00 : f32
        %broadcast_in_dim3A_376 = vector.broadcast %broadcast_in_dim3A_375 : f32 to vector<16xf32>
        %broadcast_in_dim3A_377 = arith.constant 0.000000e+00 : f32
        %broadcast_in_dim3A_378 = vector.broadcast %broadcast_in_dim3A_377 : f32 to vector<16xf32>
        %broadcast_in_dim3A_379 = arith.constant 0.000000e+00 : f32
        %broadcast_in_dim3A_380 = vector.broadcast %broadcast_in_dim3A_379 : f32 to vector<16xf32>
        %broadcast_in_dim3A_381 = arith.constant 0.000000e+00 : f32
        %broadcast_in_dim3A_382 = vector.broadcast %broadcast_in_dim3A_381 : f32 to vector<16xf32>
        %broadcast_in_dim3A_383 = arith.constant 0.000000e+00 : f32
        %broadcast_in_dim3A_384 = vector.broadcast %broadcast_in_dim3A_383 : f32 to vector<16xf32>
        %broadcast_in_dim3A_385 = arith.constant 0.000000e+00 : f32
        %broadcast_in_dim3A_386 = vector.broadcast %broadcast_in_dim3A_385 : f32 to vector<16xf32>
        %broadcast_in_dim3A_387 = arith.constant 0.000000e+00 : f32
        %broadcast_in_dim3A_388 = vector.broadcast %broadcast_in_dim3A_387 : f32 to vector<16xf32>
        %broadcast_in_dim3A_389 = arith.constant 0.000000e+00 : f32
        %broadcast_in_dim3A_390 = vector.broadcast %broadcast_in_dim3A_389 : f32 to vector<16xf32>
        %add3A_391 = arith.constant 0 : i32
        %add3A_392 = arith.addi %mul3A_358, %add3A_391 : i32
        %add3A_393 = vector.broadcast %add3A_392 : i32 to vector<16xi32>
        %add3A_394 = arith.addi %iota3A, %add3A_393 : vector<16xi32>
        %add3A_395 = arith.constant 16 : i32
        %add3A_396 = arith.addi %mul3A_358, %add3A_395 : i32
        %add3A_397 = vector.broadcast %add3A_396 : i32 to vector<16xi32>
        %add3A_398 = arith.addi %iota3A, %add3A_397 : vector<16xi32>
        %add3A_399 = arith.constant 32 : i32
        %add3A_400 = arith.addi %mul3A_358, %add3A_399 : i32
        %add3A_401 = vector.broadcast %add3A_400 : i32 to vector<16xi32>
        %add3A_402 = arith.addi %iota3A, %add3A_401 : vector<16xi32>
        %add3A_403 = arith.constant 48 : i32
        %add3A_404 = arith.addi %mul3A_358, %add3A_403 : i32
        %add3A_405 = vector.broadcast %add3A_404 : i32 to vector<16xi32>
        %add3A_406 = arith.addi %iota3A, %add3A_405 : vector<16xi32>
        %add3A_407 = arith.constant 64 : i32
        %add3A_408 = arith.addi %mul3A_358, %add3A_407 : i32
        %add3A_409 = vector.broadcast %add3A_408 : i32 to vector<16xi32>
        %add3A_410 = arith.addi %iota3A, %add3A_409 : vector<16xi32>
        %add3A_411 = arith.constant 80 : i32
        %add3A_412 = arith.addi %mul3A_358, %add3A_411 : i32
        %add3A_413 = vector.broadcast %add3A_412 : i32 to vector<16xi32>
        %add3A_414 = arith.addi %iota3A, %add3A_413 : vector<16xi32>
        %add3A_415 = arith.constant 96 : i32
        %add3A_416 = arith.addi %mul3A_358, %add3A_415 : i32
        %add3A_417 = vector.broadcast %add3A_416 : i32 to vector<16xi32>
        %add3A_418 = arith.addi %iota3A, %add3A_417 : vector<16xi32>
        %add3A_419 = arith.constant 112 : i32
        %add3A_420 = arith.addi %mul3A_358, %add3A_419 : i32
        %add3A_421 = vector.broadcast %add3A_420 : i32 to vector<16xi32>
        %add3A_422 = arith.addi %iota3A, %add3A_421 : vector<16xi32>
        %scan3A_423 = arith.constant 0 : i32
        %scan3A_424 = arith.constant 32 : i32
        %scan3A_425 = arith.addi %scan3A_423, %scan3A_424 : i32
        %scan3A_426 = arith.constant 4 : i32
        %scan3A_427:16 = scf.for %scan3A_776 = %scan3A_423 to %scan3A_425 step %scan3A_426 iter_args(%scan3A_777 = %broadcast_in_dim3A_360, %scan3A_778 = %broadcast_in_dim3A_362, %scan3A_779 = %broadcast_in_dim3A_364, %scan3A_780 = %broadcast_in_dim3A_366, %scan3A_781 = %broadcast_in_dim3A_368, %scan3A_782 = %broadcast_in_dim3A_370, %scan3A_783 = %broadcast_in_dim3A_372, %scan3A_784 = %broadcast_in_dim3A_374, %scan3A_785 = %broadcast_in_dim3A_376, %scan3A_786 = %broadcast_in_dim3A_378, %scan3A_787 = %broadcast_in_dim3A_380, %scan3A_788 = %broadcast_in_dim3A_382, %scan3A_789 = %broadcast_in_dim3A_384, %scan3A_790 = %broadcast_in_dim3A_386, %scan3A_791 = %broadcast_in_dim3A_388, %scan3A_792 = %broadcast_in_dim3A_390) -> (vector<16xf32>, vector<16xf32>, vector<16xf32>, vector<16xf32>, vector<16xf32>, vector<16xf32>, vector<16xf32>, vector<16xf32>, vector<16xf32>, vector<16xf32>, vector<16xf32>, vector<16xf32>, vector<16xf32>, vector<16xf32>, vector<16xf32>, vector<16xf32>)  : i32 {
          %mul3A_793 = arith.constant 1 : i32
          %mul3A_794 = arith.muli %scan3A_776, %mul3A_793 : i32
          %add3A_795 = arith.constant 0 : i32
          %add3A_796 = arith.addi %add3A_795, %mul3A_794 : i32
          %add3A_797 = vector.broadcast %add3A_796 : i32 to vector<16xi32>
          %add3A_798 = arith.addi %iota3A, %add3A_797 : vector<16xi32>
          %and3A_799 = arith.constant 31 : i32
          %and3A_800 = vector.broadcast %and3A_799 : i32 to vector<16xi32>
          %and3A_801 = arith.andi %add3A_798, %and3A_800 : vector<16xi32>
          %gather3A = tpu.vector_load_idx %arg5[%broadcast_in_dim3A_3, %and3A_801] : memref<2x32xf32, #tpu.memory_space<vmem>>[vector<16xi32>, vector<16xi32>], vector<16xf32>,
          %gather3A_802 = tpu.vector_load_idx %arg5[%broadcast_in_dim3A_5, %and3A_801] : memref<2x32xf32, #tpu.memory_space<vmem>>[vector<16xi32>, vector<16xi32>], vector<16xf32>,
          %gather3A_803 = tpu.vector_load_idx %arg7[%add3A_394, %and3A_801] : memref<512x32xf32, #tpu.memory_space<vmem>>[vector<16xi32>, vector<16xi32>], vector<16xf32>,
          %sub3A_804 = arith.subf %gather3A_803, %gather3A : vector<16xf32>
          %mul3A_805 = arith.mulf %sub3A_804, %sub3A_804 : vector<16xf32>
          %add3A_806 = arith.addf %scan3A_777, %mul3A_805 : vector<16xf32>
          %sub3A_807 = arith.subf %gather3A_803, %gather3A_802 : vector<16xf32>
          %mul3A_808 = arith.mulf %sub3A_807, %sub3A_807 : vector<16xf32>
          %add3A_809 = arith.addf %scan3A_778, %mul3A_808 : vector<16xf32>
          %gather3A_810 = tpu.vector_load_idx %arg7[%add3A_398, %and3A_801] : memref<512x32xf32, #tpu.memory_space<vmem>>[vector<16xi32>, vector<16xi32>], vector<16xf32>,
          %sub3A_811 = arith.subf %gather3A_810, %gather3A : vector<16xf32>
          %mul3A_812 = arith.mulf %sub3A_811, %sub3A_811 : vector<16xf32>
          %add3A_813 = arith.addf %scan3A_779, %mul3A_812 : vector<16xf32>
          %sub3A_814 = arith.subf %gather3A_810, %gather3A_802 : vector<16xf32>
          %mul3A_815 = arith.mulf %sub3A_814, %sub3A_814 : vector<16xf32>
          %add3A_816 = arith.addf %scan3A_780, %mul3A_815 : vector<16xf32>
          %gather3A_817 = tpu.vector_load_idx %arg7[%add3A_402, %and3A_801] : memref<512x32xf32, #tpu.memory_space<vmem>>[vector<16xi32>, vector<16xi32>], vector<16xf32>,
          %sub3A_818 = arith.subf %gather3A_817, %gather3A : vector<16xf32>
          %mul3A_819 = arith.mulf %sub3A_818, %sub3A_818 : vector<16xf32>
          %add3A_820 = arith.addf %scan3A_781, %mul3A_819 : vector<16xf32>
          %sub3A_821 = arith.subf %gather3A_817, %gather3A_802 : vector<16xf32>
          %mul3A_822 = arith.mulf %sub3A_821, %sub3A_821 : vector<16xf32>
          %add3A_823 = arith.addf %scan3A_782, %mul3A_822 : vector<16xf32>
          %gather3A_824 = tpu.vector_load_idx %arg7[%add3A_406, %and3A_801] : memref<512x32xf32, #tpu.memory_space<vmem>>[vector<16xi32>, vector<16xi32>], vector<16xf32>,
          %sub3A_825 = arith.subf %gather3A_824, %gather3A : vector<16xf32>
          %mul3A_826 = arith.mulf %sub3A_825, %sub3A_825 : vector<16xf32>
          %add3A_827 = arith.addf %scan3A_783, %mul3A_826 : vector<16xf32>
          %sub3A_828 = arith.subf %gather3A_824, %gather3A_802 : vector<16xf32>
          %mul3A_829 = arith.mulf %sub3A_828, %sub3A_828 : vector<16xf32>
          %add3A_830 = arith.addf %scan3A_784, %mul3A_829 : vector<16xf32>
          %gather3A_831 = tpu.vector_load_idx %arg7[%add3A_410, %and3A_801] : memref<512x32xf32, #tpu.memory_space<vmem>>[vector<16xi32>, vector<16xi32>], vector<16xf32>,
          %sub3A_832 = arith.subf %gather3A_831, %gather3A : vector<16xf32>
          %mul3A_833 = arith.mulf %sub3A_832, %sub3A_832 : vector<16xf32>
          %add3A_834 = arith.addf %scan3A_785, %mul3A_833 : vector<16xf32>
          %sub3A_835 = arith.subf %gather3A_831, %gather3A_802 : vector<16xf32>
          %mul3A_836 = arith.mulf %sub3A_835, %sub3A_835 : vector<16xf32>
          %add3A_837 = arith.addf %scan3A_786, %mul3A_836 : vector<16xf32>
          %gather3A_838 = tpu.vector_load_idx %arg7[%add3A_414, %and3A_801] : memref<512x32xf32, #tpu.memory_space<vmem>>[vector<16xi32>, vector<16xi32>], vector<16xf32>,
          %sub3A_839 = arith.subf %gather3A_838, %gather3A : vector<16xf32>
          %mul3A_840 = arith.mulf %sub3A_839, %sub3A_839 : vector<16xf32>
          %add3A_841 = arith.addf %scan3A_787, %mul3A_840 : vector<16xf32>
          %sub3A_842 = arith.subf %gather3A_838, %gather3A_802 : vector<16xf32>
          %mul3A_843 = arith.mulf %sub3A_842, %sub3A_842 : vector<16xf32>
          %add3A_844 = arith.addf %scan3A_788, %mul3A_843 : vector<16xf32>
          %gather3A_845 = tpu.vector_load_idx %arg7[%add3A_418, %and3A_801] : memref<512x32xf32, #tpu.memory_space<vmem>>[vector<16xi32>, vector<16xi32>], vector<16xf32>,
          %sub3A_846 = arith.subf %gather3A_845, %gather3A : vector<16xf32>
          %mul3A_847 = arith.mulf %sub3A_846, %sub3A_846 : vector<16xf32>
          %add3A_848 = arith.addf %scan3A_789, %mul3A_847 : vector<16xf32>
          %sub3A_849 = arith.subf %gather3A_845, %gather3A_802 : vector<16xf32>
          %mul3A_850 = arith.mulf %sub3A_849, %sub3A_849 : vector<16xf32>
          %add3A_851 = arith.addf %scan3A_790, %mul3A_850 : vector<16xf32>
          %gather3A_852 = tpu.vector_load_idx %arg7[%add3A_422, %and3A_801] : memref<512x32xf32, #tpu.memory_space<vmem>>[vector<16xi32>, vector<16xi32>], vector<16xf32>,
          %sub3A_853 = arith.subf %gather3A_852, %gather3A : vector<16xf32>
          %mul3A_854 = arith.mulf %sub3A_853, %sub3A_853 : vector<16xf32>
          %add3A_855 = arith.addf %scan3A_791, %mul3A_854 : vector<16xf32>
          %sub3A_856 = arith.subf %gather3A_852, %gather3A_802 : vector<16xf32>
          %mul3A_857 = arith.mulf %sub3A_856, %sub3A_856 : vector<16xf32>
          %add3A_858 = arith.addf %scan3A_792, %mul3A_857 : vector<16xf32>
          %scan3A_859 = arith.constant 1 : i32
          %scan3A_860 = arith.addi %scan3A_776, %scan3A_859 : i32
          %mul3A_861 = arith.constant 1 : i32
          %mul3A_862 = arith.muli %scan3A_860, %mul3A_861 : i32
          %add3A_863 = arith.constant 0 : i32
          %add3A_864 = arith.addi %add3A_863, %mul3A_862 : i32
          %add3A_865 = vector.broadcast %add3A_864 : i32 to vector<16xi32>
          %add3A_866 = arith.addi %iota3A, %add3A_865 : vector<16xi32>
          %and3A_867 = arith.constant 31 : i32
          %and3A_868 = vector.broadcast %and3A_867 : i32 to vector<16xi32>
          %and3A_869 = arith.andi %add3A_866, %and3A_868 : vector<16xi32>
          %gather3A_870 = tpu.vector_load_idx %arg5[%broadcast_in_dim3A_3, %and3A_869] : memref<2x32xf32, #tpu.memory_space<vmem>>[vector<16xi32>, vector<16xi32>], vector<16xf32>,
          %gather3A_871 = tpu.vector_load_idx %arg5[%broadcast_in_dim3A_5, %and3A_869] : memref<2x32xf32, #tpu.memory_space<vmem>>[vector<16xi32>, vector<16xi32>], vector<16xf32>,
          %gather3A_872 = tpu.vector_load_idx %arg7[%add3A_394, %and3A_869] : memref<512x32xf32, #tpu.memory_space<vmem>>[vector<16xi32>, vector<16xi32>], vector<16xf32>,
          %sub3A_873 = arith.subf %gather3A_872, %gather3A_870 : vector<16xf32>
          %mul3A_874 = arith.mulf %sub3A_873, %sub3A_873 : vector<16xf32>
          %add3A_875 = arith.addf %add3A_806, %mul3A_874 : vector<16xf32>
          %sub3A_876 = arith.subf %gather3A_872, %gather3A_871 : vector<16xf32>
          %mul3A_877 = arith.mulf %sub3A_876, %sub3A_876 : vector<16xf32>
          %add3A_878 = arith.addf %add3A_809, %mul3A_877 : vector<16xf32>
          %gather3A_879 = tpu.vector_load_idx %arg7[%add3A_398, %and3A_869] : memref<512x32xf32, #tpu.memory_space<vmem>>[vector<16xi32>, vector<16xi32>], vector<16xf32>,
          %sub3A_880 = arith.subf %gather3A_879, %gather3A_870 : vector<16xf32>
          %mul3A_881 = arith.mulf %sub3A_880, %sub3A_880 : vector<16xf32>
          %add3A_882 = arith.addf %add3A_813, %mul3A_881 : vector<16xf32>
          %sub3A_883 = arith.subf %gather3A_879, %gather3A_871 : vector<16xf32>
          %mul3A_884 = arith.mulf %sub3A_883, %sub3A_883 : vector<16xf32>
          %add3A_885 = arith.addf %add3A_816, %mul3A_884 : vector<16xf32>
          %gather3A_886 = tpu.vector_load_idx %arg7[%add3A_402, %and3A_869] : memref<512x32xf32, #tpu.memory_space<vmem>>[vector<16xi32>, vector<16xi32>], vector<16xf32>,
          %sub3A_887 = arith.subf %gather3A_886, %gather3A_870 : vector<16xf32>
          %mul3A_888 = arith.mulf %sub3A_887, %sub3A_887 : vector<16xf32>
          %add3A_889 = arith.addf %add3A_820, %mul3A_888 : vector<16xf32>
          %sub3A_890 = arith.subf %gather3A_886, %gather3A_871 : vector<16xf32>
          %mul3A_891 = arith.mulf %sub3A_890, %sub3A_890 : vector<16xf32>
          %add3A_892 = arith.addf %add3A_823, %mul3A_891 : vector<16xf32>
          %gather3A_893 = tpu.vector_load_idx %arg7[%add3A_406, %and3A_869] : memref<512x32xf32, #tpu.memory_space<vmem>>[vector<16xi32>, vector<16xi32>], vector<16xf32>,
          %sub3A_894 = arith.subf %gather3A_893, %gather3A_870 : vector<16xf32>
          %mul3A_895 = arith.mulf %sub3A_894, %sub3A_894 : vector<16xf32>
          %add3A_896 = arith.addf %add3A_827, %mul3A_895 : vector<16xf32>
          %sub3A_897 = arith.subf %gather3A_893, %gather3A_871 : vector<16xf32>
          %mul3A_898 = arith.mulf %sub3A_897, %sub3A_897 : vector<16xf32>
          %add3A_899 = arith.addf %add3A_830, %mul3A_898 : vector<16xf32>
          %gather3A_900 = tpu.vector_load_idx %arg7[%add3A_410, %and3A_869] : memref<512x32xf32, #tpu.memory_space<vmem>>[vector<16xi32>, vector<16xi32>], vector<16xf32>,
          %sub3A_901 = arith.subf %gather3A_900, %gather3A_870 : vector<16xf32>
          %mul3A_902 = arith.mulf %sub3A_901, %sub3A_901 : vector<16xf32>
          %add3A_903 = arith.addf %add3A_834, %mul3A_902 : vector<16xf32>
          %sub3A_904 = arith.subf %gather3A_900, %gather3A_871 : vector<16xf32>
          %mul3A_905 = arith.mulf %sub3A_904, %sub3A_904 : vector<16xf32>
          %add3A_906 = arith.addf %add3A_837, %mul3A_905 : vector<16xf32>
          %gather3A_907 = tpu.vector_load_idx %arg7[%add3A_414, %and3A_869] : memref<512x32xf32, #tpu.memory_space<vmem>>[vector<16xi32>, vector<16xi32>], vector<16xf32>,
          %sub3A_908 = arith.subf %gather3A_907, %gather3A_870 : vector<16xf32>
          %mul3A_909 = arith.mulf %sub3A_908, %sub3A_908 : vector<16xf32>
          %add3A_910 = arith.addf %add3A_841, %mul3A_909 : vector<16xf32>
          %sub3A_911 = arith.subf %gather3A_907, %gather3A_871 : vector<16xf32>
          %mul3A_912 = arith.mulf %sub3A_911, %sub3A_911 : vector<16xf32>
          %add3A_913 = arith.addf %add3A_844, %mul3A_912 : vector<16xf32>
          %gather3A_914 = tpu.vector_load_idx %arg7[%add3A_418, %and3A_869] : memref<512x32xf32, #tpu.memory_space<vmem>>[vector<16xi32>, vector<16xi32>], vector<16xf32>,
          %sub3A_915 = arith.subf %gather3A_914, %gather3A_870 : vector<16xf32>
          %mul3A_916 = arith.mulf %sub3A_915, %sub3A_915 : vector<16xf32>
          %add3A_917 = arith.addf %add3A_848, %mul3A_916 : vector<16xf32>
          %sub3A_918 = arith.subf %gather3A_914, %gather3A_871 : vector<16xf32>
          %mul3A_919 = arith.mulf %sub3A_918, %sub3A_918 : vector<16xf32>
          %add3A_920 = arith.addf %add3A_851, %mul3A_919 : vector<16xf32>
          %gather3A_921 = tpu.vector_load_idx %arg7[%add3A_422, %and3A_869] : memref<512x32xf32, #tpu.memory_space<vmem>>[vector<16xi32>, vector<16xi32>], vector<16xf32>,
          %sub3A_922 = arith.subf %gather3A_921, %gather3A_870 : vector<16xf32>
          %mul3A_923 = arith.mulf %sub3A_922, %sub3A_922 : vector<16xf32>
          %add3A_924 = arith.addf %add3A_855, %mul3A_923 : vector<16xf32>
          %sub3A_925 = arith.subf %gather3A_921, %gather3A_871 : vector<16xf32>
          %mul3A_926 = arith.mulf %sub3A_925, %sub3A_925 : vector<16xf32>
          %add3A_927 = arith.addf %add3A_858, %mul3A_926 : vector<16xf32>
          %scan3A_928 = arith.constant 2 : i32
          %scan3A_929 = arith.addi %scan3A_776, %scan3A_928 : i32
          %mul3A_930 = arith.constant 1 : i32
          %mul3A_931 = arith.muli %scan3A_929, %mul3A_930 : i32
          %add3A_932 = arith.constant 0 : i32
          %add3A_933 = arith.addi %add3A_932, %mul3A_931 : i32
          %add3A_934 = vector.broadcast %add3A_933 : i32 to vector<16xi32>
          %add3A_935 = arith.addi %iota3A, %add3A_934 : vector<16xi32>
          %and3A_936 = arith.constant 31 : i32
          %and3A_937 = vector.broadcast %and3A_936 : i32 to vector<16xi32>
          %and3A_938 = arith.andi %add3A_935, %and3A_937 : vector<16xi32>
          %gather3A_939 = tpu.vector_load_idx %arg5[%broadcast_in_dim3A_3, %and3A_938] : memref<2x32xf32, #tpu.memory_space<vmem>>[vector<16xi32>, vector<16xi32>], vector<16xf32>,
          %gather3A_940 = tpu.vector_load_idx %arg5[%broadcast_in_dim3A_5, %and3A_938] : memref<2x32xf32, #tpu.memory_space<vmem>>[vector<16xi32>, vector<16xi32>], vector<16xf32>,
          %gather3A_941 = tpu.vector_load_idx %arg7[%add3A_394, %and3A_938] : memref<512x32xf32, #tpu.memory_space<vmem>>[vector<16xi32>, vector<16xi32>], vector<16xf32>,
          %sub3A_942 = arith.subf %gather3A_941, %gather3A_939 : vector<16xf32>
          %mul3A_943 = arith.mulf %sub3A_942, %sub3A_942 : vector<16xf32>
          %add3A_944 = arith.addf %add3A_875, %mul3A_943 : vector<16xf32>
          %sub3A_945 = arith.subf %gather3A_941, %gather3A_940 : vector<16xf32>
          %mul3A_946 = arith.mulf %sub3A_945, %sub3A_945 : vector<16xf32>
          %add3A_947 = arith.addf %add3A_878, %mul3A_946 : vector<16xf32>
          %gather3A_948 = tpu.vector_load_idx %arg7[%add3A_398, %and3A_938] : memref<512x32xf32, #tpu.memory_space<vmem>>[vector<16xi32>, vector<16xi32>], vector<16xf32>,
          %sub3A_949 = arith.subf %gather3A_948, %gather3A_939 : vector<16xf32>
          %mul3A_950 = arith.mulf %sub3A_949, %sub3A_949 : vector<16xf32>
          %add3A_951 = arith.addf %add3A_882, %mul3A_950 : vector<16xf32>
          %sub3A_952 = arith.subf %gather3A_948, %gather3A_940 : vector<16xf32>
          %mul3A_953 = arith.mulf %sub3A_952, %sub3A_952 : vector<16xf32>
          %add3A_954 = arith.addf %add3A_885, %mul3A_953 : vector<16xf32>
          %gather3A_955 = tpu.vector_load_idx %arg7[%add3A_402, %and3A_938] : memref<512x32xf32, #tpu.memory_space<vmem>>[vector<16xi32>, vector<16xi32>], vector<16xf32>,
          %sub3A_956 = arith.subf %gather3A_955, %gather3A_939 : vector<16xf32>
          %mul3A_957 = arith.mulf %sub3A_956, %sub3A_956 : vector<16xf32>
          %add3A_958 = arith.addf %add3A_889, %mul3A_957 : vector<16xf32>
          %sub3A_959 = arith.subf %gather3A_955, %gather3A_940 : vector<16xf32>
          %mul3A_960 = arith.mulf %sub3A_959, %sub3A_959 : vector<16xf32>
          %add3A_961 = arith.addf %add3A_892, %mul3A_960 : vector<16xf32>
          %gather3A_962 = tpu.vector_load_idx %arg7[%add3A_406, %and3A_938] : memref<512x32xf32, #tpu.memory_space<vmem>>[vector<16xi32>, vector<16xi32>], vector<16xf32>,
          %sub3A_963 = arith.subf %gather3A_962, %gather3A_939 : vector<16xf32>
          %mul3A_964 = arith.mulf %sub3A_963, %sub3A_963 : vector<16xf32>
          %add3A_965 = arith.addf %add3A_896, %mul3A_964 : vector<16xf32>
          %sub3A_966 = arith.subf %gather3A_962, %gather3A_940 : vector<16xf32>
          %mul3A_967 = arith.mulf %sub3A_966, %sub3A_966 : vector<16xf32>
          %add3A_968 = arith.addf %add3A_899, %mul3A_967 : vector<16xf32>
          %gather3A_969 = tpu.vector_load_idx %arg7[%add3A_410, %and3A_938] : memref<512x32xf32, #tpu.memory_space<vmem>>[vector<16xi32>, vector<16xi32>], vector<16xf32>,
          %sub3A_970 = arith.subf %gather3A_969, %gather3A_939 : vector<16xf32>
          %mul3A_971 = arith.mulf %sub3A_970, %sub3A_970 : vector<16xf32>
          %add3A_972 = arith.addf %add3A_903, %mul3A_971 : vector<16xf32>
          %sub3A_973 = arith.subf %gather3A_969, %gather3A_940 : vector<16xf32>
          %mul3A_974 = arith.mulf %sub3A_973, %sub3A_973 : vector<16xf32>
          %add3A_975 = arith.addf %add3A_906, %mul3A_974 : vector<16xf32>
          %gather3A_976 = tpu.vector_load_idx %arg7[%add3A_414, %and3A_938] : memref<512x32xf32, #tpu.memory_space<vmem>>[vector<16xi32>, vector<16xi32>], vector<16xf32>,
          %sub3A_977 = arith.subf %gather3A_976, %gather3A_939 : vector<16xf32>
          %mul3A_978 = arith.mulf %sub3A_977, %sub3A_977 : vector<16xf32>
          %add3A_979 = arith.addf %add3A_910, %mul3A_978 : vector<16xf32>
          %sub3A_980 = arith.subf %gather3A_976, %gather3A_940 : vector<16xf32>
          %mul3A_981 = arith.mulf %sub3A_980, %sub3A_980 : vector<16xf32>
          %add3A_982 = arith.addf %add3A_913, %mul3A_981 : vector<16xf32>
          %gather3A_983 = tpu.vector_load_idx %arg7[%add3A_418, %and3A_938] : memref<512x32xf32, #tpu.memory_space<vmem>>[vector<16xi32>, vector<16xi32>], vector<16xf32>,
          %sub3A_984 = arith.subf %gather3A_983, %gather3A_939 : vector<16xf32>
          %mul3A_985 = arith.mulf %sub3A_984, %sub3A_984 : vector<16xf32>
          %add3A_986 = arith.addf %add3A_917, %mul3A_985 : vector<16xf32>
          %sub3A_987 = arith.subf %gather3A_983, %gather3A_940 : vector<16xf32>
          %mul3A_988 = arith.mulf %sub3A_987, %sub3A_987 : vector<16xf32>
          %add3A_989 = arith.addf %add3A_920, %mul3A_988 : vector<16xf32>
          %gather3A_990 = tpu.vector_load_idx %arg7[%add3A_422, %and3A_938] : memref<512x32xf32, #tpu.memory_space<vmem>>[vector<16xi32>, vector<16xi32>], vector<16xf32>,
          %sub3A_991 = arith.subf %gather3A_990, %gather3A_939 : vector<16xf32>
          %mul3A_992 = arith.mulf %sub3A_991, %sub3A_991 : vector<16xf32>
          %add3A_993 = arith.addf %add3A_924, %mul3A_992 : vector<16xf32>
          %sub3A_994 = arith.subf %gather3A_990, %gather3A_940 : vector<16xf32>
          %mul3A_995 = arith.mulf %sub3A_994, %sub3A_994 : vector<16xf32>
          %add3A_996 = arith.addf %add3A_927, %mul3A_995 : vector<16xf32>
          %scan3A_997 = arith.constant 3 : i32
          %scan3A_998 = arith.addi %scan3A_776, %scan3A_997 : i32
          %mul3A_999 = arith.constant 1 : i32
          %mul3A_1000 = arith.muli %scan3A_998, %mul3A_999 : i32
          %add3A_1001 = arith.constant 0 : i32
          %add3A_1002 = arith.addi %add3A_1001, %mul3A_1000 : i32
          %add3A_1003 = vector.broadcast %add3A_1002 : i32 to vector<16xi32>
          %add3A_1004 = arith.addi %iota3A, %add3A_1003 : vector<16xi32>
          %and3A_1005 = arith.constant 31 : i32
          %and3A_1006 = vector.broadcast %and3A_1005 : i32 to vector<16xi32>
          %and3A_1007 = arith.andi %add3A_1004, %and3A_1006 : vector<16xi32>
          %gather3A_1008 = tpu.vector_load_idx %arg5[%broadcast_in_dim3A_3, %and3A_1007] : memref<2x32xf32, #tpu.memory_space<vmem>>[vector<16xi32>, vector<16xi32>], vector<16xf32>,
          %gather3A_1009 = tpu.vector_load_idx %arg5[%broadcast_in_dim3A_5, %and3A_1007] : memref<2x32xf32, #tpu.memory_space<vmem>>[vector<16xi32>, vector<16xi32>], vector<16xf32>,
          %gather3A_1010 = tpu.vector_load_idx %arg7[%add3A_394, %and3A_1007] : memref<512x32xf32, #tpu.memory_space<vmem>>[vector<16xi32>, vector<16xi32>], vector<16xf32>,
          %sub3A_1011 = arith.subf %gather3A_1010, %gather3A_1008 : vector<16xf32>
          %mul3A_1012 = arith.mulf %sub3A_1011, %sub3A_1011 : vector<16xf32>
          %add3A_1013 = arith.addf %add3A_944, %mul3A_1012 : vector<16xf32>
          %sub3A_1014 = arith.subf %gather3A_1010, %gather3A_1009 : vector<16xf32>
          %mul3A_1015 = arith.mulf %sub3A_1014, %sub3A_1014 : vector<16xf32>
          %add3A_1016 = arith.addf %add3A_947, %mul3A_1015 : vector<16xf32>
          %gather3A_1017 = tpu.vector_load_idx %arg7[%add3A_398, %and3A_1007] : memref<512x32xf32, #tpu.memory_space<vmem>>[vector<16xi32>, vector<16xi32>], vector<16xf32>,
          %sub3A_1018 = arith.subf %gather3A_1017, %gather3A_1008 : vector<16xf32>
          %mul3A_1019 = arith.mulf %sub3A_1018, %sub3A_1018 : vector<16xf32>
          %add3A_1020 = arith.addf %add3A_951, %mul3A_1019 : vector<16xf32>
          %sub3A_1021 = arith.subf %gather3A_1017, %gather3A_1009 : vector<16xf32>
          %mul3A_1022 = arith.mulf %sub3A_1021, %sub3A_1021 : vector<16xf32>
          %add3A_1023 = arith.addf %add3A_954, %mul3A_1022 : vector<16xf32>
          %gather3A_1024 = tpu.vector_load_idx %arg7[%add3A_402, %and3A_1007] : memref<512x32xf32, #tpu.memory_space<vmem>>[vector<16xi32>, vector<16xi32>], vector<16xf32>,
          %sub3A_1025 = arith.subf %gather3A_1024, %gather3A_1008 : vector<16xf32>
          %mul3A_1026 = arith.mulf %sub3A_1025, %sub3A_1025 : vector<16xf32>
          %add3A_1027 = arith.addf %add3A_958, %mul3A_1026 : vector<16xf32>
          %sub3A_1028 = arith.subf %gather3A_1024, %gather3A_1009 : vector<16xf32>
          %mul3A_1029 = arith.mulf %sub3A_1028, %sub3A_1028 : vector<16xf32>
          %add3A_1030 = arith.addf %add3A_961, %mul3A_1029 : vector<16xf32>
          %gather3A_1031 = tpu.vector_load_idx %arg7[%add3A_406, %and3A_1007] : memref<512x32xf32, #tpu.memory_space<vmem>>[vector<16xi32>, vector<16xi32>], vector<16xf32>,
          %sub3A_1032 = arith.subf %gather3A_1031, %gather3A_1008 : vector<16xf32>
          %mul3A_1033 = arith.mulf %sub3A_1032, %sub3A_1032 : vector<16xf32>
          %add3A_1034 = arith.addf %add3A_965, %mul3A_1033 : vector<16xf32>
          %sub3A_1035 = arith.subf %gather3A_1031, %gather3A_1009 : vector<16xf32>
          %mul3A_1036 = arith.mulf %sub3A_1035, %sub3A_1035 : vector<16xf32>
          %add3A_1037 = arith.addf %add3A_968, %mul3A_1036 : vector<16xf32>
          %gather3A_1038 = tpu.vector_load_idx %arg7[%add3A_410, %and3A_1007] : memref<512x32xf32, #tpu.memory_space<vmem>>[vector<16xi32>, vector<16xi32>], vector<16xf32>,
          %sub3A_1039 = arith.subf %gather3A_1038, %gather3A_1008 : vector<16xf32>
          %mul3A_1040 = arith.mulf %sub3A_1039, %sub3A_1039 : vector<16xf32>
          %add3A_1041 = arith.addf %add3A_972, %mul3A_1040 : vector<16xf32>
          %sub3A_1042 = arith.subf %gather3A_1038, %gather3A_1009 : vector<16xf32>
          %mul3A_1043 = arith.mulf %sub3A_1042, %sub3A_1042 : vector<16xf32>
          %add3A_1044 = arith.addf %add3A_975, %mul3A_1043 : vector<16xf32>
          %gather3A_1045 = tpu.vector_load_idx %arg7[%add3A_414, %and3A_1007] : memref<512x32xf32, #tpu.memory_space<vmem>>[vector<16xi32>, vector<16xi32>], vector<16xf32>,
          %sub3A_1046 = arith.subf %gather3A_1045, %gather3A_1008 : vector<16xf32>
          %mul3A_1047 = arith.mulf %sub3A_1046, %sub3A_1046 : vector<16xf32>
          %add3A_1048 = arith.addf %add3A_979, %mul3A_1047 : vector<16xf32>
          %sub3A_1049 = arith.subf %gather3A_1045, %gather3A_1009 : vector<16xf32>
          %mul3A_1050 = arith.mulf %sub3A_1049, %sub3A_1049 : vector<16xf32>
          %add3A_1051 = arith.addf %add3A_982, %mul3A_1050 : vector<16xf32>
          %gather3A_1052 = tpu.vector_load_idx %arg7[%add3A_418, %and3A_1007] : memref<512x32xf32, #tpu.memory_space<vmem>>[vector<16xi32>, vector<16xi32>], vector<16xf32>,
          %sub3A_1053 = arith.subf %gather3A_1052, %gather3A_1008 : vector<16xf32>
          %mul3A_1054 = arith.mulf %sub3A_1053, %sub3A_1053 : vector<16xf32>
          %add3A_1055 = arith.addf %add3A_986, %mul3A_1054 : vector<16xf32>
          %sub3A_1056 = arith.subf %gather3A_1052, %gather3A_1009 : vector<16xf32>
          %mul3A_1057 = arith.mulf %sub3A_1056, %sub3A_1056 : vector<16xf32>
          %add3A_1058 = arith.addf %add3A_989, %mul3A_1057 : vector<16xf32>
          %gather3A_1059 = tpu.vector_load_idx %arg7[%add3A_422, %and3A_1007] : memref<512x32xf32, #tpu.memory_space<vmem>>[vector<16xi32>, vector<16xi32>], vector<16xf32>,
          %sub3A_1060 = arith.subf %gather3A_1059, %gather3A_1008 : vector<16xf32>
          %mul3A_1061 = arith.mulf %sub3A_1060, %sub3A_1060 : vector<16xf32>
          %add3A_1062 = arith.addf %add3A_993, %mul3A_1061 : vector<16xf32>
          %sub3A_1063 = arith.subf %gather3A_1059, %gather3A_1009 : vector<16xf32>
          %mul3A_1064 = arith.mulf %sub3A_1063, %sub3A_1063 : vector<16xf32>
          %add3A_1065 = arith.addf %add3A_996, %mul3A_1064 : vector<16xf32>
          scf.yield %add3A_1013, %add3A_1016, %add3A_1020, %add3A_1023, %add3A_1027, %add3A_1030, %add3A_1034, %add3A_1037, %add3A_1041, %add3A_1044, %add3A_1048, %add3A_1051, %add3A_1055, %add3A_1058, %add3A_1062, %add3A_1065 : vector<16xf32>, vector<16xf32>, vector<16xf32>, vector<16xf32>, vector<16xf32>, vector<16xf32>, vector<16xf32>, vector<16xf32>, vector<16xf32>, vector<16xf32>, vector<16xf32>, vector<16xf32>, vector<16xf32>, vector<16xf32>, vector<16xf32>, vector<16xf32>
        }
        %scan3A_428 = arith.constant 32 : i32
        %min3A = arith.minimumf %scan3A_427#0, %scan3A_427#1 : vector<16xf32>
        %add3A_429 = arith.constant 9.99999996E-13 : f32
        %add3A_430 = vector.broadcast %add3A_429 : f32 to vector<16xf32>
        %add3A_431 = arith.addf %min3A, %add3A_430 : vector<16xf32>
        %bitcast_convert_type3A = tpu.bitcast %add3A_431 : vector<16xf32> -> vector<16xi32>
        %shift_right_arithmetic3A = arith.constant 1 : i32
        %shift_right_arithmetic3A_432 = vector.broadcast %shift_right_arithmetic3A : i32 to vector<16xi32>
        %shift_right_arithmetic3A_433 = arith.shrsi %bitcast_convert_type3A, %shift_right_arithmetic3A_432 : vector<16xi32>
        %sub3A = arith.constant 1597463007 : i32
        %sub3A_434 = vector.broadcast %sub3A : i32 to vector<16xi32>
        %sub3A_435 = arith.subi %sub3A_434, %shift_right_arithmetic3A_433 : vector<16xi32>
        %bitcast_convert_type3A_436 = tpu.bitcast %sub3A_435 : vector<16xi32> -> vector<16xf32>
        %mul3A_437 = arith.constant 5.000000e-01 : f32
        %mul3A_438 = vector.broadcast %mul3A_437 : f32 to vector<16xf32>
        %mul3A_439 = arith.mulf %mul3A_438, %add3A_431 : vector<16xf32>
        %mul3A_440 = arith.mulf %mul3A_439, %bitcast_convert_type3A_436 : vector<16xf32>
        %mul3A_441 = arith.mulf %mul3A_440, %bitcast_convert_type3A_436 : vector<16xf32>
        %sub3A_442 = arith.constant 1.500000e+00 : f32
        %sub3A_443 = vector.broadcast %sub3A_442 : f32 to vector<16xf32>
        %sub3A_444 = arith.subf %sub3A_443, %mul3A_441 : vector<16xf32>
        %mul3A_445 = arith.mulf %bitcast_convert_type3A_436, %sub3A_444 : vector<16xf32>
        %mul3A_446 = arith.constant 5.000000e-01 : f32
        %mul3A_447 = vector.broadcast %mul3A_446 : f32 to vector<16xf32>
        %mul3A_448 = arith.mulf %mul3A_447, %add3A_431 : vector<16xf32>
        %mul3A_449 = arith.mulf %mul3A_448, %mul3A_445 : vector<16xf32>
        %mul3A_450 = arith.mulf %mul3A_449, %mul3A_445 : vector<16xf32>
        %sub3A_451 = arith.constant 1.500000e+00 : f32
        %sub3A_452 = vector.broadcast %sub3A_451 : f32 to vector<16xf32>
        %sub3A_453 = arith.subf %sub3A_452, %mul3A_450 : vector<16xf32>
        %mul3A_454 = arith.mulf %mul3A_445, %sub3A_453 : vector<16xf32>
        %mul3A_455 = arith.constant 5.000000e-01 : f32
        %mul3A_456 = vector.broadcast %mul3A_455 : f32 to vector<16xf32>
        %mul3A_457 = arith.mulf %mul3A_456, %add3A_431 : vector<16xf32>
        %mul3A_458 = arith.mulf %mul3A_457, %mul3A_454 : vector<16xf32>
        %mul3A_459 = arith.mulf %mul3A_458, %mul3A_454 : vector<16xf32>
        %sub3A_460 = arith.constant 1.500000e+00 : f32
        %sub3A_461 = vector.broadcast %sub3A_460 : f32 to vector<16xf32>
        %sub3A_462 = arith.subf %sub3A_461, %mul3A_459 : vector<16xf32>
        %mul3A_463 = arith.mulf %mul3A_454, %sub3A_462 : vector<16xf32>
        %mul3A_464 = arith.mulf %add3A_431, %mul3A_463 : vector<16xf32>
        %add3A_465 = arith.constant 0 : i32
        %add3A_466 = arith.addi %mul3A_358, %add3A_465 : i32
        %swap3A = arith.index_cast %add3A_466 : i32 to index
        %swap3A_467 = tpu.vector_load %arg11[%swap3A] {strides = array<i32>} : memref<512xf32, #tpu.memory_space<vmem>>, vector<16xf32>,
        tpu.vector_store %arg11[%swap3A], %mul3A_464 {strides = array<i32>} : memref<512xf32, #tpu.memory_space<vmem>>, vector<16xf32>,
        %min3A_468 = arith.minimumf %scan3A_427#2, %scan3A_427#3 : vector<16xf32>
        %add3A_469 = arith.constant 9.99999996E-13 : f32
        %add3A_470 = vector.broadcast %add3A_469 : f32 to vector<16xf32>
        %add3A_471 = arith.addf %min3A_468, %add3A_470 : vector<16xf32>
        %bitcast_convert_type3A_472 = tpu.bitcast %add3A_471 : vector<16xf32> -> vector<16xi32>
        %shift_right_arithmetic3A_473 = arith.constant 1 : i32
        %shift_right_arithmetic3A_474 = vector.broadcast %shift_right_arithmetic3A_473 : i32 to vector<16xi32>
        %shift_right_arithmetic3A_475 = arith.shrsi %bitcast_convert_type3A_472, %shift_right_arithmetic3A_474 : vector<16xi32>
        %sub3A_476 = arith.constant 1597463007 : i32
        %sub3A_477 = vector.broadcast %sub3A_476 : i32 to vector<16xi32>
        %sub3A_478 = arith.subi %sub3A_477, %shift_right_arithmetic3A_475 : vector<16xi32>
        %bitcast_convert_type3A_479 = tpu.bitcast %sub3A_478 : vector<16xi32> -> vector<16xf32>
        %mul3A_480 = arith.constant 5.000000e-01 : f32
        %mul3A_481 = vector.broadcast %mul3A_480 : f32 to vector<16xf32>
        %mul3A_482 = arith.mulf %mul3A_481, %add3A_471 : vector<16xf32>
        %mul3A_483 = arith.mulf %mul3A_482, %bitcast_convert_type3A_479 : vector<16xf32>
        %mul3A_484 = arith.mulf %mul3A_483, %bitcast_convert_type3A_479 : vector<16xf32>
        %sub3A_485 = arith.constant 1.500000e+00 : f32
        %sub3A_486 = vector.broadcast %sub3A_485 : f32 to vector<16xf32>
        %sub3A_487 = arith.subf %sub3A_486, %mul3A_484 : vector<16xf32>
        %mul3A_488 = arith.mulf %bitcast_convert_type3A_479, %sub3A_487 : vector<16xf32>
        %mul3A_489 = arith.constant 5.000000e-01 : f32
        %mul3A_490 = vector.broadcast %mul3A_489 : f32 to vector<16xf32>
        %mul3A_491 = arith.mulf %mul3A_490, %add3A_471 : vector<16xf32>
        %mul3A_492 = arith.mulf %mul3A_491, %mul3A_488 : vector<16xf32>
        %mul3A_493 = arith.mulf %mul3A_492, %mul3A_488 : vector<16xf32>
        %sub3A_494 = arith.constant 1.500000e+00 : f32
        %sub3A_495 = vector.broadcast %sub3A_494 : f32 to vector<16xf32>
        %sub3A_496 = arith.subf %sub3A_495, %mul3A_493 : vector<16xf32>
        %mul3A_497 = arith.mulf %mul3A_488, %sub3A_496 : vector<16xf32>
        %mul3A_498 = arith.constant 5.000000e-01 : f32
        %mul3A_499 = vector.broadcast %mul3A_498 : f32 to vector<16xf32>
        %mul3A_500 = arith.mulf %mul3A_499, %add3A_471 : vector<16xf32>
        %mul3A_501 = arith.mulf %mul3A_500, %mul3A_497 : vector<16xf32>
        %mul3A_502 = arith.mulf %mul3A_501, %mul3A_497 : vector<16xf32>
        %sub3A_503 = arith.constant 1.500000e+00 : f32
        %sub3A_504 = vector.broadcast %sub3A_503 : f32 to vector<16xf32>
        %sub3A_505 = arith.subf %sub3A_504, %mul3A_502 : vector<16xf32>
        %mul3A_506 = arith.mulf %mul3A_497, %sub3A_505 : vector<16xf32>
        %mul3A_507 = arith.mulf %add3A_471, %mul3A_506 : vector<16xf32>
        %add3A_508 = arith.constant 16 : i32
        %add3A_509 = arith.addi %mul3A_358, %add3A_508 : i32
        %swap3A_510 = arith.index_cast %add3A_509 : i32 to index
        %swap3A_511 = tpu.vector_load %arg11[%swap3A_510] {strides = array<i32>} : memref<512xf32, #tpu.memory_space<vmem>>, vector<16xf32>,
        tpu.vector_store %arg11[%swap3A_510], %mul3A_507 {strides = array<i32>} : memref<512xf32, #tpu.memory_space<vmem>>, vector<16xf32>,
        %min3A_512 = arith.minimumf %scan3A_427#4, %scan3A_427#5 : vector<16xf32>
        %add3A_513 = arith.constant 9.99999996E-13 : f32
        %add3A_514 = vector.broadcast %add3A_513 : f32 to vector<16xf32>
        %add3A_515 = arith.addf %min3A_512, %add3A_514 : vector<16xf32>
        %bitcast_convert_type3A_516 = tpu.bitcast %add3A_515 : vector<16xf32> -> vector<16xi32>
        %shift_right_arithmetic3A_517 = arith.constant 1 : i32
        %shift_right_arithmetic3A_518 = vector.broadcast %shift_right_arithmetic3A_517 : i32 to vector<16xi32>
        %shift_right_arithmetic3A_519 = arith.shrsi %bitcast_convert_type3A_516, %shift_right_arithmetic3A_518 : vector<16xi32>
        %sub3A_520 = arith.constant 1597463007 : i32
        %sub3A_521 = vector.broadcast %sub3A_520 : i32 to vector<16xi32>
        %sub3A_522 = arith.subi %sub3A_521, %shift_right_arithmetic3A_519 : vector<16xi32>
        %bitcast_convert_type3A_523 = tpu.bitcast %sub3A_522 : vector<16xi32> -> vector<16xf32>
        %mul3A_524 = arith.constant 5.000000e-01 : f32
        %mul3A_525 = vector.broadcast %mul3A_524 : f32 to vector<16xf32>
        %mul3A_526 = arith.mulf %mul3A_525, %add3A_515 : vector<16xf32>
        %mul3A_527 = arith.mulf %mul3A_526, %bitcast_convert_type3A_523 : vector<16xf32>
        %mul3A_528 = arith.mulf %mul3A_527, %bitcast_convert_type3A_523 : vector<16xf32>
        %sub3A_529 = arith.constant 1.500000e+00 : f32
        %sub3A_530 = vector.broadcast %sub3A_529 : f32 to vector<16xf32>
        %sub3A_531 = arith.subf %sub3A_530, %mul3A_528 : vector<16xf32>
        %mul3A_532 = arith.mulf %bitcast_convert_type3A_523, %sub3A_531 : vector<16xf32>
        %mul3A_533 = arith.constant 5.000000e-01 : f32
        %mul3A_534 = vector.broadcast %mul3A_533 : f32 to vector<16xf32>
        %mul3A_535 = arith.mulf %mul3A_534, %add3A_515 : vector<16xf32>
        %mul3A_536 = arith.mulf %mul3A_535, %mul3A_532 : vector<16xf32>
        %mul3A_537 = arith.mulf %mul3A_536, %mul3A_532 : vector<16xf32>
        %sub3A_538 = arith.constant 1.500000e+00 : f32
        %sub3A_539 = vector.broadcast %sub3A_538 : f32 to vector<16xf32>
        %sub3A_540 = arith.subf %sub3A_539, %mul3A_537 : vector<16xf32>
        %mul3A_541 = arith.mulf %mul3A_532, %sub3A_540 : vector<16xf32>
        %mul3A_542 = arith.constant 5.000000e-01 : f32
        %mul3A_543 = vector.broadcast %mul3A_542 : f32 to vector<16xf32>
        %mul3A_544 = arith.mulf %mul3A_543, %add3A_515 : vector<16xf32>
        %mul3A_545 = arith.mulf %mul3A_544, %mul3A_541 : vector<16xf32>
        %mul3A_546 = arith.mulf %mul3A_545, %mul3A_541 : vector<16xf32>
        %sub3A_547 = arith.constant 1.500000e+00 : f32
        %sub3A_548 = vector.broadcast %sub3A_547 : f32 to vector<16xf32>
        %sub3A_549 = arith.subf %sub3A_548, %mul3A_546 : vector<16xf32>
        %mul3A_550 = arith.mulf %mul3A_541, %sub3A_549 : vector<16xf32>
        %mul3A_551 = arith.mulf %add3A_515, %mul3A_550 : vector<16xf32>
        %add3A_552 = arith.constant 32 : i32
        %add3A_553 = arith.addi %mul3A_358, %add3A_552 : i32
        %swap3A_554 = arith.index_cast %add3A_553 : i32 to index
        %swap3A_555 = tpu.vector_load %arg11[%swap3A_554] {strides = array<i32>} : memref<512xf32, #tpu.memory_space<vmem>>, vector<16xf32>,
        tpu.vector_store %arg11[%swap3A_554], %mul3A_551 {strides = array<i32>} : memref<512xf32, #tpu.memory_space<vmem>>, vector<16xf32>,
        %min3A_556 = arith.minimumf %scan3A_427#6, %scan3A_427#7 : vector<16xf32>
        %add3A_557 = arith.constant 9.99999996E-13 : f32
        %add3A_558 = vector.broadcast %add3A_557 : f32 to vector<16xf32>
        %add3A_559 = arith.addf %min3A_556, %add3A_558 : vector<16xf32>
        %bitcast_convert_type3A_560 = tpu.bitcast %add3A_559 : vector<16xf32> -> vector<16xi32>
        %shift_right_arithmetic3A_561 = arith.constant 1 : i32
        %shift_right_arithmetic3A_562 = vector.broadcast %shift_right_arithmetic3A_561 : i32 to vector<16xi32>
        %shift_right_arithmetic3A_563 = arith.shrsi %bitcast_convert_type3A_560, %shift_right_arithmetic3A_562 : vector<16xi32>
        %sub3A_564 = arith.constant 1597463007 : i32
        %sub3A_565 = vector.broadcast %sub3A_564 : i32 to vector<16xi32>
        %sub3A_566 = arith.subi %sub3A_565, %shift_right_arithmetic3A_563 : vector<16xi32>
        %bitcast_convert_type3A_567 = tpu.bitcast %sub3A_566 : vector<16xi32> -> vector<16xf32>
        %mul3A_568 = arith.constant 5.000000e-01 : f32
        %mul3A_569 = vector.broadcast %mul3A_568 : f32 to vector<16xf32>
        %mul3A_570 = arith.mulf %mul3A_569, %add3A_559 : vector<16xf32>
        %mul3A_571 = arith.mulf %mul3A_570, %bitcast_convert_type3A_567 : vector<16xf32>
        %mul3A_572 = arith.mulf %mul3A_571, %bitcast_convert_type3A_567 : vector<16xf32>
        %sub3A_573 = arith.constant 1.500000e+00 : f32
        %sub3A_574 = vector.broadcast %sub3A_573 : f32 to vector<16xf32>
        %sub3A_575 = arith.subf %sub3A_574, %mul3A_572 : vector<16xf32>
        %mul3A_576 = arith.mulf %bitcast_convert_type3A_567, %sub3A_575 : vector<16xf32>
        %mul3A_577 = arith.constant 5.000000e-01 : f32
        %mul3A_578 = vector.broadcast %mul3A_577 : f32 to vector<16xf32>
        %mul3A_579 = arith.mulf %mul3A_578, %add3A_559 : vector<16xf32>
        %mul3A_580 = arith.mulf %mul3A_579, %mul3A_576 : vector<16xf32>
        %mul3A_581 = arith.mulf %mul3A_580, %mul3A_576 : vector<16xf32>
        %sub3A_582 = arith.constant 1.500000e+00 : f32
        %sub3A_583 = vector.broadcast %sub3A_582 : f32 to vector<16xf32>
        %sub3A_584 = arith.subf %sub3A_583, %mul3A_581 : vector<16xf32>
        %mul3A_585 = arith.mulf %mul3A_576, %sub3A_584 : vector<16xf32>
        %mul3A_586 = arith.constant 5.000000e-01 : f32
        %mul3A_587 = vector.broadcast %mul3A_586 : f32 to vector<16xf32>
        %mul3A_588 = arith.mulf %mul3A_587, %add3A_559 : vector<16xf32>
        %mul3A_589 = arith.mulf %mul3A_588, %mul3A_585 : vector<16xf32>
        %mul3A_590 = arith.mulf %mul3A_589, %mul3A_585 : vector<16xf32>
        %sub3A_591 = arith.constant 1.500000e+00 : f32
        %sub3A_592 = vector.broadcast %sub3A_591 : f32 to vector<16xf32>
        %sub3A_593 = arith.subf %sub3A_592, %mul3A_590 : vector<16xf32>
        %mul3A_594 = arith.mulf %mul3A_585, %sub3A_593 : vector<16xf32>
        %mul3A_595 = arith.mulf %add3A_559, %mul3A_594 : vector<16xf32>
        %add3A_596 = arith.constant 48 : i32
        %add3A_597 = arith.addi %mul3A_358, %add3A_596 : i32
        %swap3A_598 = arith.index_cast %add3A_597 : i32 to index
        %swap3A_599 = tpu.vector_load %arg11[%swap3A_598] {strides = array<i32>} : memref<512xf32, #tpu.memory_space<vmem>>, vector<16xf32>,
        tpu.vector_store %arg11[%swap3A_598], %mul3A_595 {strides = array<i32>} : memref<512xf32, #tpu.memory_space<vmem>>, vector<16xf32>,
        %min3A_600 = arith.minimumf %scan3A_427#8, %scan3A_427#9 : vector<16xf32>
        %add3A_601 = arith.constant 9.99999996E-13 : f32
        %add3A_602 = vector.broadcast %add3A_601 : f32 to vector<16xf32>
        %add3A_603 = arith.addf %min3A_600, %add3A_602 : vector<16xf32>
        %bitcast_convert_type3A_604 = tpu.bitcast %add3A_603 : vector<16xf32> -> vector<16xi32>
        %shift_right_arithmetic3A_605 = arith.constant 1 : i32
        %shift_right_arithmetic3A_606 = vector.broadcast %shift_right_arithmetic3A_605 : i32 to vector<16xi32>
        %shift_right_arithmetic3A_607 = arith.shrsi %bitcast_convert_type3A_604, %shift_right_arithmetic3A_606 : vector<16xi32>
        %sub3A_608 = arith.constant 1597463007 : i32
        %sub3A_609 = vector.broadcast %sub3A_608 : i32 to vector<16xi32>
        %sub3A_610 = arith.subi %sub3A_609, %shift_right_arithmetic3A_607 : vector<16xi32>
        %bitcast_convert_type3A_611 = tpu.bitcast %sub3A_610 : vector<16xi32> -> vector<16xf32>
        %mul3A_612 = arith.constant 5.000000e-01 : f32
        %mul3A_613 = vector.broadcast %mul3A_612 : f32 to vector<16xf32>
        %mul3A_614 = arith.mulf %mul3A_613, %add3A_603 : vector<16xf32>
        %mul3A_615 = arith.mulf %mul3A_614, %bitcast_convert_type3A_611 : vector<16xf32>
        %mul3A_616 = arith.mulf %mul3A_615, %bitcast_convert_type3A_611 : vector<16xf32>
        %sub3A_617 = arith.constant 1.500000e+00 : f32
        %sub3A_618 = vector.broadcast %sub3A_617 : f32 to vector<16xf32>
        %sub3A_619 = arith.subf %sub3A_618, %mul3A_616 : vector<16xf32>
        %mul3A_620 = arith.mulf %bitcast_convert_type3A_611, %sub3A_619 : vector<16xf32>
        %mul3A_621 = arith.constant 5.000000e-01 : f32
        %mul3A_622 = vector.broadcast %mul3A_621 : f32 to vector<16xf32>
        %mul3A_623 = arith.mulf %mul3A_622, %add3A_603 : vector<16xf32>
        %mul3A_624 = arith.mulf %mul3A_623, %mul3A_620 : vector<16xf32>
        %mul3A_625 = arith.mulf %mul3A_624, %mul3A_620 : vector<16xf32>
        %sub3A_626 = arith.constant 1.500000e+00 : f32
        %sub3A_627 = vector.broadcast %sub3A_626 : f32 to vector<16xf32>
        %sub3A_628 = arith.subf %sub3A_627, %mul3A_625 : vector<16xf32>
        %mul3A_629 = arith.mulf %mul3A_620, %sub3A_628 : vector<16xf32>
        %mul3A_630 = arith.constant 5.000000e-01 : f32
        %mul3A_631 = vector.broadcast %mul3A_630 : f32 to vector<16xf32>
        %mul3A_632 = arith.mulf %mul3A_631, %add3A_603 : vector<16xf32>
        %mul3A_633 = arith.mulf %mul3A_632, %mul3A_629 : vector<16xf32>
        %mul3A_634 = arith.mulf %mul3A_633, %mul3A_629 : vector<16xf32>
        %sub3A_635 = arith.constant 1.500000e+00 : f32
        %sub3A_636 = vector.broadcast %sub3A_635 : f32 to vector<16xf32>
        %sub3A_637 = arith.subf %sub3A_636, %mul3A_634 : vector<16xf32>
        %mul3A_638 = arith.mulf %mul3A_629, %sub3A_637 : vector<16xf32>
        %mul3A_639 = arith.mulf %add3A_603, %mul3A_638 : vector<16xf32>
        %add3A_640 = arith.constant 64 : i32
        %add3A_641 = arith.addi %mul3A_358, %add3A_640 : i32
        %swap3A_642 = arith.index_cast %add3A_641 : i32 to index
        %swap3A_643 = tpu.vector_load %arg11[%swap3A_642] {strides = array<i32>} : memref<512xf32, #tpu.memory_space<vmem>>, vector<16xf32>,
        tpu.vector_store %arg11[%swap3A_642], %mul3A_639 {strides = array<i32>} : memref<512xf32, #tpu.memory_space<vmem>>, vector<16xf32>,
        %min3A_644 = arith.minimumf %scan3A_427#10, %scan3A_427#11 : vector<16xf32>
        %add3A_645 = arith.constant 9.99999996E-13 : f32
        %add3A_646 = vector.broadcast %add3A_645 : f32 to vector<16xf32>
        %add3A_647 = arith.addf %min3A_644, %add3A_646 : vector<16xf32>
        %bitcast_convert_type3A_648 = tpu.bitcast %add3A_647 : vector<16xf32> -> vector<16xi32>
        %shift_right_arithmetic3A_649 = arith.constant 1 : i32
        %shift_right_arithmetic3A_650 = vector.broadcast %shift_right_arithmetic3A_649 : i32 to vector<16xi32>
        %shift_right_arithmetic3A_651 = arith.shrsi %bitcast_convert_type3A_648, %shift_right_arithmetic3A_650 : vector<16xi32>
        %sub3A_652 = arith.constant 1597463007 : i32
        %sub3A_653 = vector.broadcast %sub3A_652 : i32 to vector<16xi32>
        %sub3A_654 = arith.subi %sub3A_653, %shift_right_arithmetic3A_651 : vector<16xi32>
        %bitcast_convert_type3A_655 = tpu.bitcast %sub3A_654 : vector<16xi32> -> vector<16xf32>
        %mul3A_656 = arith.constant 5.000000e-01 : f32
        %mul3A_657 = vector.broadcast %mul3A_656 : f32 to vector<16xf32>
        %mul3A_658 = arith.mulf %mul3A_657, %add3A_647 : vector<16xf32>
        %mul3A_659 = arith.mulf %mul3A_658, %bitcast_convert_type3A_655 : vector<16xf32>
        %mul3A_660 = arith.mulf %mul3A_659, %bitcast_convert_type3A_655 : vector<16xf32>
        %sub3A_661 = arith.constant 1.500000e+00 : f32
        %sub3A_662 = vector.broadcast %sub3A_661 : f32 to vector<16xf32>
        %sub3A_663 = arith.subf %sub3A_662, %mul3A_660 : vector<16xf32>
        %mul3A_664 = arith.mulf %bitcast_convert_type3A_655, %sub3A_663 : vector<16xf32>
        %mul3A_665 = arith.constant 5.000000e-01 : f32
        %mul3A_666 = vector.broadcast %mul3A_665 : f32 to vector<16xf32>
        %mul3A_667 = arith.mulf %mul3A_666, %add3A_647 : vector<16xf32>
        %mul3A_668 = arith.mulf %mul3A_667, %mul3A_664 : vector<16xf32>
        %mul3A_669 = arith.mulf %mul3A_668, %mul3A_664 : vector<16xf32>
        %sub3A_670 = arith.constant 1.500000e+00 : f32
        %sub3A_671 = vector.broadcast %sub3A_670 : f32 to vector<16xf32>
        %sub3A_672 = arith.subf %sub3A_671, %mul3A_669 : vector<16xf32>
        %mul3A_673 = arith.mulf %mul3A_664, %sub3A_672 : vector<16xf32>
        %mul3A_674 = arith.constant 5.000000e-01 : f32
        %mul3A_675 = vector.broadcast %mul3A_674 : f32 to vector<16xf32>
        %mul3A_676 = arith.mulf %mul3A_675, %add3A_647 : vector<16xf32>
        %mul3A_677 = arith.mulf %mul3A_676, %mul3A_673 : vector<16xf32>
        %mul3A_678 = arith.mulf %mul3A_677, %mul3A_673 : vector<16xf32>
        %sub3A_679 = arith.constant 1.500000e+00 : f32
        %sub3A_680 = vector.broadcast %sub3A_679 : f32 to vector<16xf32>
        %sub3A_681 = arith.subf %sub3A_680, %mul3A_678 : vector<16xf32>
        %mul3A_682 = arith.mulf %mul3A_673, %sub3A_681 : vector<16xf32>
        %mul3A_683 = arith.mulf %add3A_647, %mul3A_682 : vector<16xf32>
        %add3A_684 = arith.constant 80 : i32
        %add3A_685 = arith.addi %mul3A_358, %add3A_684 : i32
        %swap3A_686 = arith.index_cast %add3A_685 : i32 to index
        %swap3A_687 = tpu.vector_load %arg11[%swap3A_686] {strides = array<i32>} : memref<512xf32, #tpu.memory_space<vmem>>, vector<16xf32>,
        tpu.vector_store %arg11[%swap3A_686], %mul3A_683 {strides = array<i32>} : memref<512xf32, #tpu.memory_space<vmem>>, vector<16xf32>,
        %min3A_688 = arith.minimumf %scan3A_427#12, %scan3A_427#13 : vector<16xf32>
        %add3A_689 = arith.constant 9.99999996E-13 : f32
        %add3A_690 = vector.broadcast %add3A_689 : f32 to vector<16xf32>
        %add3A_691 = arith.addf %min3A_688, %add3A_690 : vector<16xf32>
        %bitcast_convert_type3A_692 = tpu.bitcast %add3A_691 : vector<16xf32> -> vector<16xi32>
        %shift_right_arithmetic3A_693 = arith.constant 1 : i32
        %shift_right_arithmetic3A_694 = vector.broadcast %shift_right_arithmetic3A_693 : i32 to vector<16xi32>
        %shift_right_arithmetic3A_695 = arith.shrsi %bitcast_convert_type3A_692, %shift_right_arithmetic3A_694 : vector<16xi32>
        %sub3A_696 = arith.constant 1597463007 : i32
        %sub3A_697 = vector.broadcast %sub3A_696 : i32 to vector<16xi32>
        %sub3A_698 = arith.subi %sub3A_697, %shift_right_arithmetic3A_695 : vector<16xi32>
        %bitcast_convert_type3A_699 = tpu.bitcast %sub3A_698 : vector<16xi32> -> vector<16xf32>
        %mul3A_700 = arith.constant 5.000000e-01 : f32
        %mul3A_701 = vector.broadcast %mul3A_700 : f32 to vector<16xf32>
        %mul3A_702 = arith.mulf %mul3A_701, %add3A_691 : vector<16xf32>
        %mul3A_703 = arith.mulf %mul3A_702, %bitcast_convert_type3A_699 : vector<16xf32>
        %mul3A_704 = arith.mulf %mul3A_703, %bitcast_convert_type3A_699 : vector<16xf32>
        %sub3A_705 = arith.constant 1.500000e+00 : f32
        %sub3A_706 = vector.broadcast %sub3A_705 : f32 to vector<16xf32>
        %sub3A_707 = arith.subf %sub3A_706, %mul3A_704 : vector<16xf32>
        %mul3A_708 = arith.mulf %bitcast_convert_type3A_699, %sub3A_707 : vector<16xf32>
        %mul3A_709 = arith.constant 5.000000e-01 : f32
        %mul3A_710 = vector.broadcast %mul3A_709 : f32 to vector<16xf32>
        %mul3A_711 = arith.mulf %mul3A_710, %add3A_691 : vector<16xf32>
        %mul3A_712 = arith.mulf %mul3A_711, %mul3A_708 : vector<16xf32>
        %mul3A_713 = arith.mulf %mul3A_712, %mul3A_708 : vector<16xf32>
        %sub3A_714 = arith.constant 1.500000e+00 : f32
        %sub3A_715 = vector.broadcast %sub3A_714 : f32 to vector<16xf32>
        %sub3A_716 = arith.subf %sub3A_715, %mul3A_713 : vector<16xf32>
        %mul3A_717 = arith.mulf %mul3A_708, %sub3A_716 : vector<16xf32>
        %mul3A_718 = arith.constant 5.000000e-01 : f32
        %mul3A_719 = vector.broadcast %mul3A_718 : f32 to vector<16xf32>
        %mul3A_720 = arith.mulf %mul3A_719, %add3A_691 : vector<16xf32>
        %mul3A_721 = arith.mulf %mul3A_720, %mul3A_717 : vector<16xf32>
        %mul3A_722 = arith.mulf %mul3A_721, %mul3A_717 : vector<16xf32>
        %sub3A_723 = arith.constant 1.500000e+00 : f32
        %sub3A_724 = vector.broadcast %sub3A_723 : f32 to vector<16xf32>
        %sub3A_725 = arith.subf %sub3A_724, %mul3A_722 : vector<16xf32>
        %mul3A_726 = arith.mulf %mul3A_717, %sub3A_725 : vector<16xf32>
        %mul3A_727 = arith.mulf %add3A_691, %mul3A_726 : vector<16xf32>
        %add3A_728 = arith.constant 96 : i32
        %add3A_729 = arith.addi %mul3A_358, %add3A_728 : i32
        %swap3A_730 = arith.index_cast %add3A_729 : i32 to index
        %swap3A_731 = tpu.vector_load %arg11[%swap3A_730] {strides = array<i32>} : memref<512xf32, #tpu.memory_space<vmem>>, vector<16xf32>,
        tpu.vector_store %arg11[%swap3A_730], %mul3A_727 {strides = array<i32>} : memref<512xf32, #tpu.memory_space<vmem>>, vector<16xf32>,
        %min3A_732 = arith.minimumf %scan3A_427#14, %scan3A_427#15 : vector<16xf32>
        %add3A_733 = arith.constant 9.99999996E-13 : f32
        %add3A_734 = vector.broadcast %add3A_733 : f32 to vector<16xf32>
        %add3A_735 = arith.addf %min3A_732, %add3A_734 : vector<16xf32>
        %bitcast_convert_type3A_736 = tpu.bitcast %add3A_735 : vector<16xf32> -> vector<16xi32>
        %shift_right_arithmetic3A_737 = arith.constant 1 : i32
        %shift_right_arithmetic3A_738 = vector.broadcast %shift_right_arithmetic3A_737 : i32 to vector<16xi32>
        %shift_right_arithmetic3A_739 = arith.shrsi %bitcast_convert_type3A_736, %shift_right_arithmetic3A_738 : vector<16xi32>
        %sub3A_740 = arith.constant 1597463007 : i32
        %sub3A_741 = vector.broadcast %sub3A_740 : i32 to vector<16xi32>
        %sub3A_742 = arith.subi %sub3A_741, %shift_right_arithmetic3A_739 : vector<16xi32>
        %bitcast_convert_type3A_743 = tpu.bitcast %sub3A_742 : vector<16xi32> -> vector<16xf32>
        %mul3A_744 = arith.constant 5.000000e-01 : f32
        %mul3A_745 = vector.broadcast %mul3A_744 : f32 to vector<16xf32>
        %mul3A_746 = arith.mulf %mul3A_745, %add3A_735 : vector<16xf32>
        %mul3A_747 = arith.mulf %mul3A_746, %bitcast_convert_type3A_743 : vector<16xf32>
        %mul3A_748 = arith.mulf %mul3A_747, %bitcast_convert_type3A_743 : vector<16xf32>
        %sub3A_749 = arith.constant 1.500000e+00 : f32
        %sub3A_750 = vector.broadcast %sub3A_749 : f32 to vector<16xf32>
        %sub3A_751 = arith.subf %sub3A_750, %mul3A_748 : vector<16xf32>
        %mul3A_752 = arith.mulf %bitcast_convert_type3A_743, %sub3A_751 : vector<16xf32>
        %mul3A_753 = arith.constant 5.000000e-01 : f32
        %mul3A_754 = vector.broadcast %mul3A_753 : f32 to vector<16xf32>
        %mul3A_755 = arith.mulf %mul3A_754, %add3A_735 : vector<16xf32>
        %mul3A_756 = arith.mulf %mul3A_755, %mul3A_752 : vector<16xf32>
        %mul3A_757 = arith.mulf %mul3A_756, %mul3A_752 : vector<16xf32>
        %sub3A_758 = arith.constant 1.500000e+00 : f32
        %sub3A_759 = vector.broadcast %sub3A_758 : f32 to vector<16xf32>
        %sub3A_760 = arith.subf %sub3A_759, %mul3A_757 : vector<16xf32>
        %mul3A_761 = arith.mulf %mul3A_752, %sub3A_760 : vector<16xf32>
        %mul3A_762 = arith.constant 5.000000e-01 : f32
        %mul3A_763 = vector.broadcast %mul3A_762 : f32 to vector<16xf32>
        %mul3A_764 = arith.mulf %mul3A_763, %add3A_735 : vector<16xf32>
        %mul3A_765 = arith.mulf %mul3A_764, %mul3A_761 : vector<16xf32>
        %mul3A_766 = arith.mulf %mul3A_765, %mul3A_761 : vector<16xf32>
        %sub3A_767 = arith.constant 1.500000e+00 : f32
        %sub3A_768 = vector.broadcast %sub3A_767 : f32 to vector<16xf32>
        %sub3A_769 = arith.subf %sub3A_768, %mul3A_766 : vector<16xf32>
        %mul3A_770 = arith.mulf %mul3A_761, %sub3A_769 : vector<16xf32>
        %mul3A_771 = arith.mulf %add3A_735, %mul3A_770 : vector<16xf32>
        %add3A_772 = arith.constant 112 : i32
        %add3A_773 = arith.addi %mul3A_358, %add3A_772 : i32
        %swap3A_774 = arith.index_cast %add3A_773 : i32 to index
        %swap3A_775 = tpu.vector_load %arg11[%swap3A_774] {strides = array<i32>} : memref<512xf32, #tpu.memory_space<vmem>>, vector<16xf32>,
        tpu.vector_store %arg11[%swap3A_774], %mul3A_771 {strides = array<i32>} : memref<512xf32, #tpu.memory_space<vmem>>, vector<16xf32>,
      }
      %scan3A_279 = arith.constant 4 : i32
      %mul3A_280 = arith.constant 512 : i32
      %mul3A_281 = arith.muli %add3A_263, %mul3A_280 : i32
      %add3A_282 = arith.addi %mul3A_2, %mul3A_281 : i32
      %dma_start3A_283 = tpu.memref_slice %arg4[%add3A_282] : memref<131072xf32, #tpu.memory_space<hbm>> -> memref<512xf32, #tpu.memory_space<hbm>>
      %dma_start3A_284 = tpu.memref_slice %arg4[%add3A_282] : memref<131072xf32, #tpu.memory_space<hbm>> -> memref<512xf32, #tpu.memory_space<hbm>>
      tpu.enqueue_dma source(%arg11 : memref<512xf32, #tpu.memory_space<vmem>>) target(%dma_start3A_284 : memref<512xf32, #tpu.memory_space<hbm>>) target_semaphore(%arg17 : memref<!tpu.dma_semaphore, #tpu.memory_space<semaphore_mem>>)
      %add3A_285 = arith.constant 4 : i32
      %add3A_286 = arith.addi %add3A_263, %add3A_285 : i32
      %lt3A_287 = arith.constant 8 : i32
      %lt3A_288 = arith.cmpi slt, %add3A_286, %lt3A_287 : i32
      %convert_element_type3A_289 = arith.extui %lt3A_288 : i1 to i32
      %cond3A_290 = arith.constant 0 : i32
      %cond3A_291 = arith.cmpi ne, %convert_element_type3A_289, %cond3A_290 : i32
      scf.if %cond3A_291 {
        %add3A_352 = arith.constant 4 : i32
        %add3A_353 = arith.addi %add3A_263, %add3A_352 : i32
        %mul3A_354 = arith.constant 512 : i32
        %mul3A_355 = arith.muli %add3A_353, %mul3A_354 : i32
        %add3A_356 = arith.addi %mul3A_2, %mul3A_355 : i32
        %dma_start3A_357 = arith.constant 0 : i32
        %dma_start3A_358 = tpu.memref_slice %arg2[%add3A_356, %dma_start3A_357] : memref<131072x32xf32, #tpu.memory_space<hbm>> -> memref<512x32xf32, #tpu.memory_space<hbm>>
        %dma_start3A_359 = arith.constant 0 : i32
        %dma_start3A_360 = tpu.memref_slice %arg2[%add3A_356, %dma_start3A_359] : memref<131072x32xf32, #tpu.memory_space<hbm>> -> memref<512x32xf32, #tpu.memory_space<hbm>>
        tpu.enqueue_dma source(%dma_start3A_360 : memref<512x32xf32, #tpu.memory_space<hbm>>) target(%arg7 : memref<512x32xf32, #tpu.memory_space<vmem>>) target_semaphore(%arg13 : memref<!tpu.dma_semaphore, #tpu.memory_space<semaphore_mem>>)
      } else {
      }
      %add3A_292 = arith.constant 2 : i32
      %add3A_293 = arith.addi %add3A_235, %add3A_292 : i32
      %dma_wait3A_294 = arith.constant 0 : i32
      %dma_wait3A_295 = arith.constant 0 : i32
      %dma_wait3A_296 = tpu.memref_slice %arg2[%dma_wait3A_294, %dma_wait3A_295] : memref<131072x32xf32, #tpu.memory_space<hbm>> -> memref<512x32xf32, #tpu.memory_space<hbm>>
      %dma_wait3A_297 = arith.constant 0 : i32
      %dma_wait3A_298 = arith.constant 0 : i32
      %dma_wait3A_299 = tpu.memref_slice %arg2[%dma_wait3A_297, %dma_wait3A_298] : memref<131072x32xf32, #tpu.memory_space<hbm>> -> memref<512x32xf32, #tpu.memory_space<hbm>>
      tpu.wait_dma2 semaphore(%arg14 : memref<!tpu.dma_semaphore, #tpu.memory_space<semaphore_mem>>) src(%dma_wait3A_299 : memref<512x32xf32, #tpu.memory_space<hbm>>) dst(%arg8 : memref<512x32xf32, #tpu.memory_space<vmem>>)
      %ge3A_300 = arith.constant 2 : i32
      %ge3A_301 = arith.cmpi sge, %add3A_293, %ge3A_300 : i32
      %convert_element_type3A_302 = arith.extui %ge3A_301 : i1 to i32
      %cond3A_303 = arith.constant 0 : i32
      %cond3A_304 = arith.cmpi ne, %convert_element_type3A_302, %cond3A_303 : i32
      scf.if %cond3A_304 {
        %dma_wait3A_352 = arith.constant 0 : i32
        %dma_wait3A_353 = tpu.memref_slice %arg4[%dma_wait3A_352] : memref<131072xf32, #tpu.memory_space<hbm>> -> memref<512xf32, #tpu.memory_space<hbm>>
        %dma_wait3A_354 = arith.constant 0 : i32
        %dma_wait3A_355 = tpu.memref_slice %arg4[%dma_wait3A_354] : memref<131072xf32, #tpu.memory_space<hbm>> -> memref<512xf32, #tpu.memory_space<hbm>>
        tpu.wait_dma2 semaphore(%arg16 : memref<!tpu.dma_semaphore, #tpu.memory_space<semaphore_mem>>) src(%arg10 : memref<512xf32, #tpu.memory_space<vmem>>) dst(%dma_wait3A_355 : memref<512xf32, #tpu.memory_space<hbm>>)
      } else {
      }
      %scan3A_305 = arith.constant 0 : i32
      %scan3A_306 = arith.constant 4 : i32
      %scan3A_307 = arith.addi %scan3A_305, %scan3A_306 : i32
      %scan3A_308 = arith.constant 1 : i32
      scf.for %scan3A_352 = %scan3A_305 to %scan3A_307 step %scan3A_308  : i32 {
        %mul3A_353 = arith.constant 1 : i32
        %mul3A_354 = arith.muli %scan3A_352, %mul3A_353 : i32
        %add3A_355 = arith.constant 0 : i32
        %add3A_356 = arith.addi %add3A_355, %mul3A_354 : i32
        %mul3A_357 = arith.constant 128 : i32
        %mul3A_358 = arith.muli %add3A_356, %mul3A_357 : i32
        %broadcast_in_dim3A_359 = arith.constant 0.000000e+00 : f32
        %broadcast_in_dim3A_360 = vector.broadcast %broadcast_in_dim3A_359 : f32 to vector<16xf32>
        %broadcast_in_dim3A_361 = arith.constant 0.000000e+00 : f32
        %broadcast_in_dim3A_362 = vector.broadcast %broadcast_in_dim3A_361 : f32 to vector<16xf32>
        %broadcast_in_dim3A_363 = arith.constant 0.000000e+00 : f32
        %broadcast_in_dim3A_364 = vector.broadcast %broadcast_in_dim3A_363 : f32 to vector<16xf32>
        %broadcast_in_dim3A_365 = arith.constant 0.000000e+00 : f32
        %broadcast_in_dim3A_366 = vector.broadcast %broadcast_in_dim3A_365 : f32 to vector<16xf32>
        %broadcast_in_dim3A_367 = arith.constant 0.000000e+00 : f32
        %broadcast_in_dim3A_368 = vector.broadcast %broadcast_in_dim3A_367 : f32 to vector<16xf32>
        %broadcast_in_dim3A_369 = arith.constant 0.000000e+00 : f32
        %broadcast_in_dim3A_370 = vector.broadcast %broadcast_in_dim3A_369 : f32 to vector<16xf32>
        %broadcast_in_dim3A_371 = arith.constant 0.000000e+00 : f32
        %broadcast_in_dim3A_372 = vector.broadcast %broadcast_in_dim3A_371 : f32 to vector<16xf32>
        %broadcast_in_dim3A_373 = arith.constant 0.000000e+00 : f32
        %broadcast_in_dim3A_374 = vector.broadcast %broadcast_in_dim3A_373 : f32 to vector<16xf32>
        %broadcast_in_dim3A_375 = arith.constant 0.000000e+00 : f32
        %broadcast_in_dim3A_376 = vector.broadcast %broadcast_in_dim3A_375 : f32 to vector<16xf32>
        %broadcast_in_dim3A_377 = arith.constant 0.000000e+00 : f32
        %broadcast_in_dim3A_378 = vector.broadcast %broadcast_in_dim3A_377 : f32 to vector<16xf32>
        %broadcast_in_dim3A_379 = arith.constant 0.000000e+00 : f32
        %broadcast_in_dim3A_380 = vector.broadcast %broadcast_in_dim3A_379 : f32 to vector<16xf32>
        %broadcast_in_dim3A_381 = arith.constant 0.000000e+00 : f32
        %broadcast_in_dim3A_382 = vector.broadcast %broadcast_in_dim3A_381 : f32 to vector<16xf32>
        %broadcast_in_dim3A_383 = arith.constant 0.000000e+00 : f32
        %broadcast_in_dim3A_384 = vector.broadcast %broadcast_in_dim3A_383 : f32 to vector<16xf32>
        %broadcast_in_dim3A_385 = arith.constant 0.000000e+00 : f32
        %broadcast_in_dim3A_386 = vector.broadcast %broadcast_in_dim3A_385 : f32 to vector<16xf32>
        %broadcast_in_dim3A_387 = arith.constant 0.000000e+00 : f32
        %broadcast_in_dim3A_388 = vector.broadcast %broadcast_in_dim3A_387 : f32 to vector<16xf32>
        %broadcast_in_dim3A_389 = arith.constant 0.000000e+00 : f32
        %broadcast_in_dim3A_390 = vector.broadcast %broadcast_in_dim3A_389 : f32 to vector<16xf32>
        %add3A_391 = arith.constant 0 : i32
        %add3A_392 = arith.addi %mul3A_358, %add3A_391 : i32
        %add3A_393 = vector.broadcast %add3A_392 : i32 to vector<16xi32>
        %add3A_394 = arith.addi %iota3A, %add3A_393 : vector<16xi32>
        %add3A_395 = arith.constant 16 : i32
        %add3A_396 = arith.addi %mul3A_358, %add3A_395 : i32
        %add3A_397 = vector.broadcast %add3A_396 : i32 to vector<16xi32>
        %add3A_398 = arith.addi %iota3A, %add3A_397 : vector<16xi32>
        %add3A_399 = arith.constant 32 : i32
        %add3A_400 = arith.addi %mul3A_358, %add3A_399 : i32
        %add3A_401 = vector.broadcast %add3A_400 : i32 to vector<16xi32>
        %add3A_402 = arith.addi %iota3A, %add3A_401 : vector<16xi32>
        %add3A_403 = arith.constant 48 : i32
        %add3A_404 = arith.addi %mul3A_358, %add3A_403 : i32
        %add3A_405 = vector.broadcast %add3A_404 : i32 to vector<16xi32>
        %add3A_406 = arith.addi %iota3A, %add3A_405 : vector<16xi32>
        %add3A_407 = arith.constant 64 : i32
        %add3A_408 = arith.addi %mul3A_358, %add3A_407 : i32
        %add3A_409 = vector.broadcast %add3A_408 : i32 to vector<16xi32>
        %add3A_410 = arith.addi %iota3A, %add3A_409 : vector<16xi32>
        %add3A_411 = arith.constant 80 : i32
        %add3A_412 = arith.addi %mul3A_358, %add3A_411 : i32
        %add3A_413 = vector.broadcast %add3A_412 : i32 to vector<16xi32>
        %add3A_414 = arith.addi %iota3A, %add3A_413 : vector<16xi32>
        %add3A_415 = arith.constant 96 : i32
        %add3A_416 = arith.addi %mul3A_358, %add3A_415 : i32
        %add3A_417 = vector.broadcast %add3A_416 : i32 to vector<16xi32>
        %add3A_418 = arith.addi %iota3A, %add3A_417 : vector<16xi32>
        %add3A_419 = arith.constant 112 : i32
        %add3A_420 = arith.addi %mul3A_358, %add3A_419 : i32
        %add3A_421 = vector.broadcast %add3A_420 : i32 to vector<16xi32>
        %add3A_422 = arith.addi %iota3A, %add3A_421 : vector<16xi32>
        %scan3A_423 = arith.constant 0 : i32
        %scan3A_424 = arith.constant 32 : i32
        %scan3A_425 = arith.addi %scan3A_423, %scan3A_424 : i32
        %scan3A_426 = arith.constant 4 : i32
        %scan3A_427:16 = scf.for %scan3A_776 = %scan3A_423 to %scan3A_425 step %scan3A_426 iter_args(%scan3A_777 = %broadcast_in_dim3A_360, %scan3A_778 = %broadcast_in_dim3A_362, %scan3A_779 = %broadcast_in_dim3A_364, %scan3A_780 = %broadcast_in_dim3A_366, %scan3A_781 = %broadcast_in_dim3A_368, %scan3A_782 = %broadcast_in_dim3A_370, %scan3A_783 = %broadcast_in_dim3A_372, %scan3A_784 = %broadcast_in_dim3A_374, %scan3A_785 = %broadcast_in_dim3A_376, %scan3A_786 = %broadcast_in_dim3A_378, %scan3A_787 = %broadcast_in_dim3A_380, %scan3A_788 = %broadcast_in_dim3A_382, %scan3A_789 = %broadcast_in_dim3A_384, %scan3A_790 = %broadcast_in_dim3A_386, %scan3A_791 = %broadcast_in_dim3A_388, %scan3A_792 = %broadcast_in_dim3A_390) -> (vector<16xf32>, vector<16xf32>, vector<16xf32>, vector<16xf32>, vector<16xf32>, vector<16xf32>, vector<16xf32>, vector<16xf32>, vector<16xf32>, vector<16xf32>, vector<16xf32>, vector<16xf32>, vector<16xf32>, vector<16xf32>, vector<16xf32>, vector<16xf32>)  : i32 {
          %mul3A_793 = arith.constant 1 : i32
          %mul3A_794 = arith.muli %scan3A_776, %mul3A_793 : i32
          %add3A_795 = arith.constant 0 : i32
          %add3A_796 = arith.addi %add3A_795, %mul3A_794 : i32
          %add3A_797 = vector.broadcast %add3A_796 : i32 to vector<16xi32>
          %add3A_798 = arith.addi %iota3A, %add3A_797 : vector<16xi32>
          %and3A_799 = arith.constant 31 : i32
          %and3A_800 = vector.broadcast %and3A_799 : i32 to vector<16xi32>
          %and3A_801 = arith.andi %add3A_798, %and3A_800 : vector<16xi32>
          %gather3A = tpu.vector_load_idx %arg5[%broadcast_in_dim3A_3, %and3A_801] : memref<2x32xf32, #tpu.memory_space<vmem>>[vector<16xi32>, vector<16xi32>], vector<16xf32>,
          %gather3A_802 = tpu.vector_load_idx %arg5[%broadcast_in_dim3A_5, %and3A_801] : memref<2x32xf32, #tpu.memory_space<vmem>>[vector<16xi32>, vector<16xi32>], vector<16xf32>,
          %gather3A_803 = tpu.vector_load_idx %arg8[%add3A_394, %and3A_801] : memref<512x32xf32, #tpu.memory_space<vmem>>[vector<16xi32>, vector<16xi32>], vector<16xf32>,
          %sub3A_804 = arith.subf %gather3A_803, %gather3A : vector<16xf32>
          %mul3A_805 = arith.mulf %sub3A_804, %sub3A_804 : vector<16xf32>
          %add3A_806 = arith.addf %scan3A_777, %mul3A_805 : vector<16xf32>
          %sub3A_807 = arith.subf %gather3A_803, %gather3A_802 : vector<16xf32>
          %mul3A_808 = arith.mulf %sub3A_807, %sub3A_807 : vector<16xf32>
          %add3A_809 = arith.addf %scan3A_778, %mul3A_808 : vector<16xf32>
          %gather3A_810 = tpu.vector_load_idx %arg8[%add3A_398, %and3A_801] : memref<512x32xf32, #tpu.memory_space<vmem>>[vector<16xi32>, vector<16xi32>], vector<16xf32>,
          %sub3A_811 = arith.subf %gather3A_810, %gather3A : vector<16xf32>
          %mul3A_812 = arith.mulf %sub3A_811, %sub3A_811 : vector<16xf32>
          %add3A_813 = arith.addf %scan3A_779, %mul3A_812 : vector<16xf32>
          %sub3A_814 = arith.subf %gather3A_810, %gather3A_802 : vector<16xf32>
          %mul3A_815 = arith.mulf %sub3A_814, %sub3A_814 : vector<16xf32>
          %add3A_816 = arith.addf %scan3A_780, %mul3A_815 : vector<16xf32>
          %gather3A_817 = tpu.vector_load_idx %arg8[%add3A_402, %and3A_801] : memref<512x32xf32, #tpu.memory_space<vmem>>[vector<16xi32>, vector<16xi32>], vector<16xf32>,
          %sub3A_818 = arith.subf %gather3A_817, %gather3A : vector<16xf32>
          %mul3A_819 = arith.mulf %sub3A_818, %sub3A_818 : vector<16xf32>
          %add3A_820 = arith.addf %scan3A_781, %mul3A_819 : vector<16xf32>
          %sub3A_821 = arith.subf %gather3A_817, %gather3A_802 : vector<16xf32>
          %mul3A_822 = arith.mulf %sub3A_821, %sub3A_821 : vector<16xf32>
          %add3A_823 = arith.addf %scan3A_782, %mul3A_822 : vector<16xf32>
          %gather3A_824 = tpu.vector_load_idx %arg8[%add3A_406, %and3A_801] : memref<512x32xf32, #tpu.memory_space<vmem>>[vector<16xi32>, vector<16xi32>], vector<16xf32>,
          %sub3A_825 = arith.subf %gather3A_824, %gather3A : vector<16xf32>
          %mul3A_826 = arith.mulf %sub3A_825, %sub3A_825 : vector<16xf32>
          %add3A_827 = arith.addf %scan3A_783, %mul3A_826 : vector<16xf32>
          %sub3A_828 = arith.subf %gather3A_824, %gather3A_802 : vector<16xf32>
          %mul3A_829 = arith.mulf %sub3A_828, %sub3A_828 : vector<16xf32>
          %add3A_830 = arith.addf %scan3A_784, %mul3A_829 : vector<16xf32>
          %gather3A_831 = tpu.vector_load_idx %arg8[%add3A_410, %and3A_801] : memref<512x32xf32, #tpu.memory_space<vmem>>[vector<16xi32>, vector<16xi32>], vector<16xf32>,
          %sub3A_832 = arith.subf %gather3A_831, %gather3A : vector<16xf32>
          %mul3A_833 = arith.mulf %sub3A_832, %sub3A_832 : vector<16xf32>
          %add3A_834 = arith.addf %scan3A_785, %mul3A_833 : vector<16xf32>
          %sub3A_835 = arith.subf %gather3A_831, %gather3A_802 : vector<16xf32>
          %mul3A_836 = arith.mulf %sub3A_835, %sub3A_835 : vector<16xf32>
          %add3A_837 = arith.addf %scan3A_786, %mul3A_836 : vector<16xf32>
          %gather3A_838 = tpu.vector_load_idx %arg8[%add3A_414, %and3A_801] : memref<512x32xf32, #tpu.memory_space<vmem>>[vector<16xi32>, vector<16xi32>], vector<16xf32>,
          %sub3A_839 = arith.subf %gather3A_838, %gather3A : vector<16xf32>
          %mul3A_840 = arith.mulf %sub3A_839, %sub3A_839 : vector<16xf32>
          %add3A_841 = arith.addf %scan3A_787, %mul3A_840 : vector<16xf32>
          %sub3A_842 = arith.subf %gather3A_838, %gather3A_802 : vector<16xf32>
          %mul3A_843 = arith.mulf %sub3A_842, %sub3A_842 : vector<16xf32>
          %add3A_844 = arith.addf %scan3A_788, %mul3A_843 : vector<16xf32>
          %gather3A_845 = tpu.vector_load_idx %arg8[%add3A_418, %and3A_801] : memref<512x32xf32, #tpu.memory_space<vmem>>[vector<16xi32>, vector<16xi32>], vector<16xf32>,
          %sub3A_846 = arith.subf %gather3A_845, %gather3A : vector<16xf32>
          %mul3A_847 = arith.mulf %sub3A_846, %sub3A_846 : vector<16xf32>
          %add3A_848 = arith.addf %scan3A_789, %mul3A_847 : vector<16xf32>
          %sub3A_849 = arith.subf %gather3A_845, %gather3A_802 : vector<16xf32>
          %mul3A_850 = arith.mulf %sub3A_849, %sub3A_849 : vector<16xf32>
          %add3A_851 = arith.addf %scan3A_790, %mul3A_850 : vector<16xf32>
          %gather3A_852 = tpu.vector_load_idx %arg8[%add3A_422, %and3A_801] : memref<512x32xf32, #tpu.memory_space<vmem>>[vector<16xi32>, vector<16xi32>], vector<16xf32>,
          %sub3A_853 = arith.subf %gather3A_852, %gather3A : vector<16xf32>
          %mul3A_854 = arith.mulf %sub3A_853, %sub3A_853 : vector<16xf32>
          %add3A_855 = arith.addf %scan3A_791, %mul3A_854 : vector<16xf32>
          %sub3A_856 = arith.subf %gather3A_852, %gather3A_802 : vector<16xf32>
          %mul3A_857 = arith.mulf %sub3A_856, %sub3A_856 : vector<16xf32>
          %add3A_858 = arith.addf %scan3A_792, %mul3A_857 : vector<16xf32>
          %scan3A_859 = arith.constant 1 : i32
          %scan3A_860 = arith.addi %scan3A_776, %scan3A_859 : i32
          %mul3A_861 = arith.constant 1 : i32
          %mul3A_862 = arith.muli %scan3A_860, %mul3A_861 : i32
          %add3A_863 = arith.constant 0 : i32
          %add3A_864 = arith.addi %add3A_863, %mul3A_862 : i32
          %add3A_865 = vector.broadcast %add3A_864 : i32 to vector<16xi32>
          %add3A_866 = arith.addi %iota3A, %add3A_865 : vector<16xi32>
          %and3A_867 = arith.constant 31 : i32
          %and3A_868 = vector.broadcast %and3A_867 : i32 to vector<16xi32>
          %and3A_869 = arith.andi %add3A_866, %and3A_868 : vector<16xi32>
          %gather3A_870 = tpu.vector_load_idx %arg5[%broadcast_in_dim3A_3, %and3A_869] : memref<2x32xf32, #tpu.memory_space<vmem>>[vector<16xi32>, vector<16xi32>], vector<16xf32>,
          %gather3A_871 = tpu.vector_load_idx %arg5[%broadcast_in_dim3A_5, %and3A_869] : memref<2x32xf32, #tpu.memory_space<vmem>>[vector<16xi32>, vector<16xi32>], vector<16xf32>,
          %gather3A_872 = tpu.vector_load_idx %arg8[%add3A_394, %and3A_869] : memref<512x32xf32, #tpu.memory_space<vmem>>[vector<16xi32>, vector<16xi32>], vector<16xf32>,
          %sub3A_873 = arith.subf %gather3A_872, %gather3A_870 : vector<16xf32>
          %mul3A_874 = arith.mulf %sub3A_873, %sub3A_873 : vector<16xf32>
          %add3A_875 = arith.addf %add3A_806, %mul3A_874 : vector<16xf32>
          %sub3A_876 = arith.subf %gather3A_872, %gather3A_871 : vector<16xf32>
          %mul3A_877 = arith.mulf %sub3A_876, %sub3A_876 : vector<16xf32>
          %add3A_878 = arith.addf %add3A_809, %mul3A_877 : vector<16xf32>
          %gather3A_879 = tpu.vector_load_idx %arg8[%add3A_398, %and3A_869] : memref<512x32xf32, #tpu.memory_space<vmem>>[vector<16xi32>, vector<16xi32>], vector<16xf32>,
          %sub3A_880 = arith.subf %gather3A_879, %gather3A_870 : vector<16xf32>
          %mul3A_881 = arith.mulf %sub3A_880, %sub3A_880 : vector<16xf32>
          %add3A_882 = arith.addf %add3A_813, %mul3A_881 : vector<16xf32>
          %sub3A_883 = arith.subf %gather3A_879, %gather3A_871 : vector<16xf32>
          %mul3A_884 = arith.mulf %sub3A_883, %sub3A_883 : vector<16xf32>
          %add3A_885 = arith.addf %add3A_816, %mul3A_884 : vector<16xf32>
          %gather3A_886 = tpu.vector_load_idx %arg8[%add3A_402, %and3A_869] : memref<512x32xf32, #tpu.memory_space<vmem>>[vector<16xi32>, vector<16xi32>], vector<16xf32>,
          %sub3A_887 = arith.subf %gather3A_886, %gather3A_870 : vector<16xf32>
          %mul3A_888 = arith.mulf %sub3A_887, %sub3A_887 : vector<16xf32>
          %add3A_889 = arith.addf %add3A_820, %mul3A_888 : vector<16xf32>
          %sub3A_890 = arith.subf %gather3A_886, %gather3A_871 : vector<16xf32>
          %mul3A_891 = arith.mulf %sub3A_890, %sub3A_890 : vector<16xf32>
          %add3A_892 = arith.addf %add3A_823, %mul3A_891 : vector<16xf32>
          %gather3A_893 = tpu.vector_load_idx %arg8[%add3A_406, %and3A_869] : memref<512x32xf32, #tpu.memory_space<vmem>>[vector<16xi32>, vector<16xi32>], vector<16xf32>,
          %sub3A_894 = arith.subf %gather3A_893, %gather3A_870 : vector<16xf32>
          %mul3A_895 = arith.mulf %sub3A_894, %sub3A_894 : vector<16xf32>
          %add3A_896 = arith.addf %add3A_827, %mul3A_895 : vector<16xf32>
          %sub3A_897 = arith.subf %gather3A_893, %gather3A_871 : vector<16xf32>
          %mul3A_898 = arith.mulf %sub3A_897, %sub3A_897 : vector<16xf32>
          %add3A_899 = arith.addf %add3A_830, %mul3A_898 : vector<16xf32>
          %gather3A_900 = tpu.vector_load_idx %arg8[%add3A_410, %and3A_869] : memref<512x32xf32, #tpu.memory_space<vmem>>[vector<16xi32>, vector<16xi32>], vector<16xf32>,
          %sub3A_901 = arith.subf %gather3A_900, %gather3A_870 : vector<16xf32>
          %mul3A_902 = arith.mulf %sub3A_901, %sub3A_901 : vector<16xf32>
          %add3A_903 = arith.addf %add3A_834, %mul3A_902 : vector<16xf32>
          %sub3A_904 = arith.subf %gather3A_900, %gather3A_871 : vector<16xf32>
          %mul3A_905 = arith.mulf %sub3A_904, %sub3A_904 : vector<16xf32>
          %add3A_906 = arith.addf %add3A_837, %mul3A_905 : vector<16xf32>
          %gather3A_907 = tpu.vector_load_idx %arg8[%add3A_414, %and3A_869] : memref<512x32xf32, #tpu.memory_space<vmem>>[vector<16xi32>, vector<16xi32>], vector<16xf32>,
          %sub3A_908 = arith.subf %gather3A_907, %gather3A_870 : vector<16xf32>
          %mul3A_909 = arith.mulf %sub3A_908, %sub3A_908 : vector<16xf32>
          %add3A_910 = arith.addf %add3A_841, %mul3A_909 : vector<16xf32>
          %sub3A_911 = arith.subf %gather3A_907, %gather3A_871 : vector<16xf32>
          %mul3A_912 = arith.mulf %sub3A_911, %sub3A_911 : vector<16xf32>
          %add3A_913 = arith.addf %add3A_844, %mul3A_912 : vector<16xf32>
          %gather3A_914 = tpu.vector_load_idx %arg8[%add3A_418, %and3A_869] : memref<512x32xf32, #tpu.memory_space<vmem>>[vector<16xi32>, vector<16xi32>], vector<16xf32>,
          %sub3A_915 = arith.subf %gather3A_914, %gather3A_870 : vector<16xf32>
          %mul3A_916 = arith.mulf %sub3A_915, %sub3A_915 : vector<16xf32>
          %add3A_917 = arith.addf %add3A_848, %mul3A_916 : vector<16xf32>
          %sub3A_918 = arith.subf %gather3A_914, %gather3A_871 : vector<16xf32>
          %mul3A_919 = arith.mulf %sub3A_918, %sub3A_918 : vector<16xf32>
          %add3A_920 = arith.addf %add3A_851, %mul3A_919 : vector<16xf32>
          %gather3A_921 = tpu.vector_load_idx %arg8[%add3A_422, %and3A_869] : memref<512x32xf32, #tpu.memory_space<vmem>>[vector<16xi32>, vector<16xi32>], vector<16xf32>,
          %sub3A_922 = arith.subf %gather3A_921, %gather3A_870 : vector<16xf32>
          %mul3A_923 = arith.mulf %sub3A_922, %sub3A_922 : vector<16xf32>
          %add3A_924 = arith.addf %add3A_855, %mul3A_923 : vector<16xf32>
          %sub3A_925 = arith.subf %gather3A_921, %gather3A_871 : vector<16xf32>
          %mul3A_926 = arith.mulf %sub3A_925, %sub3A_925 : vector<16xf32>
          %add3A_927 = arith.addf %add3A_858, %mul3A_926 : vector<16xf32>
          %scan3A_928 = arith.constant 2 : i32
          %scan3A_929 = arith.addi %scan3A_776, %scan3A_928 : i32
          %mul3A_930 = arith.constant 1 : i32
          %mul3A_931 = arith.muli %scan3A_929, %mul3A_930 : i32
          %add3A_932 = arith.constant 0 : i32
          %add3A_933 = arith.addi %add3A_932, %mul3A_931 : i32
          %add3A_934 = vector.broadcast %add3A_933 : i32 to vector<16xi32>
          %add3A_935 = arith.addi %iota3A, %add3A_934 : vector<16xi32>
          %and3A_936 = arith.constant 31 : i32
          %and3A_937 = vector.broadcast %and3A_936 : i32 to vector<16xi32>
          %and3A_938 = arith.andi %add3A_935, %and3A_937 : vector<16xi32>
          %gather3A_939 = tpu.vector_load_idx %arg5[%broadcast_in_dim3A_3, %and3A_938] : memref<2x32xf32, #tpu.memory_space<vmem>>[vector<16xi32>, vector<16xi32>], vector<16xf32>,
          %gather3A_940 = tpu.vector_load_idx %arg5[%broadcast_in_dim3A_5, %and3A_938] : memref<2x32xf32, #tpu.memory_space<vmem>>[vector<16xi32>, vector<16xi32>], vector<16xf32>,
          %gather3A_941 = tpu.vector_load_idx %arg8[%add3A_394, %and3A_938] : memref<512x32xf32, #tpu.memory_space<vmem>>[vector<16xi32>, vector<16xi32>], vector<16xf32>,
          %sub3A_942 = arith.subf %gather3A_941, %gather3A_939 : vector<16xf32>
          %mul3A_943 = arith.mulf %sub3A_942, %sub3A_942 : vector<16xf32>
          %add3A_944 = arith.addf %add3A_875, %mul3A_943 : vector<16xf32>
          %sub3A_945 = arith.subf %gather3A_941, %gather3A_940 : vector<16xf32>
          %mul3A_946 = arith.mulf %sub3A_945, %sub3A_945 : vector<16xf32>
          %add3A_947 = arith.addf %add3A_878, %mul3A_946 : vector<16xf32>
          %gather3A_948 = tpu.vector_load_idx %arg8[%add3A_398, %and3A_938] : memref<512x32xf32, #tpu.memory_space<vmem>>[vector<16xi32>, vector<16xi32>], vector<16xf32>,
          %sub3A_949 = arith.subf %gather3A_948, %gather3A_939 : vector<16xf32>
          %mul3A_950 = arith.mulf %sub3A_949, %sub3A_949 : vector<16xf32>
          %add3A_951 = arith.addf %add3A_882, %mul3A_950 : vector<16xf32>
          %sub3A_952 = arith.subf %gather3A_948, %gather3A_940 : vector<16xf32>
          %mul3A_953 = arith.mulf %sub3A_952, %sub3A_952 : vector<16xf32>
          %add3A_954 = arith.addf %add3A_885, %mul3A_953 : vector<16xf32>
          %gather3A_955 = tpu.vector_load_idx %arg8[%add3A_402, %and3A_938] : memref<512x32xf32, #tpu.memory_space<vmem>>[vector<16xi32>, vector<16xi32>], vector<16xf32>,
          %sub3A_956 = arith.subf %gather3A_955, %gather3A_939 : vector<16xf32>
          %mul3A_957 = arith.mulf %sub3A_956, %sub3A_956 : vector<16xf32>
          %add3A_958 = arith.addf %add3A_889, %mul3A_957 : vector<16xf32>
          %sub3A_959 = arith.subf %gather3A_955, %gather3A_940 : vector<16xf32>
          %mul3A_960 = arith.mulf %sub3A_959, %sub3A_959 : vector<16xf32>
          %add3A_961 = arith.addf %add3A_892, %mul3A_960 : vector<16xf32>
          %gather3A_962 = tpu.vector_load_idx %arg8[%add3A_406, %and3A_938] : memref<512x32xf32, #tpu.memory_space<vmem>>[vector<16xi32>, vector<16xi32>], vector<16xf32>,
          %sub3A_963 = arith.subf %gather3A_962, %gather3A_939 : vector<16xf32>
          %mul3A_964 = arith.mulf %sub3A_963, %sub3A_963 : vector<16xf32>
          %add3A_965 = arith.addf %add3A_896, %mul3A_964 : vector<16xf32>
          %sub3A_966 = arith.subf %gather3A_962, %gather3A_940 : vector<16xf32>
          %mul3A_967 = arith.mulf %sub3A_966, %sub3A_966 : vector<16xf32>
          %add3A_968 = arith.addf %add3A_899, %mul3A_967 : vector<16xf32>
          %gather3A_969 = tpu.vector_load_idx %arg8[%add3A_410, %and3A_938] : memref<512x32xf32, #tpu.memory_space<vmem>>[vector<16xi32>, vector<16xi32>], vector<16xf32>,
          %sub3A_970 = arith.subf %gather3A_969, %gather3A_939 : vector<16xf32>
          %mul3A_971 = arith.mulf %sub3A_970, %sub3A_970 : vector<16xf32>
          %add3A_972 = arith.addf %add3A_903, %mul3A_971 : vector<16xf32>
          %sub3A_973 = arith.subf %gather3A_969, %gather3A_940 : vector<16xf32>
          %mul3A_974 = arith.mulf %sub3A_973, %sub3A_973 : vector<16xf32>
          %add3A_975 = arith.addf %add3A_906, %mul3A_974 : vector<16xf32>
          %gather3A_976 = tpu.vector_load_idx %arg8[%add3A_414, %and3A_938] : memref<512x32xf32, #tpu.memory_space<vmem>>[vector<16xi32>, vector<16xi32>], vector<16xf32>,
          %sub3A_977 = arith.subf %gather3A_976, %gather3A_939 : vector<16xf32>
          %mul3A_978 = arith.mulf %sub3A_977, %sub3A_977 : vector<16xf32>
          %add3A_979 = arith.addf %add3A_910, %mul3A_978 : vector<16xf32>
          %sub3A_980 = arith.subf %gather3A_976, %gather3A_940 : vector<16xf32>
          %mul3A_981 = arith.mulf %sub3A_980, %sub3A_980 : vector<16xf32>
          %add3A_982 = arith.addf %add3A_913, %mul3A_981 : vector<16xf32>
          %gather3A_983 = tpu.vector_load_idx %arg8[%add3A_418, %and3A_938] : memref<512x32xf32, #tpu.memory_space<vmem>>[vector<16xi32>, vector<16xi32>], vector<16xf32>,
          %sub3A_984 = arith.subf %gather3A_983, %gather3A_939 : vector<16xf32>
          %mul3A_985 = arith.mulf %sub3A_984, %sub3A_984 : vector<16xf32>
          %add3A_986 = arith.addf %add3A_917, %mul3A_985 : vector<16xf32>
          %sub3A_987 = arith.subf %gather3A_983, %gather3A_940 : vector<16xf32>
          %mul3A_988 = arith.mulf %sub3A_987, %sub3A_987 : vector<16xf32>
          %add3A_989 = arith.addf %add3A_920, %mul3A_988 : vector<16xf32>
          %gather3A_990 = tpu.vector_load_idx %arg8[%add3A_422, %and3A_938] : memref<512x32xf32, #tpu.memory_space<vmem>>[vector<16xi32>, vector<16xi32>], vector<16xf32>,
          %sub3A_991 = arith.subf %gather3A_990, %gather3A_939 : vector<16xf32>
          %mul3A_992 = arith.mulf %sub3A_991, %sub3A_991 : vector<16xf32>
          %add3A_993 = arith.addf %add3A_924, %mul3A_992 : vector<16xf32>
          %sub3A_994 = arith.subf %gather3A_990, %gather3A_940 : vector<16xf32>
          %mul3A_995 = arith.mulf %sub3A_994, %sub3A_994 : vector<16xf32>
          %add3A_996 = arith.addf %add3A_927, %mul3A_995 : vector<16xf32>
          %scan3A_997 = arith.constant 3 : i32
          %scan3A_998 = arith.addi %scan3A_776, %scan3A_997 : i32
          %mul3A_999 = arith.constant 1 : i32
          %mul3A_1000 = arith.muli %scan3A_998, %mul3A_999 : i32
          %add3A_1001 = arith.constant 0 : i32
          %add3A_1002 = arith.addi %add3A_1001, %mul3A_1000 : i32
          %add3A_1003 = vector.broadcast %add3A_1002 : i32 to vector<16xi32>
          %add3A_1004 = arith.addi %iota3A, %add3A_1003 : vector<16xi32>
          %and3A_1005 = arith.constant 31 : i32
          %and3A_1006 = vector.broadcast %and3A_1005 : i32 to vector<16xi32>
          %and3A_1007 = arith.andi %add3A_1004, %and3A_1006 : vector<16xi32>
          %gather3A_1008 = tpu.vector_load_idx %arg5[%broadcast_in_dim3A_3, %and3A_1007] : memref<2x32xf32, #tpu.memory_space<vmem>>[vector<16xi32>, vector<16xi32>], vector<16xf32>,
          %gather3A_1009 = tpu.vector_load_idx %arg5[%broadcast_in_dim3A_5, %and3A_1007] : memref<2x32xf32, #tpu.memory_space<vmem>>[vector<16xi32>, vector<16xi32>], vector<16xf32>,
          %gather3A_1010 = tpu.vector_load_idx %arg8[%add3A_394, %and3A_1007] : memref<512x32xf32, #tpu.memory_space<vmem>>[vector<16xi32>, vector<16xi32>], vector<16xf32>,
          %sub3A_1011 = arith.subf %gather3A_1010, %gather3A_1008 : vector<16xf32>
          %mul3A_1012 = arith.mulf %sub3A_1011, %sub3A_1011 : vector<16xf32>
          %add3A_1013 = arith.addf %add3A_944, %mul3A_1012 : vector<16xf32>
          %sub3A_1014 = arith.subf %gather3A_1010, %gather3A_1009 : vector<16xf32>
          %mul3A_1015 = arith.mulf %sub3A_1014, %sub3A_1014 : vector<16xf32>
          %add3A_1016 = arith.addf %add3A_947, %mul3A_1015 : vector<16xf32>
          %gather3A_1017 = tpu.vector_load_idx %arg8[%add3A_398, %and3A_1007] : memref<512x32xf32, #tpu.memory_space<vmem>>[vector<16xi32>, vector<16xi32>], vector<16xf32>,
          %sub3A_1018 = arith.subf %gather3A_1017, %gather3A_1008 : vector<16xf32>
          %mul3A_1019 = arith.mulf %sub3A_1018, %sub3A_1018 : vector<16xf32>
          %add3A_1020 = arith.addf %add3A_951, %mul3A_1019 : vector<16xf32>
          %sub3A_1021 = arith.subf %gather3A_1017, %gather3A_1009 : vector<16xf32>
          %mul3A_1022 = arith.mulf %sub3A_1021, %sub3A_1021 : vector<16xf32>
          %add3A_1023 = arith.addf %add3A_954, %mul3A_1022 : vector<16xf32>
          %gather3A_1024 = tpu.vector_load_idx %arg8[%add3A_402, %and3A_1007] : memref<512x32xf32, #tpu.memory_space<vmem>>[vector<16xi32>, vector<16xi32>], vector<16xf32>,
          %sub3A_1025 = arith.subf %gather3A_1024, %gather3A_1008 : vector<16xf32>
          %mul3A_1026 = arith.mulf %sub3A_1025, %sub3A_1025 : vector<16xf32>
          %add3A_1027 = arith.addf %add3A_958, %mul3A_1026 : vector<16xf32>
          %sub3A_1028 = arith.subf %gather3A_1024, %gather3A_1009 : vector<16xf32>
          %mul3A_1029 = arith.mulf %sub3A_1028, %sub3A_1028 : vector<16xf32>
          %add3A_1030 = arith.addf %add3A_961, %mul3A_1029 : vector<16xf32>
          %gather3A_1031 = tpu.vector_load_idx %arg8[%add3A_406, %and3A_1007] : memref<512x32xf32, #tpu.memory_space<vmem>>[vector<16xi32>, vector<16xi32>], vector<16xf32>,
          %sub3A_1032 = arith.subf %gather3A_1031, %gather3A_1008 : vector<16xf32>
          %mul3A_1033 = arith.mulf %sub3A_1032, %sub3A_1032 : vector<16xf32>
          %add3A_1034 = arith.addf %add3A_965, %mul3A_1033 : vector<16xf32>
          %sub3A_1035 = arith.subf %gather3A_1031, %gather3A_1009 : vector<16xf32>
          %mul3A_1036 = arith.mulf %sub3A_1035, %sub3A_1035 : vector<16xf32>
          %add3A_1037 = arith.addf %add3A_968, %mul3A_1036 : vector<16xf32>
          %gather3A_1038 = tpu.vector_load_idx %arg8[%add3A_410, %and3A_1007] : memref<512x32xf32, #tpu.memory_space<vmem>>[vector<16xi32>, vector<16xi32>], vector<16xf32>,
          %sub3A_1039 = arith.subf %gather3A_1038, %gather3A_1008 : vector<16xf32>
          %mul3A_1040 = arith.mulf %sub3A_1039, %sub3A_1039 : vector<16xf32>
          %add3A_1041 = arith.addf %add3A_972, %mul3A_1040 : vector<16xf32>
          %sub3A_1042 = arith.subf %gather3A_1038, %gather3A_1009 : vector<16xf32>
          %mul3A_1043 = arith.mulf %sub3A_1042, %sub3A_1042 : vector<16xf32>
          %add3A_1044 = arith.addf %add3A_975, %mul3A_1043 : vector<16xf32>
          %gather3A_1045 = tpu.vector_load_idx %arg8[%add3A_414, %and3A_1007] : memref<512x32xf32, #tpu.memory_space<vmem>>[vector<16xi32>, vector<16xi32>], vector<16xf32>,
          %sub3A_1046 = arith.subf %gather3A_1045, %gather3A_1008 : vector<16xf32>
          %mul3A_1047 = arith.mulf %sub3A_1046, %sub3A_1046 : vector<16xf32>
          %add3A_1048 = arith.addf %add3A_979, %mul3A_1047 : vector<16xf32>
          %sub3A_1049 = arith.subf %gather3A_1045, %gather3A_1009 : vector<16xf32>
          %mul3A_1050 = arith.mulf %sub3A_1049, %sub3A_1049 : vector<16xf32>
          %add3A_1051 = arith.addf %add3A_982, %mul3A_1050 : vector<16xf32>
          %gather3A_1052 = tpu.vector_load_idx %arg8[%add3A_418, %and3A_1007] : memref<512x32xf32, #tpu.memory_space<vmem>>[vector<16xi32>, vector<16xi32>], vector<16xf32>,
          %sub3A_1053 = arith.subf %gather3A_1052, %gather3A_1008 : vector<16xf32>
          %mul3A_1054 = arith.mulf %sub3A_1053, %sub3A_1053 : vector<16xf32>
          %add3A_1055 = arith.addf %add3A_986, %mul3A_1054 : vector<16xf32>
          %sub3A_1056 = arith.subf %gather3A_1052, %gather3A_1009 : vector<16xf32>
          %mul3A_1057 = arith.mulf %sub3A_1056, %sub3A_1056 : vector<16xf32>
          %add3A_1058 = arith.addf %add3A_989, %mul3A_1057 : vector<16xf32>
          %gather3A_1059 = tpu.vector_load_idx %arg8[%add3A_422, %and3A_1007] : memref<512x32xf32, #tpu.memory_space<vmem>>[vector<16xi32>, vector<16xi32>], vector<16xf32>,
          %sub3A_1060 = arith.subf %gather3A_1059, %gather3A_1008 : vector<16xf32>
          %mul3A_1061 = arith.mulf %sub3A_1060, %sub3A_1060 : vector<16xf32>
          %add3A_1062 = arith.addf %add3A_993, %mul3A_1061 : vector<16xf32>
          %sub3A_1063 = arith.subf %gather3A_1059, %gather3A_1009 : vector<16xf32>
          %mul3A_1064 = arith.mulf %sub3A_1063, %sub3A_1063 : vector<16xf32>
          %add3A_1065 = arith.addf %add3A_996, %mul3A_1064 : vector<16xf32>
          scf.yield %add3A_1013, %add3A_1016, %add3A_1020, %add3A_1023, %add3A_1027, %add3A_1030, %add3A_1034, %add3A_1037, %add3A_1041, %add3A_1044, %add3A_1048, %add3A_1051, %add3A_1055, %add3A_1058, %add3A_1062, %add3A_1065 : vector<16xf32>, vector<16xf32>, vector<16xf32>, vector<16xf32>, vector<16xf32>, vector<16xf32>, vector<16xf32>, vector<16xf32>, vector<16xf32>, vector<16xf32>, vector<16xf32>, vector<16xf32>, vector<16xf32>, vector<16xf32>, vector<16xf32>, vector<16xf32>
        }
        %scan3A_428 = arith.constant 32 : i32
        %min3A = arith.minimumf %scan3A_427#0, %scan3A_427#1 : vector<16xf32>
        %add3A_429 = arith.constant 9.99999996E-13 : f32
        %add3A_430 = vector.broadcast %add3A_429 : f32 to vector<16xf32>
        %add3A_431 = arith.addf %min3A, %add3A_430 : vector<16xf32>
        %bitcast_convert_type3A = tpu.bitcast %add3A_431 : vector<16xf32> -> vector<16xi32>
        %shift_right_arithmetic3A = arith.constant 1 : i32
        %shift_right_arithmetic3A_432 = vector.broadcast %shift_right_arithmetic3A : i32 to vector<16xi32>
        %shift_right_arithmetic3A_433 = arith.shrsi %bitcast_convert_type3A, %shift_right_arithmetic3A_432 : vector<16xi32>
        %sub3A = arith.constant 1597463007 : i32
        %sub3A_434 = vector.broadcast %sub3A : i32 to vector<16xi32>
        %sub3A_435 = arith.subi %sub3A_434, %shift_right_arithmetic3A_433 : vector<16xi32>
        %bitcast_convert_type3A_436 = tpu.bitcast %sub3A_435 : vector<16xi32> -> vector<16xf32>
        %mul3A_437 = arith.constant 5.000000e-01 : f32
        %mul3A_438 = vector.broadcast %mul3A_437 : f32 to vector<16xf32>
        %mul3A_439 = arith.mulf %mul3A_438, %add3A_431 : vector<16xf32>
        %mul3A_440 = arith.mulf %mul3A_439, %bitcast_convert_type3A_436 : vector<16xf32>
        %mul3A_441 = arith.mulf %mul3A_440, %bitcast_convert_type3A_436 : vector<16xf32>
        %sub3A_442 = arith.constant 1.500000e+00 : f32
        %sub3A_443 = vector.broadcast %sub3A_442 : f32 to vector<16xf32>
        %sub3A_444 = arith.subf %sub3A_443, %mul3A_441 : vector<16xf32>
        %mul3A_445 = arith.mulf %bitcast_convert_type3A_436, %sub3A_444 : vector<16xf32>
        %mul3A_446 = arith.constant 5.000000e-01 : f32
        %mul3A_447 = vector.broadcast %mul3A_446 : f32 to vector<16xf32>
        %mul3A_448 = arith.mulf %mul3A_447, %add3A_431 : vector<16xf32>
        %mul3A_449 = arith.mulf %mul3A_448, %mul3A_445 : vector<16xf32>
        %mul3A_450 = arith.mulf %mul3A_449, %mul3A_445 : vector<16xf32>
        %sub3A_451 = arith.constant 1.500000e+00 : f32
        %sub3A_452 = vector.broadcast %sub3A_451 : f32 to vector<16xf32>
        %sub3A_453 = arith.subf %sub3A_452, %mul3A_450 : vector<16xf32>
        %mul3A_454 = arith.mulf %mul3A_445, %sub3A_453 : vector<16xf32>
        %mul3A_455 = arith.constant 5.000000e-01 : f32
        %mul3A_456 = vector.broadcast %mul3A_455 : f32 to vector<16xf32>
        %mul3A_457 = arith.mulf %mul3A_456, %add3A_431 : vector<16xf32>
        %mul3A_458 = arith.mulf %mul3A_457, %mul3A_454 : vector<16xf32>
        %mul3A_459 = arith.mulf %mul3A_458, %mul3A_454 : vector<16xf32>
        %sub3A_460 = arith.constant 1.500000e+00 : f32
        %sub3A_461 = vector.broadcast %sub3A_460 : f32 to vector<16xf32>
        %sub3A_462 = arith.subf %sub3A_461, %mul3A_459 : vector<16xf32>
        %mul3A_463 = arith.mulf %mul3A_454, %sub3A_462 : vector<16xf32>
        %mul3A_464 = arith.mulf %add3A_431, %mul3A_463 : vector<16xf32>
        %add3A_465 = arith.constant 0 : i32
        %add3A_466 = arith.addi %mul3A_358, %add3A_465 : i32
        %swap3A = arith.index_cast %add3A_466 : i32 to index
        %swap3A_467 = tpu.vector_load %arg10[%swap3A] {strides = array<i32>} : memref<512xf32, #tpu.memory_space<vmem>>, vector<16xf32>,
        tpu.vector_store %arg10[%swap3A], %mul3A_464 {strides = array<i32>} : memref<512xf32, #tpu.memory_space<vmem>>, vector<16xf32>,
        %min3A_468 = arith.minimumf %scan3A_427#2, %scan3A_427#3 : vector<16xf32>
        %add3A_469 = arith.constant 9.99999996E-13 : f32
        %add3A_470 = vector.broadcast %add3A_469 : f32 to vector<16xf32>
        %add3A_471 = arith.addf %min3A_468, %add3A_470 : vector<16xf32>
        %bitcast_convert_type3A_472 = tpu.bitcast %add3A_471 : vector<16xf32> -> vector<16xi32>
        %shift_right_arithmetic3A_473 = arith.constant 1 : i32
        %shift_right_arithmetic3A_474 = vector.broadcast %shift_right_arithmetic3A_473 : i32 to vector<16xi32>
        %shift_right_arithmetic3A_475 = arith.shrsi %bitcast_convert_type3A_472, %shift_right_arithmetic3A_474 : vector<16xi32>
        %sub3A_476 = arith.constant 1597463007 : i32
        %sub3A_477 = vector.broadcast %sub3A_476 : i32 to vector<16xi32>
        %sub3A_478 = arith.subi %sub3A_477, %shift_right_arithmetic3A_475 : vector<16xi32>
        %bitcast_convert_type3A_479 = tpu.bitcast %sub3A_478 : vector<16xi32> -> vector<16xf32>
        %mul3A_480 = arith.constant 5.000000e-01 : f32
        %mul3A_481 = vector.broadcast %mul3A_480 : f32 to vector<16xf32>
        %mul3A_482 = arith.mulf %mul3A_481, %add3A_471 : vector<16xf32>
        %mul3A_483 = arith.mulf %mul3A_482, %bitcast_convert_type3A_479 : vector<16xf32>
        %mul3A_484 = arith.mulf %mul3A_483, %bitcast_convert_type3A_479 : vector<16xf32>
        %sub3A_485 = arith.constant 1.500000e+00 : f32
        %sub3A_486 = vector.broadcast %sub3A_485 : f32 to vector<16xf32>
        %sub3A_487 = arith.subf %sub3A_486, %mul3A_484 : vector<16xf32>
        %mul3A_488 = arith.mulf %bitcast_convert_type3A_479, %sub3A_487 : vector<16xf32>
        %mul3A_489 = arith.constant 5.000000e-01 : f32
        %mul3A_490 = vector.broadcast %mul3A_489 : f32 to vector<16xf32>
        %mul3A_491 = arith.mulf %mul3A_490, %add3A_471 : vector<16xf32>
        %mul3A_492 = arith.mulf %mul3A_491, %mul3A_488 : vector<16xf32>
        %mul3A_493 = arith.mulf %mul3A_492, %mul3A_488 : vector<16xf32>
        %sub3A_494 = arith.constant 1.500000e+00 : f32
        %sub3A_495 = vector.broadcast %sub3A_494 : f32 to vector<16xf32>
        %sub3A_496 = arith.subf %sub3A_495, %mul3A_493 : vector<16xf32>
        %mul3A_497 = arith.mulf %mul3A_488, %sub3A_496 : vector<16xf32>
        %mul3A_498 = arith.constant 5.000000e-01 : f32
        %mul3A_499 = vector.broadcast %mul3A_498 : f32 to vector<16xf32>
        %mul3A_500 = arith.mulf %mul3A_499, %add3A_471 : vector<16xf32>
        %mul3A_501 = arith.mulf %mul3A_500, %mul3A_497 : vector<16xf32>
        %mul3A_502 = arith.mulf %mul3A_501, %mul3A_497 : vector<16xf32>
        %sub3A_503 = arith.constant 1.500000e+00 : f32
        %sub3A_504 = vector.broadcast %sub3A_503 : f32 to vector<16xf32>
        %sub3A_505 = arith.subf %sub3A_504, %mul3A_502 : vector<16xf32>
        %mul3A_506 = arith.mulf %mul3A_497, %sub3A_505 : vector<16xf32>
        %mul3A_507 = arith.mulf %add3A_471, %mul3A_506 : vector<16xf32>
        %add3A_508 = arith.constant 16 : i32
        %add3A_509 = arith.addi %mul3A_358, %add3A_508 : i32
        %swap3A_510 = arith.index_cast %add3A_509 : i32 to index
        %swap3A_511 = tpu.vector_load %arg10[%swap3A_510] {strides = array<i32>} : memref<512xf32, #tpu.memory_space<vmem>>, vector<16xf32>,
        tpu.vector_store %arg10[%swap3A_510], %mul3A_507 {strides = array<i32>} : memref<512xf32, #tpu.memory_space<vmem>>, vector<16xf32>,
        %min3A_512 = arith.minimumf %scan3A_427#4, %scan3A_427#5 : vector<16xf32>
        %add3A_513 = arith.constant 9.99999996E-13 : f32
        %add3A_514 = vector.broadcast %add3A_513 : f32 to vector<16xf32>
        %add3A_515 = arith.addf %min3A_512, %add3A_514 : vector<16xf32>
        %bitcast_convert_type3A_516 = tpu.bitcast %add3A_515 : vector<16xf32> -> vector<16xi32>
        %shift_right_arithmetic3A_517 = arith.constant 1 : i32
        %shift_right_arithmetic3A_518 = vector.broadcast %shift_right_arithmetic3A_517 : i32 to vector<16xi32>
        %shift_right_arithmetic3A_519 = arith.shrsi %bitcast_convert_type3A_516, %shift_right_arithmetic3A_518 : vector<16xi32>
        %sub3A_520 = arith.constant 1597463007 : i32
        %sub3A_521 = vector.broadcast %sub3A_520 : i32 to vector<16xi32>
        %sub3A_522 = arith.subi %sub3A_521, %shift_right_arithmetic3A_519 : vector<16xi32>
        %bitcast_convert_type3A_523 = tpu.bitcast %sub3A_522 : vector<16xi32> -> vector<16xf32>
        %mul3A_524 = arith.constant 5.000000e-01 : f32
        %mul3A_525 = vector.broadcast %mul3A_524 : f32 to vector<16xf32>
        %mul3A_526 = arith.mulf %mul3A_525, %add3A_515 : vector<16xf32>
        %mul3A_527 = arith.mulf %mul3A_526, %bitcast_convert_type3A_523 : vector<16xf32>
        %mul3A_528 = arith.mulf %mul3A_527, %bitcast_convert_type3A_523 : vector<16xf32>
        %sub3A_529 = arith.constant 1.500000e+00 : f32
        %sub3A_530 = vector.broadcast %sub3A_529 : f32 to vector<16xf32>
        %sub3A_531 = arith.subf %sub3A_530, %mul3A_528 : vector<16xf32>
        %mul3A_532 = arith.mulf %bitcast_convert_type3A_523, %sub3A_531 : vector<16xf32>
        %mul3A_533 = arith.constant 5.000000e-01 : f32
        %mul3A_534 = vector.broadcast %mul3A_533 : f32 to vector<16xf32>
        %mul3A_535 = arith.mulf %mul3A_534, %add3A_515 : vector<16xf32>
        %mul3A_536 = arith.mulf %mul3A_535, %mul3A_532 : vector<16xf32>
        %mul3A_537 = arith.mulf %mul3A_536, %mul3A_532 : vector<16xf32>
        %sub3A_538 = arith.constant 1.500000e+00 : f32
        %sub3A_539 = vector.broadcast %sub3A_538 : f32 to vector<16xf32>
        %sub3A_540 = arith.subf %sub3A_539, %mul3A_537 : vector<16xf32>
        %mul3A_541 = arith.mulf %mul3A_532, %sub3A_540 : vector<16xf32>
        %mul3A_542 = arith.constant 5.000000e-01 : f32
        %mul3A_543 = vector.broadcast %mul3A_542 : f32 to vector<16xf32>
        %mul3A_544 = arith.mulf %mul3A_543, %add3A_515 : vector<16xf32>
        %mul3A_545 = arith.mulf %mul3A_544, %mul3A_541 : vector<16xf32>
        %mul3A_546 = arith.mulf %mul3A_545, %mul3A_541 : vector<16xf32>
        %sub3A_547 = arith.constant 1.500000e+00 : f32
        %sub3A_548 = vector.broadcast %sub3A_547 : f32 to vector<16xf32>
        %sub3A_549 = arith.subf %sub3A_548, %mul3A_546 : vector<16xf32>
        %mul3A_550 = arith.mulf %mul3A_541, %sub3A_549 : vector<16xf32>
        %mul3A_551 = arith.mulf %add3A_515, %mul3A_550 : vector<16xf32>
        %add3A_552 = arith.constant 32 : i32
        %add3A_553 = arith.addi %mul3A_358, %add3A_552 : i32
        %swap3A_554 = arith.index_cast %add3A_553 : i32 to index
        %swap3A_555 = tpu.vector_load %arg10[%swap3A_554] {strides = array<i32>} : memref<512xf32, #tpu.memory_space<vmem>>, vector<16xf32>,
        tpu.vector_store %arg10[%swap3A_554], %mul3A_551 {strides = array<i32>} : memref<512xf32, #tpu.memory_space<vmem>>, vector<16xf32>,
        %min3A_556 = arith.minimumf %scan3A_427#6, %scan3A_427#7 : vector<16xf32>
        %add3A_557 = arith.constant 9.99999996E-13 : f32
        %add3A_558 = vector.broadcast %add3A_557 : f32 to vector<16xf32>
        %add3A_559 = arith.addf %min3A_556, %add3A_558 : vector<16xf32>
        %bitcast_convert_type3A_560 = tpu.bitcast %add3A_559 : vector<16xf32> -> vector<16xi32>
        %shift_right_arithmetic3A_561 = arith.constant 1 : i32
        %shift_right_arithmetic3A_562 = vector.broadcast %shift_right_arithmetic3A_561 : i32 to vector<16xi32>
        %shift_right_arithmetic3A_563 = arith.shrsi %bitcast_convert_type3A_560, %shift_right_arithmetic3A_562 : vector<16xi32>
        %sub3A_564 = arith.constant 1597463007 : i32
        %sub3A_565 = vector.broadcast %sub3A_564 : i32 to vector<16xi32>
        %sub3A_566 = arith.subi %sub3A_565, %shift_right_arithmetic3A_563 : vector<16xi32>
        %bitcast_convert_type3A_567 = tpu.bitcast %sub3A_566 : vector<16xi32> -> vector<16xf32>
        %mul3A_568 = arith.constant 5.000000e-01 : f32
        %mul3A_569 = vector.broadcast %mul3A_568 : f32 to vector<16xf32>
        %mul3A_570 = arith.mulf %mul3A_569, %add3A_559 : vector<16xf32>
        %mul3A_571 = arith.mulf %mul3A_570, %bitcast_convert_type3A_567 : vector<16xf32>
        %mul3A_572 = arith.mulf %mul3A_571, %bitcast_convert_type3A_567 : vector<16xf32>
        %sub3A_573 = arith.constant 1.500000e+00 : f32
        %sub3A_574 = vector.broadcast %sub3A_573 : f32 to vector<16xf32>
        %sub3A_575 = arith.subf %sub3A_574, %mul3A_572 : vector<16xf32>
        %mul3A_576 = arith.mulf %bitcast_convert_type3A_567, %sub3A_575 : vector<16xf32>
        %mul3A_577 = arith.constant 5.000000e-01 : f32
        %mul3A_578 = vector.broadcast %mul3A_577 : f32 to vector<16xf32>
        %mul3A_579 = arith.mulf %mul3A_578, %add3A_559 : vector<16xf32>
        %mul3A_580 = arith.mulf %mul3A_579, %mul3A_576 : vector<16xf32>
        %mul3A_581 = arith.mulf %mul3A_580, %mul3A_576 : vector<16xf32>
        %sub3A_582 = arith.constant 1.500000e+00 : f32
        %sub3A_583 = vector.broadcast %sub3A_582 : f32 to vector<16xf32>
        %sub3A_584 = arith.subf %sub3A_583, %mul3A_581 : vector<16xf32>
        %mul3A_585 = arith.mulf %mul3A_576, %sub3A_584 : vector<16xf32>
        %mul3A_586 = arith.constant 5.000000e-01 : f32
        %mul3A_587 = vector.broadcast %mul3A_586 : f32 to vector<16xf32>
        %mul3A_588 = arith.mulf %mul3A_587, %add3A_559 : vector<16xf32>
        %mul3A_589 = arith.mulf %mul3A_588, %mul3A_585 : vector<16xf32>
        %mul3A_590 = arith.mulf %mul3A_589, %mul3A_585 : vector<16xf32>
        %sub3A_591 = arith.constant 1.500000e+00 : f32
        %sub3A_592 = vector.broadcast %sub3A_591 : f32 to vector<16xf32>
        %sub3A_593 = arith.subf %sub3A_592, %mul3A_590 : vector<16xf32>
        %mul3A_594 = arith.mulf %mul3A_585, %sub3A_593 : vector<16xf32>
        %mul3A_595 = arith.mulf %add3A_559, %mul3A_594 : vector<16xf32>
        %add3A_596 = arith.constant 48 : i32
        %add3A_597 = arith.addi %mul3A_358, %add3A_596 : i32
        %swap3A_598 = arith.index_cast %add3A_597 : i32 to index
        %swap3A_599 = tpu.vector_load %arg10[%swap3A_598] {strides = array<i32>} : memref<512xf32, #tpu.memory_space<vmem>>, vector<16xf32>,
        tpu.vector_store %arg10[%swap3A_598], %mul3A_595 {strides = array<i32>} : memref<512xf32, #tpu.memory_space<vmem>>, vector<16xf32>,
        %min3A_600 = arith.minimumf %scan3A_427#8, %scan3A_427#9 : vector<16xf32>
        %add3A_601 = arith.constant 9.99999996E-13 : f32
        %add3A_602 = vector.broadcast %add3A_601 : f32 to vector<16xf32>
        %add3A_603 = arith.addf %min3A_600, %add3A_602 : vector<16xf32>
        %bitcast_convert_type3A_604 = tpu.bitcast %add3A_603 : vector<16xf32> -> vector<16xi32>
        %shift_right_arithmetic3A_605 = arith.constant 1 : i32
        %shift_right_arithmetic3A_606 = vector.broadcast %shift_right_arithmetic3A_605 : i32 to vector<16xi32>
        %shift_right_arithmetic3A_607 = arith.shrsi %bitcast_convert_type3A_604, %shift_right_arithmetic3A_606 : vector<16xi32>
        %sub3A_608 = arith.constant 1597463007 : i32
        %sub3A_609 = vector.broadcast %sub3A_608 : i32 to vector<16xi32>
        %sub3A_610 = arith.subi %sub3A_609, %shift_right_arithmetic3A_607 : vector<16xi32>
        %bitcast_convert_type3A_611 = tpu.bitcast %sub3A_610 : vector<16xi32> -> vector<16xf32>
        %mul3A_612 = arith.constant 5.000000e-01 : f32
        %mul3A_613 = vector.broadcast %mul3A_612 : f32 to vector<16xf32>
        %mul3A_614 = arith.mulf %mul3A_613, %add3A_603 : vector<16xf32>
        %mul3A_615 = arith.mulf %mul3A_614, %bitcast_convert_type3A_611 : vector<16xf32>
        %mul3A_616 = arith.mulf %mul3A_615, %bitcast_convert_type3A_611 : vector<16xf32>
        %sub3A_617 = arith.constant 1.500000e+00 : f32
        %sub3A_618 = vector.broadcast %sub3A_617 : f32 to vector<16xf32>
        %sub3A_619 = arith.subf %sub3A_618, %mul3A_616 : vector<16xf32>
        %mul3A_620 = arith.mulf %bitcast_convert_type3A_611, %sub3A_619 : vector<16xf32>
        %mul3A_621 = arith.constant 5.000000e-01 : f32
        %mul3A_622 = vector.broadcast %mul3A_621 : f32 to vector<16xf32>
        %mul3A_623 = arith.mulf %mul3A_622, %add3A_603 : vector<16xf32>
        %mul3A_624 = arith.mulf %mul3A_623, %mul3A_620 : vector<16xf32>
        %mul3A_625 = arith.mulf %mul3A_624, %mul3A_620 : vector<16xf32>
        %sub3A_626 = arith.constant 1.500000e+00 : f32
        %sub3A_627 = vector.broadcast %sub3A_626 : f32 to vector<16xf32>
        %sub3A_628 = arith.subf %sub3A_627, %mul3A_625 : vector<16xf32>
        %mul3A_629 = arith.mulf %mul3A_620, %sub3A_628 : vector<16xf32>
        %mul3A_630 = arith.constant 5.000000e-01 : f32
        %mul3A_631 = vector.broadcast %mul3A_630 : f32 to vector<16xf32>
        %mul3A_632 = arith.mulf %mul3A_631, %add3A_603 : vector<16xf32>
        %mul3A_633 = arith.mulf %mul3A_632, %mul3A_629 : vector<16xf32>
        %mul3A_634 = arith.mulf %mul3A_633, %mul3A_629 : vector<16xf32>
        %sub3A_635 = arith.constant 1.500000e+00 : f32
        %sub3A_636 = vector.broadcast %sub3A_635 : f32 to vector<16xf32>
        %sub3A_637 = arith.subf %sub3A_636, %mul3A_634 : vector<16xf32>
        %mul3A_638 = arith.mulf %mul3A_629, %sub3A_637 : vector<16xf32>
        %mul3A_639 = arith.mulf %add3A_603, %mul3A_638 : vector<16xf32>
        %add3A_640 = arith.constant 64 : i32
        %add3A_641 = arith.addi %mul3A_358, %add3A_640 : i32
        %swap3A_642 = arith.index_cast %add3A_641 : i32 to index
        %swap3A_643 = tpu.vector_load %arg10[%swap3A_642] {strides = array<i32>} : memref<512xf32, #tpu.memory_space<vmem>>, vector<16xf32>,
        tpu.vector_store %arg10[%swap3A_642], %mul3A_639 {strides = array<i32>} : memref<512xf32, #tpu.memory_space<vmem>>, vector<16xf32>,
        %min3A_644 = arith.minimumf %scan3A_427#10, %scan3A_427#11 : vector<16xf32>
        %add3A_645 = arith.constant 9.99999996E-13 : f32
        %add3A_646 = vector.broadcast %add3A_645 : f32 to vector<16xf32>
        %add3A_647 = arith.addf %min3A_644, %add3A_646 : vector<16xf32>
        %bitcast_convert_type3A_648 = tpu.bitcast %add3A_647 : vector<16xf32> -> vector<16xi32>
        %shift_right_arithmetic3A_649 = arith.constant 1 : i32
        %shift_right_arithmetic3A_650 = vector.broadcast %shift_right_arithmetic3A_649 : i32 to vector<16xi32>
        %shift_right_arithmetic3A_651 = arith.shrsi %bitcast_convert_type3A_648, %shift_right_arithmetic3A_650 : vector<16xi32>
        %sub3A_652 = arith.constant 1597463007 : i32
        %sub3A_653 = vector.broadcast %sub3A_652 : i32 to vector<16xi32>
        %sub3A_654 = arith.subi %sub3A_653, %shift_right_arithmetic3A_651 : vector<16xi32>
        %bitcast_convert_type3A_655 = tpu.bitcast %sub3A_654 : vector<16xi32> -> vector<16xf32>
        %mul3A_656 = arith.constant 5.000000e-01 : f32
        %mul3A_657 = vector.broadcast %mul3A_656 : f32 to vector<16xf32>
        %mul3A_658 = arith.mulf %mul3A_657, %add3A_647 : vector<16xf32>
        %mul3A_659 = arith.mulf %mul3A_658, %bitcast_convert_type3A_655 : vector<16xf32>
        %mul3A_660 = arith.mulf %mul3A_659, %bitcast_convert_type3A_655 : vector<16xf32>
        %sub3A_661 = arith.constant 1.500000e+00 : f32
        %sub3A_662 = vector.broadcast %sub3A_661 : f32 to vector<16xf32>
        %sub3A_663 = arith.subf %sub3A_662, %mul3A_660 : vector<16xf32>
        %mul3A_664 = arith.mulf %bitcast_convert_type3A_655, %sub3A_663 : vector<16xf32>
        %mul3A_665 = arith.constant 5.000000e-01 : f32
        %mul3A_666 = vector.broadcast %mul3A_665 : f32 to vector<16xf32>
        %mul3A_667 = arith.mulf %mul3A_666, %add3A_647 : vector<16xf32>
        %mul3A_668 = arith.mulf %mul3A_667, %mul3A_664 : vector<16xf32>
        %mul3A_669 = arith.mulf %mul3A_668, %mul3A_664 : vector<16xf32>
        %sub3A_670 = arith.constant 1.500000e+00 : f32
        %sub3A_671 = vector.broadcast %sub3A_670 : f32 to vector<16xf32>
        %sub3A_672 = arith.subf %sub3A_671, %mul3A_669 : vector<16xf32>
        %mul3A_673 = arith.mulf %mul3A_664, %sub3A_672 : vector<16xf32>
        %mul3A_674 = arith.constant 5.000000e-01 : f32
        %mul3A_675 = vector.broadcast %mul3A_674 : f32 to vector<16xf32>
        %mul3A_676 = arith.mulf %mul3A_675, %add3A_647 : vector<16xf32>
        %mul3A_677 = arith.mulf %mul3A_676, %mul3A_673 : vector<16xf32>
        %mul3A_678 = arith.mulf %mul3A_677, %mul3A_673 : vector<16xf32>
        %sub3A_679 = arith.constant 1.500000e+00 : f32
        %sub3A_680 = vector.broadcast %sub3A_679 : f32 to vector<16xf32>
        %sub3A_681 = arith.subf %sub3A_680, %mul3A_678 : vector<16xf32>
        %mul3A_682 = arith.mulf %mul3A_673, %sub3A_681 : vector<16xf32>
        %mul3A_683 = arith.mulf %add3A_647, %mul3A_682 : vector<16xf32>
        %add3A_684 = arith.constant 80 : i32
        %add3A_685 = arith.addi %mul3A_358, %add3A_684 : i32
        %swap3A_686 = arith.index_cast %add3A_685 : i32 to index
        %swap3A_687 = tpu.vector_load %arg10[%swap3A_686] {strides = array<i32>} : memref<512xf32, #tpu.memory_space<vmem>>, vector<16xf32>,
        tpu.vector_store %arg10[%swap3A_686], %mul3A_683 {strides = array<i32>} : memref<512xf32, #tpu.memory_space<vmem>>, vector<16xf32>,
        %min3A_688 = arith.minimumf %scan3A_427#12, %scan3A_427#13 : vector<16xf32>
        %add3A_689 = arith.constant 9.99999996E-13 : f32
        %add3A_690 = vector.broadcast %add3A_689 : f32 to vector<16xf32>
        %add3A_691 = arith.addf %min3A_688, %add3A_690 : vector<16xf32>
        %bitcast_convert_type3A_692 = tpu.bitcast %add3A_691 : vector<16xf32> -> vector<16xi32>
        %shift_right_arithmetic3A_693 = arith.constant 1 : i32
        %shift_right_arithmetic3A_694 = vector.broadcast %shift_right_arithmetic3A_693 : i32 to vector<16xi32>
        %shift_right_arithmetic3A_695 = arith.shrsi %bitcast_convert_type3A_692, %shift_right_arithmetic3A_694 : vector<16xi32>
        %sub3A_696 = arith.constant 1597463007 : i32
        %sub3A_697 = vector.broadcast %sub3A_696 : i32 to vector<16xi32>
        %sub3A_698 = arith.subi %sub3A_697, %shift_right_arithmetic3A_695 : vector<16xi32>
        %bitcast_convert_type3A_699 = tpu.bitcast %sub3A_698 : vector<16xi32> -> vector<16xf32>
        %mul3A_700 = arith.constant 5.000000e-01 : f32
        %mul3A_701 = vector.broadcast %mul3A_700 : f32 to vector<16xf32>
        %mul3A_702 = arith.mulf %mul3A_701, %add3A_691 : vector<16xf32>
        %mul3A_703 = arith.mulf %mul3A_702, %bitcast_convert_type3A_699 : vector<16xf32>
        %mul3A_704 = arith.mulf %mul3A_703, %bitcast_convert_type3A_699 : vector<16xf32>
        %sub3A_705 = arith.constant 1.500000e+00 : f32
        %sub3A_706 = vector.broadcast %sub3A_705 : f32 to vector<16xf32>
        %sub3A_707 = arith.subf %sub3A_706, %mul3A_704 : vector<16xf32>
        %mul3A_708 = arith.mulf %bitcast_convert_type3A_699, %sub3A_707 : vector<16xf32>
        %mul3A_709 = arith.constant 5.000000e-01 : f32
        %mul3A_710 = vector.broadcast %mul3A_709 : f32 to vector<16xf32>
        %mul3A_711 = arith.mulf %mul3A_710, %add3A_691 : vector<16xf32>
        %mul3A_712 = arith.mulf %mul3A_711, %mul3A_708 : vector<16xf32>
        %mul3A_713 = arith.mulf %mul3A_712, %mul3A_708 : vector<16xf32>
        %sub3A_714 = arith.constant 1.500000e+00 : f32
        %sub3A_715 = vector.broadcast %sub3A_714 : f32 to vector<16xf32>
        %sub3A_716 = arith.subf %sub3A_715, %mul3A_713 : vector<16xf32>
        %mul3A_717 = arith.mulf %mul3A_708, %sub3A_716 : vector<16xf32>
        %mul3A_718 = arith.constant 5.000000e-01 : f32
        %mul3A_719 = vector.broadcast %mul3A_718 : f32 to vector<16xf32>
        %mul3A_720 = arith.mulf %mul3A_719, %add3A_691 : vector<16xf32>
        %mul3A_721 = arith.mulf %mul3A_720, %mul3A_717 : vector<16xf32>
        %mul3A_722 = arith.mulf %mul3A_721, %mul3A_717 : vector<16xf32>
        %sub3A_723 = arith.constant 1.500000e+00 : f32
        %sub3A_724 = vector.broadcast %sub3A_723 : f32 to vector<16xf32>
        %sub3A_725 = arith.subf %sub3A_724, %mul3A_722 : vector<16xf32>
        %mul3A_726 = arith.mulf %mul3A_717, %sub3A_725 : vector<16xf32>
        %mul3A_727 = arith.mulf %add3A_691, %mul3A_726 : vector<16xf32>
        %add3A_728 = arith.constant 96 : i32
        %add3A_729 = arith.addi %mul3A_358, %add3A_728 : i32
        %swap3A_730 = arith.index_cast %add3A_729 : i32 to index
        %swap3A_731 = tpu.vector_load %arg10[%swap3A_730] {strides = array<i32>} : memref<512xf32, #tpu.memory_space<vmem>>, vector<16xf32>,
        tpu.vector_store %arg10[%swap3A_730], %mul3A_727 {strides = array<i32>} : memref<512xf32, #tpu.memory_space<vmem>>, vector<16xf32>,
        %min3A_732 = arith.minimumf %scan3A_427#14, %scan3A_427#15 : vector<16xf32>
        %add3A_733 = arith.constant 9.99999996E-13 : f32
        %add3A_734 = vector.broadcast %add3A_733 : f32 to vector<16xf32>
        %add3A_735 = arith.addf %min3A_732, %add3A_734 : vector<16xf32>
        %bitcast_convert_type3A_736 = tpu.bitcast %add3A_735 : vector<16xf32> -> vector<16xi32>
        %shift_right_arithmetic3A_737 = arith.constant 1 : i32
        %shift_right_arithmetic3A_738 = vector.broadcast %shift_right_arithmetic3A_737 : i32 to vector<16xi32>
        %shift_right_arithmetic3A_739 = arith.shrsi %bitcast_convert_type3A_736, %shift_right_arithmetic3A_738 : vector<16xi32>
        %sub3A_740 = arith.constant 1597463007 : i32
        %sub3A_741 = vector.broadcast %sub3A_740 : i32 to vector<16xi32>
        %sub3A_742 = arith.subi %sub3A_741, %shift_right_arithmetic3A_739 : vector<16xi32>
        %bitcast_convert_type3A_743 = tpu.bitcast %sub3A_742 : vector<16xi32> -> vector<16xf32>
        %mul3A_744 = arith.constant 5.000000e-01 : f32
        %mul3A_745 = vector.broadcast %mul3A_744 : f32 to vector<16xf32>
        %mul3A_746 = arith.mulf %mul3A_745, %add3A_735 : vector<16xf32>
        %mul3A_747 = arith.mulf %mul3A_746, %bitcast_convert_type3A_743 : vector<16xf32>
        %mul3A_748 = arith.mulf %mul3A_747, %bitcast_convert_type3A_743 : vector<16xf32>
        %sub3A_749 = arith.constant 1.500000e+00 : f32
        %sub3A_750 = vector.broadcast %sub3A_749 : f32 to vector<16xf32>
        %sub3A_751 = arith.subf %sub3A_750, %mul3A_748 : vector<16xf32>
        %mul3A_752 = arith.mulf %bitcast_convert_type3A_743, %sub3A_751 : vector<16xf32>
        %mul3A_753 = arith.constant 5.000000e-01 : f32
        %mul3A_754 = vector.broadcast %mul3A_753 : f32 to vector<16xf32>
        %mul3A_755 = arith.mulf %mul3A_754, %add3A_735 : vector<16xf32>
        %mul3A_756 = arith.mulf %mul3A_755, %mul3A_752 : vector<16xf32>
        %mul3A_757 = arith.mulf %mul3A_756, %mul3A_752 : vector<16xf32>
        %sub3A_758 = arith.constant 1.500000e+00 : f32
        %sub3A_759 = vector.broadcast %sub3A_758 : f32 to vector<16xf32>
        %sub3A_760 = arith.subf %sub3A_759, %mul3A_757 : vector<16xf32>
        %mul3A_761 = arith.mulf %mul3A_752, %sub3A_760 : vector<16xf32>
        %mul3A_762 = arith.constant 5.000000e-01 : f32
        %mul3A_763 = vector.broadcast %mul3A_762 : f32 to vector<16xf32>
        %mul3A_764 = arith.mulf %mul3A_763, %add3A_735 : vector<16xf32>
        %mul3A_765 = arith.mulf %mul3A_764, %mul3A_761 : vector<16xf32>
        %mul3A_766 = arith.mulf %mul3A_765, %mul3A_761 : vector<16xf32>
        %sub3A_767 = arith.constant 1.500000e+00 : f32
        %sub3A_768 = vector.broadcast %sub3A_767 : f32 to vector<16xf32>
        %sub3A_769 = arith.subf %sub3A_768, %mul3A_766 : vector<16xf32>
        %mul3A_770 = arith.mulf %mul3A_761, %sub3A_769 : vector<16xf32>
        %mul3A_771 = arith.mulf %add3A_735, %mul3A_770 : vector<16xf32>
        %add3A_772 = arith.constant 112 : i32
        %add3A_773 = arith.addi %mul3A_358, %add3A_772 : i32
        %swap3A_774 = arith.index_cast %add3A_773 : i32 to index
        %swap3A_775 = tpu.vector_load %arg10[%swap3A_774] {strides = array<i32>} : memref<512xf32, #tpu.memory_space<vmem>>, vector<16xf32>,
        tpu.vector_store %arg10[%swap3A_774], %mul3A_771 {strides = array<i32>} : memref<512xf32, #tpu.memory_space<vmem>>, vector<16xf32>,
      }
      %scan3A_309 = arith.constant 4 : i32
      %mul3A_310 = arith.constant 512 : i32
      %mul3A_311 = arith.muli %add3A_293, %mul3A_310 : i32
      %add3A_312 = arith.addi %mul3A_2, %mul3A_311 : i32
      %dma_start3A_313 = tpu.memref_slice %arg4[%add3A_312] : memref<131072xf32, #tpu.memory_space<hbm>> -> memref<512xf32, #tpu.memory_space<hbm>>
      %dma_start3A_314 = tpu.memref_slice %arg4[%add3A_312] : memref<131072xf32, #tpu.memory_space<hbm>> -> memref<512xf32, #tpu.memory_space<hbm>>
      tpu.enqueue_dma source(%arg10 : memref<512xf32, #tpu.memory_space<vmem>>) target(%dma_start3A_314 : memref<512xf32, #tpu.memory_space<hbm>>) target_semaphore(%arg16 : memref<!tpu.dma_semaphore, #tpu.memory_space<semaphore_mem>>)
      %add3A_315 = arith.constant 4 : i32
      %add3A_316 = arith.addi %add3A_293, %add3A_315 : i32
      %lt3A_317 = arith.constant 8 : i32
      %lt3A_318 = arith.cmpi slt, %add3A_316, %lt3A_317 : i32
      %convert_element_type3A_319 = arith.extui %lt3A_318 : i1 to i32
      %cond3A_320 = arith.constant 0 : i32
      %cond3A_321 = arith.cmpi ne, %convert_element_type3A_319, %cond3A_320 : i32
      scf.if %cond3A_321 {
        %add3A_352 = arith.constant 4 : i32
        %add3A_353 = arith.addi %add3A_293, %add3A_352 : i32
        %mul3A_354 = arith.constant 512 : i32
        %mul3A_355 = arith.muli %add3A_353, %mul3A_354 : i32
        %add3A_356 = arith.addi %mul3A_2, %mul3A_355 : i32
        %dma_start3A_357 = arith.constant 0 : i32
        %dma_start3A_358 = tpu.memref_slice %arg2[%add3A_356, %dma_start3A_357] : memref<131072x32xf32, #tpu.memory_space<hbm>> -> memref<512x32xf32, #tpu.memory_space<hbm>>
        %dma_start3A_359 = arith.constant 0 : i32
        %dma_start3A_360 = tpu.memref_slice %arg2[%add3A_356, %dma_start3A_359] : memref<131072x32xf32, #tpu.memory_space<hbm>> -> memref<512x32xf32, #tpu.memory_space<hbm>>
        tpu.enqueue_dma source(%dma_start3A_360 : memref<512x32xf32, #tpu.memory_space<hbm>>) target(%arg8 : memref<512x32xf32, #tpu.memory_space<vmem>>) target_semaphore(%arg14 : memref<!tpu.dma_semaphore, #tpu.memory_space<semaphore_mem>>)
      } else {
      }
      %add3A_322 = arith.constant 3 : i32
      %add3A_323 = arith.addi %add3A_235, %add3A_322 : i32
      %dma_wait3A_324 = arith.constant 0 : i32
      %dma_wait3A_325 = arith.constant 0 : i32
      %dma_wait3A_326 = tpu.memref_slice %arg2[%dma_wait3A_324, %dma_wait3A_325] : memref<131072x32xf32, #tpu.memory_space<hbm>> -> memref<512x32xf32, #tpu.memory_space<hbm>>
      %dma_wait3A_327 = arith.constant 0 : i32
      %dma_wait3A_328 = arith.constant 0 : i32
      %dma_wait3A_329 = tpu.memref_slice %arg2[%dma_wait3A_327, %dma_wait3A_328] : memref<131072x32xf32, #tpu.memory_space<hbm>> -> memref<512x32xf32, #tpu.memory_space<hbm>>
      tpu.wait_dma2 semaphore(%arg15 : memref<!tpu.dma_semaphore, #tpu.memory_space<semaphore_mem>>) src(%dma_wait3A_329 : memref<512x32xf32, #tpu.memory_space<hbm>>) dst(%arg9 : memref<512x32xf32, #tpu.memory_space<vmem>>)
      %ge3A_330 = arith.constant 2 : i32
      %ge3A_331 = arith.cmpi sge, %add3A_323, %ge3A_330 : i32
      %convert_element_type3A_332 = arith.extui %ge3A_331 : i1 to i32
      %cond3A_333 = arith.constant 0 : i32
      %cond3A_334 = arith.cmpi ne, %convert_element_type3A_332, %cond3A_333 : i32
      scf.if %cond3A_334 {
        %dma_wait3A_352 = arith.constant 0 : i32
        %dma_wait3A_353 = tpu.memref_slice %arg4[%dma_wait3A_352] : memref<131072xf32, #tpu.memory_space<hbm>> -> memref<512xf32, #tpu.memory_space<hbm>>
        %dma_wait3A_354 = arith.constant 0 : i32
        %dma_wait3A_355 = tpu.memref_slice %arg4[%dma_wait3A_354] : memref<131072xf32, #tpu.memory_space<hbm>> -> memref<512xf32, #tpu.memory_space<hbm>>
        tpu.wait_dma2 semaphore(%arg17 : memref<!tpu.dma_semaphore, #tpu.memory_space<semaphore_mem>>) src(%arg11 : memref<512xf32, #tpu.memory_space<vmem>>) dst(%dma_wait3A_355 : memref<512xf32, #tpu.memory_space<hbm>>)
      } else {
      }
      %scan3A_335 = arith.constant 0 : i32
      %scan3A_336 = arith.constant 4 : i32
      %scan3A_337 = arith.addi %scan3A_335, %scan3A_336 : i32
      %scan3A_338 = arith.constant 1 : i32
      scf.for %scan3A_352 = %scan3A_335 to %scan3A_337 step %scan3A_338  : i32 {
        %mul3A_353 = arith.constant 1 : i32
        %mul3A_354 = arith.muli %scan3A_352, %mul3A_353 : i32
        %add3A_355 = arith.constant 0 : i32
        %add3A_356 = arith.addi %add3A_355, %mul3A_354 : i32
        %mul3A_357 = arith.constant 128 : i32
        %mul3A_358 = arith.muli %add3A_356, %mul3A_357 : i32
        %broadcast_in_dim3A_359 = arith.constant 0.000000e+00 : f32
        %broadcast_in_dim3A_360 = vector.broadcast %broadcast_in_dim3A_359 : f32 to vector<16xf32>
        %broadcast_in_dim3A_361 = arith.constant 0.000000e+00 : f32
        %broadcast_in_dim3A_362 = vector.broadcast %broadcast_in_dim3A_361 : f32 to vector<16xf32>
        %broadcast_in_dim3A_363 = arith.constant 0.000000e+00 : f32
        %broadcast_in_dim3A_364 = vector.broadcast %broadcast_in_dim3A_363 : f32 to vector<16xf32>
        %broadcast_in_dim3A_365 = arith.constant 0.000000e+00 : f32
        %broadcast_in_dim3A_366 = vector.broadcast %broadcast_in_dim3A_365 : f32 to vector<16xf32>
        %broadcast_in_dim3A_367 = arith.constant 0.000000e+00 : f32
        %broadcast_in_dim3A_368 = vector.broadcast %broadcast_in_dim3A_367 : f32 to vector<16xf32>
        %broadcast_in_dim3A_369 = arith.constant 0.000000e+00 : f32
        %broadcast_in_dim3A_370 = vector.broadcast %broadcast_in_dim3A_369 : f32 to vector<16xf32>
        %broadcast_in_dim3A_371 = arith.constant 0.000000e+00 : f32
        %broadcast_in_dim3A_372 = vector.broadcast %broadcast_in_dim3A_371 : f32 to vector<16xf32>
        %broadcast_in_dim3A_373 = arith.constant 0.000000e+00 : f32
        %broadcast_in_dim3A_374 = vector.broadcast %broadcast_in_dim3A_373 : f32 to vector<16xf32>
        %broadcast_in_dim3A_375 = arith.constant 0.000000e+00 : f32
        %broadcast_in_dim3A_376 = vector.broadcast %broadcast_in_dim3A_375 : f32 to vector<16xf32>
        %broadcast_in_dim3A_377 = arith.constant 0.000000e+00 : f32
        %broadcast_in_dim3A_378 = vector.broadcast %broadcast_in_dim3A_377 : f32 to vector<16xf32>
        %broadcast_in_dim3A_379 = arith.constant 0.000000e+00 : f32
        %broadcast_in_dim3A_380 = vector.broadcast %broadcast_in_dim3A_379 : f32 to vector<16xf32>
        %broadcast_in_dim3A_381 = arith.constant 0.000000e+00 : f32
        %broadcast_in_dim3A_382 = vector.broadcast %broadcast_in_dim3A_381 : f32 to vector<16xf32>
        %broadcast_in_dim3A_383 = arith.constant 0.000000e+00 : f32
        %broadcast_in_dim3A_384 = vector.broadcast %broadcast_in_dim3A_383 : f32 to vector<16xf32>
        %broadcast_in_dim3A_385 = arith.constant 0.000000e+00 : f32
        %broadcast_in_dim3A_386 = vector.broadcast %broadcast_in_dim3A_385 : f32 to vector<16xf32>
        %broadcast_in_dim3A_387 = arith.constant 0.000000e+00 : f32
        %broadcast_in_dim3A_388 = vector.broadcast %broadcast_in_dim3A_387 : f32 to vector<16xf32>
        %broadcast_in_dim3A_389 = arith.constant 0.000000e+00 : f32
        %broadcast_in_dim3A_390 = vector.broadcast %broadcast_in_dim3A_389 : f32 to vector<16xf32>
        %add3A_391 = arith.constant 0 : i32
        %add3A_392 = arith.addi %mul3A_358, %add3A_391 : i32
        %add3A_393 = vector.broadcast %add3A_392 : i32 to vector<16xi32>
        %add3A_394 = arith.addi %iota3A, %add3A_393 : vector<16xi32>
        %add3A_395 = arith.constant 16 : i32
        %add3A_396 = arith.addi %mul3A_358, %add3A_395 : i32
        %add3A_397 = vector.broadcast %add3A_396 : i32 to vector<16xi32>
        %add3A_398 = arith.addi %iota3A, %add3A_397 : vector<16xi32>
        %add3A_399 = arith.constant 32 : i32
        %add3A_400 = arith.addi %mul3A_358, %add3A_399 : i32
        %add3A_401 = vector.broadcast %add3A_400 : i32 to vector<16xi32>
        %add3A_402 = arith.addi %iota3A, %add3A_401 : vector<16xi32>
        %add3A_403 = arith.constant 48 : i32
        %add3A_404 = arith.addi %mul3A_358, %add3A_403 : i32
        %add3A_405 = vector.broadcast %add3A_404 : i32 to vector<16xi32>
        %add3A_406 = arith.addi %iota3A, %add3A_405 : vector<16xi32>
        %add3A_407 = arith.constant 64 : i32
        %add3A_408 = arith.addi %mul3A_358, %add3A_407 : i32
        %add3A_409 = vector.broadcast %add3A_408 : i32 to vector<16xi32>
        %add3A_410 = arith.addi %iota3A, %add3A_409 : vector<16xi32>
        %add3A_411 = arith.constant 80 : i32
        %add3A_412 = arith.addi %mul3A_358, %add3A_411 : i32
        %add3A_413 = vector.broadcast %add3A_412 : i32 to vector<16xi32>
        %add3A_414 = arith.addi %iota3A, %add3A_413 : vector<16xi32>
        %add3A_415 = arith.constant 96 : i32
        %add3A_416 = arith.addi %mul3A_358, %add3A_415 : i32
        %add3A_417 = vector.broadcast %add3A_416 : i32 to vector<16xi32>
        %add3A_418 = arith.addi %iota3A, %add3A_417 : vector<16xi32>
        %add3A_419 = arith.constant 112 : i32
        %add3A_420 = arith.addi %mul3A_358, %add3A_419 : i32
        %add3A_421 = vector.broadcast %add3A_420 : i32 to vector<16xi32>
        %add3A_422 = arith.addi %iota3A, %add3A_421 : vector<16xi32>
        %scan3A_423 = arith.constant 0 : i32
        %scan3A_424 = arith.constant 32 : i32
        %scan3A_425 = arith.addi %scan3A_423, %scan3A_424 : i32
        %scan3A_426 = arith.constant 4 : i32
        %scan3A_427:16 = scf.for %scan3A_776 = %scan3A_423 to %scan3A_425 step %scan3A_426 iter_args(%scan3A_777 = %broadcast_in_dim3A_360, %scan3A_778 = %broadcast_in_dim3A_362, %scan3A_779 = %broadcast_in_dim3A_364, %scan3A_780 = %broadcast_in_dim3A_366, %scan3A_781 = %broadcast_in_dim3A_368, %scan3A_782 = %broadcast_in_dim3A_370, %scan3A_783 = %broadcast_in_dim3A_372, %scan3A_784 = %broadcast_in_dim3A_374, %scan3A_785 = %broadcast_in_dim3A_376, %scan3A_786 = %broadcast_in_dim3A_378, %scan3A_787 = %broadcast_in_dim3A_380, %scan3A_788 = %broadcast_in_dim3A_382, %scan3A_789 = %broadcast_in_dim3A_384, %scan3A_790 = %broadcast_in_dim3A_386, %scan3A_791 = %broadcast_in_dim3A_388, %scan3A_792 = %broadcast_in_dim3A_390) -> (vector<16xf32>, vector<16xf32>, vector<16xf32>, vector<16xf32>, vector<16xf32>, vector<16xf32>, vector<16xf32>, vector<16xf32>, vector<16xf32>, vector<16xf32>, vector<16xf32>, vector<16xf32>, vector<16xf32>, vector<16xf32>, vector<16xf32>, vector<16xf32>)  : i32 {
          %mul3A_793 = arith.constant 1 : i32
          %mul3A_794 = arith.muli %scan3A_776, %mul3A_793 : i32
          %add3A_795 = arith.constant 0 : i32
          %add3A_796 = arith.addi %add3A_795, %mul3A_794 : i32
          %add3A_797 = vector.broadcast %add3A_796 : i32 to vector<16xi32>
          %add3A_798 = arith.addi %iota3A, %add3A_797 : vector<16xi32>
          %and3A_799 = arith.constant 31 : i32
          %and3A_800 = vector.broadcast %and3A_799 : i32 to vector<16xi32>
          %and3A_801 = arith.andi %add3A_798, %and3A_800 : vector<16xi32>
          %gather3A = tpu.vector_load_idx %arg5[%broadcast_in_dim3A_3, %and3A_801] : memref<2x32xf32, #tpu.memory_space<vmem>>[vector<16xi32>, vector<16xi32>], vector<16xf32>,
          %gather3A_802 = tpu.vector_load_idx %arg5[%broadcast_in_dim3A_5, %and3A_801] : memref<2x32xf32, #tpu.memory_space<vmem>>[vector<16xi32>, vector<16xi32>], vector<16xf32>,
          %gather3A_803 = tpu.vector_load_idx %arg9[%add3A_394, %and3A_801] : memref<512x32xf32, #tpu.memory_space<vmem>>[vector<16xi32>, vector<16xi32>], vector<16xf32>,
          %sub3A_804 = arith.subf %gather3A_803, %gather3A : vector<16xf32>
          %mul3A_805 = arith.mulf %sub3A_804, %sub3A_804 : vector<16xf32>
          %add3A_806 = arith.addf %scan3A_777, %mul3A_805 : vector<16xf32>
          %sub3A_807 = arith.subf %gather3A_803, %gather3A_802 : vector<16xf32>
          %mul3A_808 = arith.mulf %sub3A_807, %sub3A_807 : vector<16xf32>
          %add3A_809 = arith.addf %scan3A_778, %mul3A_808 : vector<16xf32>
          %gather3A_810 = tpu.vector_load_idx %arg9[%add3A_398, %and3A_801] : memref<512x32xf32, #tpu.memory_space<vmem>>[vector<16xi32>, vector<16xi32>], vector<16xf32>,
          %sub3A_811 = arith.subf %gather3A_810, %gather3A : vector<16xf32>
          %mul3A_812 = arith.mulf %sub3A_811, %sub3A_811 : vector<16xf32>
          %add3A_813 = arith.addf %scan3A_779, %mul3A_812 : vector<16xf32>
          %sub3A_814 = arith.subf %gather3A_810, %gather3A_802 : vector<16xf32>
          %mul3A_815 = arith.mulf %sub3A_814, %sub3A_814 : vector<16xf32>
          %add3A_816 = arith.addf %scan3A_780, %mul3A_815 : vector<16xf32>
          %gather3A_817 = tpu.vector_load_idx %arg9[%add3A_402, %and3A_801] : memref<512x32xf32, #tpu.memory_space<vmem>>[vector<16xi32>, vector<16xi32>], vector<16xf32>,
          %sub3A_818 = arith.subf %gather3A_817, %gather3A : vector<16xf32>
          %mul3A_819 = arith.mulf %sub3A_818, %sub3A_818 : vector<16xf32>
          %add3A_820 = arith.addf %scan3A_781, %mul3A_819 : vector<16xf32>
          %sub3A_821 = arith.subf %gather3A_817, %gather3A_802 : vector<16xf32>
          %mul3A_822 = arith.mulf %sub3A_821, %sub3A_821 : vector<16xf32>
          %add3A_823 = arith.addf %scan3A_782, %mul3A_822 : vector<16xf32>
          %gather3A_824 = tpu.vector_load_idx %arg9[%add3A_406, %and3A_801] : memref<512x32xf32, #tpu.memory_space<vmem>>[vector<16xi32>, vector<16xi32>], vector<16xf32>,
          %sub3A_825 = arith.subf %gather3A_824, %gather3A : vector<16xf32>
          %mul3A_826 = arith.mulf %sub3A_825, %sub3A_825 : vector<16xf32>
          %add3A_827 = arith.addf %scan3A_783, %mul3A_826 : vector<16xf32>
          %sub3A_828 = arith.subf %gather3A_824, %gather3A_802 : vector<16xf32>
          %mul3A_829 = arith.mulf %sub3A_828, %sub3A_828 : vector<16xf32>
          %add3A_830 = arith.addf %scan3A_784, %mul3A_829 : vector<16xf32>
          %gather3A_831 = tpu.vector_load_idx %arg9[%add3A_410, %and3A_801] : memref<512x32xf32, #tpu.memory_space<vmem>>[vector<16xi32>, vector<16xi32>], vector<16xf32>,
          %sub3A_832 = arith.subf %gather3A_831, %gather3A : vector<16xf32>
          %mul3A_833 = arith.mulf %sub3A_832, %sub3A_832 : vector<16xf32>
          %add3A_834 = arith.addf %scan3A_785, %mul3A_833 : vector<16xf32>
          %sub3A_835 = arith.subf %gather3A_831, %gather3A_802 : vector<16xf32>
          %mul3A_836 = arith.mulf %sub3A_835, %sub3A_835 : vector<16xf32>
          %add3A_837 = arith.addf %scan3A_786, %mul3A_836 : vector<16xf32>
          %gather3A_838 = tpu.vector_load_idx %arg9[%add3A_414, %and3A_801] : memref<512x32xf32, #tpu.memory_space<vmem>>[vector<16xi32>, vector<16xi32>], vector<16xf32>,
          %sub3A_839 = arith.subf %gather3A_838, %gather3A : vector<16xf32>
          %mul3A_840 = arith.mulf %sub3A_839, %sub3A_839 : vector<16xf32>
          %add3A_841 = arith.addf %scan3A_787, %mul3A_840 : vector<16xf32>
          %sub3A_842 = arith.subf %gather3A_838, %gather3A_802 : vector<16xf32>
          %mul3A_843 = arith.mulf %sub3A_842, %sub3A_842 : vector<16xf32>
          %add3A_844 = arith.addf %scan3A_788, %mul3A_843 : vector<16xf32>
          %gather3A_845 = tpu.vector_load_idx %arg9[%add3A_418, %and3A_801] : memref<512x32xf32, #tpu.memory_space<vmem>>[vector<16xi32>, vector<16xi32>], vector<16xf32>,
          %sub3A_846 = arith.subf %gather3A_845, %gather3A : vector<16xf32>
          %mul3A_847 = arith.mulf %sub3A_846, %sub3A_846 : vector<16xf32>
          %add3A_848 = arith.addf %scan3A_789, %mul3A_847 : vector<16xf32>
          %sub3A_849 = arith.subf %gather3A_845, %gather3A_802 : vector<16xf32>
          %mul3A_850 = arith.mulf %sub3A_849, %sub3A_849 : vector<16xf32>
          %add3A_851 = arith.addf %scan3A_790, %mul3A_850 : vector<16xf32>
          %gather3A_852 = tpu.vector_load_idx %arg9[%add3A_422, %and3A_801] : memref<512x32xf32, #tpu.memory_space<vmem>>[vector<16xi32>, vector<16xi32>], vector<16xf32>,
          %sub3A_853 = arith.subf %gather3A_852, %gather3A : vector<16xf32>
          %mul3A_854 = arith.mulf %sub3A_853, %sub3A_853 : vector<16xf32>
          %add3A_855 = arith.addf %scan3A_791, %mul3A_854 : vector<16xf32>
          %sub3A_856 = arith.subf %gather3A_852, %gather3A_802 : vector<16xf32>
          %mul3A_857 = arith.mulf %sub3A_856, %sub3A_856 : vector<16xf32>
          %add3A_858 = arith.addf %scan3A_792, %mul3A_857 : vector<16xf32>
          %scan3A_859 = arith.constant 1 : i32
          %scan3A_860 = arith.addi %scan3A_776, %scan3A_859 : i32
          %mul3A_861 = arith.constant 1 : i32
          %mul3A_862 = arith.muli %scan3A_860, %mul3A_861 : i32
          %add3A_863 = arith.constant 0 : i32
          %add3A_864 = arith.addi %add3A_863, %mul3A_862 : i32
          %add3A_865 = vector.broadcast %add3A_864 : i32 to vector<16xi32>
          %add3A_866 = arith.addi %iota3A, %add3A_865 : vector<16xi32>
          %and3A_867 = arith.constant 31 : i32
          %and3A_868 = vector.broadcast %and3A_867 : i32 to vector<16xi32>
          %and3A_869 = arith.andi %add3A_866, %and3A_868 : vector<16xi32>
          %gather3A_870 = tpu.vector_load_idx %arg5[%broadcast_in_dim3A_3, %and3A_869] : memref<2x32xf32, #tpu.memory_space<vmem>>[vector<16xi32>, vector<16xi32>], vector<16xf32>,
          %gather3A_871 = tpu.vector_load_idx %arg5[%broadcast_in_dim3A_5, %and3A_869] : memref<2x32xf32, #tpu.memory_space<vmem>>[vector<16xi32>, vector<16xi32>], vector<16xf32>,
          %gather3A_872 = tpu.vector_load_idx %arg9[%add3A_394, %and3A_869] : memref<512x32xf32, #tpu.memory_space<vmem>>[vector<16xi32>, vector<16xi32>], vector<16xf32>,
          %sub3A_873 = arith.subf %gather3A_872, %gather3A_870 : vector<16xf32>
          %mul3A_874 = arith.mulf %sub3A_873, %sub3A_873 : vector<16xf32>
          %add3A_875 = arith.addf %add3A_806, %mul3A_874 : vector<16xf32>
          %sub3A_876 = arith.subf %gather3A_872, %gather3A_871 : vector<16xf32>
          %mul3A_877 = arith.mulf %sub3A_876, %sub3A_876 : vector<16xf32>
          %add3A_878 = arith.addf %add3A_809, %mul3A_877 : vector<16xf32>
          %gather3A_879 = tpu.vector_load_idx %arg9[%add3A_398, %and3A_869] : memref<512x32xf32, #tpu.memory_space<vmem>>[vector<16xi32>, vector<16xi32>], vector<16xf32>,
          %sub3A_880 = arith.subf %gather3A_879, %gather3A_870 : vector<16xf32>
          %mul3A_881 = arith.mulf %sub3A_880, %sub3A_880 : vector<16xf32>
          %add3A_882 = arith.addf %add3A_813, %mul3A_881 : vector<16xf32>
          %sub3A_883 = arith.subf %gather3A_879, %gather3A_871 : vector<16xf32>
          %mul3A_884 = arith.mulf %sub3A_883, %sub3A_883 : vector<16xf32>
          %add3A_885 = arith.addf %add3A_816, %mul3A_884 : vector<16xf32>
          %gather3A_886 = tpu.vector_load_idx %arg9[%add3A_402, %and3A_869] : memref<512x32xf32, #tpu.memory_space<vmem>>[vector<16xi32>, vector<16xi32>], vector<16xf32>,
          %sub3A_887 = arith.subf %gather3A_886, %gather3A_870 : vector<16xf32>
          %mul3A_888 = arith.mulf %sub3A_887, %sub3A_887 : vector<16xf32>
          %add3A_889 = arith.addf %add3A_820, %mul3A_888 : vector<16xf32>
          %sub3A_890 = arith.subf %gather3A_886, %gather3A_871 : vector<16xf32>
          %mul3A_891 = arith.mulf %sub3A_890, %sub3A_890 : vector<16xf32>
          %add3A_892 = arith.addf %add3A_823, %mul3A_891 : vector<16xf32>
          %gather3A_893 = tpu.vector_load_idx %arg9[%add3A_406, %and3A_869] : memref<512x32xf32, #tpu.memory_space<vmem>>[vector<16xi32>, vector<16xi32>], vector<16xf32>,
          %sub3A_894 = arith.subf %gather3A_893, %gather3A_870 : vector<16xf32>
          %mul3A_895 = arith.mulf %sub3A_894, %sub3A_894 : vector<16xf32>
          %add3A_896 = arith.addf %add3A_827, %mul3A_895 : vector<16xf32>
          %sub3A_897 = arith.subf %gather3A_893, %gather3A_871 : vector<16xf32>
          %mul3A_898 = arith.mulf %sub3A_897, %sub3A_897 : vector<16xf32>
          %add3A_899 = arith.addf %add3A_830, %mul3A_898 : vector<16xf32>
          %gather3A_900 = tpu.vector_load_idx %arg9[%add3A_410, %and3A_869] : memref<512x32xf32, #tpu.memory_space<vmem>>[vector<16xi32>, vector<16xi32>], vector<16xf32>,
          %sub3A_901 = arith.subf %gather3A_900, %gather3A_870 : vector<16xf32>
          %mul3A_902 = arith.mulf %sub3A_901, %sub3A_901 : vector<16xf32>
          %add3A_903 = arith.addf %add3A_834, %mul3A_902 : vector<16xf32>
          %sub3A_904 = arith.subf %gather3A_900, %gather3A_871 : vector<16xf32>
          %mul3A_905 = arith.mulf %sub3A_904, %sub3A_904 : vector<16xf32>
          %add3A_906 = arith.addf %add3A_837, %mul3A_905 : vector<16xf32>
          %gather3A_907 = tpu.vector_load_idx %arg9[%add3A_414, %and3A_869] : memref<512x32xf32, #tpu.memory_space<vmem>>[vector<16xi32>, vector<16xi32>], vector<16xf32>,
          %sub3A_908 = arith.subf %gather3A_907, %gather3A_870 : vector<16xf32>
          %mul3A_909 = arith.mulf %sub3A_908, %sub3A_908 : vector<16xf32>
          %add3A_910 = arith.addf %add3A_841, %mul3A_909 : vector<16xf32>
          %sub3A_911 = arith.subf %gather3A_907, %gather3A_871 : vector<16xf32>
          %mul3A_912 = arith.mulf %sub3A_911, %sub3A_911 : vector<16xf32>
          %add3A_913 = arith.addf %add3A_844, %mul3A_912 : vector<16xf32>
          %gather3A_914 = tpu.vector_load_idx %arg9[%add3A_418, %and3A_869] : memref<512x32xf32, #tpu.memory_space<vmem>>[vector<16xi32>, vector<16xi32>], vector<16xf32>,
          %sub3A_915 = arith.subf %gather3A_914, %gather3A_870 : vector<16xf32>
          %mul3A_916 = arith.mulf %sub3A_915, %sub3A_915 : vector<16xf32>
          %add3A_917 = arith.addf %add3A_848, %mul3A_916 : vector<16xf32>
          %sub3A_918 = arith.subf %gather3A_914, %gather3A_871 : vector<16xf32>
          %mul3A_919 = arith.mulf %sub3A_918, %sub3A_918 : vector<16xf32>
          %add3A_920 = arith.addf %add3A_851, %mul3A_919 : vector<16xf32>
          %gather3A_921 = tpu.vector_load_idx %arg9[%add3A_422, %and3A_869] : memref<512x32xf32, #tpu.memory_space<vmem>>[vector<16xi32>, vector<16xi32>], vector<16xf32>,
          %sub3A_922 = arith.subf %gather3A_921, %gather3A_870 : vector<16xf32>
          %mul3A_923 = arith.mulf %sub3A_922, %sub3A_922 : vector<16xf32>
          %add3A_924 = arith.addf %add3A_855, %mul3A_923 : vector<16xf32>
          %sub3A_925 = arith.subf %gather3A_921, %gather3A_871 : vector<16xf32>
          %mul3A_926 = arith.mulf %sub3A_925, %sub3A_925 : vector<16xf32>
          %add3A_927 = arith.addf %add3A_858, %mul3A_926 : vector<16xf32>
          %scan3A_928 = arith.constant 2 : i32
          %scan3A_929 = arith.addi %scan3A_776, %scan3A_928 : i32
          %mul3A_930 = arith.constant 1 : i32
          %mul3A_931 = arith.muli %scan3A_929, %mul3A_930 : i32
          %add3A_932 = arith.constant 0 : i32
          %add3A_933 = arith.addi %add3A_932, %mul3A_931 : i32
          %add3A_934 = vector.broadcast %add3A_933 : i32 to vector<16xi32>
          %add3A_935 = arith.addi %iota3A, %add3A_934 : vector<16xi32>
          %and3A_936 = arith.constant 31 : i32
          %and3A_937 = vector.broadcast %and3A_936 : i32 to vector<16xi32>
          %and3A_938 = arith.andi %add3A_935, %and3A_937 : vector<16xi32>
          %gather3A_939 = tpu.vector_load_idx %arg5[%broadcast_in_dim3A_3, %and3A_938] : memref<2x32xf32, #tpu.memory_space<vmem>>[vector<16xi32>, vector<16xi32>], vector<16xf32>,
          %gather3A_940 = tpu.vector_load_idx %arg5[%broadcast_in_dim3A_5, %and3A_938] : memref<2x32xf32, #tpu.memory_space<vmem>>[vector<16xi32>, vector<16xi32>], vector<16xf32>,
          %gather3A_941 = tpu.vector_load_idx %arg9[%add3A_394, %and3A_938] : memref<512x32xf32, #tpu.memory_space<vmem>>[vector<16xi32>, vector<16xi32>], vector<16xf32>,
          %sub3A_942 = arith.subf %gather3A_941, %gather3A_939 : vector<16xf32>
          %mul3A_943 = arith.mulf %sub3A_942, %sub3A_942 : vector<16xf32>
          %add3A_944 = arith.addf %add3A_875, %mul3A_943 : vector<16xf32>
          %sub3A_945 = arith.subf %gather3A_941, %gather3A_940 : vector<16xf32>
          %mul3A_946 = arith.mulf %sub3A_945, %sub3A_945 : vector<16xf32>
          %add3A_947 = arith.addf %add3A_878, %mul3A_946 : vector<16xf32>
          %gather3A_948 = tpu.vector_load_idx %arg9[%add3A_398, %and3A_938] : memref<512x32xf32, #tpu.memory_space<vmem>>[vector<16xi32>, vector<16xi32>], vector<16xf32>,
          %sub3A_949 = arith.subf %gather3A_948, %gather3A_939 : vector<16xf32>
          %mul3A_950 = arith.mulf %sub3A_949, %sub3A_949 : vector<16xf32>
          %add3A_951 = arith.addf %add3A_882, %mul3A_950 : vector<16xf32>
          %sub3A_952 = arith.subf %gather3A_948, %gather3A_940 : vector<16xf32>
          %mul3A_953 = arith.mulf %sub3A_952, %sub3A_952 : vector<16xf32>
          %add3A_954 = arith.addf %add3A_885, %mul3A_953 : vector<16xf32>
          %gather3A_955 = tpu.vector_load_idx %arg9[%add3A_402, %and3A_938] : memref<512x32xf32, #tpu.memory_space<vmem>>[vector<16xi32>, vector<16xi32>], vector<16xf32>,
          %sub3A_956 = arith.subf %gather3A_955, %gather3A_939 : vector<16xf32>
          %mul3A_957 = arith.mulf %sub3A_956, %sub3A_956 : vector<16xf32>
          %add3A_958 = arith.addf %add3A_889, %mul3A_957 : vector<16xf32>
          %sub3A_959 = arith.subf %gather3A_955, %gather3A_940 : vector<16xf32>
          %mul3A_960 = arith.mulf %sub3A_959, %sub3A_959 : vector<16xf32>
          %add3A_961 = arith.addf %add3A_892, %mul3A_960 : vector<16xf32>
          %gather3A_962 = tpu.vector_load_idx %arg9[%add3A_406, %and3A_938] : memref<512x32xf32, #tpu.memory_space<vmem>>[vector<16xi32>, vector<16xi32>], vector<16xf32>,
          %sub3A_963 = arith.subf %gather3A_962, %gather3A_939 : vector<16xf32>
          %mul3A_964 = arith.mulf %sub3A_963, %sub3A_963 : vector<16xf32>
          %add3A_965 = arith.addf %add3A_896, %mul3A_964 : vector<16xf32>
          %sub3A_966 = arith.subf %gather3A_962, %gather3A_940 : vector<16xf32>
          %mul3A_967 = arith.mulf %sub3A_966, %sub3A_966 : vector<16xf32>
          %add3A_968 = arith.addf %add3A_899, %mul3A_967 : vector<16xf32>
          %gather3A_969 = tpu.vector_load_idx %arg9[%add3A_410, %and3A_938] : memref<512x32xf32, #tpu.memory_space<vmem>>[vector<16xi32>, vector<16xi32>], vector<16xf32>,
          %sub3A_970 = arith.subf %gather3A_969, %gather3A_939 : vector<16xf32>
          %mul3A_971 = arith.mulf %sub3A_970, %sub3A_970 : vector<16xf32>
          %add3A_972 = arith.addf %add3A_903, %mul3A_971 : vector<16xf32>
          %sub3A_973 = arith.subf %gather3A_969, %gather3A_940 : vector<16xf32>
          %mul3A_974 = arith.mulf %sub3A_973, %sub3A_973 : vector<16xf32>
          %add3A_975 = arith.addf %add3A_906, %mul3A_974 : vector<16xf32>
          %gather3A_976 = tpu.vector_load_idx %arg9[%add3A_414, %and3A_938] : memref<512x32xf32, #tpu.memory_space<vmem>>[vector<16xi32>, vector<16xi32>], vector<16xf32>,
          %sub3A_977 = arith.subf %gather3A_976, %gather3A_939 : vector<16xf32>
          %mul3A_978 = arith.mulf %sub3A_977, %sub3A_977 : vector<16xf32>
          %add3A_979 = arith.addf %add3A_910, %mul3A_978 : vector<16xf32>
          %sub3A_980 = arith.subf %gather3A_976, %gather3A_940 : vector<16xf32>
          %mul3A_981 = arith.mulf %sub3A_980, %sub3A_980 : vector<16xf32>
          %add3A_982 = arith.addf %add3A_913, %mul3A_981 : vector<16xf32>
          %gather3A_983 = tpu.vector_load_idx %arg9[%add3A_418, %and3A_938] : memref<512x32xf32, #tpu.memory_space<vmem>>[vector<16xi32>, vector<16xi32>], vector<16xf32>,
          %sub3A_984 = arith.subf %gather3A_983, %gather3A_939 : vector<16xf32>
          %mul3A_985 = arith.mulf %sub3A_984, %sub3A_984 : vector<16xf32>
          %add3A_986 = arith.addf %add3A_917, %mul3A_985 : vector<16xf32>
          %sub3A_987 = arith.subf %gather3A_983, %gather3A_940 : vector<16xf32>
          %mul3A_988 = arith.mulf %sub3A_987, %sub3A_987 : vector<16xf32>
          %add3A_989 = arith.addf %add3A_920, %mul3A_988 : vector<16xf32>
          %gather3A_990 = tpu.vector_load_idx %arg9[%add3A_422, %and3A_938] : memref<512x32xf32, #tpu.memory_space<vmem>>[vector<16xi32>, vector<16xi32>], vector<16xf32>,
          %sub3A_991 = arith.subf %gather3A_990, %gather3A_939 : vector<16xf32>
          %mul3A_992 = arith.mulf %sub3A_991, %sub3A_991 : vector<16xf32>
          %add3A_993 = arith.addf %add3A_924, %mul3A_992 : vector<16xf32>
          %sub3A_994 = arith.subf %gather3A_990, %gather3A_940 : vector<16xf32>
          %mul3A_995 = arith.mulf %sub3A_994, %sub3A_994 : vector<16xf32>
          %add3A_996 = arith.addf %add3A_927, %mul3A_995 : vector<16xf32>
          %scan3A_997 = arith.constant 3 : i32
          %scan3A_998 = arith.addi %scan3A_776, %scan3A_997 : i32
          %mul3A_999 = arith.constant 1 : i32
          %mul3A_1000 = arith.muli %scan3A_998, %mul3A_999 : i32
          %add3A_1001 = arith.constant 0 : i32
          %add3A_1002 = arith.addi %add3A_1001, %mul3A_1000 : i32
          %add3A_1003 = vector.broadcast %add3A_1002 : i32 to vector<16xi32>
          %add3A_1004 = arith.addi %iota3A, %add3A_1003 : vector<16xi32>
          %and3A_1005 = arith.constant 31 : i32
          %and3A_1006 = vector.broadcast %and3A_1005 : i32 to vector<16xi32>
          %and3A_1007 = arith.andi %add3A_1004, %and3A_1006 : vector<16xi32>
          %gather3A_1008 = tpu.vector_load_idx %arg5[%broadcast_in_dim3A_3, %and3A_1007] : memref<2x32xf32, #tpu.memory_space<vmem>>[vector<16xi32>, vector<16xi32>], vector<16xf32>,
          %gather3A_1009 = tpu.vector_load_idx %arg5[%broadcast_in_dim3A_5, %and3A_1007] : memref<2x32xf32, #tpu.memory_space<vmem>>[vector<16xi32>, vector<16xi32>], vector<16xf32>,
          %gather3A_1010 = tpu.vector_load_idx %arg9[%add3A_394, %and3A_1007] : memref<512x32xf32, #tpu.memory_space<vmem>>[vector<16xi32>, vector<16xi32>], vector<16xf32>,
          %sub3A_1011 = arith.subf %gather3A_1010, %gather3A_1008 : vector<16xf32>
          %mul3A_1012 = arith.mulf %sub3A_1011, %sub3A_1011 : vector<16xf32>
          %add3A_1013 = arith.addf %add3A_944, %mul3A_1012 : vector<16xf32>
          %sub3A_1014 = arith.subf %gather3A_1010, %gather3A_1009 : vector<16xf32>
          %mul3A_1015 = arith.mulf %sub3A_1014, %sub3A_1014 : vector<16xf32>
          %add3A_1016 = arith.addf %add3A_947, %mul3A_1015 : vector<16xf32>
          %gather3A_1017 = tpu.vector_load_idx %arg9[%add3A_398, %and3A_1007] : memref<512x32xf32, #tpu.memory_space<vmem>>[vector<16xi32>, vector<16xi32>], vector<16xf32>,
          %sub3A_1018 = arith.subf %gather3A_1017, %gather3A_1008 : vector<16xf32>
          %mul3A_1019 = arith.mulf %sub3A_1018, %sub3A_1018 : vector<16xf32>
          %add3A_1020 = arith.addf %add3A_951, %mul3A_1019 : vector<16xf32>
          %sub3A_1021 = arith.subf %gather3A_1017, %gather3A_1009 : vector<16xf32>
          %mul3A_1022 = arith.mulf %sub3A_1021, %sub3A_1021 : vector<16xf32>
          %add3A_1023 = arith.addf %add3A_954, %mul3A_1022 : vector<16xf32>
          %gather3A_1024 = tpu.vector_load_idx %arg9[%add3A_402, %and3A_1007] : memref<512x32xf32, #tpu.memory_space<vmem>>[vector<16xi32>, vector<16xi32>], vector<16xf32>,
          %sub3A_1025 = arith.subf %gather3A_1024, %gather3A_1008 : vector<16xf32>
          %mul3A_1026 = arith.mulf %sub3A_1025, %sub3A_1025 : vector<16xf32>
          %add3A_1027 = arith.addf %add3A_958, %mul3A_1026 : vector<16xf32>
          %sub3A_1028 = arith.subf %gather3A_1024, %gather3A_1009 : vector<16xf32>
          %mul3A_1029 = arith.mulf %sub3A_1028, %sub3A_1028 : vector<16xf32>
          %add3A_1030 = arith.addf %add3A_961, %mul3A_1029 : vector<16xf32>
          %gather3A_1031 = tpu.vector_load_idx %arg9[%add3A_406, %and3A_1007] : memref<512x32xf32, #tpu.memory_space<vmem>>[vector<16xi32>, vector<16xi32>], vector<16xf32>,
          %sub3A_1032 = arith.subf %gather3A_1031, %gather3A_1008 : vector<16xf32>
          %mul3A_1033 = arith.mulf %sub3A_1032, %sub3A_1032 : vector<16xf32>
          %add3A_1034 = arith.addf %add3A_965, %mul3A_1033 : vector<16xf32>
          %sub3A_1035 = arith.subf %gather3A_1031, %gather3A_1009 : vector<16xf32>
          %mul3A_1036 = arith.mulf %sub3A_1035, %sub3A_1035 : vector<16xf32>
          %add3A_1037 = arith.addf %add3A_968, %mul3A_1036 : vector<16xf32>
          %gather3A_1038 = tpu.vector_load_idx %arg9[%add3A_410, %and3A_1007] : memref<512x32xf32, #tpu.memory_space<vmem>>[vector<16xi32>, vector<16xi32>], vector<16xf32>,
          %sub3A_1039 = arith.subf %gather3A_1038, %gather3A_1008 : vector<16xf32>
          %mul3A_1040 = arith.mulf %sub3A_1039, %sub3A_1039 : vector<16xf32>
          %add3A_1041 = arith.addf %add3A_972, %mul3A_1040 : vector<16xf32>
          %sub3A_1042 = arith.subf %gather3A_1038, %gather3A_1009 : vector<16xf32>
          %mul3A_1043 = arith.mulf %sub3A_1042, %sub3A_1042 : vector<16xf32>
          %add3A_1044 = arith.addf %add3A_975, %mul3A_1043 : vector<16xf32>
          %gather3A_1045 = tpu.vector_load_idx %arg9[%add3A_414, %and3A_1007] : memref<512x32xf32, #tpu.memory_space<vmem>>[vector<16xi32>, vector<16xi32>], vector<16xf32>,
          %sub3A_1046 = arith.subf %gather3A_1045, %gather3A_1008 : vector<16xf32>
          %mul3A_1047 = arith.mulf %sub3A_1046, %sub3A_1046 : vector<16xf32>
          %add3A_1048 = arith.addf %add3A_979, %mul3A_1047 : vector<16xf32>
          %sub3A_1049 = arith.subf %gather3A_1045, %gather3A_1009 : vector<16xf32>
          %mul3A_1050 = arith.mulf %sub3A_1049, %sub3A_1049 : vector<16xf32>
          %add3A_1051 = arith.addf %add3A_982, %mul3A_1050 : vector<16xf32>
          %gather3A_1052 = tpu.vector_load_idx %arg9[%add3A_418, %and3A_1007] : memref<512x32xf32, #tpu.memory_space<vmem>>[vector<16xi32>, vector<16xi32>], vector<16xf32>,
          %sub3A_1053 = arith.subf %gather3A_1052, %gather3A_1008 : vector<16xf32>
          %mul3A_1054 = arith.mulf %sub3A_1053, %sub3A_1053 : vector<16xf32>
          %add3A_1055 = arith.addf %add3A_986, %mul3A_1054 : vector<16xf32>
          %sub3A_1056 = arith.subf %gather3A_1052, %gather3A_1009 : vector<16xf32>
          %mul3A_1057 = arith.mulf %sub3A_1056, %sub3A_1056 : vector<16xf32>
          %add3A_1058 = arith.addf %add3A_989, %mul3A_1057 : vector<16xf32>
          %gather3A_1059 = tpu.vector_load_idx %arg9[%add3A_422, %and3A_1007] : memref<512x32xf32, #tpu.memory_space<vmem>>[vector<16xi32>, vector<16xi32>], vector<16xf32>,
          %sub3A_1060 = arith.subf %gather3A_1059, %gather3A_1008 : vector<16xf32>
          %mul3A_1061 = arith.mulf %sub3A_1060, %sub3A_1060 : vector<16xf32>
          %add3A_1062 = arith.addf %add3A_993, %mul3A_1061 : vector<16xf32>
          %sub3A_1063 = arith.subf %gather3A_1059, %gather3A_1009 : vector<16xf32>
          %mul3A_1064 = arith.mulf %sub3A_1063, %sub3A_1063 : vector<16xf32>
          %add3A_1065 = arith.addf %add3A_996, %mul3A_1064 : vector<16xf32>
          scf.yield %add3A_1013, %add3A_1016, %add3A_1020, %add3A_1023, %add3A_1027, %add3A_1030, %add3A_1034, %add3A_1037, %add3A_1041, %add3A_1044, %add3A_1048, %add3A_1051, %add3A_1055, %add3A_1058, %add3A_1062, %add3A_1065 : vector<16xf32>, vector<16xf32>, vector<16xf32>, vector<16xf32>, vector<16xf32>, vector<16xf32>, vector<16xf32>, vector<16xf32>, vector<16xf32>, vector<16xf32>, vector<16xf32>, vector<16xf32>, vector<16xf32>, vector<16xf32>, vector<16xf32>, vector<16xf32>
        }
        %scan3A_428 = arith.constant 32 : i32
        %min3A = arith.minimumf %scan3A_427#0, %scan3A_427#1 : vector<16xf32>
        %add3A_429 = arith.constant 9.99999996E-13 : f32
        %add3A_430 = vector.broadcast %add3A_429 : f32 to vector<16xf32>
        %add3A_431 = arith.addf %min3A, %add3A_430 : vector<16xf32>
        %bitcast_convert_type3A = tpu.bitcast %add3A_431 : vector<16xf32> -> vector<16xi32>
        %shift_right_arithmetic3A = arith.constant 1 : i32
        %shift_right_arithmetic3A_432 = vector.broadcast %shift_right_arithmetic3A : i32 to vector<16xi32>
        %shift_right_arithmetic3A_433 = arith.shrsi %bitcast_convert_type3A, %shift_right_arithmetic3A_432 : vector<16xi32>
        %sub3A = arith.constant 1597463007 : i32
        %sub3A_434 = vector.broadcast %sub3A : i32 to vector<16xi32>
        %sub3A_435 = arith.subi %sub3A_434, %shift_right_arithmetic3A_433 : vector<16xi32>
        %bitcast_convert_type3A_436 = tpu.bitcast %sub3A_435 : vector<16xi32> -> vector<16xf32>
        %mul3A_437 = arith.constant 5.000000e-01 : f32
        %mul3A_438 = vector.broadcast %mul3A_437 : f32 to vector<16xf32>
        %mul3A_439 = arith.mulf %mul3A_438, %add3A_431 : vector<16xf32>
        %mul3A_440 = arith.mulf %mul3A_439, %bitcast_convert_type3A_436 : vector<16xf32>
        %mul3A_441 = arith.mulf %mul3A_440, %bitcast_convert_type3A_436 : vector<16xf32>
        %sub3A_442 = arith.constant 1.500000e+00 : f32
        %sub3A_443 = vector.broadcast %sub3A_442 : f32 to vector<16xf32>
        %sub3A_444 = arith.subf %sub3A_443, %mul3A_441 : vector<16xf32>
        %mul3A_445 = arith.mulf %bitcast_convert_type3A_436, %sub3A_444 : vector<16xf32>
        %mul3A_446 = arith.constant 5.000000e-01 : f32
        %mul3A_447 = vector.broadcast %mul3A_446 : f32 to vector<16xf32>
        %mul3A_448 = arith.mulf %mul3A_447, %add3A_431 : vector<16xf32>
        %mul3A_449 = arith.mulf %mul3A_448, %mul3A_445 : vector<16xf32>
        %mul3A_450 = arith.mulf %mul3A_449, %mul3A_445 : vector<16xf32>
        %sub3A_451 = arith.constant 1.500000e+00 : f32
        %sub3A_452 = vector.broadcast %sub3A_451 : f32 to vector<16xf32>
        %sub3A_453 = arith.subf %sub3A_452, %mul3A_450 : vector<16xf32>
        %mul3A_454 = arith.mulf %mul3A_445, %sub3A_453 : vector<16xf32>
        %mul3A_455 = arith.constant 5.000000e-01 : f32
        %mul3A_456 = vector.broadcast %mul3A_455 : f32 to vector<16xf32>
        %mul3A_457 = arith.mulf %mul3A_456, %add3A_431 : vector<16xf32>
        %mul3A_458 = arith.mulf %mul3A_457, %mul3A_454 : vector<16xf32>
        %mul3A_459 = arith.mulf %mul3A_458, %mul3A_454 : vector<16xf32>
        %sub3A_460 = arith.constant 1.500000e+00 : f32
        %sub3A_461 = vector.broadcast %sub3A_460 : f32 to vector<16xf32>
        %sub3A_462 = arith.subf %sub3A_461, %mul3A_459 : vector<16xf32>
        %mul3A_463 = arith.mulf %mul3A_454, %sub3A_462 : vector<16xf32>
        %mul3A_464 = arith.mulf %add3A_431, %mul3A_463 : vector<16xf32>
        %add3A_465 = arith.constant 0 : i32
        %add3A_466 = arith.addi %mul3A_358, %add3A_465 : i32
        %swap3A = arith.index_cast %add3A_466 : i32 to index
        %swap3A_467 = tpu.vector_load %arg11[%swap3A] {strides = array<i32>} : memref<512xf32, #tpu.memory_space<vmem>>, vector<16xf32>,
        tpu.vector_store %arg11[%swap3A], %mul3A_464 {strides = array<i32>} : memref<512xf32, #tpu.memory_space<vmem>>, vector<16xf32>,
        %min3A_468 = arith.minimumf %scan3A_427#2, %scan3A_427#3 : vector<16xf32>
        %add3A_469 = arith.constant 9.99999996E-13 : f32
        %add3A_470 = vector.broadcast %add3A_469 : f32 to vector<16xf32>
        %add3A_471 = arith.addf %min3A_468, %add3A_470 : vector<16xf32>
        %bitcast_convert_type3A_472 = tpu.bitcast %add3A_471 : vector<16xf32> -> vector<16xi32>
        %shift_right_arithmetic3A_473 = arith.constant 1 : i32
        %shift_right_arithmetic3A_474 = vector.broadcast %shift_right_arithmetic3A_473 : i32 to vector<16xi32>
        %shift_right_arithmetic3A_475 = arith.shrsi %bitcast_convert_type3A_472, %shift_right_arithmetic3A_474 : vector<16xi32>
        %sub3A_476 = arith.constant 1597463007 : i32
        %sub3A_477 = vector.broadcast %sub3A_476 : i32 to vector<16xi32>
        %sub3A_478 = arith.subi %sub3A_477, %shift_right_arithmetic3A_475 : vector<16xi32>
        %bitcast_convert_type3A_479 = tpu.bitcast %sub3A_478 : vector<16xi32> -> vector<16xf32>
        %mul3A_480 = arith.constant 5.000000e-01 : f32
        %mul3A_481 = vector.broadcast %mul3A_480 : f32 to vector<16xf32>
        %mul3A_482 = arith.mulf %mul3A_481, %add3A_471 : vector<16xf32>
        %mul3A_483 = arith.mulf %mul3A_482, %bitcast_convert_type3A_479 : vector<16xf32>
        %mul3A_484 = arith.mulf %mul3A_483, %bitcast_convert_type3A_479 : vector<16xf32>
        %sub3A_485 = arith.constant 1.500000e+00 : f32
        %sub3A_486 = vector.broadcast %sub3A_485 : f32 to vector<16xf32>
        %sub3A_487 = arith.subf %sub3A_486, %mul3A_484 : vector<16xf32>
        %mul3A_488 = arith.mulf %bitcast_convert_type3A_479, %sub3A_487 : vector<16xf32>
        %mul3A_489 = arith.constant 5.000000e-01 : f32
        %mul3A_490 = vector.broadcast %mul3A_489 : f32 to vector<16xf32>
        %mul3A_491 = arith.mulf %mul3A_490, %add3A_471 : vector<16xf32>
        %mul3A_492 = arith.mulf %mul3A_491, %mul3A_488 : vector<16xf32>
        %mul3A_493 = arith.mulf %mul3A_492, %mul3A_488 : vector<16xf32>
        %sub3A_494 = arith.constant 1.500000e+00 : f32
        %sub3A_495 = vector.broadcast %sub3A_494 : f32 to vector<16xf32>
        %sub3A_496 = arith.subf %sub3A_495, %mul3A_493 : vector<16xf32>
        %mul3A_497 = arith.mulf %mul3A_488, %sub3A_496 : vector<16xf32>
        %mul3A_498 = arith.constant 5.000000e-01 : f32
        %mul3A_499 = vector.broadcast %mul3A_498 : f32 to vector<16xf32>
        %mul3A_500 = arith.mulf %mul3A_499, %add3A_471 : vector<16xf32>
        %mul3A_501 = arith.mulf %mul3A_500, %mul3A_497 : vector<16xf32>
        %mul3A_502 = arith.mulf %mul3A_501, %mul3A_497 : vector<16xf32>
        %sub3A_503 = arith.constant 1.500000e+00 : f32
        %sub3A_504 = vector.broadcast %sub3A_503 : f32 to vector<16xf32>
        %sub3A_505 = arith.subf %sub3A_504, %mul3A_502 : vector<16xf32>
        %mul3A_506 = arith.mulf %mul3A_497, %sub3A_505 : vector<16xf32>
        %mul3A_507 = arith.mulf %add3A_471, %mul3A_506 : vector<16xf32>
        %add3A_508 = arith.constant 16 : i32
        %add3A_509 = arith.addi %mul3A_358, %add3A_508 : i32
        %swap3A_510 = arith.index_cast %add3A_509 : i32 to index
        %swap3A_511 = tpu.vector_load %arg11[%swap3A_510] {strides = array<i32>} : memref<512xf32, #tpu.memory_space<vmem>>, vector<16xf32>,
        tpu.vector_store %arg11[%swap3A_510], %mul3A_507 {strides = array<i32>} : memref<512xf32, #tpu.memory_space<vmem>>, vector<16xf32>,
        %min3A_512 = arith.minimumf %scan3A_427#4, %scan3A_427#5 : vector<16xf32>
        %add3A_513 = arith.constant 9.99999996E-13 : f32
        %add3A_514 = vector.broadcast %add3A_513 : f32 to vector<16xf32>
        %add3A_515 = arith.addf %min3A_512, %add3A_514 : vector<16xf32>
        %bitcast_convert_type3A_516 = tpu.bitcast %add3A_515 : vector<16xf32> -> vector<16xi32>
        %shift_right_arithmetic3A_517 = arith.constant 1 : i32
        %shift_right_arithmetic3A_518 = vector.broadcast %shift_right_arithmetic3A_517 : i32 to vector<16xi32>
        %shift_right_arithmetic3A_519 = arith.shrsi %bitcast_convert_type3A_516, %shift_right_arithmetic3A_518 : vector<16xi32>
        %sub3A_520 = arith.constant 1597463007 : i32
        %sub3A_521 = vector.broadcast %sub3A_520 : i32 to vector<16xi32>
        %sub3A_522 = arith.subi %sub3A_521, %shift_right_arithmetic3A_519 : vector<16xi32>
        %bitcast_convert_type3A_523 = tpu.bitcast %sub3A_522 : vector<16xi32> -> vector<16xf32>
        %mul3A_524 = arith.constant 5.000000e-01 : f32
        %mul3A_525 = vector.broadcast %mul3A_524 : f32 to vector<16xf32>
        %mul3A_526 = arith.mulf %mul3A_525, %add3A_515 : vector<16xf32>
        %mul3A_527 = arith.mulf %mul3A_526, %bitcast_convert_type3A_523 : vector<16xf32>
        %mul3A_528 = arith.mulf %mul3A_527, %bitcast_convert_type3A_523 : vector<16xf32>
        %sub3A_529 = arith.constant 1.500000e+00 : f32
        %sub3A_530 = vector.broadcast %sub3A_529 : f32 to vector<16xf32>
        %sub3A_531 = arith.subf %sub3A_530, %mul3A_528 : vector<16xf32>
        %mul3A_532 = arith.mulf %bitcast_convert_type3A_523, %sub3A_531 : vector<16xf32>
        %mul3A_533 = arith.constant 5.000000e-01 : f32
        %mul3A_534 = vector.broadcast %mul3A_533 : f32 to vector<16xf32>
        %mul3A_535 = arith.mulf %mul3A_534, %add3A_515 : vector<16xf32>
        %mul3A_536 = arith.mulf %mul3A_535, %mul3A_532 : vector<16xf32>
        %mul3A_537 = arith.mulf %mul3A_536, %mul3A_532 : vector<16xf32>
        %sub3A_538 = arith.constant 1.500000e+00 : f32
        %sub3A_539 = vector.broadcast %sub3A_538 : f32 to vector<16xf32>
        %sub3A_540 = arith.subf %sub3A_539, %mul3A_537 : vector<16xf32>
        %mul3A_541 = arith.mulf %mul3A_532, %sub3A_540 : vector<16xf32>
        %mul3A_542 = arith.constant 5.000000e-01 : f32
        %mul3A_543 = vector.broadcast %mul3A_542 : f32 to vector<16xf32>
        %mul3A_544 = arith.mulf %mul3A_543, %add3A_515 : vector<16xf32>
        %mul3A_545 = arith.mulf %mul3A_544, %mul3A_541 : vector<16xf32>
        %mul3A_546 = arith.mulf %mul3A_545, %mul3A_541 : vector<16xf32>
        %sub3A_547 = arith.constant 1.500000e+00 : f32
        %sub3A_548 = vector.broadcast %sub3A_547 : f32 to vector<16xf32>
        %sub3A_549 = arith.subf %sub3A_548, %mul3A_546 : vector<16xf32>
        %mul3A_550 = arith.mulf %mul3A_541, %sub3A_549 : vector<16xf32>
        %mul3A_551 = arith.mulf %add3A_515, %mul3A_550 : vector<16xf32>
        %add3A_552 = arith.constant 32 : i32
        %add3A_553 = arith.addi %mul3A_358, %add3A_552 : i32
        %swap3A_554 = arith.index_cast %add3A_553 : i32 to index
        %swap3A_555 = tpu.vector_load %arg11[%swap3A_554] {strides = array<i32>} : memref<512xf32, #tpu.memory_space<vmem>>, vector<16xf32>,
        tpu.vector_store %arg11[%swap3A_554], %mul3A_551 {strides = array<i32>} : memref<512xf32, #tpu.memory_space<vmem>>, vector<16xf32>,
        %min3A_556 = arith.minimumf %scan3A_427#6, %scan3A_427#7 : vector<16xf32>
        %add3A_557 = arith.constant 9.99999996E-13 : f32
        %add3A_558 = vector.broadcast %add3A_557 : f32 to vector<16xf32>
        %add3A_559 = arith.addf %min3A_556, %add3A_558 : vector<16xf32>
        %bitcast_convert_type3A_560 = tpu.bitcast %add3A_559 : vector<16xf32> -> vector<16xi32>
        %shift_right_arithmetic3A_561 = arith.constant 1 : i32
        %shift_right_arithmetic3A_562 = vector.broadcast %shift_right_arithmetic3A_561 : i32 to vector<16xi32>
        %shift_right_arithmetic3A_563 = arith.shrsi %bitcast_convert_type3A_560, %shift_right_arithmetic3A_562 : vector<16xi32>
        %sub3A_564 = arith.constant 1597463007 : i32
        %sub3A_565 = vector.broadcast %sub3A_564 : i32 to vector<16xi32>
        %sub3A_566 = arith.subi %sub3A_565, %shift_right_arithmetic3A_563 : vector<16xi32>
        %bitcast_convert_type3A_567 = tpu.bitcast %sub3A_566 : vector<16xi32> -> vector<16xf32>
        %mul3A_568 = arith.constant 5.000000e-01 : f32
        %mul3A_569 = vector.broadcast %mul3A_568 : f32 to vector<16xf32>
        %mul3A_570 = arith.mulf %mul3A_569, %add3A_559 : vector<16xf32>
        %mul3A_571 = arith.mulf %mul3A_570, %bitcast_convert_type3A_567 : vector<16xf32>
        %mul3A_572 = arith.mulf %mul3A_571, %bitcast_convert_type3A_567 : vector<16xf32>
        %sub3A_573 = arith.constant 1.500000e+00 : f32
        %sub3A_574 = vector.broadcast %sub3A_573 : f32 to vector<16xf32>
        %sub3A_575 = arith.subf %sub3A_574, %mul3A_572 : vector<16xf32>
        %mul3A_576 = arith.mulf %bitcast_convert_type3A_567, %sub3A_575 : vector<16xf32>
        %mul3A_577 = arith.constant 5.000000e-01 : f32
        %mul3A_578 = vector.broadcast %mul3A_577 : f32 to vector<16xf32>
        %mul3A_579 = arith.mulf %mul3A_578, %add3A_559 : vector<16xf32>
        %mul3A_580 = arith.mulf %mul3A_579, %mul3A_576 : vector<16xf32>
        %mul3A_581 = arith.mulf %mul3A_580, %mul3A_576 : vector<16xf32>
        %sub3A_582 = arith.constant 1.500000e+00 : f32
        %sub3A_583 = vector.broadcast %sub3A_582 : f32 to vector<16xf32>
        %sub3A_584 = arith.subf %sub3A_583, %mul3A_581 : vector<16xf32>
        %mul3A_585 = arith.mulf %mul3A_576, %sub3A_584 : vector<16xf32>
        %mul3A_586 = arith.constant 5.000000e-01 : f32
        %mul3A_587 = vector.broadcast %mul3A_586 : f32 to vector<16xf32>
        %mul3A_588 = arith.mulf %mul3A_587, %add3A_559 : vector<16xf32>
        %mul3A_589 = arith.mulf %mul3A_588, %mul3A_585 : vector<16xf32>
        %mul3A_590 = arith.mulf %mul3A_589, %mul3A_585 : vector<16xf32>
        %sub3A_591 = arith.constant 1.500000e+00 : f32
        %sub3A_592 = vector.broadcast %sub3A_591 : f32 to vector<16xf32>
        %sub3A_593 = arith.subf %sub3A_592, %mul3A_590 : vector<16xf32>
        %mul3A_594 = arith.mulf %mul3A_585, %sub3A_593 : vector<16xf32>
        %mul3A_595 = arith.mulf %add3A_559, %mul3A_594 : vector<16xf32>
        %add3A_596 = arith.constant 48 : i32
        %add3A_597 = arith.addi %mul3A_358, %add3A_596 : i32
        %swap3A_598 = arith.index_cast %add3A_597 : i32 to index
        %swap3A_599 = tpu.vector_load %arg11[%swap3A_598] {strides = array<i32>} : memref<512xf32, #tpu.memory_space<vmem>>, vector<16xf32>,
        tpu.vector_store %arg11[%swap3A_598], %mul3A_595 {strides = array<i32>} : memref<512xf32, #tpu.memory_space<vmem>>, vector<16xf32>,
        %min3A_600 = arith.minimumf %scan3A_427#8, %scan3A_427#9 : vector<16xf32>
        %add3A_601 = arith.constant 9.99999996E-13 : f32
        %add3A_602 = vector.broadcast %add3A_601 : f32 to vector<16xf32>
        %add3A_603 = arith.addf %min3A_600, %add3A_602 : vector<16xf32>
        %bitcast_convert_type3A_604 = tpu.bitcast %add3A_603 : vector<16xf32> -> vector<16xi32>
        %shift_right_arithmetic3A_605 = arith.constant 1 : i32
        %shift_right_arithmetic3A_606 = vector.broadcast %shift_right_arithmetic3A_605 : i32 to vector<16xi32>
        %shift_right_arithmetic3A_607 = arith.shrsi %bitcast_convert_type3A_604, %shift_right_arithmetic3A_606 : vector<16xi32>
        %sub3A_608 = arith.constant 1597463007 : i32
        %sub3A_609 = vector.broadcast %sub3A_608 : i32 to vector<16xi32>
        %sub3A_610 = arith.subi %sub3A_609, %shift_right_arithmetic3A_607 : vector<16xi32>
        %bitcast_convert_type3A_611 = tpu.bitcast %sub3A_610 : vector<16xi32> -> vector<16xf32>
        %mul3A_612 = arith.constant 5.000000e-01 : f32
        %mul3A_613 = vector.broadcast %mul3A_612 : f32 to vector<16xf32>
        %mul3A_614 = arith.mulf %mul3A_613, %add3A_603 : vector<16xf32>
        %mul3A_615 = arith.mulf %mul3A_614, %bitcast_convert_type3A_611 : vector<16xf32>
        %mul3A_616 = arith.mulf %mul3A_615, %bitcast_convert_type3A_611 : vector<16xf32>
        %sub3A_617 = arith.constant 1.500000e+00 : f32
        %sub3A_618 = vector.broadcast %sub3A_617 : f32 to vector<16xf32>
        %sub3A_619 = arith.subf %sub3A_618, %mul3A_616 : vector<16xf32>
        %mul3A_620 = arith.mulf %bitcast_convert_type3A_611, %sub3A_619 : vector<16xf32>
        %mul3A_621 = arith.constant 5.000000e-01 : f32
        %mul3A_622 = vector.broadcast %mul3A_621 : f32 to vector<16xf32>
        %mul3A_623 = arith.mulf %mul3A_622, %add3A_603 : vector<16xf32>
        %mul3A_624 = arith.mulf %mul3A_623, %mul3A_620 : vector<16xf32>
        %mul3A_625 = arith.mulf %mul3A_624, %mul3A_620 : vector<16xf32>
        %sub3A_626 = arith.constant 1.500000e+00 : f32
        %sub3A_627 = vector.broadcast %sub3A_626 : f32 to vector<16xf32>
        %sub3A_628 = arith.subf %sub3A_627, %mul3A_625 : vector<16xf32>
        %mul3A_629 = arith.mulf %mul3A_620, %sub3A_628 : vector<16xf32>
        %mul3A_630 = arith.constant 5.000000e-01 : f32
        %mul3A_631 = vector.broadcast %mul3A_630 : f32 to vector<16xf32>
        %mul3A_632 = arith.mulf %mul3A_631, %add3A_603 : vector<16xf32>
        %mul3A_633 = arith.mulf %mul3A_632, %mul3A_629 : vector<16xf32>
        %mul3A_634 = arith.mulf %mul3A_633, %mul3A_629 : vector<16xf32>
        %sub3A_635 = arith.constant 1.500000e+00 : f32
        %sub3A_636 = vector.broadcast %sub3A_635 : f32 to vector<16xf32>
        %sub3A_637 = arith.subf %sub3A_636, %mul3A_634 : vector<16xf32>
        %mul3A_638 = arith.mulf %mul3A_629, %sub3A_637 : vector<16xf32>
        %mul3A_639 = arith.mulf %add3A_603, %mul3A_638 : vector<16xf32>
        %add3A_640 = arith.constant 64 : i32
        %add3A_641 = arith.addi %mul3A_358, %add3A_640 : i32
        %swap3A_642 = arith.index_cast %add3A_641 : i32 to index
        %swap3A_643 = tpu.vector_load %arg11[%swap3A_642] {strides = array<i32>} : memref<512xf32, #tpu.memory_space<vmem>>, vector<16xf32>,
        tpu.vector_store %arg11[%swap3A_642], %mul3A_639 {strides = array<i32>} : memref<512xf32, #tpu.memory_space<vmem>>, vector<16xf32>,
        %min3A_644 = arith.minimumf %scan3A_427#10, %scan3A_427#11 : vector<16xf32>
        %add3A_645 = arith.constant 9.99999996E-13 : f32
        %add3A_646 = vector.broadcast %add3A_645 : f32 to vector<16xf32>
        %add3A_647 = arith.addf %min3A_644, %add3A_646 : vector<16xf32>
        %bitcast_convert_type3A_648 = tpu.bitcast %add3A_647 : vector<16xf32> -> vector<16xi32>
        %shift_right_arithmetic3A_649 = arith.constant 1 : i32
        %shift_right_arithmetic3A_650 = vector.broadcast %shift_right_arithmetic3A_649 : i32 to vector<16xi32>
        %shift_right_arithmetic3A_651 = arith.shrsi %bitcast_convert_type3A_648, %shift_right_arithmetic3A_650 : vector<16xi32>
        %sub3A_652 = arith.constant 1597463007 : i32
        %sub3A_653 = vector.broadcast %sub3A_652 : i32 to vector<16xi32>
        %sub3A_654 = arith.subi %sub3A_653, %shift_right_arithmetic3A_651 : vector<16xi32>
        %bitcast_convert_type3A_655 = tpu.bitcast %sub3A_654 : vector<16xi32> -> vector<16xf32>
        %mul3A_656 = arith.constant 5.000000e-01 : f32
        %mul3A_657 = vector.broadcast %mul3A_656 : f32 to vector<16xf32>
        %mul3A_658 = arith.mulf %mul3A_657, %add3A_647 : vector<16xf32>
        %mul3A_659 = arith.mulf %mul3A_658, %bitcast_convert_type3A_655 : vector<16xf32>
        %mul3A_660 = arith.mulf %mul3A_659, %bitcast_convert_type3A_655 : vector<16xf32>
        %sub3A_661 = arith.constant 1.500000e+00 : f32
        %sub3A_662 = vector.broadcast %sub3A_661 : f32 to vector<16xf32>
        %sub3A_663 = arith.subf %sub3A_662, %mul3A_660 : vector<16xf32>
        %mul3A_664 = arith.mulf %bitcast_convert_type3A_655, %sub3A_663 : vector<16xf32>
        %mul3A_665 = arith.constant 5.000000e-01 : f32
        %mul3A_666 = vector.broadcast %mul3A_665 : f32 to vector<16xf32>
        %mul3A_667 = arith.mulf %mul3A_666, %add3A_647 : vector<16xf32>
        %mul3A_668 = arith.mulf %mul3A_667, %mul3A_664 : vector<16xf32>
        %mul3A_669 = arith.mulf %mul3A_668, %mul3A_664 : vector<16xf32>
        %sub3A_670 = arith.constant 1.500000e+00 : f32
        %sub3A_671 = vector.broadcast %sub3A_670 : f32 to vector<16xf32>
        %sub3A_672 = arith.subf %sub3A_671, %mul3A_669 : vector<16xf32>
        %mul3A_673 = arith.mulf %mul3A_664, %sub3A_672 : vector<16xf32>
        %mul3A_674 = arith.constant 5.000000e-01 : f32
        %mul3A_675 = vector.broadcast %mul3A_674 : f32 to vector<16xf32>
        %mul3A_676 = arith.mulf %mul3A_675, %add3A_647 : vector<16xf32>
        %mul3A_677 = arith.mulf %mul3A_676, %mul3A_673 : vector<16xf32>
        %mul3A_678 = arith.mulf %mul3A_677, %mul3A_673 : vector<16xf32>
        %sub3A_679 = arith.constant 1.500000e+00 : f32
        %sub3A_680 = vector.broadcast %sub3A_679 : f32 to vector<16xf32>
        %sub3A_681 = arith.subf %sub3A_680, %mul3A_678 : vector<16xf32>
        %mul3A_682 = arith.mulf %mul3A_673, %sub3A_681 : vector<16xf32>
        %mul3A_683 = arith.mulf %add3A_647, %mul3A_682 : vector<16xf32>
        %add3A_684 = arith.constant 80 : i32
        %add3A_685 = arith.addi %mul3A_358, %add3A_684 : i32
        %swap3A_686 = arith.index_cast %add3A_685 : i32 to index
        %swap3A_687 = tpu.vector_load %arg11[%swap3A_686] {strides = array<i32>} : memref<512xf32, #tpu.memory_space<vmem>>, vector<16xf32>,
        tpu.vector_store %arg11[%swap3A_686], %mul3A_683 {strides = array<i32>} : memref<512xf32, #tpu.memory_space<vmem>>, vector<16xf32>,
        %min3A_688 = arith.minimumf %scan3A_427#12, %scan3A_427#13 : vector<16xf32>
        %add3A_689 = arith.constant 9.99999996E-13 : f32
        %add3A_690 = vector.broadcast %add3A_689 : f32 to vector<16xf32>
        %add3A_691 = arith.addf %min3A_688, %add3A_690 : vector<16xf32>
        %bitcast_convert_type3A_692 = tpu.bitcast %add3A_691 : vector<16xf32> -> vector<16xi32>
        %shift_right_arithmetic3A_693 = arith.constant 1 : i32
        %shift_right_arithmetic3A_694 = vector.broadcast %shift_right_arithmetic3A_693 : i32 to vector<16xi32>
        %shift_right_arithmetic3A_695 = arith.shrsi %bitcast_convert_type3A_692, %shift_right_arithmetic3A_694 : vector<16xi32>
        %sub3A_696 = arith.constant 1597463007 : i32
        %sub3A_697 = vector.broadcast %sub3A_696 : i32 to vector<16xi32>
        %sub3A_698 = arith.subi %sub3A_697, %shift_right_arithmetic3A_695 : vector<16xi32>
        %bitcast_convert_type3A_699 = tpu.bitcast %sub3A_698 : vector<16xi32> -> vector<16xf32>
        %mul3A_700 = arith.constant 5.000000e-01 : f32
        %mul3A_701 = vector.broadcast %mul3A_700 : f32 to vector<16xf32>
        %mul3A_702 = arith.mulf %mul3A_701, %add3A_691 : vector<16xf32>
        %mul3A_703 = arith.mulf %mul3A_702, %bitcast_convert_type3A_699 : vector<16xf32>
        %mul3A_704 = arith.mulf %mul3A_703, %bitcast_convert_type3A_699 : vector<16xf32>
        %sub3A_705 = arith.constant 1.500000e+00 : f32
        %sub3A_706 = vector.broadcast %sub3A_705 : f32 to vector<16xf32>
        %sub3A_707 = arith.subf %sub3A_706, %mul3A_704 : vector<16xf32>
        %mul3A_708 = arith.mulf %bitcast_convert_type3A_699, %sub3A_707 : vector<16xf32>
        %mul3A_709 = arith.constant 5.000000e-01 : f32
        %mul3A_710 = vector.broadcast %mul3A_709 : f32 to vector<16xf32>
        %mul3A_711 = arith.mulf %mul3A_710, %add3A_691 : vector<16xf32>
        %mul3A_712 = arith.mulf %mul3A_711, %mul3A_708 : vector<16xf32>
        %mul3A_713 = arith.mulf %mul3A_712, %mul3A_708 : vector<16xf32>
        %sub3A_714 = arith.constant 1.500000e+00 : f32
        %sub3A_715 = vector.broadcast %sub3A_714 : f32 to vector<16xf32>
        %sub3A_716 = arith.subf %sub3A_715, %mul3A_713 : vector<16xf32>
        %mul3A_717 = arith.mulf %mul3A_708, %sub3A_716 : vector<16xf32>
        %mul3A_718 = arith.constant 5.000000e-01 : f32
        %mul3A_719 = vector.broadcast %mul3A_718 : f32 to vector<16xf32>
        %mul3A_720 = arith.mulf %mul3A_719, %add3A_691 : vector<16xf32>
        %mul3A_721 = arith.mulf %mul3A_720, %mul3A_717 : vector<16xf32>
        %mul3A_722 = arith.mulf %mul3A_721, %mul3A_717 : vector<16xf32>
        %sub3A_723 = arith.constant 1.500000e+00 : f32
        %sub3A_724 = vector.broadcast %sub3A_723 : f32 to vector<16xf32>
        %sub3A_725 = arith.subf %sub3A_724, %mul3A_722 : vector<16xf32>
        %mul3A_726 = arith.mulf %mul3A_717, %sub3A_725 : vector<16xf32>
        %mul3A_727 = arith.mulf %add3A_691, %mul3A_726 : vector<16xf32>
        %add3A_728 = arith.constant 96 : i32
        %add3A_729 = arith.addi %mul3A_358, %add3A_728 : i32
        %swap3A_730 = arith.index_cast %add3A_729 : i32 to index
        %swap3A_731 = tpu.vector_load %arg11[%swap3A_730] {strides = array<i32>} : memref<512xf32, #tpu.memory_space<vmem>>, vector<16xf32>,
        tpu.vector_store %arg11[%swap3A_730], %mul3A_727 {strides = array<i32>} : memref<512xf32, #tpu.memory_space<vmem>>, vector<16xf32>,
        %min3A_732 = arith.minimumf %scan3A_427#14, %scan3A_427#15 : vector<16xf32>
        %add3A_733 = arith.constant 9.99999996E-13 : f32
        %add3A_734 = vector.broadcast %add3A_733 : f32 to vector<16xf32>
        %add3A_735 = arith.addf %min3A_732, %add3A_734 : vector<16xf32>
        %bitcast_convert_type3A_736 = tpu.bitcast %add3A_735 : vector<16xf32> -> vector<16xi32>
        %shift_right_arithmetic3A_737 = arith.constant 1 : i32
        %shift_right_arithmetic3A_738 = vector.broadcast %shift_right_arithmetic3A_737 : i32 to vector<16xi32>
        %shift_right_arithmetic3A_739 = arith.shrsi %bitcast_convert_type3A_736, %shift_right_arithmetic3A_738 : vector<16xi32>
        %sub3A_740 = arith.constant 1597463007 : i32
        %sub3A_741 = vector.broadcast %sub3A_740 : i32 to vector<16xi32>
        %sub3A_742 = arith.subi %sub3A_741, %shift_right_arithmetic3A_739 : vector<16xi32>
        %bitcast_convert_type3A_743 = tpu.bitcast %sub3A_742 : vector<16xi32> -> vector<16xf32>
        %mul3A_744 = arith.constant 5.000000e-01 : f32
        %mul3A_745 = vector.broadcast %mul3A_744 : f32 to vector<16xf32>
        %mul3A_746 = arith.mulf %mul3A_745, %add3A_735 : vector<16xf32>
        %mul3A_747 = arith.mulf %mul3A_746, %bitcast_convert_type3A_743 : vector<16xf32>
        %mul3A_748 = arith.mulf %mul3A_747, %bitcast_convert_type3A_743 : vector<16xf32>
        %sub3A_749 = arith.constant 1.500000e+00 : f32
        %sub3A_750 = vector.broadcast %sub3A_749 : f32 to vector<16xf32>
        %sub3A_751 = arith.subf %sub3A_750, %mul3A_748 : vector<16xf32>
        %mul3A_752 = arith.mulf %bitcast_convert_type3A_743, %sub3A_751 : vector<16xf32>
        %mul3A_753 = arith.constant 5.000000e-01 : f32
        %mul3A_754 = vector.broadcast %mul3A_753 : f32 to vector<16xf32>
        %mul3A_755 = arith.mulf %mul3A_754, %add3A_735 : vector<16xf32>
        %mul3A_756 = arith.mulf %mul3A_755, %mul3A_752 : vector<16xf32>
        %mul3A_757 = arith.mulf %mul3A_756, %mul3A_752 : vector<16xf32>
        %sub3A_758 = arith.constant 1.500000e+00 : f32
        %sub3A_759 = vector.broadcast %sub3A_758 : f32 to vector<16xf32>
        %sub3A_760 = arith.subf %sub3A_759, %mul3A_757 : vector<16xf32>
        %mul3A_761 = arith.mulf %mul3A_752, %sub3A_760 : vector<16xf32>
        %mul3A_762 = arith.constant 5.000000e-01 : f32
        %mul3A_763 = vector.broadcast %mul3A_762 : f32 to vector<16xf32>
        %mul3A_764 = arith.mulf %mul3A_763, %add3A_735 : vector<16xf32>
        %mul3A_765 = arith.mulf %mul3A_764, %mul3A_761 : vector<16xf32>
        %mul3A_766 = arith.mulf %mul3A_765, %mul3A_761 : vector<16xf32>
        %sub3A_767 = arith.constant 1.500000e+00 : f32
        %sub3A_768 = vector.broadcast %sub3A_767 : f32 to vector<16xf32>
        %sub3A_769 = arith.subf %sub3A_768, %mul3A_766 : vector<16xf32>
        %mul3A_770 = arith.mulf %mul3A_761, %sub3A_769 : vector<16xf32>
        %mul3A_771 = arith.mulf %add3A_735, %mul3A_770 : vector<16xf32>
        %add3A_772 = arith.constant 112 : i32
        %add3A_773 = arith.addi %mul3A_358, %add3A_772 : i32
        %swap3A_774 = arith.index_cast %add3A_773 : i32 to index
        %swap3A_775 = tpu.vector_load %arg11[%swap3A_774] {strides = array<i32>} : memref<512xf32, #tpu.memory_space<vmem>>, vector<16xf32>,
        tpu.vector_store %arg11[%swap3A_774], %mul3A_771 {strides = array<i32>} : memref<512xf32, #tpu.memory_space<vmem>>, vector<16xf32>,
      }
      %scan3A_339 = arith.constant 4 : i32
      %mul3A_340 = arith.constant 512 : i32
      %mul3A_341 = arith.muli %add3A_323, %mul3A_340 : i32
      %add3A_342 = arith.addi %mul3A_2, %mul3A_341 : i32
      %dma_start3A_343 = tpu.memref_slice %arg4[%add3A_342] : memref<131072xf32, #tpu.memory_space<hbm>> -> memref<512xf32, #tpu.memory_space<hbm>>
      %dma_start3A_344 = tpu.memref_slice %arg4[%add3A_342] : memref<131072xf32, #tpu.memory_space<hbm>> -> memref<512xf32, #tpu.memory_space<hbm>>
      tpu.enqueue_dma source(%arg11 : memref<512xf32, #tpu.memory_space<vmem>>) target(%dma_start3A_344 : memref<512xf32, #tpu.memory_space<hbm>>) target_semaphore(%arg17 : memref<!tpu.dma_semaphore, #tpu.memory_space<semaphore_mem>>)
      %add3A_345 = arith.constant 4 : i32
      %add3A_346 = arith.addi %add3A_323, %add3A_345 : i32
      %lt3A_347 = arith.constant 8 : i32
      %lt3A_348 = arith.cmpi slt, %add3A_346, %lt3A_347 : i32
      %convert_element_type3A_349 = arith.extui %lt3A_348 : i1 to i32
      %cond3A_350 = arith.constant 0 : i32
      %cond3A_351 = arith.cmpi ne, %convert_element_type3A_349, %cond3A_350 : i32
      scf.if %cond3A_351 {
        %add3A_352 = arith.constant 4 : i32
        %add3A_353 = arith.addi %add3A_323, %add3A_352 : i32
        %mul3A_354 = arith.constant 512 : i32
        %mul3A_355 = arith.muli %add3A_353, %mul3A_354 : i32
        %add3A_356 = arith.addi %mul3A_2, %mul3A_355 : i32
        %dma_start3A_357 = arith.constant 0 : i32
        %dma_start3A_358 = tpu.memref_slice %arg2[%add3A_356, %dma_start3A_357] : memref<131072x32xf32, #tpu.memory_space<hbm>> -> memref<512x32xf32, #tpu.memory_space<hbm>>
        %dma_start3A_359 = arith.constant 0 : i32
        %dma_start3A_360 = tpu.memref_slice %arg2[%add3A_356, %dma_start3A_359] : memref<131072x32xf32, #tpu.memory_space<hbm>> -> memref<512x32xf32, #tpu.memory_space<hbm>>
        tpu.enqueue_dma source(%dma_start3A_360 : memref<512x32xf32, #tpu.memory_space<hbm>>) target(%arg9 : memref<512x32xf32, #tpu.memory_space<vmem>>) target_semaphore(%arg15 : memref<!tpu.dma_semaphore, #tpu.memory_space<semaphore_mem>>)
      } else {
      }
    }
    %scan3A_223 = arith.constant 2 : i32
    %dma_wait3A = arith.constant 0 : i32
    %dma_wait3A_224 = tpu.memref_slice %arg4[%dma_wait3A] : memref<131072xf32, #tpu.memory_space<hbm>> -> memref<512xf32, #tpu.memory_space<hbm>>
    %dma_wait3A_225 = arith.constant 0 : i32
    %dma_wait3A_226 = tpu.memref_slice %arg4[%dma_wait3A_225] : memref<131072xf32, #tpu.memory_space<hbm>> -> memref<512xf32, #tpu.memory_space<hbm>>
    tpu.wait_dma2 semaphore(%arg16 : memref<!tpu.dma_semaphore, #tpu.memory_space<semaphore_mem>>) src(%arg10 : memref<512xf32, #tpu.memory_space<vmem>>) dst(%dma_wait3A_226 : memref<512xf32, #tpu.memory_space<hbm>>)
    %dma_wait3A_227 = arith.constant 0 : i32
    %dma_wait3A_228 = tpu.memref_slice %arg4[%dma_wait3A_227] : memref<131072xf32, #tpu.memory_space<hbm>> -> memref<512xf32, #tpu.memory_space<hbm>>
    %dma_wait3A_229 = arith.constant 0 : i32
    %dma_wait3A_230 = tpu.memref_slice %arg4[%dma_wait3A_229] : memref<131072xf32, #tpu.memory_space<hbm>> -> memref<512xf32, #tpu.memory_space<hbm>>
    tpu.wait_dma2 semaphore(%arg17 : memref<!tpu.dma_semaphore, #tpu.memory_space<semaphore_mem>>) src(%arg11 : memref<512xf32, #tpu.memory_space<vmem>>) dst(%dma_wait3A_230 : memref<512xf32, #tpu.memory_space<hbm>>)
    return
  }
}

</mosaic_0001>

<sc_bundles>
// kernel: kernel.3.cloned.1.call-start
scs
__scs_entry_jumppad:
0x0: {  	(pc) =	sbr.rel $0x88, $3  }
0x1: {  	(tag) =	ssettag $0x0;
	lr =	simm.s32 $0x1  }
0x2: {  	[smem:$0x3F9F] =	sst lr;
	_ =	strace $0xD0000000  }
0x3: {  	_ = 	snop  }
0x4: {  	_ = 	snop  }
0x5: {  	_ = 	snop  }
0x6: {  	_ = 	snop  }
0x7: {  	_ = 	snop  }
__scs_overlays_trampoline_lowered:
0x8: {  	[smem:$0x3FAE] =	sst s0  }
0x9: {  	[smem:$0x3FAF] =	sst s1  }
0xa: {  	[smem:$0x3FB0] =	sst s2  }
0xb: {  	[smem:$0x3FB1] =	sst s3  }
0xc: {  	[smem:$0x3FB2] =	sst s4  }
0xd: {  	[smem:$0x3FB3] =	sst s5  }
0xe: {  	[smem:$0x3FB4] =	sst s6  }
0xf: {  	[smem:$0x3FB5] =	sst s7  }
0x10: {  	[smem:$0x3FB6] =	sst s8  }
0x11: {  	[smem:$0x3FB7] =	sst s9;
	s0 =	simm.s32 @!p0 $0x0  }
0x12: {  	s1 =	sld [smem:$0x3F9D];
	s0 =	simm.s32 @p0 $0x1  }
0x13: {  	[smem:$0x3FB8] =	sst s0;
	s0 =	simm.s32 @!p1 $0x0  }
0x14: {  	s2 =	sld [smem:$0x3F9C];
	s0 =	simm.s32 @p1 $0x1  }
0x15: {  	[smem:$0x3FB9] =	sst s0;
	s0 =	simm.s32 @!p2 $0x0  }
0x16: {  	s3 =	sld [smem:$0x3FDB];
	s0 =	simm.s32 @p2 $0x1  }
0x17: {  	s4 =	simm.s32 $0x1BF5;
	[smem:$0x3FBB] =	sst s0  }
0x18: {  	s0 =	sld [smem:$0x3F9E];
	_ =	swait.ge [sflag:s4], $0x0  }
0x19: {  	s7 =	sld [smem:$0x3F9F]  }
0x1a: {  	s8 =	sadd.s32 $0xFFFFE003, lr  }
0x1b: {  	s9 =	sadd.s32 $0xFFFFFEF7, lr;
	s5 =	simm.s32 $0xFFFFFFFF;
	p2 =	slt.u32 s8, $0xFFFFF086  }
0x1c: {  	p1 =	slt.u32 s9, $0xF7A;
	s5 =	simm.s32 @!p2 $0x0  }
0x1d: {  	s5 =	simm.s32 @p1 $0x1;
	p0 =	seq.s32 s7, s2  }
0x1e: {  	s7 =	smul.u32 @!p0 $0xF7A, s2;
	p2 =	seq.s32 @!p0 s5, $0x0  }
0x1f: {  	s9 =	smul.u32 $0xF7A, s1;
	s8 =	simm.s32 @!p0 $0x1BF5;
	p2 =	por !p2, p0  }
0x20: {  	[sflag:s8] =	ssyncset.s32 @!p0 $0xFFFFF086;
	s6 =	sadd.s32 @!p0 s3, s7;
	s7 =	simm.s32 @!p0 $0x108  }
0x21: {  	s3 =	sadd.s32 s3, s9;
	s6 =	sadd.s32 @!p0 $0x88, s6;
	s7 =	simm.s32 @p2 $0x1082  }
0x22: {  	[simem:s7], [sflag:s8] =	dma.local @!p0 [hbm:s6], $0xF7A  }
0x23: {  	s9 =	sor.u32 $0xD0000000, s2;
	s6 =	simm.s32 $0x108;
	_ =	swait.ge @!p0 [sflag:s8], $0x0  }
0x24: {  	s3 =	sadd.s32 $0x88, s3;
	s6 =	simm.s32 @!p1 $0x1082;
	[sflag:s4] =	ssyncset.s32 $0xFFFFF086  }
0x25: {  	[simem:s6], [sflag:s4] =	dma.local [hbm:s3], $0xF7A  }
0x26: {  	[smem:$0x3F9F] =	sst s1;
	(tag) =	ssettag s2;
	_ =	strace s9  }
0x27: {  	s1 =	sld [smem:$0x3FAF]  }
0x28: {  	s2 =	sld [smem:$0x3FB0]  }
0x29: {  	s4 =	sld [smem:$0x3FB2]  }
0x2a: {  	p0 =	seq.s32 s5, $0x0;
	s5 =	sld [smem:$0x3FB3]  }
0x2b: {  	s6 =	sld [smem:$0x3FB4]  }
0x2c: {  	s7 =	sld [smem:$0x3FB5]  }
0x2d: {  	s3 =	simm.s32 $0x108;
	s8 =	sld [smem:$0x3FB6]  }
0x2e: {  	s3 =	simm.s32 @!p0 $0x1082;
	s9 =	sld [smem:$0x3FB7]  }
0x2f: {  	lr =	sadd.s32 s0, s3;
	s0 =	sld [smem:$0x3FAE]  }
0x30: {  	s3 =	sld [smem:$0x3FB1]  }
0x31: {  	[smem:$0x3FBA] =	sst s10  }
0x32: {  	s10 =	sld [smem:$0x3FB8];
	_ =	sdelay $0x3  }
0x33: {  	p0 =	seq.s32 s10, $0x1;
	s10 =	sld [smem:$0x3FBA];
	_ =	sdelay $0x3  }
0x34: {  	[smem:$0x3FBA] =	sst s10  }
0x35: {  	s10 =	sld [smem:$0x3FB9];
	_ =	sdelay $0x3  }
0x36: {  	p1 =	seq.s32 s10, $0x1;
	s10 =	sld [smem:$0x3FBA];
	_ =	sdelay $0x3  }
0x37: {  	[smem:$0x3FBA] =	sst s10  }
0x38: {  	s10 =	sld [smem:$0x3FBB]  }
0x39: {  	_ = 	snop;
	(pc) =	sbr.ind lr, $3  }
0x3a: {  	_ = 	snop  }
0x3b: {  	_ = 	snop  }
0x3c: {  	p2 =	seq.s32 s10, $0x1;
	s10 =	sld [smem:$0x3FBA]  }
0x3d: {  	_ =	shalt  }
0x3e: {  	_ =	shalt  }
0x3f: {  	_ =	shalt  }
0x40: {  	_ =	shalt  }
0x41: {  	_ =	shalt  }
0x42: {  	_ =	shalt  }
0x43: {  	_ =	shalt  }
0x44: {  	_ =	shalt  }
0x45: {  	_ =	shalt  }
0x46: {  	_ =	shalt  }
0x47: {  	_ =	shalt  }
0x48: {  	_ =	shalt  }
0x49: {  	_ =	shalt  }
0x4a: {  	_ =	shalt  }
0x4b: {  	_ =	shalt  }
0x4c: {  	_ =	shalt  }
0x4d: {  	_ =	shalt  }
0x4e: {  	_ =	shalt  }
0x4f: {  	_ =	shalt  }
0x50: {  	_ =	shalt  }
0x51: {  	_ =	shalt  }
0x52: {  	_ =	shalt  }
0x53: {  	_ =	shalt  }
0x54: {  	_ =	shalt  }
0x55: {  	_ =	shalt  }
0x56: {  	_ =	shalt  }
0x57: {  	_ =	shalt  }
0x58: {  	_ =	shalt  }
0x59: {  	_ =	shalt  }
0x5a: {  	_ =	shalt  }
0x5b: {  	_ =	shalt  }
0x5c: {  	_ =	shalt  }
0x5d: {  	_ =	shalt  }
0x5e: {  	_ =	shalt  }
0x5f: {  	_ =	shalt  }
0x60: {  	_ =	shalt  }
0x61: {  	_ =	shalt  }
0x62: {  	_ =	shalt  }
0x63: {  	_ =	shalt  }
0x64: {  	_ =	shalt  }
0x65: {  	_ =	shalt  }
0x66: {  	_ =	shalt  }
0x67: {  	_ =	shalt  }
0x68: {  	_ =	shalt  }
0x69: {  	_ =	shalt  }
0x6a: {  	_ =	shalt  }
0x6b: {  	_ =	shalt  }
0x6c: {  	_ =	shalt  }
0x6d: {  	_ =	shalt  }
0x6e: {  	_ =	shalt  }
0x6f: {  	_ =	shalt  }
0x70: {  	_ =	shalt  }
0x71: {  	_ =	shalt  }
0x72: {  	_ =	shalt  }
0x73: {  	_ =	shalt  }
0x74: {  	_ =	shalt  }
0x75: {  	_ =	shalt  }
0x76: {  	_ =	shalt  }
0x77: {  	_ =	shalt  }
0x78: {  	_ =	shalt  }
0x79: {  	_ =	shalt  }
0x7a: {  	_ =	shalt  }
0x7b: {  	_ =	shalt  }
0x7c: {  	_ =	shalt  }
0x7d: {  	_ =	shalt  }
0x7e: {  	_ =	shalt  }
0x7f: {  	_ =	shalt  }
0x80: {  	_ =	shalt  }
0x81: {  	_ =	shalt  }
0x82: {  	_ =	shalt  }
0x83: {  	_ =	shalt  }
0x84: {  	_ =	shalt  }
0x85: {  	_ =	shalt  }
0x86: {  	_ =	shalt  }
0x87: {  	_ =	shalt  }
.Lfunc_end0:
.L_simem_size_0:
called_computation_lowered:
.L_overlay_start_0:
0x88: {  	s2 =	sld [smem:$0x3FD9]  }
0x89: {  	s3 =	sld [smem:$0x3FFE];
	_ =	sdelay $0x1  }
0x8a: {  	s1 =	srdreg.scid  }
0x8b: {  	s0 =	sand.u32 $0x1, s1  }
0x8c: {  	s17 =	sshll.u32 s0, $0xA;
	s2 =	sadd.s32 s3, s2  }
0x8d: {  	s2 =	sadd.s32 s2, s17  }
0x8e: {  	[smem:$0x3FC6] =	sst s2  }
0x8f: {  	_ = 	snop  }
0x90: {  	s2 =	sld [smem:$0x3FD0];
	(tm) =	ssettm $0x1  }
0x91: {  	s18 =	sld [smem:$0x3FFB];
	_ =	sdelay $0x3  }
0x92: {  	_ =	strace s18  }
0x93: {  	s3 =	sld [smem:$0x3FFC];
	_ =	sdelay $0x3  }
0x94: {  	_ =	strace s3  }
0x95: {  	s3 =	sld [smem:$0x3FFD];
	_ =	sdelay $0x3  }
0x96: {  	_ =	strace s3  }
0x97: {  	_ =	strace $0x8FFFFFFF  }
0x98: {  	s19 =	sld [smem:$0x3FDB];
	_ =	sdelay $0x1  }
0x99: {  	s4 =	simm.s32 $_scs_section_size  }
0x9a: {  	s5 =	simm.s32 $_size__tile_overlayer_lowered;
	s6 =	simm.s32 $_tile_overlayer_lowered  }
0x9b: {  	s22 =	simm.s32 $0x1BFF;
	s21 =	sshll.u32 s6, $0x1;
	s3 =	sadd.s32 s4, s19  }
0x9c: {  	s7 =	simm.s32 $0x0;
	s20 =	sshll.u32 s5, $0x1;
	s5 =	sadd.s32 s21, s3  }
0x9d: {  	[timem:s7], [sflag:s22] =	dma.local [hbm:s5], s20  }
0x9e: {  	_ =	swait.ge [sflag:s22], s20  }
0x9f: {  	s4 =	ssub.s32 $0x0, s20;
	[sflag:s22] =	ssyncset.done $0x0  }
0xa0: {  	[sflag:s22] =	ssyncadd.s32 s4;
	_ =	sdelay $0x1  }
0xa1: {  	s23 =	simm.s32 $0x1B8B  }
0xa2: {  	_ =	swait.ge [sflag:s23], $0x1  }
0xa3: {  	[sflag:s23] =	ssyncset.done $0x0  }
0xa4: {  	s25 =	simm.s32 $0x1B8E;
	s24 =	sld [smem:$0x3FFE];
	[sflag:s23] =	ssyncadd.s32 $0xFFFFFFFF  }
0xa5: {  	s26 =	simm.s32 $execute0_lowered;
	[smem:$0x3FD2] =	sst s25  }
0xa6: {  	s5 =	sshll.u32 s26, $0x1;
	_ =	strace $0x80000046;
	[dreg:$0x1] =	wrdreg $0xFFFFFFFF  }
0xa7: {  	s28 =	simm.s32 $_size_execute0_lowered;
	s3 =	sadd.s32 s3, s5;
	[dreg:$0x0] =	wrdreg $0x0  }
0xa8: {  	s5 =	sshll.u32 s28, $0x1;
	[dreg:$0x2] =	wrdreg s3  }
0xa9: {  	[dreg:$0x3] =	wrdreg s5  }
0xaa: {  	[dreg:$0x4] =	wrdreg $0xC0  }
0xab: {  	_ =	task [dreg:s7], $0x5FFFF  }
0xac: {  	[dreg:$0x1] =	wrdreg $0xFFFFFFFF  }
0xad: {  	[dreg:$0x0] =	wrdreg $0x60  }
0xae: {  	[dreg:$0x2] =	wrdreg s24  }
0xaf: {  	[dreg:$0x3] =	wrdreg s2  }
0xb0: {  	[dreg:$0x4] =	wrdreg $0x9  }
0xb1: {  	_ =	task.clear_ibuf [dreg:s7], $0x5FFFF;
	_ =	strace $0x90000046  }
0xb2: {  	s29 =	simm.s32 $0x9;
	_ =	strace $0x80000048  }
0xb3: {  	_ =	swait.ge [sflag:s29], $0x1  }
0xb4: {  	[sflag:s29] =	ssyncadd.s32 $0xFFFFFFFF  }
0xb5: {  	_ =	strace $0x90000048  }
0xb6: {  	_ =	sfence  }
0xb7: {  	s30 =	sld [smem:$0x0];
	_ =	sdelay $0x2  }
0xb8: {  	s31 =	sshll.u32 s1, $0xD;
	s1 =	sshrl.u32 s1, $0x2  }
0xb9: {  	s3 =	sand.u32 $0x4000, s31;
	s1 =	sadd.s32 s1, s30  }
0xba: {  	s0 =	sor.u32 s3, s0;
	s1 =	sshll.u32 s1, $0x11  }
0xbb: {  	s0 =	sor.u32 s1, s0  }
0xbc: {  	s0 =	sadd.s32 $0x8F2B, s0  }
0xbd: {  	[sflag:s0] =	ssyncadd.remote.s32 $0x1  }
0xbe: {  	_ =	sfence.sel $0xFFFF  }
0xbf: {  	[dreg:$0x0] =	wrdreg $0xFFFFFFFF;
	(pc) =	sbr.abs _section_cstart, $3  }
0xc0: {  	[dreg:$0x1] =	wrdreg $0xFFFFFFFF  }
0xc1: {  	_ =	task.clear_ibuf [dreg:s7], $0x2FFFF;
	_ =	strace $0x9FFFFFFF  }
0xc2: {  	(tm) =	ssettm $0x7FFFFFFF  }
0xc3: {  	_ =	shalt  }
tec
execute0_lowered:
.L_overlay_start_1:
0x0: {  	(tag) =	ssettag $0x1  }
0x1: {  	s0 =	srdreg.scid  }
0x2: {  	s2 =	stileid.u32;
	s1 =	rddreg [dreg:$0x0];
	s17 =	simm.s32 $0x40  }
0x3: {  	s18 =	simm.s32 $0x4040;
	s19 =	simm.s32 $0x8040;
	s20 =	simm.s32 $0xC040  }
0x4: {  	s21 =	simm.s32 $0x1;
	s22 =	simm.s32 $0x10040;
	s23 =	simm.s32 $0x10240  }
0x5: {  	s28 =	simm.s32 $0x6;
	s0 =	sand.u32 $0x1, s0;
	s3 =	sshll.u32 s2, $0xD  }
0x6: {  	s24 =	sadd.s32 $0x600, s1;
	s30 =	sadd.s32 $0x201E00, s1;
	s4 =	sshll.u32 s0, $0xC  }
0x7: {  	s14 =	sadd.s32 $0x203E00, s1;
	s0 =	ssub.s32 $0x2, s0;
	s2 =	sor.u32 s4, s3  }
0x8: {  	s4 =	simm.s32 $0x0;
	s7 =	sshrl.u32 s0, $0x1;
	s5 =	smov.u32 s2  }
0x9: {  	s2 =	sshll.u32 s2, $0x2;
	[smem:$0x7FF] =	sst s4;
	s0 =	ssub.s32 s0, s7  }
0xa: {  	s11 =	smov.u32 s2;
	_ =	strace $0x80000047;
	[dreg:$0x3] =	wrdreg s24  }
0xb: {  	s6 =	sadd.s32 s2, s1;
	[dreg:$0x7] =	wrdreg s30;
	s0 =	smax.u32 s0, $0x1  }
0xc: {  	s24 =	simm.s32 $0x3;
	s25 =	sadd.s32 $0x200600, s6;
	[dreg:$0x9] =	wrdreg s0  }
0xd: {  	v6 =	vlaneseq.u32;
	s1 =	simm.s32 $0x0;
	s26 =	sadd.s32 $0x200E00, s6;
	[dreg:$0x4] =	wrdreg s25  }
0xe: {  	v0 =	vmul.u32 $0x20, v6;
	s29 =	sadd.s32 $0x201600, s6;
	s31 =	sadd.s32 $0x202600, s6;
	[dreg:$0x5] =	wrdreg s26  }
0xf: {  	s12 =	sadd.s32 $0x202E00, s6;
	s13 =	sadd.s32 $0x203600, s6;
	[dreg:$0x6] =	wrdreg s29  }
0x10: {  	[tilespmem:$0x1FFF0] =	vst v0;
	[dreg:$0x8] =	wrdreg s31;
	s25 =	simm.s32 $0x5;
	s26 =	simm.s32 $0x4  }
.LBB2_1:
0x11: {  	[dreg:$0xa] =	wrdreg s1  }
0x12: {  	s0 =	rddreg [dreg:$0x3];
	s15 =	simm.s32 $0x7  }
0x13: {  	[tilespmem:s4], [sflag:$0x7] =	stream.linear.gather [hbm4b:s0+s4], $0x40, $0x38;
	[tilespmem:$0x10440] =	vst v63  }
0x14: {  	_ =	swait.ge [sflag:s15], $0x40  }
0x15: {  	[sflag:s15] =	ssyncset.done $0x0;
	s16 =	rddreg [dreg:$0x4]  }
0x16: {  	s29 =	rddreg [dreg:$0x5];
	[sflag:s15] =	ssyncadd.s32 $0xFFFFFFC0  }
0x17: {  	[tilespmem:s17], [sflag:$0x1] =	stream.linear.gather [hbm4b:s16+s4], $0x4000, $0x38;
	[tilespmem:$0x10440] =	vst v63  }
0x18: {  	s31 =	rddreg [dreg:$0x6]  }
0x19: {  	[tilespmem:s18], [sflag:$0x2] =	stream.linear.gather [hbm4b:s29+s4], $0x4000, $0x38;
	[tilespmem:$0x10440] =	vst v63  }
0x1a: {  	p1 =	por $0x1, $0x1;
	s30 =	simm.s32 $0x0;
	s0 =	rddreg [dreg:$0x7]  }
0x1b: {  	[tilespmem:s19], [sflag:$0x3] =	stream.linear.gather [hbm4b:s31+s4], $0x4000, $0x38;
	[tilespmem:$0x10440] =	vst v63  }
.LBB2_2:
0x1c: {  	s0 =	sadd.s32 s11, s0  }
0x1d: {  	[tilespmem:s20], [sflag:$0x4] =	stream.linear.gather [hbm4b:s0+s4], $0x4000, $0x38;
	[tilespmem:$0x10440] =	vst v63  }
0x1e: {  	_ =	swait.ge [sflag:s21], $0x4000  }
0x1f: {  	[sflag:s21] =	ssyncset.done $0x0  }
0x20: {  	s0 =	simm.s32 @!p1 $0x5;
	[sflag:s21] =	ssyncadd.s32 $0xFFFFC000  }
0x21: {  	_ =	swait.ge @!p1 [sflag:s0], $0x200  }
0x22: {  	p0 =	por p1, p1;
	[sflag:s0] =	ssyncset.done @!p1 $0x0  }
0x23: {  	s31 =	simm.s32 $0x0;
	s1 =	simm.s32 $0x0;
	[sflag:s0] =	ssyncadd.s32 @!p1 $0xFFFFFE00  }
.LBB2_3:
0x24: {  	s7 =	sshll.u32 s1, $0x7  }
0x25: {  	v3 =	vadd.s32 s31, v6;
	s9 =	simm.s32 $0x3;
	s10 =	simm.s32 $0x2;
	v23 =	vlaneseq.u32;
	v0 =	vmov s7  }
0x26: {  	s29 =	simm.s32 $0x1;
	s6 =	sor.u32 $0x10, s7;
	v3 =	vand.u32 $0x1F, v3;
	v4 =	vadd.s32 s9, v6;
	v6 =	vadd.s32 s10, v6  }
0x27: {  	s0 =	sor.u32 $0x20, s7;
	s8 =	sor.u32 $0x30, s7;
	v23 =	vadd.s32 s29, v23;
	v0 =	vshll.u32 v0, $0x5;
	v1 =	vmov s6  }
0x28: {  	v16 =	vld [tilespmem:$0x1FFF0];
	s9 =	sor.u32 $0x40, s7;
	s15 =	sor.u32 $0x50, s7;
	v2 =	vmov s0;
	v5 =	vmov s8;
	v4 =	vand.u32 $0x1F, v4  }
0x29: {  	s10 =	sor.u32 $0x60, s7;
	s16 =	sor.u32 $0x70, s7;
	v7 =	vmov s9;
	v6 =	vand.u32 $0x1F, v6;
	v8 =	vmov s15  }
0x2a: {  	v9 =	vmov s10;
	v13 =	vmov s16;
	v23 =	vand.u32 $0x1F, v23  }
0x2b: {  	v1 =	vshll.u32 v1, $0x5;
	v2 =	vshll.u32 v2, $0x5;
	v5 =	vshll.u32 v5, $0x5  }
0x2c: {  	v7 =	vshll.u32 v7, $0x5;
	v8 =	vshll.u32 v8, $0x5;
	v9 =	vshll.u32 v9, $0x5  }
0x2d: {  	v13 =	vshll.u32 v13, $0x5;
	v26 =	vor.u32 $0x20, v6;
	v28 =	vor.u32 v16, v0  }
0x2e: {  	v0 =	vor.u32 $0x20, v3;
	v29 =	vor.u32 v16, v1;
	v34 =	vor.u32 v16, v2  }
0x2f: {  	v42 =	vor.u32 v16, v5;
	v43 =	vor.u32 v16, v7;
	v8 =	vor.u32 v16, v8;
	v2 =	vld.idx.msk [tilespmem:v3+s4+$0x0], $0xffff  }
0x30: {  	v9 =	vor.u32 v16, v9;
	v61 =	vor.u32 v16, v13;
	v16 =	vor.u32 $0x20, v4;
	v11 =	vld.idx.msk [tilespmem:v4+s4+$0x0], $0xffff  }
0x31: {  	v1 =	vor.u32 v28, v3;
	v12 =	vld.idx.msk [tilespmem:v6+s4+$0x0], $0xffff  }
0x32: {  	v10 =	vor.u32 v29, v3;
	v50 =	vld.idx.msk [tilespmem:v23+s4+$0x0], $0xffff  }
0x33: {  	v5 =	vor.u32 v34, v3;
	v26 =	vld.idx.msk [tilespmem:v26+s4+$0x0], $0xffff  }
0x34: {  	v7 =	vor.u32 v42, v3;
	v0 =	vld.idx.msk [tilespmem:v0+s4+$0x0], $0xffff  }
0x35: {  	v14 =	vor.u32 v43, v3;
	v16 =	vld.idx.msk [tilespmem:v16+s4+$0x0], $0xffff  }
0x36: {  	v15 =	vor.u32 v8, v3;
	v1 =	vld.idx.msk [tilespmem:v1+s17+$0x0], $0xffff  }
0x37: {  	v13 =	vor.u32 v9, v3;
	v10 =	vld.idx.msk [tilespmem:v10+s17+$0x0], $0xffff  }
0x38: {  	v3 =	vor.u32 v61, v3;
	v5 =	vld.idx.msk [tilespmem:v5+s17+$0x0], $0xffff  }
0x39: {  	v17 =	vor.u32 v28, v4;
	v7 =	vld.idx.msk [tilespmem:v7+s17+$0x0], $0xffff  }
0x3a: {  	v19 =	vor.u32 v34, v4;
	v14 =	vld.idx.msk [tilespmem:v14+s17+$0x0], $0xffff  }
0x3b: {  	v20 =	vor.u32 v42, v4;
	v15 =	vld.idx.msk [tilespmem:v15+s17+$0x0], $0xffff  }
0x3c: {  	v22 =	vor.u32 v43, v4;
	v13 =	vld.idx.msk [tilespmem:v13+s17+$0x0], $0xffff  }
0x3d: {  	v18 =	vor.u32 v29, v4;
	v3 =	vld.idx.msk [tilespmem:v3+s17+$0x0], $0xffff  }
0x3e: {  	v17 =	vld.idx.msk [tilespmem:v17+s17+$0x0], $0xffff  }
0x3f: {  	v24 =	vor.u32 v8, v4;
	v27 =	vor.u32 v28, v6;
	v19 =	vld.idx.msk [tilespmem:v19+s17+$0x0], $0xffff;
	v21 =	vsub.f32 v1, v2  }
0x40: {  	v30 =	vor.u32 v29, v6;
	v20 =	vld.idx.msk [tilespmem:v20+s17+$0x0], $0xffff;
	v1 =	vsub.f32 v1, v0;
	v59 =	vsub.f32 v5, v2  }
0x41: {  	v31 =	vor.u32 v34, v6;
	v22 =	vld.idx.msk [tilespmem:v22+s17+$0x0], $0xffff;
	v48 =	vsub.f32 v5, v0;
	v5 =	vsub.f32 v14, v0  }
0x42: {  	v25 =	vsub.f32 v10, v2;
	v60 =	vsub.f32 v10, v0;
	v10 =	vld.idx.msk [tilespmem:v18+s17+$0x0], $0xffff;
	v18 =	vor.u32 v9, v4  }
0x43: {  	v4 =	vor.u32 v61, v4;
	v46 =	vsub.f32 v7, v0;
	[tilespmem:$0x1FF10] =	vst v5;
	v5 =	vsub.f32 v15, v0  }
0x44: {  	v32 =	vor.u32 v43, v6;
	v24 =	vld.idx.msk [tilespmem:v24+s17+$0x0], $0xffff;
	v36 =	vsub.f32 v13, v0;
	v0 =	vsub.f32 v3, v0  }
0x45: {  	v56 =	vsub.f32 v7, v2;
	[tilespmem:$0x1FF20] =	vst v5;
	v5 =	vsub.f32 v3, v2;
	v3 =	vor.u32 v42, v6  }
0x46: {  	v27 =	vld.idx.msk [tilespmem:v27+s17+$0x0], $0xffff;
	v35 =	vsub.f32 v14, v2;
	[tilespmem:$0x1FF30] =	vst v0;
	v0 =	vsub.f32 v17, v11  }
0x47: {  	v30 =	vld.idx.msk [tilespmem:v30+s17+$0x0], $0xffff;
	v49 =	vsub.f32 v15, v2;
	v37 =	vsub.f32 v13, v2  }
0x48: {  	v2 =	vsub.f32 v19, v16;
	v4 =	vld.idx.msk [tilespmem:v4+s17+$0x0], $0xffff;
	[tilespmem:$0x1FF40] =	vst v0;
	v0 =	vor.u32 v9, v6  }
0x49: {  	v38 =	vor.u32 v29, v23;
	v31 =	vld.idx.msk [tilespmem:v31+s17+$0x0], $0xffff  }
0x4a: {  	[tilespmem:$0x1FF50] =	vst v2;
	v2 =	vsub.f32 v20, v11;
	v3 =	vld.idx.msk [tilespmem:v3+s17+$0x0], $0xffff  }
0x4b: {  	v33 =	vor.u32 v8, v6;
	[tilespmem:$0x1FE40] =	vst v28;
	v39 =	vor.u32 v28, v23;
	v32 =	vld.idx.msk [tilespmem:v32+s17+$0x0], $0xffff  }
0x4c: {  	v55 =	vsub.f32 v27, v26;
	v6 =	vor.u32 v61, v6;
	[tilespmem:$0x1FF60] =	vst v2;
	v2 =	vsub.f32 v20, v16  }
0x4d: {  	[tilespmem:$0x1FE80] =	vst v34;
	v63 =	vsub.f32 v10, v11;
	v45 =	vld.idx.msk [tilespmem:v0+s17+$0x0], $0xffff;
	v0 =	vsub.f32 v4, v16  }
0x4e: {  	v57 =	vld.idx.msk [tilespmem:v38+s17+$0x0], $0xffff;
	v52 =	vsub.f32 v10, v16;
	[tilespmem:$0x1FF70] =	vst v2;
	v2 =	vsub.f32 v22, v11  }
0x4f: {  	v10 =	vsub.f32 v27, v12;
	v27 =	vor.u32 v42, v23;
	[tilespmem:$0x1FE70] =	vst v0;
	v0 =	vsub.f32 v3, v12  }
0x50: {  	v41 =	vor.u32 $0x20, v23;
	v54 =	vsub.f32 v17, v16;
	v18 =	vld.idx.msk [tilespmem:v18+s17+$0x0], $0xffff;
	[tilespmem:$0x1FF80] =	vst v2;
	v2 =	vsub.f32 v22, v16  }
0x51: {  	v6 =	vld.idx.msk [tilespmem:v6+s17+$0x0], $0xffff;
	[tilespmem:$0x1FEB0] =	vst v0;
	v0 =	vsub.f32 v3, v26;
	v3 =	vor.u32 v8, v23  }
0x52: {  	v51 =	vor.u32 v43, v23;
	v53 =	vsub.f32 v19, v11;
	[tilespmem:$0x1FF90] =	vst v2;
	v2 =	vsub.f32 v24, v11  }
0x53: {  	v58 =	vor.u32 v9, v23;
	v44 =	vld.idx.msk [tilespmem:v33+s17+$0x0], $0xffff;
	v28 =	vsub.f32 v57, v50;
	v19 =	vsub.f32 v30, v26  }
0x54: {  	v20 =	vsub.f32 v31, v26;
	v40 =	vld.idx.msk [tilespmem:v27+s17+$0x0], $0xffff;
	[tilespmem:$0x1FFA0] =	vst v2;
	v2 =	vsub.f32 v24, v16  }
0x55: {  	v24 =	vsub.f32 v18, v16;
	v16 =	vor.u32 v34, v23;
	v34 =	vld.idx.msk [tilespmem:v41+s4+$0x0], $0xffff;
	v41 =	vsub.f32 v32, v26  }
0x56: {  	v27 =	vsub.f32 v6, v12;
	[tilespmem:$0x1FFB0] =	vst v2;
	v2 =	vsub.f32 v18, v11;
	v3 =	vld.idx.msk [tilespmem:v3+s17+$0x0], $0xffff  }
0x57: {  	v18 =	vsub.f32 v30, v12;
	[tilespmem:$0x1FEC0] =	vst v0;
	v0 =	vsub.f32 v32, v12  }
0x58: {  	v23 =	vor.u32 v61, v23;
	v32 =	vsub.f32 v44, v26;
	[tilespmem:$0x1FFC0] =	vst v2;
	v2 =	vsub.f32 v4, v11  }
0x59: {  	v30 =	vsub.f32 v45, v26;
	v26 =	vsub.f32 v6, v26;
	v6 =	vld.idx.msk [tilespmem:v51+s17+$0x0], $0xffff;
	[tilespmem:$0x1FEE0] =	vst v0  }
0x5a: {  	v51 =	vld.idx.msk [tilespmem:v58+s17+$0x0], $0xffff;
	v0 =	vmul.f32 v60, v60;
	[tilespmem:$0x1FE50] =	vst v2;
	v2 =	vsub.f32 v57, v34  }
0x5b: {  	v60 =	vmul.f32 v56, v56;
	v57 =	vsub.f32 v3, v50;
	v56 =	vsub.f32 v3, v34;
	v3 =	vld [tilespmem:$0x1FF10];
	_ =	sdelay $0x1  }
0x5c: {  	v47 =	vld.idx.msk [tilespmem:v39+s17+$0x0], $0xffff  }
0x5d: {  	v16 =	vld.idx.msk [tilespmem:v16+s17+$0x0], $0xffff  }
0x5e: {  	v15 =	vsub.f32 v40, v50;
	v23 =	vld.idx.msk [tilespmem:v23+s17+$0x0], $0xffff;
	v62 =	vsub.f32 v40, v34  }
0x5f: {  	v40 =	vsub.f32 v51, v50;
	v38 =	vsub.f32 v51, v34;
	v51 =	vmul.f32 v3, v3;
	v3 =	vld [tilespmem:$0x1FF20]  }
0x60: {  	v33 =	vsub.f32 v44, v12;
	v14 =	vmul.f32 v59, v59;
	v22 =	vsub.f32 v31, v12  }
0x61: {  	v31 =	vsub.f32 v45, v12;
	v12 =	vmul.f32 v21, v21;
	v21 =	vsub.f32 v47, v50  }
0x62: {  	[tilespmem:$0x1FED0] =	vst v8;
	v8 =	vimm.f32 $0.0e+00;
	v58 =	vsub.f32 v6, v50;
	v59 =	vsub.f32 v6, v34  }
0x63: {  	v6 =	vadd.f32 v12, v8;
	v4 =	vsub.f32 v16, v50  }
0x64: {  	v17 =	vsub.f32 v23, v50;
	v50 =	vmul.f32 v3, v3;
	v3 =	vmul.f32 v21, v21;
	_ =	sdelay $0x1  }
0x65: {  	[tilespmem:$0x1FEF0] =	vst v9;
	v9 =	vmul.f32 v10, v10;
	v3 =	vadd.f32 v3, v6  }
0x66: {  	[tilespmem:$0x1FF00] =	vst v61;
	v61 =	vmul.f32 v46, v46;
	v46 =	vmul.f32 v5, v5;
	v5 =	vld [tilespmem:$0x1FF30]  }
0x67: {  	v3 =	vadd.f32 v9, v3;
	v9 =	vld [tilespmem:$0x1FF70]  }
0x68: {  	[tilespmem:$0x1FE60] =	vst v29;
	v1 =	vmul.f32 v1, v1;
	v29 =	vsub.f32 v47, v34  }
0x69: {  	v25 =	vmul.f32 v25, v25;
	v13 =	vmul.f32 v48, v48;
	v10 =	vld [tilespmem:$0x1FF80]  }
0x6a: {  	v49 =	vmul.f32 v49, v49;
	v1 =	vadd.f32 v1, v8;
	v12 =	vmul.f32 v29, v29  }
0x6b: {  	v47 =	vmul.f32 v5, v5;
	v0 =	vadd.f32 v0, v8;
	v2 =	vmul.f32 v2, v2  }
0x6c: {  	v12 =	vadd.f32 v12, v1;
	v1 =	vmul.f32 v28, v28;
	v28 =	vmul.f32 v9, v9  }
0x6d: {  	v5 =	vld [tilespmem:$0x1FF40];
	v2 =	vadd.f32 v2, v0;
	v9 =	vmul.f32 v18, v18;
	v18 =	vmul.f32 v19, v19  }
0x6e: {  	v25 =	vadd.f32 v25, v8;
	v21 =	vmul.f32 v54, v54;
	v54 =	vmul.f32 v10, v10;
	v10 =	vld [tilespmem:$0x1FF90]  }
0x6f: {  	v44 =	vmul.f32 v35, v35;
	v45 =	vmul.f32 v37, v37;
	v18 =	vadd.f32 v18, v2;
	v2 =	vld [tilespmem:$0x1FFB0]  }
0x70: {  	v35 =	vmul.f32 v36, v36;
	v39 =	vmul.f32 v24, v24;
	v0 =	vld [tilespmem:$0x1FF60]  }
0x71: {  	v24 =	vimm.f32 $0.0e+00;
	v11 =	vimm.f32 $0.0e+00;
	v25 =	vadd.f32 v1, v25;
	v1 =	vld [tilespmem:$0x1FF50]  }
0x72: {  	[tilespmem:$0x1FEA0] =	vst v43;
	v29 =	vmul.f32 v55, v55;
	v43 =	vsub.f32 v23, v34;
	v23 =	vmul.f32 v63, v63  }
0x73: {  	v7 =	vsub.f32 v16, v34;
	v63 =	vmul.f32 v53, v53;
	v55 =	vmul.f32 v10, v10;
	v10 =	vld [tilespmem:$0x1FFA0]  }
0x74: {  	v12 =	vadd.f32 v29, v12;
	v29 =	vmul.f32 v22, v22;
	v53 =	vmul.f32 v2, v2;
	v2 =	vld [tilespmem:$0x1FFC0]  }
0x75: {  	v22 =	vimm.f32 $0.0e+00;
	v6 =	vmul.f32 v5, v5;
	v5 =	vmul.f32 v52, v52  }
0x76: {  	v0 =	vmul.f32 v0, v0;
	v1 =	vmul.f32 v1, v1;
	v9 =	vadd.f32 v9, v25  }
0x77: {  	v21 =	vadd.f32 v21, v12;
	v12 =	vimm.f32 $0.0e+00;
	v5 =	vadd.f32 v5, v18  }
0x78: {  	[tilespmem:$0x1FE90] =	vst v42;
	v52 =	vmul.f32 v10, v10;
	v16 =	vadd.f32 v23, v9;
	v9 =	vimm.f32 $0.0e+00  }
0x79: {  	v23 =	vimm.f32 $0.0e+00;
	[tilespmem:$0x1FFE0] =	vst v5;
	v5 =	vmul.f32 v15, v15;
	v42 =	vmul.f32 v2, v2  }
0x7a: {  	v2 =	vadd.f32 v6, v3;
	v3 =	vmul.f32 v4, v4;
	v4 =	vmul.f32 v7, v7  }
0x7b: {  	v6 =	vadd.f32 v14, v8;
	v7 =	vadd.f32 v13, v8;
	v13 =	vimm.f32 $0.0e+00  }
0x7c: {  	s29 =	simm.s32 $0x4;
	v14 =	vimm.f32 $0.0e+00;
	[tilespmem:$0x1FFD0] =	vst v2;
	v2 =	vmul.f32 v20, v20;
	v20 =	vimm.f32 $0.0e+00  }
.LBB2_4:
0x7d: {  	_ = 	snop  }
0x7e: {  	v3 =	vadd.f32 v3, v6;
	v6 =	vld [tilespmem:$0x1FEB0];
	_ =	sdelay $0x1  }
0x7f: {  	[tilespmem:$0x1FD70] =	vst v16;
	v16 =	vadd.f32 v60, v8;
	v8 =	vld [tilespmem:$0x1FEC0];
	_ =	sdelay $0x1  }
0x80: {  	v48 =	vmul.f32 v62, v62  }
0x81: {  	v25 =	vadd.f32 v61, v9;
	v6 =	vmul.f32 v6, v6;
	v5 =	vadd.f32 v5, v16  }
0x82: {  	v4 =	vadd.f32 v4, v7  }
0x83: {  	v7 =	vadd.f32 v48, v25;
	v5 =	vadd.f32 v6, v5;
	v16 =	vmul.f32 v8, v8  }
0x84: {  	v3 =	vadd.f32 v29, v3  }
0x85: {  	v0 =	vadd.f32 v0, v5;
	v6 =	vadd.f32 v16, v7  }
0x86: {  	[tilespmem:$0x1FD60] =	vst v21;
	v2 =	vadd.f32 v2, v4;
	v4 =	vld [tilespmem:$0x1FEE0];
	v3 =	vadd.f32 v63, v3  }
0x87: {  	[tilespmem:$0x1FE00] =	vst v0;
	v0 =	vadd.f32 v28, v6  }
0x88: {  	v1 =	vadd.f32 v1, v2;
	[tilespmem:$0x1FE10] =	vst v3  }
0x89: {  	v21 =	vmul.f32 v56, v56;
	v29 =	vmul.f32 v58, v58;
	[tilespmem:$0x1FDF0] =	vst v0;
	v0 =	vadd.f32 v44, v13  }
0x8a: {  	v2 =	vadd.f32 v51, v14;
	[tilespmem:$0x1FE30] =	vst v1;
	v1 =	vmul.f32 v59, v59;
	v3 =	vmul.f32 v57, v57  }
0x8b: {  	v4 =	vmul.f32 v4, v4;
	v5 =	vadd.f32 v49, v11;
	v0 =	vadd.f32 v29, v0  }
0x8c: {  	v1 =	vadd.f32 v1, v2;
	v7 =	vmul.f32 v41, v41;
	v6 =	vadd.f32 v50, v12  }
0x8d: {  	v2 =	vmul.f32 v33, v33;
	v3 =	vadd.f32 v3, v5;
	v0 =	vadd.f32 v4, v0  }
0x8e: {  	v1 =	vadd.f32 v7, v1;
	v5 =	vadd.f32 v21, v6;
	v6 =	vmul.f32 v32, v32  }
0x8f: {  	v2 =	vadd.f32 v2, v3;
	v0 =	vadd.f32 v54, v0  }
0x90: {  	v3 =	vadd.f32 v6, v5  }
0x91: {  	[tilespmem:$0x1FD90] =	vst v0;
	v0 =	vadd.f32 v55, v1;
	v1 =	vadd.f32 v52, v2;
	_ =	sdelay $0x1  }
0x92: {  	[tilespmem:$0x1FDD0] =	vst v1;
	v1 =	vadd.f32 v53, v3  }
0x93: {  	v2 =	vadd.f32 v35, v23;
	[tilespmem:$0x1FD30] =	vst v0;
	v0 =	vmul.f32 v38, v38  }
0x94: {  	v6 =	vmul.f32 v40, v40;
	[tilespmem:$0x1FDA0] =	vst v1;
	v1 =	vadd.f32 v45, v20  }
0x95: {  	v5 =	vmul.f32 v30, v30;
	v0 =	vadd.f32 v0, v2  }
0x96: {  	v18 =	vld [tilespmem:$0x1FE60];
	v7 =	vadd.f32 v46, v22;
	v4 =	vmul.f32 v31, v31;
	v1 =	vadd.f32 v6, v1  }
0x97: {  	v12 =	vadd.f32 v47, v24;
	v22 =	vld [tilespmem:$0x1FE90];
	v0 =	vadd.f32 v5, v0  }
0x98: {  	v13 =	vmul.f32 v43, v43;
	v3 =	vmul.f32 v17, v17;
	v1 =	vadd.f32 v4, v1;
	v4 =	vld [tilespmem:$0x1FE50]  }
0x99: {  	v8 =	vlaneseq.u32;
	v2 =	vmul.f32 v27, v27;
	v20 =	vld [tilespmem:$0x1FE80];
	v0 =	vadd.f32 v39, v0  }
0x9a: {  	v3 =	vadd.f32 v3, v7;
	v7 =	vmul.f32 v26, v26;
	v6 =	vadd.f32 v13, v12;
	v5 =	vld [tilespmem:$0x1FE70]  }
0x9b: {  	v24 =	vld [tilespmem:$0x1FEA0];
	[tilespmem:$0x1FD40] =	vst v0;
	v0 =	vadd.s32 s29, v8  }
0x9c: {  	v25 =	vld [tilespmem:$0x1FED0];
	v2 =	vadd.f32 v2, v3;
	v3 =	vadd.f32 v7, v6;
	v0 =	vand.u32 $0x1F, v0  }
0x9d: {  	v60 =	vld [tilespmem:$0x1FEF0];
	v1 =	vadd.f32 v42, v1;
	v6 =	vor.u32 v18, v0;
	v4 =	vmul.f32 v4, v4  }
0x9e: {  	v16 =	vld [tilespmem:$0x1FE40];
	v7 =	vor.u32 v20, v0  }
0x9f: {  	v5 =	vmul.f32 v5, v5;
	[tilespmem:$0x1FDB0] =	vst v1;
	v11 =	vor.u32 v22, v0;
	v1 =	vadd.f32 v4, v2  }
0xa0: {  	v61 =	vld [tilespmem:$0x1FF00];
	v27 =	vor.u32 v24, v0  }
0xa1: {  	v28 =	vor.u32 v25, v0;
	[tilespmem:$0x1FDE0] =	vst v1;
	v1 =	vadd.f32 v5, v3;
	v5 =	vld.idx.msk [tilespmem:v0+s4+$0x0], $0xffff  }
0xa2: {  	s3 =	sadd.s32 $0x2, s29;
	v29 =	vor.u32 v60, v0;
	v6 =	vld.idx.msk [tilespmem:v6+s17+$0x0], $0xffff  }
0xa3: {  	v2 =	vadd.s32 s3, v8;
	v4 =	vor.u32 v16, v0;
	v7 =	vld.idx.msk [tilespmem:v7+s17+$0x0], $0xffff  }
0xa4: {  	v2 =	vand.u32 $0x1F, v2;
	v11 =	vld.idx.msk [tilespmem:v11+s17+$0x0], $0xffff  }
0xa5: {  	s2 =	sadd.s32 $0x3, s29;
	v3 =	vor.u32 $0x20, v0;
	v27 =	vld.idx.msk [tilespmem:v27+s17+$0x0], $0xffff  }
0xa6: {  	v0 =	vor.u32 v61, v0;
	v28 =	vld.idx.msk [tilespmem:v28+s17+$0x0], $0xffff;
	[tilespmem:$0x1FD50] =	vst v1;
	v1 =	vadd.s32 s2, v8  }
0xa7: {  	v29 =	vld.idx.msk [tilespmem:v29+s17+$0x0], $0xffff;
	v1 =	vand.u32 $0x1F, v1  }
0xa8: {  	v4 =	vld.idx.msk [tilespmem:v4+s17+$0x0], $0xffff;
	v30 =	vor.u32 $0x20, v1  }
0xa9: {  	v26 =	vld.idx.msk [tilespmem:v2+s4+$0x0], $0xffff;
	v31 =	vor.u32 v16, v1  }
0xaa: {  	v56 =	vor.u32 v18, v1;
	v3 =	vld.idx.msk [tilespmem:v3+s4+$0x0], $0xffff  }
0xab: {  	v57 =	vor.u32 v20, v1;
	v0 =	vld.idx.msk [tilespmem:v0+s17+$0x0], $0xffff  }
0xac: {  	s3 =	sadd.s32 $0x1, s29;
	v34 =	vor.u32 v22, v1;
	v10 =	vld.idx.msk [tilespmem:v1+s4+$0x0], $0xffff  }
0xad: {  	v36 =	vadd.s32 s3, v8;
	v37 =	vor.u32 v24, v1;
	v30 =	vld.idx.msk [tilespmem:v30+s4+$0x0], $0xffff  }
0xae: {  	v58 =	vor.u32 v25, v1;
	v8 =	vsub.f32 v6, v5;
	v15 =	vsub.f32 v7, v5;
	v31 =	vld.idx.msk [tilespmem:v31+s17+$0x0], $0xffff  }
0xaf: {  	v59 =	vor.u32 v60, v1;
	v38 =	vsub.f32 v11, v5;
	v46 =	vsub.f32 v27, v5;
	v32 =	vld.idx.msk [tilespmem:v56+s17+$0x0], $0xffff  }
0xb0: {  	v62 =	vor.u32 v18, v2;
	v49 =	vsub.f32 v28, v5;
	v19 =	vsub.f32 v29, v5;
	v33 =	vld.idx.msk [tilespmem:v57+s17+$0x0], $0xffff  }
0xb1: {  	v63 =	vor.u32 v20, v2;
	v44 =	vsub.f32 v4, v5;
	v34 =	vld.idx.msk [tilespmem:v34+s17+$0x0], $0xffff;
	v4 =	vsub.f32 v4, v3  }
0xb2: {  	v1 =	vor.u32 v61, v1;
	v37 =	vld.idx.msk [tilespmem:v37+s17+$0x0], $0xffff;
	v6 =	vsub.f32 v6, v3;
	v35 =	vsub.f32 v7, v3  }
0xb3: {  	v39 =	vld.idx.msk [tilespmem:v58+s17+$0x0], $0xffff;
	v45 =	vsub.f32 v11, v3;
	v11 =	vor.u32 $0x20, v2;
	v47 =	vsub.f32 v27, v3  }
0xb4: {  	v41 =	vld.idx.msk [tilespmem:v59+s17+$0x0], $0xffff;
	v40 =	vsub.f32 v28, v3;
	v29 =	vsub.f32 v29, v3  }
0xb5: {  	v58 =	vld.idx.msk [tilespmem:v62+s17+$0x0], $0xffff;
	v27 =	vor.u32 v16, v2;
	v5 =	vsub.f32 v0, v5;
	v0 =	vsub.f32 v0, v3  }
0xb6: {  	v62 =	vld.idx.msk [tilespmem:v63+s17+$0x0], $0xffff;
	v3 =	vor.u32 v22, v2;
	v53 =	vsub.f32 v31, v10;
	v54 =	vsub.f32 v31, v30  }
0xb7: {  	v59 =	vor.u32 v60, v2;
	v1 =	vld.idx.msk [tilespmem:v1+s17+$0x0], $0xffff;
	v55 =	vsub.f32 v32, v10;
	v56 =	vsub.f32 v32, v30  }
0xb8: {  	v57 =	vsub.f32 v33, v10;
	v28 =	vsub.f32 v34, v10;
	v48 =	vld.idx.msk [tilespmem:v11+s4+$0x0], $0xffff;
	v11 =	vor.u32 v24, v2  }
0xb9: {  	v31 =	vor.u32 v25, v2;
	v12 =	vsub.f32 v34, v30;
	v52 =	vsub.f32 v37, v10  }
0xba: {  	v34 =	vand.u32 $0x1F, v36;
	v14 =	vsub.f32 v37, v30;
	v9 =	vsub.f32 v39, v10;
	v27 =	vld.idx.msk [tilespmem:v27+s17+$0x0], $0xffff  }
0xbb: {  	v17 =	vsub.f32 v41, v30;
	v7 =	vsub.f32 v62, v26;
	v3 =	vld.idx.msk [tilespmem:v3+s17+$0x0], $0xffff;
	v36 =	vor.u32 v16, v34  }
0xbc: {  	v43 =	vld.idx.msk [tilespmem:v59+s17+$0x0], $0xffff;
	v2 =	vor.u32 v61, v2;
	v16 =	vsub.f32 v41, v10;
	v10 =	vsub.f32 v1, v10  }
0xbd: {  	[tilespmem:$0x1FD20] =	vst v8;
	v63 =	vor.u32 $0x20, v34;
	v41 =	vor.u32 v18, v34;
	v1 =	vsub.f32 v1, v30;
	v37 =	vld.idx.msk [tilespmem:v11+s17+$0x0], $0xffff  }
0xbe: {  	v32 =	vor.u32 v22, v34;
	v59 =	vor.u32 v24, v34;
	v24 =	vor.u32 v61, v34;
	[tilespmem:$0x1FE50] =	vst v10  }
0xbf: {  	v31 =	vld.idx.msk [tilespmem:v31+s17+$0x0], $0xffff;
	v10 =	vsub.f32 v27, v26;
	[tilespmem:$0x1FE70] =	vst v1;
	v1 =	vsub.f32 v58, v26  }
0xc0: {  	[tilespmem:$0x1FDC0] =	vst v7;
	v36 =	vld.idx.msk [tilespmem:v36+s17+$0x0], $0xffff;
	v7 =	vsub.f32 v3, v26;
	v3 =	vsub.f32 v3, v48  }
0xc1: {  	v18 =	vsub.f32 v27, v48;
	v27 =	vor.u32 v20, v34;
	[tilespmem:$0x1FD80] =	vst v1;
	v1 =	vld.idx.msk [tilespmem:v2+s17+$0x0], $0xffff  }
0xc2: {  	v23 =	vld.idx.msk [tilespmem:v63+s4+$0x0], $0xffff;
	v63 =	vor.u32 v60, v34;
	[tilespmem:$0x1FEC0] =	vst v3;
	v3 =	vsub.f32 v37, v26  }
0xc3: {  	v60 =	vmul.f32 v38, v38;
	v38 =	vld.idx.msk [tilespmem:v59+s17+$0x0], $0xffff;
	[tilespmem:$0x1FEB0] =	vst v7;
	v7 =	vsub.f32 v37, v48  }
0xc4: {  	v22 =	vsub.f32 v62, v48;
	v62 =	vor.u32 v25, v34;
	v24 =	vld.idx.msk [tilespmem:v24+s17+$0x0], $0xffff;
	[tilespmem:$0x1FEE0] =	vst v3  }
0xc5: {  	v3 =	vld.idx.msk [tilespmem:v41+s17+$0x0], $0xffff;
	[tilespmem:$0x1FE20] =	vst v7;
	v7 =	vsub.f32 v43, v26;
	v41 =	vsub.f32 v43, v48  }
0xc6: {  	v43 =	vsub.f32 v1, v26;
	v42 =	vsub.f32 v1, v48;
	v1 =	vld [tilespmem:$0x1FD20]  }
0xc7: {  	v50 =	vmul.f32 v40, v40;
	v2 =	vld.idx.msk [tilespmem:v34+s4+$0x0], $0xffff  }
0xc8: {  	v8 =	vsub.f32 v33, v30;
	v61 =	vmul.f32 v45, v45;
	v45 =	vmul.f32 v19, v19;
	v37 =	vld.idx.msk [tilespmem:v27+s17+$0x0], $0xffff  }
0xc9: {  	v19 =	vmul.f32 v29, v29;
	v11 =	vsub.f32 v39, v30;
	v20 =	vsub.f32 v58, v48;
	v40 =	vld.idx.msk [tilespmem:v62+s17+$0x0], $0xffff  }
0xca: {  	v25 =	vmul.f32 v44, v44;
	v44 =	vmul.f32 v46, v46;
	v21 =	vsub.f32 v31, v26;
	v29 =	vld.idx.msk [tilespmem:v63+s17+$0x0], $0xffff  }
0xcb: {  	v13 =	vsub.f32 v31, v48;
	v31 =	vsub.f32 v36, v23;
	v26 =	vmul.f32 v1, v1;
	v1 =	vld.idx.msk [tilespmem:v32+s17+$0x0], $0xffff  }
0xcc: {  	v39 =	vmul.f32 v17, v17;
	v27 =	vsub.f32 v36, v2;
	v58 =	vsub.f32 v38, v2  }
0xcd: {  	v63 =	vmul.f32 v57, v57;
	v17 =	vsub.f32 v24, v2;
	v33 =	vsub.f32 v37, v2  }
0xce: {  	v48 =	vmul.f32 v56, v56;
	v57 =	vsub.f32 v40, v2;
	v56 =	vsub.f32 v40, v23  }
0xcf: {  	v46 =	vmul.f32 v5, v5;
	v40 =	vsub.f32 v29, v2;
	v32 =	vsub.f32 v3, v2  }
0xd0: {  	v5 =	vsub.f32 v1, v2;
	v2 =	vmul.f32 v10, v10;
	v10 =	vmul.f32 v31, v31;
	v31 =	vmovc v7;
	v7 =	vld [tilespmem:$0x1FFD0];
	_ =	sdelay $0x3  }
0xd1: {  	v30 =	vmul.f32 v15, v15;
	v15 =	vmul.f32 v35, v35  }
0xd2: {  	v35 =	vmul.f32 v53, v53;
	v53 =	vmul.f32 v11, v11;
	v11 =	vadd.f32 v25, v7;
	v7 =	vld [tilespmem:$0x1FD60];
	_ =	sdelay $0x2  }
0xd3: {  	v4 =	vmul.f32 v4, v4;
	v51 =	vmul.f32 v47, v47  }
0xd4: {  	v47 =	vmul.f32 v0, v0;
	v0 =	vmul.f32 v28, v28  }
0xd5: {  	v28 =	vmul.f32 v12, v12;
	v36 =	vmul.f32 v54, v54;
	v4 =	vadd.f32 v4, v7;
	v7 =	vld [tilespmem:$0x1FFE0]  }
0xd6: {  	v54 =	vmul.f32 v52, v52;
	v52 =	vmul.f32 v9, v9  }
0xd7: {  	v9 =	vmul.f32 v27, v27;
	v12 =	vmul.f32 v32, v32;
	v32 =	vmov v13;
	v13 =	vld [tilespmem:$0x1FD70]  }
0xd8: {  	v6 =	vmul.f32 v6, v6;
	v34 =	vsub.f32 v37, v23;
	v3 =	vsub.f32 v3, v23  }
0xd9: {  	v37 =	vmul.f32 v55, v55;
	v55 =	vmul.f32 v14, v14;
	v14 =	vld [tilespmem:$0x1FD30];
	v9 =	vadd.f32 v9, v11  }
0xda: {  	v59 =	vsub.f32 v38, v23;
	v3 =	vmul.f32 v3, v3;
	v6 =	vadd.f32 v6, v7;
	v7 =	vld [tilespmem:$0x1FD80]  }
0xdb: {  	v27 =	vmov v43;
	v43 =	vsub.f32 v24, v23;
	v9 =	vadd.f32 v2, v9;
	v2 =	vld [tilespmem:$0x1FDC0]  }
0xdc: {  	v24 =	vld [tilespmem:$0x1FD50];
	v13 =	vadd.f32 v26, v13;
	v3 =	vadd.f32 v3, v6;
	v6 =	vmul.f32 v20, v20  }
0xdd: {  	v38 =	vsub.f32 v29, v23;
	v62 =	vsub.f32 v1, v23;
	v23 =	vld [tilespmem:$0x1FD40]  }
0xde: {  	v1 =	vmul.f32 v8, v8;
	v11 =	vadd.f32 v12, v13;
	v13 =	vld [tilespmem:$0x1FD90];
	v6 =	vadd.f32 v6, v3  }
0xdf: {  	v8 =	vmul.f32 v18, v18;
	v12 =	vld [tilespmem:$0x1FDA0];
	v4 =	vadd.f32 v10, v4;
	v10 =	vmul.f32 v7, v7  }
0xe0: {  	v29 =	vmul.f32 v2, v2;
	v2 =	vmul.f32 v22, v22;
	v22 =	vld [tilespmem:$0x1FDE0];
	v6 =	vadd.f32 v48, v6  }
0xe1: {  	v4 =	vadd.f32 v8, v4;
	v8 =	vadd.f32 v10, v11;
	v10 =	vld [tilespmem:$0x1FE30]  }
0xe2: {  	p1 =	slt.u32 s29, $0x1C;
	[tilespmem:$0x1FFE0] =	vst v6;
	v6 =	vld [tilespmem:$0x1FE10]  }
.Ltmp0:
0xe3: {  	v16 =	vmul.f32 v16, v16;
	v20 =	vld [tilespmem:$0x1FDB0];
	(pc) =	sbr.rel @p1 .LBB2_4-.Ltmp0, $4  }
0xe4: {  	v49 =	vmul.f32 v49, v49;
	v7 =	vadd.f32 v35, v9;
	v9 =	vld [tilespmem:$0x1FDF0]  }
0xe5: {  	v5 =	vmul.f32 v5, v5;
	v26 =	vmovc v42;
	v42 =	vmov v16;
	v3 =	vmul.f32 v33, v33;
	v11 =	vld [tilespmem:$0x1FDD0]  }
0xe6: {  	v33 =	vmovc v21;
	v21 =	vadd.f32 v36, v4;
	v4 =	vmul.f32 v34, v34;
	v16 =	vadd.f32 v37, v8;
	v8 =	vld [tilespmem:$0x1FE00]  }
0xe7: {  	s29 =	sadd.s32 $0x4, s29;
	v35 =	vmovc v19;
	[tilespmem:$0x1FFD0] =	vst v7;
	v7 =	vadd.f32 v15, v10;
	v6 =	vadd.f32 v30, v6;
	v30 =	vmov v41;
	v41 =	vld [tilespmem:$0x1FE20]  }
0xe8: {  	v10 =	vmul.f32 v62, v62;
	v62 =	vmul.f32 v59, v59  }
0xe9: {  	v18 =	vmul.f32 v57, v57;
	v12 =	vadd.f32 v50, v12;
	v22 =	vadd.f32 v46, v22  }
0xea: {  	v25 =	vmul.f32 v33, v33;
	v24 =	vadd.f32 v47, v24;
	v9 =	vadd.f32 v61, v9  }
0xeb: {  	v33 =	vmul.f32 v32, v32;
	v3 =	vadd.f32 v3, v6;
	v8 =	vadd.f32 v60, v8  }
0xec: {  	v15 =	vmul.f32 v31, v31;
	v4 =	vadd.f32 v4, v7;
	v6 =	vld [tilespmem:$0x1FEB0];
	v11 =	vadd.f32 v49, v11  }
0xed: {  	v37 =	vmul.f32 v30, v30;
	v3 =	vadd.f32 v29, v3;
	v5 =	vadd.f32 v5, v8;
	v8 =	vld [tilespmem:$0x1FEC0]  }
0xee: {  	v40 =	vmul.f32 v40, v40;
	v7 =	vadd.f32 v10, v9;
	v2 =	vadd.f32 v2, v4;
	v4 =	vld [tilespmem:$0x1FEE0]  }
0xef: {  	v48 =	vmul.f32 v17, v17;
	v10 =	vadd.f32 v18, v11;
	v3 =	vadd.f32 v63, v3  }
0xf0: {  	v18 =	vmul.f32 v38, v38;
	v1 =	vadd.f32 v1, v2;
	v63 =	vadd.f32 v51, v14  }
0xf1: {  	v6 =	vmul.f32 v6, v6;
	v9 =	vadd.f32 v25, v10;
	v25 =	vmul.f32 v43, v43  }
0xf2: {  	v19 =	vld [tilespmem:$0x1FFD0];
	v2 =	vadd.f32 v62, v63;
	v1 =	vmin.f32 v3, v1;
	v8 =	vmul.f32 v8, v8  }
0xf3: {  	v4 =	vmul.f32 v4, v4;
	v5 =	vadd.f32 v6, v5;
	v1 =	vadd.f32 $9.999999960e-13, v1  }
0xf4: {  	v34 =	vld [tilespmem:$0x1FFE0];
	v9 =	vadd.f32 v52, v9;
	v52 =	vmul.f32 v27, v27;
	v6 =	vadd.f32 v8, v7  }
0xf5: {  	v0 =	vadd.f32 v0, v5;
	v59 =	vshra.s32 v1, $0x1;
	v7 =	vmul.f32 v41, v41  }
0xf6: {  	v8 =	vmul.f32 v58, v58;
	v58 =	vld [tilespmem:$0x1FE70];
	v5 =	vadd.f32 v28, v6;
	v6 =	vadd.f32 v44, v13  }
0xf7: {  	v60 =	vmul.f32 $5.000000000e-01, v1;
	v13 =	vmin.f32 v19, v21;
	v21 =	vmul.f32 v56, v56  }
0xf8: {  	v63 =	vsub.s32 $0x5F3759DF, v59;
	v2 =	vadd.f32 v7, v2;
	v6 =	vadd.f32 v8, v6  }
0xf9: {  	v8 =	vadd.f32 $9.999999960e-13, v13;
	v28 =	vadd.f32 v21, v12;
	v12 =	vmin.f32 v16, v34  }
0xfa: {  	v2 =	vadd.f32 v55, v2;
	v21 =	vadd.f32 v48, v22;
	v0 =	vmin.f32 v0, v5  }
0xfb: {  	v36 =	vadd.f32 $9.999999960e-13, v12;
	v14 =	vmul.f32 v58, v58;
	v0 =	vadd.f32 $9.999999960e-13, v0  }
0xfc: {  	v29 =	vshra.s32 v8, $0x1;
	v13 =	vmul.f32 $5.000000000e-01, v8;
	v4 =	vadd.f32 v4, v6  }
0xfd: {  	v11 =	vadd.f32 v33, v28;
	v41 =	vshra.s32 v36, $0x1;
	v44 =	vmul.f32 $5.000000000e-01, v36  }
0xfe: {  	v6 =	vsub.s32 $0x5F3759DF, v29;
	v61 =	vshra.s32 v0, $0x1;
	v16 =	vsub.s32 $0x5F3759DF, v41  }
0xff: {  	v62 =	vmul.f32 $5.000000000e-01, v0;
	v4 =	vadd.f32 v54, v4;
	v19 =	vmul.f32 v16, v44  }
0x100: {  	v7 =	vmul.f32 v6, v13;
	v11 =	vadd.f32 v53, v11;
	v53 =	vadd.f32 v25, v24  }
0x101: {  	v54 =	vmul.f32 v26, v26;
	v24 =	vsub.s32 $0x5F3759DF, v61;
	v19 =	vmul.f32 v16, v19  }
0x102: {  	v5 =	vadd.f32 v52, v21;
	v25 =	vmul.f32 v63, v60;
	v26 =	vmul.f32 v24, v62  }
0x103: {  	v7 =	vmul.f32 v6, v7;
	v2 =	vmin.f32 v4, v2;
	v19 =	vsub.f32 $1.500000000e+00, v19  }
0x104: {  	v21 =	vmul.f32 v63, v25;
	v22 =	vmul.f32 v24, v26;
	v2 =	vadd.f32 $9.999999960e-13, v2  }
0x105: {  	v9 =	vmin.f32 v9, v11;
	v7 =	vsub.f32 $1.500000000e+00, v7;
	v16 =	vmul.f32 v16, v19  }
0x106: {  	v9 =	vadd.f32 $9.999999960e-13, v9;
	v30 =	vsub.f32 $1.500000000e+00, v22;
	v34 =	vshra.s32 v2, $0x1  }
0x107: {  	v56 =	vld [tilespmem:$0x1FE50];
	v6 =	vmul.f32 v6, v7;
	v7 =	vadd.f32 v45, v20;
	v55 =	vmul.f32 v16, v44  }
0x108: {  	v45 =	vadd.f32 v35, v23;
	v10 =	vsub.s32 $0x5F3759DF, v34;
	v35 =	vmul.f32 $5.000000000e-01, v2  }
0x109: {  	v49 =	vmul.f32 v6, v13;
	v7 =	vadd.f32 v40, v7;
	v57 =	vmul.f32 v55, v16  }
0x10a: {  	v19 =	vadd.f32 v54, v53;
	v33 =	vmul.f32 v24, v30;
	v50 =	vadd.f32 v18, v45  }
0x10b: {  	v51 =	vmul.f32 v49, v6;
	v7 =	vadd.f32 v15, v7;
	v3 =	vsub.f32 $1.500000000e+00, v57  }
0x10c: {  	v14 =	vadd.f32 v14, v19;
	v12 =	vadd.f32 v37, v50;
	v15 =	vmul.f32 v56, v56  }
0x10d: {  	v18 =	vsub.f32 $1.500000000e+00, v51;
	v7 =	vadd.f32 v42, v7;
	v3 =	vmul.f32 v3, v16  }
0x10e: {  	v38 =	vmul.f32 v10, v35;
	v12 =	vadd.f32 v39, v12;
	v5 =	vadd.f32 v15, v5  }
0x10f: {  	v29 =	vsub.f32 $1.500000000e+00, v21;
	v6 =	vmul.f32 v18, v6;
	v27 =	vmul.f32 v3, v44  }
0x110: {  	v7 =	vmin.f32 v7, v12;
	v5 =	vmin.f32 v5, v14;
	v14 =	vmul.f32 v10, v38  }
0x111: {  	v37 =	vmul.f32 $5.000000000e-01, v9;
	v7 =	vadd.f32 $9.999999960e-13, v7;
	v28 =	vmul.f32 v27, v3  }
0x112: {  	v5 =	vadd.f32 $9.999999960e-13, v5;
	v13 =	vmul.f32 v6, v13;
	v14 =	vsub.f32 $1.500000000e+00, v14  }
0x113: {  	v40 =	vshra.s32 v7, $0x1;
	v41 =	vmul.f32 $5.000000000e-01, v7;
	v31 =	vsub.f32 $1.500000000e+00, v28  }
0x114: {  	v42 =	vshra.s32 v5, $0x1;
	v43 =	vmul.f32 $5.000000000e-01, v5;
	v13 =	vmul.f32 v13, v6  }
0x115: {  	v18 =	vsub.s32 $0x5F3759DF, v40;
	v21 =	vsub.s32 $0x5F3759DF, v42;
	v3 =	vmul.f32 v31, v3  }
0x116: {  	v10 =	vmul.f32 v10, v14;
	v44 =	vmul.f32 v18, v41;
	v13 =	vsub.f32 $1.500000000e+00, v13  }
0x117: {  	v45 =	vmul.f32 v21, v43;
	v3 =	vmul.f32 v3, v36;
	v36 =	vshra.s32 v9, $0x1  }
0x118: {  	v48 =	vmul.f32 v10, v35;
	v6 =	vmul.f32 v13, v6;
	v13 =	vsub.s32 $0x5F3759DF, v36  }
0x119: {  	v24 =	vmul.f32 v18, v44;
	v39 =	vmul.f32 v13, v37  }
0x11a: {  	v32 =	vmul.f32 v63, v29;
	v25 =	vmul.f32 v21, v45  }
0x11b: {  	v16 =	vmul.f32 v48, v10;
	v46 =	vsub.f32 $1.500000000e+00, v24;
	v17 =	vmul.f32 v13, v39  }
0x11c: {  	v47 =	vsub.f32 $1.500000000e+00, v25;
	v4 =	vmul.f32 v6, v8;
	v6 =	vmul.f32 v32, v60  }
0x11d: {  	v8 =	vmul.f32 v33, v62;
	v14 =	vmul.f32 v18, v46;
	v17 =	vsub.f32 $1.500000000e+00, v17  }
0x11e: {  	v16 =	vsub.f32 $1.500000000e+00, v16;
	v15 =	vmul.f32 v21, v47;
	v6 =	vmul.f32 v6, v32  }
0x11f: {  	v8 =	vmul.f32 v8, v33;
	v13 =	vmul.f32 v13, v17  }
0x120: {  	v10 =	vmul.f32 v16, v10;
	v18 =	vmul.f32 v14, v41  }
0x121: {  	v21 =	vmul.f32 v15, v43;
	v17 =	vmul.f32 v13, v37  }
0x122: {  	v6 =	vsub.f32 $1.500000000e+00, v6;
	v8 =	vsub.f32 $1.500000000e+00, v8;
	v18 =	vmul.f32 v18, v14  }
0x123: {  	v21 =	vmul.f32 v21, v15;
	v17 =	vmul.f32 v17, v13  }
0x124: {  	v6 =	vmul.f32 v6, v32;
	v8 =	vmul.f32 v8, v33  }
0x125: {  	v11 =	vmul.f32 v10, v35;
	v49 =	vsub.f32 $1.500000000e+00, v18;
	v17 =	vsub.f32 $1.500000000e+00, v17  }
0x126: {  	v51 =	vsub.f32 $1.500000000e+00, v21;
	v20 =	vmul.f32 v6, v60;
	v23 =	vmul.f32 v8, v62  }
0x127: {  	v14 =	vmul.f32 v49, v14;
	v13 =	vmul.f32 v17, v13  }
0x128: {  	v15 =	vmul.f32 v51, v15;
	v20 =	vmul.f32 v20, v6  }
0x129: {  	v50 =	vmul.f32 v23, v8;
	v12 =	vmul.f32 v13, v37  }
0x12a: {  	v11 =	vmul.f32 v11, v10;
	v53 =	vmul.f32 v14, v41;
	v52 =	vsub.f32 $1.500000000e+00, v20  }
0x12b: {  	v54 =	vmul.f32 v15, v43;
	v18 =	vsub.f32 $1.500000000e+00, v50;
	v12 =	vmul.f32 v12, v13  }
0x12c: {  	v11 =	vsub.f32 $1.500000000e+00, v11;
	v55 =	vmul.f32 v53, v14;
	v6 =	vmul.f32 v52, v6  }
0x12d: {  	v56 =	vmul.f32 v54, v15;
	v8 =	vmul.f32 v18, v8;
	v12 =	vsub.f32 $1.500000000e+00, v12  }
0x12e: {  	[tilespmem:s7+$0x10040] =	vst v4;
	v4 =	vmul.f32 v11, v10;
	v1 =	vmul.f32 v6, v1;
	v6 =	vsub.f32 $1.500000000e+00, v55  }
0x12f: {  	s1 =	sadd.s32 $0x1, s1;
	[tilespmem:s6+$0x10040] =	vst v3;
	v0 =	vmul.f32 v8, v0;
	v8 =	vsub.f32 $1.500000000e+00, v56;
	v57 =	vmul.f32 v12, v13  }
0x130: {  	p1 =	sne.s32 s1, $0x4;
	v58 =	vmul.f32 v4, v2;
	[tilespmem:s0+$0x10040] =	vst v1;
	v59 =	vmul.f32 v6, v14  }
.Ltmp1:
0x131: {  	v61 =	vmul.f32 v8, v15;
	[tilespmem:s8+$0x10040] =	vst v0;
	v60 =	vmul.f32 v57, v9;
	(pc) =	sbr.rel @p1 .LBB2_3-.Ltmp1, $4  }
0x132: {  	[tilespmem:s9+$0x10040] =	vst v58;
	v62 =	vmul.f32 v59, v7  }
0x133: {  	v63 =	vmul.f32 v61, v5;
	[tilespmem:s15+$0x10040] =	vst v60  }
0x134: {  	[tilespmem:s10+$0x10040] =	vst v62  }
0x135: {  	v6 =	vlaneseq.u32;
	[tilespmem:s16+$0x10040] =	vst v63  }
0x136: {  	s0 =	sor.u32 s5, s30  }
0x137: {  	s29 =	rddreg [dreg:$0x1];
	s30 =	sshrl.u32 s0, $0x3  }
0x138: {  	s0 =	sadd.s32 s29, s30  }
0x139: {  	[hbm4b:s0+s4] =	stream.linear.scatter [tilespmem:s22], [sflag:$0x5], $0x200, $0x38;
	[tilespmem:$0x10440] =	vst v63  }
0x13a: {  	s0 =	simm.s32 @!p0 $0x2  }
0x13b: {  	_ =	swait.ge @!p0 [sflag:s0], $0x4000  }
0x13c: {  	[sflag:s0] =	ssyncset.done @!p0 $0x0  }
0x13d: {  	[sflag:s0] =	ssyncadd.s32 @!p0 $0xFFFFC000;
	s0 =	simm.s32 @!p0 $0x6  }
0x13e: {  	_ =	swait.ge @!p0 [sflag:s0], $0x200  }
0x13f: {  	s1 =	simm.s32 @p0 $0x40;
	[sflag:s0] =	ssyncset.done @!p0 $0x0  }
0x140: {  	s2 =	rddreg [dreg:$0x8];
	[sflag:s0] =	ssyncadd.s32 @!p0 $0xFFFFFE00;
	s0 =	simm.s32 @p0 $0x0  }
0x141: {  	[tilespmem:s1], [sflag:$0x1] =	stream.linear.gather @p0 [hbm4b:s2+s0], $0x4000, $0x38;
	[tilespmem:$0x10440] =	vst v63  }
0x142: {  	s0 =	simm.s32 @p0 $0x2  }
0x143: {  	_ =	swait.ge @p0 [sflag:s0], $0x4000  }
0x144: {  	[sflag:s0] =	ssyncset.done @p0 $0x0  }
0x145: {  	s31 =	simm.s32 $0x0;
	s1 =	simm.s32 $0x0;
	[sflag:s0] =	ssyncadd.s32 @p0 $0xFFFFC000  }
.LBB2_7:
0x146: {  	s7 =	sshll.u32 s1, $0x7  }
0x147: {  	v3 =	vadd.s32 s31, v6;
	s2 =	simm.s32 $0x3;
	s3 =	simm.s32 $0x2;
	v23 =	vlaneseq.u32;
	v0 =	vmov s7  }
0x148: {  	s6 =	sor.u32 $0x10, s7;
	s0 =	sor.u32 $0x20, s7;
	v3 =	vand.u32 $0x1F, v3;
	v4 =	vadd.s32 s2, v6;
	v6 =	vadd.s32 s3, v6  }
0x149: {  	s8 =	sor.u32 $0x30, s7;
	s9 =	sor.u32 $0x40, s7;
	v0 =	vshll.u32 v0, $0x5;
	v1 =	vmov s6;
	v2 =	vmov s0  }
0x14a: {  	v16 =	vld [tilespmem:$0x1FFF0];
	s15 =	sor.u32 $0x50, s7;
	s10 =	sor.u32 $0x60, s7;
	v5 =	vmov s8;
	v4 =	vand.u32 $0x1F, v4;
	v7 =	vmov s9  }
0x14b: {  	s16 =	sor.u32 $0x70, s7;
	s3 =	simm.s32 $0x1;
	v6 =	vand.u32 $0x1F, v6;
	v8 =	vmov s15;
	v9 =	vmov s10  }
0x14c: {  	v13 =	vmov s16;
	v23 =	vadd.s32 s3, v23;
	v1 =	vshll.u32 v1, $0x5  }
0x14d: {  	v2 =	vshll.u32 v2, $0x5;
	v5 =	vshll.u32 v5, $0x5;
	v7 =	vshll.u32 v7, $0x5  }
0x14e: {  	v8 =	vshll.u32 v8, $0x5;
	v9 =	vshll.u32 v9, $0x5;
	v13 =	vshll.u32 v13, $0x5  }
0x14f: {  	v26 =	vor.u32 $0x20, v6;
	v23 =	vand.u32 $0x1F, v23;
	v28 =	vor.u32 v16, v0  }
0x150: {  	v0 =	vor.u32 $0x20, v3;
	v29 =	vor.u32 v16, v1;
	v34 =	vor.u32 v16, v2  }
0x151: {  	v42 =	vor.u32 v16, v5;
	v43 =	vor.u32 v16, v7;
	v8 =	vor.u32 v16, v8;
	v2 =	vld.idx.msk [tilespmem:v3+s4+$0x0], $0xffff  }
0x152: {  	v9 =	vor.u32 v16, v9;
	v61 =	vor.u32 v16, v13;
	v16 =	vor.u32 $0x20, v4;
	v11 =	vld.idx.msk [tilespmem:v4+s4+$0x0], $0xffff  }
0x153: {  	v1 =	vor.u32 v28, v3;
	v12 =	vld.idx.msk [tilespmem:v6+s4+$0x0], $0xffff  }
0x154: {  	v10 =	vor.u32 v29, v3;
	v26 =	vld.idx.msk [tilespmem:v26+s4+$0x0], $0xffff  }
0x155: {  	v5 =	vor.u32 v34, v3;
	v50 =	vld.idx.msk [tilespmem:v23+s4+$0x0], $0xffff  }
0x156: {  	v7 =	vor.u32 v42, v3;
	v0 =	vld.idx.msk [tilespmem:v0+s4+$0x0], $0xffff  }
0x157: {  	v14 =	vor.u32 v43, v3;
	v16 =	vld.idx.msk [tilespmem:v16+s4+$0x0], $0xffff  }
0x158: {  	v15 =	vor.u32 v8, v3;
	v1 =	vld.idx.msk [tilespmem:v1+s18+$0x0], $0xffff  }
0x159: {  	v13 =	vor.u32 v9, v3;
	v10 =	vld.idx.msk [tilespmem:v10+s18+$0x0], $0xffff  }
0x15a: {  	v3 =	vor.u32 v61, v3;
	v5 =	vld.idx.msk [tilespmem:v5+s18+$0x0], $0xffff  }
0x15b: {  	v17 =	vor.u32 v28, v4;
	v7 =	vld.idx.msk [tilespmem:v7+s18+$0x0], $0xffff  }
0x15c: {  	v19 =	vor.u32 v34, v4;
	v14 =	vld.idx.msk [tilespmem:v14+s18+$0x0], $0xffff  }
0x15d: {  	v20 =	vor.u32 v42, v4;
	v15 =	vld.idx.msk [tilespmem:v15+s18+$0x0], $0xffff  }
0x15e: {  	v22 =	vor.u32 v43, v4;
	v13 =	vld.idx.msk [tilespmem:v13+s18+$0x0], $0xffff  }
0x15f: {  	v18 =	vor.u32 v29, v4;
	v3 =	vld.idx.msk [tilespmem:v3+s18+$0x0], $0xffff  }
0x160: {  	v17 =	vld.idx.msk [tilespmem:v17+s18+$0x0], $0xffff  }
0x161: {  	v24 =	vor.u32 v8, v4;
	v27 =	vor.u32 v28, v6;
	v19 =	vld.idx.msk [tilespmem:v19+s18+$0x0], $0xffff;
	v21 =	vsub.f32 v1, v2  }
0x162: {  	v30 =	vor.u32 v29, v6;
	v20 =	vld.idx.msk [tilespmem:v20+s18+$0x0], $0xffff;
	v1 =	vsub.f32 v1, v0;
	v59 =	vsub.f32 v5, v2  }
0x163: {  	v31 =	vor.u32 v34, v6;
	v22 =	vld.idx.msk [tilespmem:v22+s18+$0x0], $0xffff;
	v48 =	vsub.f32 v5, v0;
	v5 =	vsub.f32 v14, v0  }
0x164: {  	v25 =	vsub.f32 v10, v2;
	v60 =	vsub.f32 v10, v0;
	v10 =	vld.idx.msk [tilespmem:v18+s18+$0x0], $0xffff;
	v18 =	vor.u32 v9, v4  }
0x165: {  	v4 =	vor.u32 v61, v4;
	v46 =	vsub.f32 v7, v0;
	[tilespmem:$0x1FC40] =	vst v5;
	v5 =	vsub.f32 v15, v0  }
0x166: {  	v32 =	vor.u32 v43, v6;
	v24 =	vld.idx.msk [tilespmem:v24+s18+$0x0], $0xffff;
	v36 =	vsub.f32 v13, v0;
	v0 =	vsub.f32 v3, v0  }
0x167: {  	v56 =	vsub.f32 v7, v2;
	[tilespmem:$0x1FC50] =	vst v5;
	v5 =	vsub.f32 v3, v2;
	v3 =	vor.u32 v42, v6  }
0x168: {  	v27 =	vld.idx.msk [tilespmem:v27+s18+$0x0], $0xffff;
	v35 =	vsub.f32 v14, v2;
	[tilespmem:$0x1FC60] =	vst v0;
	v0 =	vsub.f32 v17, v11  }
0x169: {  	v30 =	vld.idx.msk [tilespmem:v30+s18+$0x0], $0xffff;
	v49 =	vsub.f32 v15, v2;
	v37 =	vsub.f32 v13, v2  }
0x16a: {  	v2 =	vsub.f32 v19, v16;
	v4 =	vld.idx.msk [tilespmem:v4+s18+$0x0], $0xffff;
	[tilespmem:$0x1FC70] =	vst v0;
	v0 =	vor.u32 v9, v6  }
0x16b: {  	v38 =	vor.u32 v29, v23;
	v31 =	vld.idx.msk [tilespmem:v31+s18+$0x0], $0xffff  }
0x16c: {  	[tilespmem:$0x1FC80] =	vst v2;
	v2 =	vsub.f32 v20, v11;
	v3 =	vld.idx.msk [tilespmem:v3+s18+$0x0], $0xffff  }
0x16d: {  	v33 =	vor.u32 v8, v6;
	[tilespmem:$0x1FB70] =	vst v28;
	v39 =	vor.u32 v28, v23;
	v32 =	vld.idx.msk [tilespmem:v32+s18+$0x0], $0xffff  }
0x16e: {  	v55 =	vsub.f32 v27, v26;
	v6 =	vor.u32 v61, v6;
	[tilespmem:$0x1FC90] =	vst v2;
	v2 =	vsub.f32 v20, v16  }
0x16f: {  	[tilespmem:$0x1FBB0] =	vst v34;
	v63 =	vsub.f32 v10, v11;
	v45 =	vld.idx.msk [tilespmem:v0+s18+$0x0], $0xffff;
	v0 =	vsub.f32 v4, v16  }
0x170: {  	v57 =	vld.idx.msk [tilespmem:v38+s18+$0x0], $0xffff;
	v52 =	vsub.f32 v10, v16;
	[tilespmem:$0x1FCA0] =	vst v2;
	v2 =	vsub.f32 v22, v11  }
0x171: {  	v10 =	vsub.f32 v27, v12;
	v27 =	vor.u32 v42, v23;
	[tilespmem:$0x1FBA0] =	vst v0;
	v0 =	vsub.f32 v3, v12  }
0x172: {  	v41 =	vor.u32 $0x20, v23;
	v54 =	vsub.f32 v17, v16;
	v18 =	vld.idx.msk [tilespmem:v18+s18+$0x0], $0xffff;
	[tilespmem:$0x1FCB0] =	vst v2;
	v2 =	vsub.f32 v22, v16  }
0x173: {  	v6 =	vld.idx.msk [tilespmem:v6+s18+$0x0], $0xffff;
	[tilespmem:$0x1FBE0] =	vst v0;
	v0 =	vsub.f32 v3, v26;
	v3 =	vor.u32 v8, v23  }
0x174: {  	v51 =	vor.u32 v43, v23;
	v53 =	vsub.f32 v19, v11;
	[tilespmem:$0x1FCC0] =	vst v2;
	v2 =	vsub.f32 v24, v11  }
0x175: {  	v58 =	vor.u32 v9, v23;
	v44 =	vld.idx.msk [tilespmem:v33+s18+$0x0], $0xffff;
	v28 =	vsub.f32 v57, v50;
	v19 =	vsub.f32 v30, v26  }
0x176: {  	v20 =	vsub.f32 v31, v26;
	v40 =	vld.idx.msk [tilespmem:v27+s18+$0x0], $0xffff;
	[tilespmem:$0x1FCD0] =	vst v2;
	v2 =	vsub.f32 v24, v16  }
0x177: {  	v24 =	vsub.f32 v18, v16;
	v16 =	vor.u32 v34, v23;
	v34 =	vld.idx.msk [tilespmem:v41+s4+$0x0], $0xffff;
	v41 =	vsub.f32 v32, v26  }
0x178: {  	v27 =	vsub.f32 v6, v12;
	[tilespmem:$0x1FCE0] =	vst v2;
	v2 =	vsub.f32 v18, v11;
	v3 =	vld.idx.msk [tilespmem:v3+s18+$0x0], $0xffff  }
0x179: {  	v18 =	vsub.f32 v30, v12;
	[tilespmem:$0x1FBF0] =	vst v0;
	v0 =	vsub.f32 v32, v12  }
0x17a: {  	v23 =	vor.u32 v61, v23;
	v32 =	vsub.f32 v44, v26;
	[tilespmem:$0x1FCF0] =	vst v2;
	v2 =	vsub.f32 v4, v11  }
0x17b: {  	v30 =	vsub.f32 v45, v26;
	v26 =	vsub.f32 v6, v26;
	v6 =	vld.idx.msk [tilespmem:v51+s18+$0x0], $0xffff;
	[tilespmem:$0x1FC10] =	vst v0  }
0x17c: {  	v51 =	vld.idx.msk [tilespmem:v58+s18+$0x0], $0xffff;
	v0 =	vmul.f32 v60, v60;
	[tilespmem:$0x1FB80] =	vst v2;
	v2 =	vsub.f32 v57, v34  }
0x17d: {  	v60 =	vmul.f32 v56, v56;
	v57 =	vsub.f32 v3, v50;
	v56 =	vsub.f32 v3, v34;
	v3 =	vld [tilespmem:$0x1FC40];
	_ =	sdelay $0x1  }
0x17e: {  	v47 =	vld.idx.msk [tilespmem:v39+s18+$0x0], $0xffff  }
0x17f: {  	v16 =	vld.idx.msk [tilespmem:v16+s18+$0x0], $0xffff  }
0x180: {  	v15 =	vsub.f32 v40, v50;
	v23 =	vld.idx.msk [tilespmem:v23+s18+$0x0], $0xffff;
	v62 =	vsub.f32 v40, v34  }
0x181: {  	v40 =	vsub.f32 v51, v50;
	v38 =	vsub.f32 v51, v34;
	v51 =	vmul.f32 v3, v3;
	v3 =	vld [tilespmem:$0x1FC50]  }
0x182: {  	v33 =	vsub.f32 v44, v12;
	v14 =	vmul.f32 v59, v59;
	v22 =	vsub.f32 v31, v12  }
0x183: {  	v31 =	vsub.f32 v45, v12;
	v12 =	vmul.f32 v21, v21;
	v21 =	vsub.f32 v47, v50  }
0x184: {  	[tilespmem:$0x1FC00] =	vst v8;
	v8 =	vimm.f32 $0.0e+00;
	v58 =	vsub.f32 v6, v50;
	v59 =	vsub.f32 v6, v34  }
0x185: {  	v6 =	vadd.f32 v12, v8;
	v4 =	vsub.f32 v16, v50  }
0x186: {  	v17 =	vsub.f32 v23, v50;
	v50 =	vmul.f32 v3, v3;
	v3 =	vmul.f32 v21, v21;
	_ =	sdelay $0x1  }
0x187: {  	[tilespmem:$0x1FC20] =	vst v9;
	v9 =	vmul.f32 v10, v10;
	v3 =	vadd.f32 v3, v6  }
0x188: {  	[tilespmem:$0x1FC30] =	vst v61;
	v61 =	vmul.f32 v46, v46;
	v46 =	vmul.f32 v5, v5;
	v5 =	vld [tilespmem:$0x1FC60]  }
0x189: {  	v3 =	vadd.f32 v9, v3;
	v9 =	vld [tilespmem:$0x1FCA0]  }
0x18a: {  	[tilespmem:$0x1FB90] =	vst v29;
	v1 =	vmul.f32 v1, v1;
	v29 =	vsub.f32 v47, v34  }
0x18b: {  	v25 =	vmul.f32 v25, v25;
	v13 =	vmul.f32 v48, v48;
	v10 =	vld [tilespmem:$0x1FCB0]  }
0x18c: {  	v49 =	vmul.f32 v49, v49;
	v1 =	vadd.f32 v1, v8;
	v12 =	vmul.f32 v29, v29  }
0x18d: {  	v47 =	vmul.f32 v5, v5;
	v0 =	vadd.f32 v0, v8;
	v2 =	vmul.f32 v2, v2  }
0x18e: {  	v12 =	vadd.f32 v12, v1;
	v1 =	vmul.f32 v28, v28;
	v28 =	vmul.f32 v9, v9  }
0x18f: {  	v5 =	vld [tilespmem:$0x1FC70];
	v2 =	vadd.f32 v2, v0;
	v9 =	vmul.f32 v18, v18;
	v18 =	vmul.f32 v19, v19  }
0x190: {  	v25 =	vadd.f32 v25, v8;
	v21 =	vmul.f32 v54, v54;
	v54 =	vmul.f32 v10, v10;
	v10 =	vld [tilespmem:$0x1FCC0]  }
0x191: {  	v44 =	vmul.f32 v35, v35;
	v45 =	vmul.f32 v37, v37;
	v18 =	vadd.f32 v18, v2;
	v2 =	vld [tilespmem:$0x1FCE0]  }
0x192: {  	v35 =	vmul.f32 v36, v36;
	v39 =	vmul.f32 v24, v24;
	v0 =	vld [tilespmem:$0x1FC90]  }
0x193: {  	v24 =	vimm.f32 $0.0e+00;
	v11 =	vimm.f32 $0.0e+00;
	v25 =	vadd.f32 v1, v25;
	v1 =	vld [tilespmem:$0x1FC80]  }
0x194: {  	[tilespmem:$0x1FBD0] =	vst v43;
	v29 =	vmul.f32 v55, v55;
	v43 =	vsub.f32 v23, v34;
	v23 =	vmul.f32 v63, v63  }
0x195: {  	v7 =	vsub.f32 v16, v34;
	v63 =	vmul.f32 v53, v53;
	v55 =	vmul.f32 v10, v10;
	v10 =	vld [tilespmem:$0x1FCD0]  }
0x196: {  	v12 =	vadd.f32 v29, v12;
	v29 =	vmul.f32 v22, v22;
	v53 =	vmul.f32 v2, v2;
	v2 =	vld [tilespmem:$0x1FCF0]  }
0x197: {  	v22 =	vimm.f32 $0.0e+00;
	v6 =	vmul.f32 v5, v5;
	v5 =	vmul.f32 v52, v52  }
0x198: {  	v0 =	vmul.f32 v0, v0;
	v1 =	vmul.f32 v1, v1;
	v9 =	vadd.f32 v9, v25  }
0x199: {  	v21 =	vadd.f32 v21, v12;
	v12 =	vimm.f32 $0.0e+00;
	v5 =	vadd.f32 v5, v18  }
0x19a: {  	[tilespmem:$0x1FBC0] =	vst v42;
	v52 =	vmul.f32 v10, v10;
	v16 =	vadd.f32 v23, v9;
	v9 =	vimm.f32 $0.0e+00  }
0x19b: {  	v23 =	vimm.f32 $0.0e+00;
	[tilespmem:$0x1FD10] =	vst v5;
	v5 =	vmul.f32 v15, v15;
	v42 =	vmul.f32 v2, v2  }
0x19c: {  	v2 =	vadd.f32 v6, v3;
	v3 =	vmul.f32 v4, v4;
	v4 =	vmul.f32 v7, v7  }
0x19d: {  	v6 =	vadd.f32 v14, v8;
	v7 =	vadd.f32 v13, v8;
	v13 =	vimm.f32 $0.0e+00  }
0x19e: {  	s29 =	simm.s32 $0x4;
	v14 =	vimm.f32 $0.0e+00;
	[tilespmem:$0x1FD00] =	vst v2;
	v2 =	vmul.f32 v20, v20;
	v20 =	vimm.f32 $0.0e+00  }
.LBB2_8:
0x19f: {  	_ = 	snop  }
0x1a0: {  	v3 =	vadd.f32 v3, v6;
	v6 =	vld [tilespmem:$0x1FBE0];
	_ =	sdelay $0x1  }
0x1a1: {  	[tilespmem:$0x1FAA0] =	vst v16;
	v16 =	vadd.f32 v60, v8;
	v8 =	vld [tilespmem:$0x1FBF0];
	_ =	sdelay $0x1  }
0x1a2: {  	v48 =	vmul.f32 v62, v62  }
0x1a3: {  	v25 =	vadd.f32 v61, v9;
	v6 =	vmul.f32 v6, v6;
	v5 =	vadd.f32 v5, v16  }
0x1a4: {  	v4 =	vadd.f32 v4, v7  }
0x1a5: {  	v7 =	vadd.f32 v48, v25;
	v5 =	vadd.f32 v6, v5;
	v16 =	vmul.f32 v8, v8  }
0x1a6: {  	v3 =	vadd.f32 v29, v3  }
0x1a7: {  	v0 =	vadd.f32 v0, v5;
	v6 =	vadd.f32 v16, v7  }
0x1a8: {  	[tilespmem:$0x1FA90] =	vst v21;
	v2 =	vadd.f32 v2, v4;
	v4 =	vld [tilespmem:$0x1FC10];
	v3 =	vadd.f32 v63, v3  }
0x1a9: {  	[tilespmem:$0x1FB30] =	vst v0;
	v0 =	vadd.f32 v28, v6  }
0x1aa: {  	v1 =	vadd.f32 v1, v2;
	[tilespmem:$0x1FB40] =	vst v3  }
0x1ab: {  	v21 =	vmul.f32 v56, v56;
	v29 =	vmul.f32 v58, v58;
	[tilespmem:$0x1FB20] =	vst v0;
	v0 =	vadd.f32 v44, v13  }
0x1ac: {  	v2 =	vadd.f32 v51, v14;
	[tilespmem:$0x1FB60] =	vst v1;
	v1 =	vmul.f32 v59, v59;
	v3 =	vmul.f32 v57, v57  }
0x1ad: {  	v4 =	vmul.f32 v4, v4;
	v5 =	vadd.f32 v49, v11;
	v0 =	vadd.f32 v29, v0  }
0x1ae: {  	v1 =	vadd.f32 v1, v2;
	v7 =	vmul.f32 v41, v41;
	v6 =	vadd.f32 v50, v12  }
0x1af: {  	v2 =	vmul.f32 v33, v33;
	v3 =	vadd.f32 v3, v5;
	v0 =	vadd.f32 v4, v0  }
0x1b0: {  	v1 =	vadd.f32 v7, v1;
	v5 =	vadd.f32 v21, v6;
	v6 =	vmul.f32 v32, v32  }
0x1b1: {  	v2 =	vadd.f32 v2, v3;
	v0 =	vadd.f32 v54, v0  }
0x1b2: {  	v3 =	vadd.f32 v6, v5  }
0x1b3: {  	[tilespmem:$0x1FAC0] =	vst v0;
	v0 =	vadd.f32 v55, v1;
	v1 =	vadd.f32 v52, v2;
	_ =	sdelay $0x1  }
0x1b4: {  	[tilespmem:$0x1FB00] =	vst v1;
	v1 =	vadd.f32 v53, v3  }
0x1b5: {  	v2 =	vadd.f32 v35, v23;
	[tilespmem:$0x1FA60] =	vst v0;
	v0 =	vmul.f32 v38, v38  }
0x1b6: {  	v6 =	vmul.f32 v40, v40;
	[tilespmem:$0x1FAD0] =	vst v1;
	v1 =	vadd.f32 v45, v20  }
0x1b7: {  	v5 =	vmul.f32 v30, v30;
	v0 =	vadd.f32 v0, v2  }
0x1b8: {  	v18 =	vld [tilespmem:$0x1FB90];
	v7 =	vadd.f32 v46, v22;
	v4 =	vmul.f32 v31, v31;
	v1 =	vadd.f32 v6, v1  }
0x1b9: {  	v12 =	vadd.f32 v47, v24;
	v22 =	vld [tilespmem:$0x1FBC0];
	v0 =	vadd.f32 v5, v0  }
0x1ba: {  	v13 =	vmul.f32 v43, v43;
	v3 =	vmul.f32 v17, v17;
	v1 =	vadd.f32 v4, v1;
	v4 =	vld [tilespmem:$0x1FB80]  }
0x1bb: {  	v8 =	vlaneseq.u32;
	v2 =	vmul.f32 v27, v27;
	v20 =	vld [tilespmem:$0x1FBB0];
	v0 =	vadd.f32 v39, v0  }
0x1bc: {  	v3 =	vadd.f32 v3, v7;
	v7 =	vmul.f32 v26, v26;
	v6 =	vadd.f32 v13, v12;
	v5 =	vld [tilespmem:$0x1FBA0]  }
0x1bd: {  	v24 =	vld [tilespmem:$0x1FBD0];
	[tilespmem:$0x1FA70] =	vst v0;
	v0 =	vadd.s32 s29, v8  }
0x1be: {  	v25 =	vld [tilespmem:$0x1FC00];
	v2 =	vadd.f32 v2, v3;
	v3 =	vadd.f32 v7, v6;
	v0 =	vand.u32 $0x1F, v0  }
0x1bf: {  	v60 =	vld [tilespmem:$0x1FC20];
	v1 =	vadd.f32 v42, v1;
	v6 =	vor.u32 v18, v0;
	v4 =	vmul.f32 v4, v4  }
0x1c0: {  	v16 =	vld [tilespmem:$0x1FB70];
	v7 =	vor.u32 v20, v0  }
0x1c1: {  	v5 =	vmul.f32 v5, v5;
	[tilespmem:$0x1FAE0] =	vst v1;
	v11 =	vor.u32 v22, v0;
	v1 =	vadd.f32 v4, v2  }
0x1c2: {  	v61 =	vld [tilespmem:$0x1FC30];
	v27 =	vor.u32 v24, v0  }
0x1c3: {  	v28 =	vor.u32 v25, v0;
	[tilespmem:$0x1FB10] =	vst v1;
	v1 =	vadd.f32 v5, v3;
	v5 =	vld.idx.msk [tilespmem:v0+s4+$0x0], $0xffff  }
0x1c4: {  	s3 =	sadd.s32 $0x2, s29;
	v29 =	vor.u32 v60, v0;
	v6 =	vld.idx.msk [tilespmem:v6+s18+$0x0], $0xffff  }
0x1c5: {  	v2 =	vadd.s32 s3, v8;
	v4 =	vor.u32 v16, v0;
	v7 =	vld.idx.msk [tilespmem:v7+s18+$0x0], $0xffff  }
0x1c6: {  	v2 =	vand.u32 $0x1F, v2;
	v11 =	vld.idx.msk [tilespmem:v11+s18+$0x0], $0xffff  }
0x1c7: {  	s2 =	sadd.s32 $0x3, s29;
	v3 =	vor.u32 $0x20, v0;
	v27 =	vld.idx.msk [tilespmem:v27+s18+$0x0], $0xffff  }
0x1c8: {  	v0 =	vor.u32 v61, v0;
	v28 =	vld.idx.msk [tilespmem:v28+s18+$0x0], $0xffff;
	[tilespmem:$0x1FA80] =	vst v1;
	v1 =	vadd.s32 s2, v8  }
0x1c9: {  	v29 =	vld.idx.msk [tilespmem:v29+s18+$0x0], $0xffff;
	v1 =	vand.u32 $0x1F, v1  }
0x1ca: {  	v4 =	vld.idx.msk [tilespmem:v4+s18+$0x0], $0xffff;
	v30 =	vor.u32 $0x20, v1  }
0x1cb: {  	v26 =	vld.idx.msk [tilespmem:v2+s4+$0x0], $0xffff;
	v31 =	vor.u32 v16, v1  }
0x1cc: {  	v56 =	vor.u32 v18, v1;
	v3 =	vld.idx.msk [tilespmem:v3+s4+$0x0], $0xffff  }
0x1cd: {  	v57 =	vor.u32 v20, v1;
	v0 =	vld.idx.msk [tilespmem:v0+s18+$0x0], $0xffff  }
0x1ce: {  	s3 =	sadd.s32 $0x1, s29;
	v34 =	vor.u32 v22, v1;
	v10 =	vld.idx.msk [tilespmem:v1+s4+$0x0], $0xffff  }
0x1cf: {  	v36 =	vadd.s32 s3, v8;
	v37 =	vor.u32 v24, v1;
	v30 =	vld.idx.msk [tilespmem:v30+s4+$0x0], $0xffff  }
0x1d0: {  	v58 =	vor.u32 v25, v1;
	v8 =	vsub.f32 v6, v5;
	v15 =	vsub.f32 v7, v5;
	v31 =	vld.idx.msk [tilespmem:v31+s18+$0x0], $0xffff  }
0x1d1: {  	v59 =	vor.u32 v60, v1;
	v38 =	vsub.f32 v11, v5;
	v46 =	vsub.f32 v27, v5;
	v32 =	vld.idx.msk [tilespmem:v56+s18+$0x0], $0xffff  }
0x1d2: {  	v62 =	vor.u32 v18, v2;
	v49 =	vsub.f32 v28, v5;
	v19 =	vsub.f32 v29, v5;
	v33 =	vld.idx.msk [tilespmem:v57+s18+$0x0], $0xffff  }
0x1d3: {  	v63 =	vor.u32 v20, v2;
	v44 =	vsub.f32 v4, v5;
	v34 =	vld.idx.msk [tilespmem:v34+s18+$0x0], $0xffff;
	v4 =	vsub.f32 v4, v3  }
0x1d4: {  	v1 =	vor.u32 v61, v1;
	v37 =	vld.idx.msk [tilespmem:v37+s18+$0x0], $0xffff;
	v6 =	vsub.f32 v6, v3;
	v35 =	vsub.f32 v7, v3  }
0x1d5: {  	v39 =	vld.idx.msk [tilespmem:v58+s18+$0x0], $0xffff;
	v45 =	vsub.f32 v11, v3;
	v11 =	vor.u32 $0x20, v2;
	v47 =	vsub.f32 v27, v3  }
0x1d6: {  	v41 =	vld.idx.msk [tilespmem:v59+s18+$0x0], $0xffff;
	v40 =	vsub.f32 v28, v3;
	v29 =	vsub.f32 v29, v3  }
0x1d7: {  	v58 =	vld.idx.msk [tilespmem:v62+s18+$0x0], $0xffff;
	v27 =	vor.u32 v16, v2;
	v5 =	vsub.f32 v0, v5;
	v0 =	vsub.f32 v0, v3  }
0x1d8: {  	v62 =	vld.idx.msk [tilespmem:v63+s18+$0x0], $0xffff;
	v3 =	vor.u32 v22, v2;
	v53 =	vsub.f32 v31, v10;
	v54 =	vsub.f32 v31, v30  }
0x1d9: {  	v59 =	vor.u32 v60, v2;
	v1 =	vld.idx.msk [tilespmem:v1+s18+$0x0], $0xffff;
	v55 =	vsub.f32 v32, v10;
	v56 =	vsub.f32 v32, v30  }
0x1da: {  	v57 =	vsub.f32 v33, v10;
	v28 =	vsub.f32 v34, v10;
	v48 =	vld.idx.msk [tilespmem:v11+s4+$0x0], $0xffff;
	v11 =	vor.u32 v24, v2  }
0x1db: {  	v31 =	vor.u32 v25, v2;
	v12 =	vsub.f32 v34, v30;
	v52 =	vsub.f32 v37, v10  }
0x1dc: {  	v34 =	vand.u32 $0x1F, v36;
	v14 =	vsub.f32 v37, v30;
	v9 =	vsub.f32 v39, v10;
	v27 =	vld.idx.msk [tilespmem:v27+s18+$0x0], $0xffff  }
0x1dd: {  	v17 =	vsub.f32 v41, v30;
	v7 =	vsub.f32 v62, v26;
	v3 =	vld.idx.msk [tilespmem:v3+s18+$0x0], $0xffff;
	v36 =	vor.u32 v16, v34  }
0x1de: {  	v43 =	vld.idx.msk [tilespmem:v59+s18+$0x0], $0xffff;
	v2 =	vor.u32 v61, v2;
	v16 =	vsub.f32 v41, v10;
	v10 =	vsub.f32 v1, v10  }
0x1df: {  	[tilespmem:$0x1FA50] =	vst v8;
	v63 =	vor.u32 $0x20, v34;
	v41 =	vor.u32 v18, v34;
	v1 =	vsub.f32 v1, v30;
	v37 =	vld.idx.msk [tilespmem:v11+s18+$0x0], $0xffff  }
0x1e0: {  	v32 =	vor.u32 v22, v34;
	v59 =	vor.u32 v24, v34;
	v24 =	vor.u32 v61, v34;
	[tilespmem:$0x1FB80] =	vst v10  }
0x1e1: {  	v31 =	vld.idx.msk [tilespmem:v31+s18+$0x0], $0xffff;
	v10 =	vsub.f32 v27, v26;
	[tilespmem:$0x1FBA0] =	vst v1;
	v1 =	vsub.f32 v58, v26  }
0x1e2: {  	[tilespmem:$0x1FAF0] =	vst v7;
	v36 =	vld.idx.msk [tilespmem:v36+s18+$0x0], $0xffff;
	v7 =	vsub.f32 v3, v26;
	v3 =	vsub.f32 v3, v48  }
0x1e3: {  	v18 =	vsub.f32 v27, v48;
	v27 =	vor.u32 v20, v34;
	[tilespmem:$0x1FAB0] =	vst v1;
	v1 =	vld.idx.msk [tilespmem:v2+s18+$0x0], $0xffff  }
0x1e4: {  	v23 =	vld.idx.msk [tilespmem:v63+s4+$0x0], $0xffff;
	v63 =	vor.u32 v60, v34;
	[tilespmem:$0x1FBF0] =	vst v3;
	v3 =	vsub.f32 v37, v26  }
0x1e5: {  	v60 =	vmul.f32 v38, v38;
	v38 =	vld.idx.msk [tilespmem:v59+s18+$0x0], $0xffff;
	[tilespmem:$0x1FBE0] =	vst v7;
	v7 =	vsub.f32 v37, v48  }
0x1e6: {  	v22 =	vsub.f32 v62, v48;
	v62 =	vor.u32 v25, v34;
	v24 =	vld.idx.msk [tilespmem:v24+s18+$0x0], $0xffff;
	[tilespmem:$0x1FC10] =	vst v3  }
0x1e7: {  	v3 =	vld.idx.msk [tilespmem:v41+s18+$0x0], $0xffff;
	[tilespmem:$0x1FB50] =	vst v7;
	v7 =	vsub.f32 v43, v26;
	v41 =	vsub.f32 v43, v48  }
0x1e8: {  	v43 =	vsub.f32 v1, v26;
	v42 =	vsub.f32 v1, v48;
	v1 =	vld [tilespmem:$0x1FA50]  }
0x1e9: {  	v50 =	vmul.f32 v40, v40;
	v2 =	vld.idx.msk [tilespmem:v34+s4+$0x0], $0xffff  }
0x1ea: {  	v8 =	vsub.f32 v33, v30;
	v61 =	vmul.f32 v45, v45;
	v45 =	vmul.f32 v19, v19;
	v37 =	vld.idx.msk [tilespmem:v27+s18+$0x0], $0xffff  }
0x1eb: {  	v19 =	vmul.f32 v29, v29;
	v11 =	vsub.f32 v39, v30;
	v20 =	vsub.f32 v58, v48;
	v40 =	vld.idx.msk [tilespmem:v62+s18+$0x0], $0xffff  }
0x1ec: {  	v25 =	vmul.f32 v44, v44;
	v44 =	vmul.f32 v46, v46;
	v21 =	vsub.f32 v31, v26;
	v29 =	vld.idx.msk [tilespmem:v63+s18+$0x0], $0xffff  }
0x1ed: {  	v13 =	vsub.f32 v31, v48;
	v31 =	vsub.f32 v36, v23;
	v26 =	vmul.f32 v1, v1;
	v1 =	vld.idx.msk [tilespmem:v32+s18+$0x0], $0xffff  }
0x1ee: {  	v39 =	vmul.f32 v17, v17;
	v27 =	vsub.f32 v36, v2;
	v58 =	vsub.f32 v38, v2  }
0x1ef: {  	v63 =	vmul.f32 v57, v57;
	v17 =	vsub.f32 v24, v2;
	v33 =	vsub.f32 v37, v2  }
0x1f0: {  	v48 =	vmul.f32 v56, v56;
	v57 =	vsub.f32 v40, v2;
	v56 =	vsub.f32 v40, v23  }
0x1f1: {  	v46 =	vmul.f32 v5, v5;
	v40 =	vsub.f32 v29, v2;
	v32 =	vsub.f32 v3, v2  }
0x1f2: {  	v5 =	vsub.f32 v1, v2;
	v2 =	vmul.f32 v10, v10;
	v10 =	vmul.f32 v31, v31;
	v31 =	vmovc v7;
	v7 =	vld [tilespmem:$0x1FD00];
	_ =	sdelay $0x3  }
0x1f3: {  	v30 =	vmul.f32 v15, v15;
	v15 =	vmul.f32 v35, v35  }
0x1f4: {  	v35 =	vmul.f32 v53, v53;
	v53 =	vmul.f32 v11, v11;
	v11 =	vadd.f32 v25, v7;
	v7 =	vld [tilespmem:$0x1FA90];
	_ =	sdelay $0x2  }
0x1f5: {  	v4 =	vmul.f32 v4, v4;
	v51 =	vmul.f32 v47, v47  }
0x1f6: {  	v47 =	vmul.f32 v0, v0;
	v0 =	vmul.f32 v28, v28  }
0x1f7: {  	v28 =	vmul.f32 v12, v12;
	v36 =	vmul.f32 v54, v54;
	v4 =	vadd.f32 v4, v7;
	v7 =	vld [tilespmem:$0x1FD10]  }
0x1f8: {  	v54 =	vmul.f32 v52, v52;
	v52 =	vmul.f32 v9, v9  }
0x1f9: {  	v9 =	vmul.f32 v27, v27;
	v12 =	vmul.f32 v32, v32;
	v32 =	vmov v13;
	v13 =	vld [tilespmem:$0x1FAA0]  }
0x1fa: {  	v6 =	vmul.f32 v6, v6;
	v34 =	vsub.f32 v37, v23;
	v3 =	vsub.f32 v3, v23  }
0x1fb: {  	v37 =	vmul.f32 v55, v55;
	v55 =	vmul.f32 v14, v14;
	v14 =	vld [tilespmem:$0x1FA60];
	v9 =	vadd.f32 v9, v11  }
0x1fc: {  	v59 =	vsub.f32 v38, v23;
	v3 =	vmul.f32 v3, v3;
	v6 =	vadd.f32 v6, v7;
	v7 =	vld [tilespmem:$0x1FAB0]  }
0x1fd: {  	v27 =	vmov v43;
	v43 =	vsub.f32 v24, v23;
	v9 =	vadd.f32 v2, v9;
	v2 =	vld [tilespmem:$0x1FAF0]  }
0x1fe: {  	v24 =	vld [tilespmem:$0x1FA80];
	v13 =	vadd.f32 v26, v13;
	v3 =	vadd.f32 v3, v6;
	v6 =	vmul.f32 v20, v20  }
0x1ff: {  	v38 =	vsub.f32 v29, v23;
	v62 =	vsub.f32 v1, v23;
	v23 =	vld [tilespmem:$0x1FA70]  }
0x200: {  	v1 =	vmul.f32 v8, v8;
	v11 =	vadd.f32 v12, v13;
	v13 =	vld [tilespmem:$0x1FAC0];
	v6 =	vadd.f32 v6, v3  }
0x201: {  	v8 =	vmul.f32 v18, v18;
	v12 =	vld [tilespmem:$0x1FAD0];
	v4 =	vadd.f32 v10, v4;
	v10 =	vmul.f32 v7, v7  }
0x202: {  	v29 =	vmul.f32 v2, v2;
	v2 =	vmul.f32 v22, v22;
	v22 =	vld [tilespmem:$0x1FB10];
	v6 =	vadd.f32 v48, v6  }
0x203: {  	v4 =	vadd.f32 v8, v4;
	v8 =	vadd.f32 v10, v11;
	v10 =	vld [tilespmem:$0x1FB60]  }
0x204: {  	p1 =	slt.u32 s29, $0x1C;
	[tilespmem:$0x1FD10] =	vst v6;
	v6 =	vld [tilespmem:$0x1FB40]  }
.Ltmp2:
0x205: {  	v16 =	vmul.f32 v16, v16;
	v20 =	vld [tilespmem:$0x1FAE0];
	(pc) =	sbr.rel @p1 .LBB2_8-.Ltmp2, $4  }
0x206: {  	v49 =	vmul.f32 v49, v49;
	v7 =	vadd.f32 v35, v9;
	v9 =	vld [tilespmem:$0x1FB20]  }
0x207: {  	v5 =	vmul.f32 v5, v5;
	v26 =	vmovc v42;
	v42 =	vmov v16;
	v3 =	vmul.f32 v33, v33;
	v11 =	vld [tilespmem:$0x1FB00]  }
0x208: {  	v33 =	vmovc v21;
	v21 =	vadd.f32 v36, v4;
	v4 =	vmul.f32 v34, v34;
	v16 =	vadd.f32 v37, v8;
	v8 =	vld [tilespmem:$0x1FB30]  }
0x209: {  	s29 =	sadd.s32 $0x4, s29;
	v35 =	vmovc v19;
	[tilespmem:$0x1FD00] =	vst v7;
	v7 =	vadd.f32 v15, v10;
	v6 =	vadd.f32 v30, v6;
	v30 =	vmov v41;
	v41 =	vld [tilespmem:$0x1FB50]  }
0x20a: {  	v10 =	vmul.f32 v62, v62;
	v62 =	vmul.f32 v59, v59  }
0x20b: {  	v18 =	vmul.f32 v57, v57;
	v12 =	vadd.f32 v50, v12;
	v22 =	vadd.f32 v46, v22  }
0x20c: {  	v25 =	vmul.f32 v33, v33;
	v24 =	vadd.f32 v47, v24;
	v9 =	vadd.f32 v61, v9  }
0x20d: {  	v33 =	vmul.f32 v32, v32;
	v3 =	vadd.f32 v3, v6;
	v8 =	vadd.f32 v60, v8  }
0x20e: {  	v15 =	vmul.f32 v31, v31;
	v4 =	vadd.f32 v4, v7;
	v6 =	vld [tilespmem:$0x1FBE0];
	v11 =	vadd.f32 v49, v11  }
0x20f: {  	v37 =	vmul.f32 v30, v30;
	v3 =	vadd.f32 v29, v3;
	v5 =	vadd.f32 v5, v8;
	v8 =	vld [tilespmem:$0x1FBF0]  }
0x210: {  	v40 =	vmul.f32 v40, v40;
	v7 =	vadd.f32 v10, v9;
	v2 =	vadd.f32 v2, v4;
	v4 =	vld [tilespmem:$0x1FC10]  }
0x211: {  	v48 =	vmul.f32 v17, v17;
	v10 =	vadd.f32 v18, v11;
	v3 =	vadd.f32 v63, v3  }
0x212: {  	v18 =	vmul.f32 v38, v38;
	v1 =	vadd.f32 v1, v2;
	v63 =	vadd.f32 v51, v14  }
0x213: {  	v6 =	vmul.f32 v6, v6;
	v9 =	vadd.f32 v25, v10;
	v25 =	vmul.f32 v43, v43  }
0x214: {  	v19 =	vld [tilespmem:$0x1FD00];
	v2 =	vadd.f32 v62, v63;
	v1 =	vmin.f32 v3, v1;
	v8 =	vmul.f32 v8, v8  }
0x215: {  	v4 =	vmul.f32 v4, v4;
	v5 =	vadd.f32 v6, v5;
	v1 =	vadd.f32 $9.999999960e-13, v1  }
0x216: {  	v34 =	vld [tilespmem:$0x1FD10];
	v9 =	vadd.f32 v52, v9;
	v52 =	vmul.f32 v27, v27;
	v6 =	vadd.f32 v8, v7  }
0x217: {  	v0 =	vadd.f32 v0, v5;
	v59 =	vshra.s32 v1, $0x1;
	v7 =	vmul.f32 v41, v41  }
0x218: {  	v8 =	vmul.f32 v58, v58;
	v58 =	vld [tilespmem:$0x1FBA0];
	v5 =	vadd.f32 v28, v6;
	v6 =	vadd.f32 v44, v13  }
0x219: {  	v60 =	vmul.f32 $5.000000000e-01, v1;
	v13 =	vmin.f32 v19, v21;
	v21 =	vmul.f32 v56, v56  }
0x21a: {  	v63 =	vsub.s32 $0x5F3759DF, v59;
	v2 =	vadd.f32 v7, v2;
	v6 =	vadd.f32 v8, v6  }
0x21b: {  	v8 =	vadd.f32 $9.999999960e-13, v13;
	v28 =	vadd.f32 v21, v12;
	v12 =	vmin.f32 v16, v34  }
0x21c: {  	v2 =	vadd.f32 v55, v2;
	v21 =	vadd.f32 v48, v22;
	v0 =	vmin.f32 v0, v5  }
0x21d: {  	v36 =	vadd.f32 $9.999999960e-13, v12;
	v14 =	vmul.f32 v58, v58;
	v0 =	vadd.f32 $9.999999960e-13, v0  }
0x21e: {  	v29 =	vshra.s32 v8, $0x1;
	v13 =	vmul.f32 $5.000000000e-01, v8;
	v4 =	vadd.f32 v4, v6  }
0x21f: {  	v11 =	vadd.f32 v33, v28;
	v41 =	vshra.s32 v36, $0x1;
	v44 =	vmul.f32 $5.000000000e-01, v36  }
0x220: {  	v6 =	vsub.s32 $0x5F3759DF, v29;
	v61 =	vshra.s32 v0, $0x1;
	v16 =	vsub.s32 $0x5F3759DF, v41  }
0x221: {  	v62 =	vmul.f32 $5.000000000e-01, v0;
	v4 =	vadd.f32 v54, v4;
	v19 =	vmul.f32 v16, v44  }
0x222: {  	v7 =	vmul.f32 v6, v13;
	v11 =	vadd.f32 v53, v11;
	v53 =	vadd.f32 v25, v24  }
0x223: {  	v54 =	vmul.f32 v26, v26;
	v24 =	vsub.s32 $0x5F3759DF, v61;
	v19 =	vmul.f32 v16, v19  }
0x224: {  	v5 =	vadd.f32 v52, v21;
	v25 =	vmul.f32 v63, v60;
	v26 =	vmul.f32 v24, v62  }
0x225: {  	v7 =	vmul.f32 v6, v7;
	v2 =	vmin.f32 v4, v2;
	v19 =	vsub.f32 $1.500000000e+00, v19  }
0x226: {  	v21 =	vmul.f32 v63, v25;
	v22 =	vmul.f32 v24, v26;
	v2 =	vadd.f32 $9.999999960e-13, v2  }
0x227: {  	v9 =	vmin.f32 v9, v11;
	v7 =	vsub.f32 $1.500000000e+00, v7;
	v16 =	vmul.f32 v16, v19  }
0x228: {  	v9 =	vadd.f32 $9.999999960e-13, v9;
	v30 =	vsub.f32 $1.500000000e+00, v22;
	v34 =	vshra.s32 v2, $0x1  }
0x229: {  	v56 =	vld [tilespmem:$0x1FB80];
	v6 =	vmul.f32 v6, v7;
	v7 =	vadd.f32 v45, v20;
	v55 =	vmul.f32 v16, v44  }
0x22a: {  	v45 =	vadd.f32 v35, v23;
	v10 =	vsub.s32 $0x5F3759DF, v34;
	v35 =	vmul.f32 $5.000000000e-01, v2  }
0x22b: {  	v49 =	vmul.f32 v6, v13;
	v7 =	vadd.f32 v40, v7;
	v57 =	vmul.f32 v55, v16  }
0x22c: {  	v19 =	vadd.f32 v54, v53;
	v33 =	vmul.f32 v24, v30;
	v50 =	vadd.f32 v18, v45  }
0x22d: {  	v51 =	vmul.f32 v49, v6;
	v7 =	vadd.f32 v15, v7;
	v3 =	vsub.f32 $1.500000000e+00, v57  }
0x22e: {  	v14 =	vadd.f32 v14, v19;
	v12 =	vadd.f32 v37, v50;
	v15 =	vmul.f32 v56, v56  }
0x22f: {  	v18 =	vsub.f32 $1.500000000e+00, v51;
	v7 =	vadd.f32 v42, v7;
	v3 =	vmul.f32 v3, v16  }
0x230: {  	v38 =	vmul.f32 v10, v35;
	v12 =	vadd.f32 v39, v12;
	v5 =	vadd.f32 v15, v5  }
0x231: {  	v29 =	vsub.f32 $1.500000000e+00, v21;
	v6 =	vmul.f32 v18, v6;
	v27 =	vmul.f32 v3, v44  }
0x232: {  	v7 =	vmin.f32 v7, v12;
	v5 =	vmin.f32 v5, v14;
	v14 =	vmul.f32 v10, v38  }
0x233: {  	v37 =	vmul.f32 $5.000000000e-01, v9;
	v7 =	vadd.f32 $9.999999960e-13, v7;
	v28 =	vmul.f32 v27, v3  }
0x234: {  	v5 =	vadd.f32 $9.999999960e-13, v5;
	v13 =	vmul.f32 v6, v13;
	v14 =	vsub.f32 $1.500000000e+00, v14  }
0x235: {  	v40 =	vshra.s32 v7, $0x1;
	v41 =	vmul.f32 $5.000000000e-01, v7;
	v31 =	vsub.f32 $1.500000000e+00, v28  }
0x236: {  	v42 =	vshra.s32 v5, $0x1;
	v43 =	vmul.f32 $5.000000000e-01, v5;
	v13 =	vmul.f32 v13, v6  }
0x237: {  	v18 =	vsub.s32 $0x5F3759DF, v40;
	v21 =	vsub.s32 $0x5F3759DF, v42;
	v3 =	vmul.f32 v31, v3  }
0x238: {  	v10 =	vmul.f32 v10, v14;
	v44 =	vmul.f32 v18, v41;
	v13 =	vsub.f32 $1.500000000e+00, v13  }
0x239: {  	v45 =	vmul.f32 v21, v43;
	v3 =	vmul.f32 v3, v36;
	v36 =	vshra.s32 v9, $0x1  }
0x23a: {  	v48 =	vmul.f32 v10, v35;
	v6 =	vmul.f32 v13, v6;
	v13 =	vsub.s32 $0x5F3759DF, v36  }
0x23b: {  	v24 =	vmul.f32 v18, v44;
	v39 =	vmul.f32 v13, v37  }
0x23c: {  	v32 =	vmul.f32 v63, v29;
	v25 =	vmul.f32 v21, v45  }
0x23d: {  	v16 =	vmul.f32 v48, v10;
	v46 =	vsub.f32 $1.500000000e+00, v24;
	v17 =	vmul.f32 v13, v39  }
0x23e: {  	v47 =	vsub.f32 $1.500000000e+00, v25;
	v4 =	vmul.f32 v6, v8;
	v6 =	vmul.f32 v32, v60  }
0x23f: {  	v8 =	vmul.f32 v33, v62;
	v14 =	vmul.f32 v18, v46;
	v17 =	vsub.f32 $1.500000000e+00, v17  }
0x240: {  	v16 =	vsub.f32 $1.500000000e+00, v16;
	v15 =	vmul.f32 v21, v47;
	v6 =	vmul.f32 v6, v32  }
0x241: {  	v8 =	vmul.f32 v8, v33;
	v13 =	vmul.f32 v13, v17  }
0x242: {  	v10 =	vmul.f32 v16, v10;
	v18 =	vmul.f32 v14, v41  }
0x243: {  	v21 =	vmul.f32 v15, v43;
	v17 =	vmul.f32 v13, v37  }
0x244: {  	v6 =	vsub.f32 $1.500000000e+00, v6;
	v8 =	vsub.f32 $1.500000000e+00, v8;
	v18 =	vmul.f32 v18, v14  }
0x245: {  	v21 =	vmul.f32 v21, v15;
	v17 =	vmul.f32 v17, v13  }
0x246: {  	v6 =	vmul.f32 v6, v32;
	v8 =	vmul.f32 v8, v33  }
0x247: {  	v11 =	vmul.f32 v10, v35;
	v49 =	vsub.f32 $1.500000000e+00, v18;
	v17 =	vsub.f32 $1.500000000e+00, v17  }
0x248: {  	v51 =	vsub.f32 $1.500000000e+00, v21;
	v20 =	vmul.f32 v6, v60;
	v23 =	vmul.f32 v8, v62  }
0x249: {  	v14 =	vmul.f32 v49, v14;
	v13 =	vmul.f32 v17, v13  }
0x24a: {  	v15 =	vmul.f32 v51, v15;
	v20 =	vmul.f32 v20, v6  }
0x24b: {  	v50 =	vmul.f32 v23, v8;
	v12 =	vmul.f32 v13, v37  }
0x24c: {  	v11 =	vmul.f32 v11, v10;
	v53 =	vmul.f32 v14, v41;
	v52 =	vsub.f32 $1.500000000e+00, v20  }
0x24d: {  	v54 =	vmul.f32 v15, v43;
	v18 =	vsub.f32 $1.500000000e+00, v50;
	v12 =	vmul.f32 v12, v13  }
0x24e: {  	v11 =	vsub.f32 $1.500000000e+00, v11;
	v55 =	vmul.f32 v53, v14;
	v6 =	vmul.f32 v52, v6  }
0x24f: {  	v56 =	vmul.f32 v54, v15;
	v8 =	vmul.f32 v18, v8;
	v12 =	vsub.f32 $1.500000000e+00, v12  }
0x250: {  	[tilespmem:s7+$0x10240] =	vst v4;
	v4 =	vmul.f32 v11, v10;
	v1 =	vmul.f32 v6, v1;
	v6 =	vsub.f32 $1.500000000e+00, v55  }
0x251: {  	s1 =	sadd.s32 $0x1, s1;
	[tilespmem:s6+$0x10240] =	vst v3;
	v0 =	vmul.f32 v8, v0;
	v8 =	vsub.f32 $1.500000000e+00, v56;
	v57 =	vmul.f32 v12, v13  }
0x252: {  	p1 =	sne.s32 s1, $0x4;
	v58 =	vmul.f32 v4, v2;
	[tilespmem:s0+$0x10240] =	vst v1;
	v59 =	vmul.f32 v6, v14  }
.Ltmp3:
0x253: {  	v61 =	vmul.f32 v8, v15;
	[tilespmem:s8+$0x10240] =	vst v0;
	v60 =	vmul.f32 v57, v9;
	(pc) =	sbr.rel @p1 .LBB2_7-.Ltmp3, $4  }
0x254: {  	[tilespmem:s9+$0x10240] =	vst v58;
	v62 =	vmul.f32 v59, v7  }
0x255: {  	v63 =	vmul.f32 v61, v5;
	[tilespmem:s15+$0x10240] =	vst v60  }
0x256: {  	[tilespmem:s10+$0x10240] =	vst v62  }
0x257: {  	v6 =	vlaneseq.u32;
	[tilespmem:s16+$0x10240] =	vst v63  }
0x258: {  	s0 =	rddreg [dreg:$0x1]  }
0x259: {  	s30 =	sadd.s32 s30, s0  }
0x25a: {  	s0 =	sadd.s32 $0x40, s30  }
0x25b: {  	[hbm4b:s0+s4] =	stream.linear.scatter [tilespmem:s23], [sflag:$0x6], $0x200, $0x38;
	[tilespmem:$0x10440] =	vst v63  }
0x25c: {  	s1 =	simm.s32 @p0 $0x4040;
	s0 =	simm.s32 @p0 $0x0  }
0x25d: {  	[tilespmem:s1], [sflag:$0x2] =	stream.linear.gather @p0 [hbm4b:s12+s0], $0x4000, $0x38;
	[tilespmem:$0x10440] =	vst v63  }
0x25e: {  	_ =	swait.ge [sflag:s24], $0x4000  }
0x25f: {  	[sflag:s24] =	ssyncset.done $0x0  }
0x260: {  	[sflag:s24] =	ssyncadd.s32 $0xFFFFC000  }
0x261: {  	_ =	swait.ge [sflag:s25], $0x200  }
0x262: {  	[sflag:s25] =	ssyncset.done $0x0  }
0x263: {  	s31 =	simm.s32 $0x0;
	s1 =	simm.s32 $0x0;
	[sflag:s25] =	ssyncadd.s32 $0xFFFFFE00  }
.LBB2_11:
0x264: {  	s7 =	sshll.u32 s1, $0x7  }
0x265: {  	v3 =	vadd.s32 s31, v6;
	s2 =	simm.s32 $0x3;
	s3 =	simm.s32 $0x2;
	v23 =	vlaneseq.u32;
	v0 =	vmov s7  }
0x266: {  	s6 =	sor.u32 $0x10, s7;
	s0 =	sor.u32 $0x20, s7;
	v3 =	vand.u32 $0x1F, v3;
	v4 =	vadd.s32 s2, v6;
	v6 =	vadd.s32 s3, v6  }
0x267: {  	s8 =	sor.u32 $0x30, s7;
	s9 =	sor.u32 $0x40, s7;
	v0 =	vshll.u32 v0, $0x5;
	v1 =	vmov s6;
	v2 =	vmov s0  }
0x268: {  	v16 =	vld [tilespmem:$0x1FFF0];
	s15 =	sor.u32 $0x50, s7;
	s10 =	sor.u32 $0x60, s7;
	v5 =	vmov s8;
	v4 =	vand.u32 $0x1F, v4;
	v7 =	vmov s9  }
0x269: {  	s16 =	sor.u32 $0x70, s7;
	s3 =	simm.s32 $0x1;
	v6 =	vand.u32 $0x1F, v6;
	v8 =	vmov s15;
	v9 =	vmov s10  }
0x26a: {  	v13 =	vmov s16;
	v23 =	vadd.s32 s3, v23;
	v1 =	vshll.u32 v1, $0x5  }
0x26b: {  	v2 =	vshll.u32 v2, $0x5;
	v5 =	vshll.u32 v5, $0x5;
	v7 =	vshll.u32 v7, $0x5  }
0x26c: {  	v8 =	vshll.u32 v8, $0x5;
	v9 =	vshll.u32 v9, $0x5;
	v13 =	vshll.u32 v13, $0x5  }
0x26d: {  	v26 =	vor.u32 $0x20, v6;
	v23 =	vand.u32 $0x1F, v23;
	v28 =	vor.u32 v16, v0  }
0x26e: {  	v0 =	vor.u32 $0x20, v3;
	v29 =	vor.u32 v16, v1;
	v34 =	vor.u32 v16, v2  }
0x26f: {  	v42 =	vor.u32 v16, v5;
	v43 =	vor.u32 v16, v7;
	v8 =	vor.u32 v16, v8;
	v2 =	vld.idx.msk [tilespmem:v3+s4+$0x0], $0xffff  }
0x270: {  	v9 =	vor.u32 v16, v9;
	v61 =	vor.u32 v16, v13;
	v16 =	vor.u32 $0x20, v4;
	v11 =	vld.idx.msk [tilespmem:v4+s4+$0x0], $0xffff  }
0x271: {  	v1 =	vor.u32 v28, v3;
	v12 =	vld.idx.msk [tilespmem:v6+s4+$0x0], $0xffff  }
0x272: {  	v10 =	vor.u32 v29, v3;
	v26 =	vld.idx.msk [tilespmem:v26+s4+$0x0], $0xffff  }
0x273: {  	v5 =	vor.u32 v34, v3;
	v50 =	vld.idx.msk [tilespmem:v23+s4+$0x0], $0xffff  }
0x274: {  	v7 =	vor.u32 v42, v3;
	v0 =	vld.idx.msk [tilespmem:v0+s4+$0x0], $0xffff  }
0x275: {  	v14 =	vor.u32 v43, v3;
	v16 =	vld.idx.msk [tilespmem:v16+s4+$0x0], $0xffff  }
0x276: {  	v15 =	vor.u32 v8, v3;
	v1 =	vld.idx.msk [tilespmem:v1+s19+$0x0], $0xffff  }
0x277: {  	v13 =	vor.u32 v9, v3;
	v10 =	vld.idx.msk [tilespmem:v10+s19+$0x0], $0xffff  }
0x278: {  	v3 =	vor.u32 v61, v3;
	v5 =	vld.idx.msk [tilespmem:v5+s19+$0x0], $0xffff  }
0x279: {  	v17 =	vor.u32 v28, v4;
	v7 =	vld.idx.msk [tilespmem:v7+s19+$0x0], $0xffff  }
0x27a: {  	v19 =	vor.u32 v34, v4;
	v14 =	vld.idx.msk [tilespmem:v14+s19+$0x0], $0xffff  }
0x27b: {  	v20 =	vor.u32 v42, v4;
	v15 =	vld.idx.msk [tilespmem:v15+s19+$0x0], $0xffff  }
0x27c: {  	v22 =	vor.u32 v43, v4;
	v13 =	vld.idx.msk [tilespmem:v13+s19+$0x0], $0xffff  }
0x27d: {  	v18 =	vor.u32 v29, v4;
	v3 =	vld.idx.msk [tilespmem:v3+s19+$0x0], $0xffff  }
0x27e: {  	v17 =	vld.idx.msk [tilespmem:v17+s19+$0x0], $0xffff  }
0x27f: {  	v24 =	vor.u32 v8, v4;
	v27 =	vor.u32 v28, v6;
	v19 =	vld.idx.msk [tilespmem:v19+s19+$0x0], $0xffff;
	v21 =	vsub.f32 v1, v2  }
0x280: {  	v30 =	vor.u32 v29, v6;
	v20 =	vld.idx.msk [tilespmem:v20+s19+$0x0], $0xffff;
	v1 =	vsub.f32 v1, v0;
	v59 =	vsub.f32 v5, v2  }
0x281: {  	v31 =	vor.u32 v34, v6;
	v22 =	vld.idx.msk [tilespmem:v22+s19+$0x0], $0xffff;
	v48 =	vsub.f32 v5, v0;
	v5 =	vsub.f32 v14, v0  }
0x282: {  	v25 =	vsub.f32 v10, v2;
	v60 =	vsub.f32 v10, v0;
	v10 =	vld.idx.msk [tilespmem:v18+s19+$0x0], $0xffff;
	v18 =	vor.u32 v9, v4  }
0x283: {  	v4 =	vor.u32 v61, v4;
	v46 =	vsub.f32 v7, v0;
	[tilespmem:$0x1F970] =	vst v5;
	v5 =	vsub.f32 v15, v0  }
0x284: {  	v32 =	vor.u32 v43, v6;
	v24 =	vld.idx.msk [tilespmem:v24+s19+$0x0], $0xffff;
	v36 =	vsub.f32 v13, v0;
	v0 =	vsub.f32 v3, v0  }
0x285: {  	v56 =	vsub.f32 v7, v2;
	[tilespmem:$0x1F980] =	vst v5;
	v5 =	vsub.f32 v3, v2;
	v3 =	vor.u32 v42, v6  }
0x286: {  	v27 =	vld.idx.msk [tilespmem:v27+s19+$0x0], $0xffff;
	v35 =	vsub.f32 v14, v2;
	[tilespmem:$0x1F990] =	vst v0;
	v0 =	vsub.f32 v17, v11  }
0x287: {  	v30 =	vld.idx.msk [tilespmem:v30+s19+$0x0], $0xffff;
	v49 =	vsub.f32 v15, v2;
	v37 =	vsub.f32 v13, v2  }
0x288: {  	v2 =	vsub.f32 v19, v16;
	v4 =	vld.idx.msk [tilespmem:v4+s19+$0x0], $0xffff;
	[tilespmem:$0x1F9A0] =	vst v0;
	v0 =	vor.u32 v9, v6  }
0x289: {  	v38 =	vor.u32 v29, v23;
	v31 =	vld.idx.msk [tilespmem:v31+s19+$0x0], $0xffff  }
0x28a: {  	[tilespmem:$0x1F9B0] =	vst v2;
	v2 =	vsub.f32 v20, v11;
	v3 =	vld.idx.msk [tilespmem:v3+s19+$0x0], $0xffff  }
0x28b: {  	v33 =	vor.u32 v8, v6;
	[tilespmem:$0x1F8A0] =	vst v28;
	v39 =	vor.u32 v28, v23;
	v32 =	vld.idx.msk [tilespmem:v32+s19+$0x0], $0xffff  }
0x28c: {  	v55 =	vsub.f32 v27, v26;
	v6 =	vor.u32 v61, v6;
	[tilespmem:$0x1F9C0] =	vst v2;
	v2 =	vsub.f32 v20, v16  }
0x28d: {  	[tilespmem:$0x1F8E0] =	vst v34;
	v63 =	vsub.f32 v10, v11;
	v45 =	vld.idx.msk [tilespmem:v0+s19+$0x0], $0xffff;
	v0 =	vsub.f32 v4, v16  }
0x28e: {  	v57 =	vld.idx.msk [tilespmem:v38+s19+$0x0], $0xffff;
	v52 =	vsub.f32 v10, v16;
	[tilespmem:$0x1F9D0] =	vst v2;
	v2 =	vsub.f32 v22, v11  }
0x28f: {  	v10 =	vsub.f32 v27, v12;
	v27 =	vor.u32 v42, v23;
	[tilespmem:$0x1F8D0] =	vst v0;
	v0 =	vsub.f32 v3, v12  }
0x290: {  	v41 =	vor.u32 $0x20, v23;
	v54 =	vsub.f32 v17, v16;
	v18 =	vld.idx.msk [tilespmem:v18+s19+$0x0], $0xffff;
	[tilespmem:$0x1F9E0] =	vst v2;
	v2 =	vsub.f32 v22, v16  }
0x291: {  	v6 =	vld.idx.msk [tilespmem:v6+s19+$0x0], $0xffff;
	[tilespmem:$0x1F910] =	vst v0;
	v0 =	vsub.f32 v3, v26;
	v3 =	vor.u32 v8, v23  }
0x292: {  	v51 =	vor.u32 v43, v23;
	v53 =	vsub.f32 v19, v11;
	[tilespmem:$0x1F9F0] =	vst v2;
	v2 =	vsub.f32 v24, v11  }
0x293: {  	v58 =	vor.u32 v9, v23;
	v44 =	vld.idx.msk [tilespmem:v33+s19+$0x0], $0xffff;
	v28 =	vsub.f32 v57, v50;
	v19 =	vsub.f32 v30, v26  }
0x294: {  	v20 =	vsub.f32 v31, v26;
	v40 =	vld.idx.msk [tilespmem:v27+s19+$0x0], $0xffff;
	[tilespmem:$0x1FA00] =	vst v2;
	v2 =	vsub.f32 v24, v16  }
0x295: {  	v24 =	vsub.f32 v18, v16;
	v16 =	vor.u32 v34, v23;
	v34 =	vld.idx.msk [tilespmem:v41+s4+$0x0], $0xffff;
	v41 =	vsub.f32 v32, v26  }
0x296: {  	v27 =	vsub.f32 v6, v12;
	[tilespmem:$0x1FA10] =	vst v2;
	v2 =	vsub.f32 v18, v11;
	v3 =	vld.idx.msk [tilespmem:v3+s19+$0x0], $0xffff  }
0x297: {  	v18 =	vsub.f32 v30, v12;
	[tilespmem:$0x1F920] =	vst v0;
	v0 =	vsub.f32 v32, v12  }
0x298: {  	v23 =	vor.u32 v61, v23;
	v32 =	vsub.f32 v44, v26;
	[tilespmem:$0x1FA20] =	vst v2;
	v2 =	vsub.f32 v4, v11  }
0x299: {  	v30 =	vsub.f32 v45, v26;
	v26 =	vsub.f32 v6, v26;
	v6 =	vld.idx.msk [tilespmem:v51+s19+$0x0], $0xffff;
	[tilespmem:$0x1F940] =	vst v0  }
0x29a: {  	v51 =	vld.idx.msk [tilespmem:v58+s19+$0x0], $0xffff;
	v0 =	vmul.f32 v60, v60;
	[tilespmem:$0x1F8B0] =	vst v2;
	v2 =	vsub.f32 v57, v34  }
0x29b: {  	v60 =	vmul.f32 v56, v56;
	v57 =	vsub.f32 v3, v50;
	v56 =	vsub.f32 v3, v34;
	v3 =	vld [tilespmem:$0x1F970];
	_ =	sdelay $0x1  }
0x29c: {  	v47 =	vld.idx.msk [tilespmem:v39+s19+$0x0], $0xffff  }
0x29d: {  	v16 =	vld.idx.msk [tilespmem:v16+s19+$0x0], $0xffff  }
0x29e: {  	v15 =	vsub.f32 v40, v50;
	v23 =	vld.idx.msk [tilespmem:v23+s19+$0x0], $0xffff;
	v62 =	vsub.f32 v40, v34  }
0x29f: {  	v40 =	vsub.f32 v51, v50;
	v38 =	vsub.f32 v51, v34;
	v51 =	vmul.f32 v3, v3;
	v3 =	vld [tilespmem:$0x1F980]  }
0x2a0: {  	v33 =	vsub.f32 v44, v12;
	v14 =	vmul.f32 v59, v59;
	v22 =	vsub.f32 v31, v12  }
0x2a1: {  	v31 =	vsub.f32 v45, v12;
	v12 =	vmul.f32 v21, v21;
	v21 =	vsub.f32 v47, v50  }
0x2a2: {  	[tilespmem:$0x1F930] =	vst v8;
	v8 =	vimm.f32 $0.0e+00;
	v58 =	vsub.f32 v6, v50;
	v59 =	vsub.f32 v6, v34  }
0x2a3: {  	v6 =	vadd.f32 v12, v8;
	v4 =	vsub.f32 v16, v50  }
0x2a4: {  	v17 =	vsub.f32 v23, v50;
	v50 =	vmul.f32 v3, v3;
	v3 =	vmul.f32 v21, v21;
	_ =	sdelay $0x1  }
0x2a5: {  	[tilespmem:$0x1F950] =	vst v9;
	v9 =	vmul.f32 v10, v10;
	v3 =	vadd.f32 v3, v6  }
0x2a6: {  	[tilespmem:$0x1F960] =	vst v61;
	v61 =	vmul.f32 v46, v46;
	v46 =	vmul.f32 v5, v5;
	v5 =	vld [tilespmem:$0x1F990]  }
0x2a7: {  	v3 =	vadd.f32 v9, v3;
	v9 =	vld [tilespmem:$0x1F9D0]  }
0x2a8: {  	[tilespmem:$0x1F8C0] =	vst v29;
	v1 =	vmul.f32 v1, v1;
	v29 =	vsub.f32 v47, v34  }
0x2a9: {  	v25 =	vmul.f32 v25, v25;
	v13 =	vmul.f32 v48, v48;
	v10 =	vld [tilespmem:$0x1F9E0]  }
0x2aa: {  	v49 =	vmul.f32 v49, v49;
	v1 =	vadd.f32 v1, v8;
	v12 =	vmul.f32 v29, v29  }
0x2ab: {  	v47 =	vmul.f32 v5, v5;
	v0 =	vadd.f32 v0, v8;
	v2 =	vmul.f32 v2, v2  }
0x2ac: {  	v12 =	vadd.f32 v12, v1;
	v1 =	vmul.f32 v28, v28;
	v28 =	vmul.f32 v9, v9  }
0x2ad: {  	v5 =	vld [tilespmem:$0x1F9A0];
	v2 =	vadd.f32 v2, v0;
	v9 =	vmul.f32 v18, v18;
	v18 =	vmul.f32 v19, v19  }
0x2ae: {  	v25 =	vadd.f32 v25, v8;
	v21 =	vmul.f32 v54, v54;
	v54 =	vmul.f32 v10, v10;
	v10 =	vld [tilespmem:$0x1F9F0]  }
0x2af: {  	v44 =	vmul.f32 v35, v35;
	v45 =	vmul.f32 v37, v37;
	v18 =	vadd.f32 v18, v2;
	v2 =	vld [tilespmem:$0x1FA10]  }
0x2b0: {  	v35 =	vmul.f32 v36, v36;
	v39 =	vmul.f32 v24, v24;
	v0 =	vld [tilespmem:$0x1F9C0]  }
0x2b1: {  	v24 =	vimm.f32 $0.0e+00;
	v11 =	vimm.f32 $0.0e+00;
	v25 =	vadd.f32 v1, v25;
	v1 =	vld [tilespmem:$0x1F9B0]  }
0x2b2: {  	[tilespmem:$0x1F900] =	vst v43;
	v29 =	vmul.f32 v55, v55;
	v43 =	vsub.f32 v23, v34;
	v23 =	vmul.f32 v63, v63  }
0x2b3: {  	v7 =	vsub.f32 v16, v34;
	v63 =	vmul.f32 v53, v53;
	v55 =	vmul.f32 v10, v10;
	v10 =	vld [tilespmem:$0x1FA00]  }
0x2b4: {  	v12 =	vadd.f32 v29, v12;
	v29 =	vmul.f32 v22, v22;
	v53 =	vmul.f32 v2, v2;
	v2 =	vld [tilespmem:$0x1FA20]  }
0x2b5: {  	v22 =	vimm.f32 $0.0e+00;
	v6 =	vmul.f32 v5, v5;
	v5 =	vmul.f32 v52, v52  }
0x2b6: {  	v0 =	vmul.f32 v0, v0;
	v1 =	vmul.f32 v1, v1;
	v9 =	vadd.f32 v9, v25  }
0x2b7: {  	v21 =	vadd.f32 v21, v12;
	v12 =	vimm.f32 $0.0e+00;
	v5 =	vadd.f32 v5, v18  }
0x2b8: {  	[tilespmem:$0x1F8F0] =	vst v42;
	v52 =	vmul.f32 v10, v10;
	v16 =	vadd.f32 v23, v9;
	v9 =	vimm.f32 $0.0e+00  }
0x2b9: {  	v23 =	vimm.f32 $0.0e+00;
	[tilespmem:$0x1FA40] =	vst v5;
	v5 =	vmul.f32 v15, v15;
	v42 =	vmul.f32 v2, v2  }
0x2ba: {  	v2 =	vadd.f32 v6, v3;
	v3 =	vmul.f32 v4, v4;
	v4 =	vmul.f32 v7, v7  }
0x2bb: {  	v6 =	vadd.f32 v14, v8;
	v7 =	vadd.f32 v13, v8;
	v13 =	vimm.f32 $0.0e+00  }
0x2bc: {  	s29 =	simm.s32 $0x4;
	v14 =	vimm.f32 $0.0e+00;
	[tilespmem:$0x1FA30] =	vst v2;
	v2 =	vmul.f32 v20, v20;
	v20 =	vimm.f32 $0.0e+00  }
.LBB2_12:
0x2bd: {  	_ = 	snop  }
0x2be: {  	v3 =	vadd.f32 v3, v6;
	v6 =	vld [tilespmem:$0x1F910];
	_ =	sdelay $0x1  }
0x2bf: {  	[tilespmem:$0x1F7D0] =	vst v16;
	v16 =	vadd.f32 v60, v8;
	v8 =	vld [tilespmem:$0x1F920];
	_ =	sdelay $0x1  }
0x2c0: {  	v48 =	vmul.f32 v62, v62  }
0x2c1: {  	v25 =	vadd.f32 v61, v9;
	v6 =	vmul.f32 v6, v6;
	v5 =	vadd.f32 v5, v16  }
0x2c2: {  	v4 =	vadd.f32 v4, v7  }
0x2c3: {  	v7 =	vadd.f32 v48, v25;
	v5 =	vadd.f32 v6, v5;
	v16 =	vmul.f32 v8, v8  }
0x2c4: {  	v3 =	vadd.f32 v29, v3  }
0x2c5: {  	v0 =	vadd.f32 v0, v5;
	v6 =	vadd.f32 v16, v7  }
0x2c6: {  	[tilespmem:$0x1F7C0] =	vst v21;
	v2 =	vadd.f32 v2, v4;
	v4 =	vld [tilespmem:$0x1F940];
	v3 =	vadd.f32 v63, v3  }
0x2c7: {  	[tilespmem:$0x1F860] =	vst v0;
	v0 =	vadd.f32 v28, v6  }
0x2c8: {  	v1 =	vadd.f32 v1, v2;
	[tilespmem:$0x1F870] =	vst v3  }
0x2c9: {  	v21 =	vmul.f32 v56, v56;
	v29 =	vmul.f32 v58, v58;
	[tilespmem:$0x1F850] =	vst v0;
	v0 =	vadd.f32 v44, v13  }
0x2ca: {  	v2 =	vadd.f32 v51, v14;
	[tilespmem:$0x1F890] =	vst v1;
	v1 =	vmul.f32 v59, v59;
	v3 =	vmul.f32 v57, v57  }
0x2cb: {  	v4 =	vmul.f32 v4, v4;
	v5 =	vadd.f32 v49, v11;
	v0 =	vadd.f32 v29, v0  }
0x2cc: {  	v1 =	vadd.f32 v1, v2;
	v7 =	vmul.f32 v41, v41;
	v6 =	vadd.f32 v50, v12  }
0x2cd: {  	v2 =	vmul.f32 v33, v33;
	v3 =	vadd.f32 v3, v5;
	v0 =	vadd.f32 v4, v0  }
0x2ce: {  	v1 =	vadd.f32 v7, v1;
	v5 =	vadd.f32 v21, v6;
	v6 =	vmul.f32 v32, v32  }
0x2cf: {  	v2 =	vadd.f32 v2, v3;
	v0 =	vadd.f32 v54, v0  }
0x2d0: {  	v3 =	vadd.f32 v6, v5  }
0x2d1: {  	[tilespmem:$0x1F7F0] =	vst v0;
	v0 =	vadd.f32 v55, v1;
	v1 =	vadd.f32 v52, v2;
	_ =	sdelay $0x1  }
0x2d2: {  	[tilespmem:$0x1F830] =	vst v1;
	v1 =	vadd.f32 v53, v3  }
0x2d3: {  	v2 =	vadd.f32 v35, v23;
	[tilespmem:$0x1F790] =	vst v0;
	v0 =	vmul.f32 v38, v38  }
0x2d4: {  	v6 =	vmul.f32 v40, v40;
	[tilespmem:$0x1F800] =	vst v1;
	v1 =	vadd.f32 v45, v20  }
0x2d5: {  	v5 =	vmul.f32 v30, v30;
	v0 =	vadd.f32 v0, v2  }
0x2d6: {  	v18 =	vld [tilespmem:$0x1F8C0];
	v7 =	vadd.f32 v46, v22;
	v4 =	vmul.f32 v31, v31;
	v1 =	vadd.f32 v6, v1  }
0x2d7: {  	v12 =	vadd.f32 v47, v24;
	v22 =	vld [tilespmem:$0x1F8F0];
	v0 =	vadd.f32 v5, v0  }
0x2d8: {  	v13 =	vmul.f32 v43, v43;
	v3 =	vmul.f32 v17, v17;
	v1 =	vadd.f32 v4, v1;
	v4 =	vld [tilespmem:$0x1F8B0]  }
0x2d9: {  	v8 =	vlaneseq.u32;
	v2 =	vmul.f32 v27, v27;
	v20 =	vld [tilespmem:$0x1F8E0];
	v0 =	vadd.f32 v39, v0  }
0x2da: {  	v3 =	vadd.f32 v3, v7;
	v7 =	vmul.f32 v26, v26;
	v6 =	vadd.f32 v13, v12;
	v5 =	vld [tilespmem:$0x1F8D0]  }
0x2db: {  	v24 =	vld [tilespmem:$0x1F900];
	[tilespmem:$0x1F7A0] =	vst v0;
	v0 =	vadd.s32 s29, v8  }
0x2dc: {  	v25 =	vld [tilespmem:$0x1F930];
	v2 =	vadd.f32 v2, v3;
	v3 =	vadd.f32 v7, v6;
	v0 =	vand.u32 $0x1F, v0  }
0x2dd: {  	v60 =	vld [tilespmem:$0x1F950];
	v1 =	vadd.f32 v42, v1;
	v6 =	vor.u32 v18, v0;
	v4 =	vmul.f32 v4, v4  }
0x2de: {  	v16 =	vld [tilespmem:$0x1F8A0];
	v7 =	vor.u32 v20, v0  }
0x2df: {  	v5 =	vmul.f32 v5, v5;
	[tilespmem:$0x1F810] =	vst v1;
	v11 =	vor.u32 v22, v0;
	v1 =	vadd.f32 v4, v2  }
0x2e0: {  	v61 =	vld [tilespmem:$0x1F960];
	v27 =	vor.u32 v24, v0  }
0x2e1: {  	v28 =	vor.u32 v25, v0;
	[tilespmem:$0x1F840] =	vst v1;
	v1 =	vadd.f32 v5, v3;
	v5 =	vld.idx.msk [tilespmem:v0+s4+$0x0], $0xffff  }
0x2e2: {  	s3 =	sadd.s32 $0x2, s29;
	v29 =	vor.u32 v60, v0;
	v6 =	vld.idx.msk [tilespmem:v6+s19+$0x0], $0xffff  }
0x2e3: {  	v2 =	vadd.s32 s3, v8;
	v4 =	vor.u32 v16, v0;
	v7 =	vld.idx.msk [tilespmem:v7+s19+$0x0], $0xffff  }
0x2e4: {  	v2 =	vand.u32 $0x1F, v2;
	v11 =	vld.idx.msk [tilespmem:v11+s19+$0x0], $0xffff  }
0x2e5: {  	s2 =	sadd.s32 $0x3, s29;
	v3 =	vor.u32 $0x20, v0;
	v27 =	vld.idx.msk [tilespmem:v27+s19+$0x0], $0xffff  }
0x2e6: {  	v0 =	vor.u32 v61, v0;
	v28 =	vld.idx.msk [tilespmem:v28+s19+$0x0], $0xffff;
	[tilespmem:$0x1F7B0] =	vst v1;
	v1 =	vadd.s32 s2, v8  }
0x2e7: {  	v29 =	vld.idx.msk [tilespmem:v29+s19+$0x0], $0xffff;
	v1 =	vand.u32 $0x1F, v1  }
0x2e8: {  	v4 =	vld.idx.msk [tilespmem:v4+s19+$0x0], $0xffff;
	v30 =	vor.u32 $0x20, v1  }
0x2e9: {  	v26 =	vld.idx.msk [tilespmem:v2+s4+$0x0], $0xffff;
	v31 =	vor.u32 v16, v1  }
0x2ea: {  	v56 =	vor.u32 v18, v1;
	v3 =	vld.idx.msk [tilespmem:v3+s4+$0x0], $0xffff  }
0x2eb: {  	v57 =	vor.u32 v20, v1;
	v0 =	vld.idx.msk [tilespmem:v0+s19+$0x0], $0xffff  }
0x2ec: {  	s3 =	sadd.s32 $0x1, s29;
	v34 =	vor.u32 v22, v1;
	v10 =	vld.idx.msk [tilespmem:v1+s4+$0x0], $0xffff  }
0x2ed: {  	v36 =	vadd.s32 s3, v8;
	v37 =	vor.u32 v24, v1;
	v30 =	vld.idx.msk [tilespmem:v30+s4+$0x0], $0xffff  }
0x2ee: {  	v58 =	vor.u32 v25, v1;
	v8 =	vsub.f32 v6, v5;
	v15 =	vsub.f32 v7, v5;
	v31 =	vld.idx.msk [tilespmem:v31+s19+$0x0], $0xffff  }
0x2ef: {  	v59 =	vor.u32 v60, v1;
	v38 =	vsub.f32 v11, v5;
	v46 =	vsub.f32 v27, v5;
	v32 =	vld.idx.msk [tilespmem:v56+s19+$0x0], $0xffff  }
0x2f0: {  	v62 =	vor.u32 v18, v2;
	v49 =	vsub.f32 v28, v5;
	v19 =	vsub.f32 v29, v5;
	v33 =	vld.idx.msk [tilespmem:v57+s19+$0x0], $0xffff  }
0x2f1: {  	v63 =	vor.u32 v20, v2;
	v44 =	vsub.f32 v4, v5;
	v34 =	vld.idx.msk [tilespmem:v34+s19+$0x0], $0xffff;
	v4 =	vsub.f32 v4, v3  }
0x2f2: {  	v1 =	vor.u32 v61, v1;
	v37 =	vld.idx.msk [tilespmem:v37+s19+$0x0], $0xffff;
	v6 =	vsub.f32 v6, v3;
	v35 =	vsub.f32 v7, v3  }
0x2f3: {  	v39 =	vld.idx.msk [tilespmem:v58+s19+$0x0], $0xffff;
	v45 =	vsub.f32 v11, v3;
	v11 =	vor.u32 $0x20, v2;
	v47 =	vsub.f32 v27, v3  }
0x2f4: {  	v41 =	vld.idx.msk [tilespmem:v59+s19+$0x0], $0xffff;
	v40 =	vsub.f32 v28, v3;
	v29 =	vsub.f32 v29, v3  }
0x2f5: {  	v58 =	vld.idx.msk [tilespmem:v62+s19+$0x0], $0xffff;
	v27 =	vor.u32 v16, v2;
	v5 =	vsub.f32 v0, v5;
	v0 =	vsub.f32 v0, v3  }
0x2f6: {  	v62 =	vld.idx.msk [tilespmem:v63+s19+$0x0], $0xffff;
	v3 =	vor.u32 v22, v2;
	v53 =	vsub.f32 v31, v10;
	v54 =	vsub.f32 v31, v30  }
0x2f7: {  	v59 =	vor.u32 v60, v2;
	v1 =	vld.idx.msk [tilespmem:v1+s19+$0x0], $0xffff;
	v55 =	vsub.f32 v32, v10;
	v56 =	vsub.f32 v32, v30  }
0x2f8: {  	v57 =	vsub.f32 v33, v10;
	v28 =	vsub.f32 v34, v10;
	v48 =	vld.idx.msk [tilespmem:v11+s4+$0x0], $0xffff;
	v11 =	vor.u32 v24, v2  }
0x2f9: {  	v31 =	vor.u32 v25, v2;
	v12 =	vsub.f32 v34, v30;
	v52 =	vsub.f32 v37, v10  }
0x2fa: {  	v34 =	vand.u32 $0x1F, v36;
	v14 =	vsub.f32 v37, v30;
	v9 =	vsub.f32 v39, v10;
	v27 =	vld.idx.msk [tilespmem:v27+s19+$0x0], $0xffff  }
0x2fb: {  	v17 =	vsub.f32 v41, v30;
	v7 =	vsub.f32 v62, v26;
	v3 =	vld.idx.msk [tilespmem:v3+s19+$0x0], $0xffff;
	v36 =	vor.u32 v16, v34  }
0x2fc: {  	v43 =	vld.idx.msk [tilespmem:v59+s19+$0x0], $0xffff;
	v2 =	vor.u32 v61, v2;
	v16 =	vsub.f32 v41, v10;
	v10 =	vsub.f32 v1, v10  }
0x2fd: {  	[tilespmem:$0x1F780] =	vst v8;
	v63 =	vor.u32 $0x20, v34;
	v41 =	vor.u32 v18, v34;
	v1 =	vsub.f32 v1, v30;
	v37 =	vld.idx.msk [tilespmem:v11+s19+$0x0], $0xffff  }
0x2fe: {  	v32 =	vor.u32 v22, v34;
	v59 =	vor.u32 v24, v34;
	v24 =	vor.u32 v61, v34;
	[tilespmem:$0x1F8B0] =	vst v10  }
0x2ff: {  	v31 =	vld.idx.msk [tilespmem:v31+s19+$0x0], $0xffff;
	v10 =	vsub.f32 v27, v26;
	[tilespmem:$0x1F8D0] =	vst v1;
	v1 =	vsub.f32 v58, v26  }
0x300: {  	[tilespmem:$0x1F820] =	vst v7;
	v36 =	vld.idx.msk [tilespmem:v36+s19+$0x0], $0xffff;
	v7 =	vsub.f32 v3, v26;
	v3 =	vsub.f32 v3, v48  }
0x301: {  	v18 =	vsub.f32 v27, v48;
	v27 =	vor.u32 v20, v34;
	[tilespmem:$0x1F7E0] =	vst v1;
	v1 =	vld.idx.msk [tilespmem:v2+s19+$0x0], $0xffff  }
0x302: {  	v23 =	vld.idx.msk [tilespmem:v63+s4+$0x0], $0xffff;
	v63 =	vor.u32 v60, v34;
	[tilespmem:$0x1F920] =	vst v3;
	v3 =	vsub.f32 v37, v26  }
0x303: {  	v60 =	vmul.f32 v38, v38;
	v38 =	vld.idx.msk [tilespmem:v59+s19+$0x0], $0xffff;
	[tilespmem:$0x1F910] =	vst v7;
	v7 =	vsub.f32 v37, v48  }
0x304: {  	v22 =	vsub.f32 v62, v48;
	v62 =	vor.u32 v25, v34;
	v24 =	vld.idx.msk [tilespmem:v24+s19+$0x0], $0xffff;
	[tilespmem:$0x1F940] =	vst v3  }
0x305: {  	v3 =	vld.idx.msk [tilespmem:v41+s19+$0x0], $0xffff;
	[tilespmem:$0x1F880] =	vst v7;
	v7 =	vsub.f32 v43, v26;
	v41 =	vsub.f32 v43, v48  }
0x306: {  	v43 =	vsub.f32 v1, v26;
	v42 =	vsub.f32 v1, v48;
	v1 =	vld [tilespmem:$0x1F780]  }
0x307: {  	v50 =	vmul.f32 v40, v40;
	v2 =	vld.idx.msk [tilespmem:v34+s4+$0x0], $0xffff  }
0x308: {  	v8 =	vsub.f32 v33, v30;
	v61 =	vmul.f32 v45, v45;
	v45 =	vmul.f32 v19, v19;
	v37 =	vld.idx.msk [tilespmem:v27+s19+$0x0], $0xffff  }
0x309: {  	v19 =	vmul.f32 v29, v29;
	v11 =	vsub.f32 v39, v30;
	v20 =	vsub.f32 v58, v48;
	v40 =	vld.idx.msk [tilespmem:v62+s19+$0x0], $0xffff  }
0x30a: {  	v25 =	vmul.f32 v44, v44;
	v44 =	vmul.f32 v46, v46;
	v21 =	vsub.f32 v31, v26;
	v29 =	vld.idx.msk [tilespmem:v63+s19+$0x0], $0xffff  }
0x30b: {  	v13 =	vsub.f32 v31, v48;
	v31 =	vsub.f32 v36, v23;
	v26 =	vmul.f32 v1, v1;
	v1 =	vld.idx.msk [tilespmem:v32+s19+$0x0], $0xffff  }
0x30c: {  	v39 =	vmul.f32 v17, v17;
	v27 =	vsub.f32 v36, v2;
	v58 =	vsub.f32 v38, v2  }
0x30d: {  	v63 =	vmul.f32 v57, v57;
	v17 =	vsub.f32 v24, v2;
	v33 =	vsub.f32 v37, v2  }
0x30e: {  	v48 =	vmul.f32 v56, v56;
	v57 =	vsub.f32 v40, v2;
	v56 =	vsub.f32 v40, v23  }
0x30f: {  	v46 =	vmul.f32 v5, v5;
	v40 =	vsub.f32 v29, v2;
	v32 =	vsub.f32 v3, v2  }
0x310: {  	v5 =	vsub.f32 v1, v2;
	v2 =	vmul.f32 v10, v10;
	v10 =	vmul.f32 v31, v31;
	v31 =	vmovc v7;
	v7 =	vld [tilespmem:$0x1FA30];
	_ =	sdelay $0x3  }
0x311: {  	v30 =	vmul.f32 v15, v15;
	v15 =	vmul.f32 v35, v35  }
0x312: {  	v35 =	vmul.f32 v53, v53;
	v53 =	vmul.f32 v11, v11;
	v11 =	vadd.f32 v25, v7;
	v7 =	vld [tilespmem:$0x1F7C0];
	_ =	sdelay $0x2  }
0x313: {  	v4 =	vmul.f32 v4, v4;
	v51 =	vmul.f32 v47, v47  }
0x314: {  	v47 =	vmul.f32 v0, v0;
	v0 =	vmul.f32 v28, v28  }
0x315: {  	v28 =	vmul.f32 v12, v12;
	v36 =	vmul.f32 v54, v54;
	v4 =	vadd.f32 v4, v7;
	v7 =	vld [tilespmem:$0x1FA40]  }
0x316: {  	v54 =	vmul.f32 v52, v52;
	v52 =	vmul.f32 v9, v9  }
0x317: {  	v9 =	vmul.f32 v27, v27;
	v12 =	vmul.f32 v32, v32;
	v32 =	vmov v13;
	v13 =	vld [tilespmem:$0x1F7D0]  }
0x318: {  	v6 =	vmul.f32 v6, v6;
	v34 =	vsub.f32 v37, v23;
	v3 =	vsub.f32 v3, v23  }
0x319: {  	v37 =	vmul.f32 v55, v55;
	v55 =	vmul.f32 v14, v14;
	v14 =	vld [tilespmem:$0x1F790];
	v9 =	vadd.f32 v9, v11  }
0x31a: {  	v59 =	vsub.f32 v38, v23;
	v3 =	vmul.f32 v3, v3;
	v6 =	vadd.f32 v6, v7;
	v7 =	vld [tilespmem:$0x1F7E0]  }
0x31b: {  	v27 =	vmov v43;
	v43 =	vsub.f32 v24, v23;
	v9 =	vadd.f32 v2, v9;
	v2 =	vld [tilespmem:$0x1F820]  }
0x31c: {  	v24 =	vld [tilespmem:$0x1F7B0];
	v13 =	vadd.f32 v26, v13;
	v3 =	vadd.f32 v3, v6;
	v6 =	vmul.f32 v20, v20  }
0x31d: {  	v38 =	vsub.f32 v29, v23;
	v62 =	vsub.f32 v1, v23;
	v23 =	vld [tilespmem:$0x1F7A0]  }
0x31e: {  	v1 =	vmul.f32 v8, v8;
	v11 =	vadd.f32 v12, v13;
	v13 =	vld [tilespmem:$0x1F7F0];
	v6 =	vadd.f32 v6, v3  }
0x31f: {  	v8 =	vmul.f32 v18, v18;
	v12 =	vld [tilespmem:$0x1F800];
	v4 =	vadd.f32 v10, v4;
	v10 =	vmul.f32 v7, v7  }
0x320: {  	v29 =	vmul.f32 v2, v2;
	v2 =	vmul.f32 v22, v22;
	v22 =	vld [tilespmem:$0x1F840];
	v6 =	vadd.f32 v48, v6  }
0x321: {  	v4 =	vadd.f32 v8, v4;
	v8 =	vadd.f32 v10, v11;
	v10 =	vld [tilespmem:$0x1F890]  }
0x322: {  	p1 =	slt.u32 s29, $0x1C;
	[tilespmem:$0x1FA40] =	vst v6;
	v6 =	vld [tilespmem:$0x1F870]  }
.Ltmp4:
0x323: {  	v16 =	vmul.f32 v16, v16;
	v20 =	vld [tilespmem:$0x1F810];
	(pc) =	sbr.rel @p1 .LBB2_12-.Ltmp4, $4  }
0x324: {  	v49 =	vmul.f32 v49, v49;
	v7 =	vadd.f32 v35, v9;
	v9 =	vld [tilespmem:$0x1F850]  }
0x325: {  	v5 =	vmul.f32 v5, v5;
	v26 =	vmovc v42;
	v42 =	vmov v16;
	v3 =	vmul.f32 v33, v33;
	v11 =	vld [tilespmem:$0x1F830]  }
0x326: {  	v33 =	vmovc v21;
	v21 =	vadd.f32 v36, v4;
	v4 =	vmul.f32 v34, v34;
	v16 =	vadd.f32 v37, v8;
	v8 =	vld [tilespmem:$0x1F860]  }
0x327: {  	s29 =	sadd.s32 $0x4, s29;
	v35 =	vmovc v19;
	[tilespmem:$0x1FA30] =	vst v7;
	v7 =	vadd.f32 v15, v10;
	v6 =	vadd.f32 v30, v6;
	v30 =	vmov v41;
	v41 =	vld [tilespmem:$0x1F880]  }
0x328: {  	v10 =	vmul.f32 v62, v62;
	v62 =	vmul.f32 v59, v59  }
0x329: {  	v18 =	vmul.f32 v57, v57;
	v12 =	vadd.f32 v50, v12;
	v22 =	vadd.f32 v46, v22  }
0x32a: {  	v25 =	vmul.f32 v33, v33;
	v24 =	vadd.f32 v47, v24;
	v9 =	vadd.f32 v61, v9  }
0x32b: {  	v33 =	vmul.f32 v32, v32;
	v3 =	vadd.f32 v3, v6;
	v8 =	vadd.f32 v60, v8  }
0x32c: {  	v15 =	vmul.f32 v31, v31;
	v4 =	vadd.f32 v4, v7;
	v6 =	vld [tilespmem:$0x1F910];
	v11 =	vadd.f32 v49, v11  }
0x32d: {  	v37 =	vmul.f32 v30, v30;
	v3 =	vadd.f32 v29, v3;
	v5 =	vadd.f32 v5, v8;
	v8 =	vld [tilespmem:$0x1F920]  }
0x32e: {  	v40 =	vmul.f32 v40, v40;
	v7 =	vadd.f32 v10, v9;
	v2 =	vadd.f32 v2, v4;
	v4 =	vld [tilespmem:$0x1F940]  }
0x32f: {  	v48 =	vmul.f32 v17, v17;
	v10 =	vadd.f32 v18, v11;
	v3 =	vadd.f32 v63, v3  }
0x330: {  	v18 =	vmul.f32 v38, v38;
	v1 =	vadd.f32 v1, v2;
	v63 =	vadd.f32 v51, v14  }
0x331: {  	v6 =	vmul.f32 v6, v6;
	v9 =	vadd.f32 v25, v10;
	v25 =	vmul.f32 v43, v43  }
0x332: {  	v19 =	vld [tilespmem:$0x1FA30];
	v2 =	vadd.f32 v62, v63;
	v1 =	vmin.f32 v3, v1;
	v8 =	vmul.f32 v8, v8  }
0x333: {  	v4 =	vmul.f32 v4, v4;
	v5 =	vadd.f32 v6, v5;
	v1 =	vadd.f32 $9.999999960e-13, v1  }
0x334: {  	v34 =	vld [tilespmem:$0x1FA40];
	v9 =	vadd.f32 v52, v9;
	v52 =	vmul.f32 v27, v27;
	v6 =	vadd.f32 v8, v7  }
0x335: {  	v0 =	vadd.f32 v0, v5;
	v59 =	vshra.s32 v1, $0x1;
	v7 =	vmul.f32 v41, v41  }
0x336: {  	v8 =	vmul.f32 v58, v58;
	v58 =	vld [tilespmem:$0x1F8D0];
	v5 =	vadd.f32 v28, v6;
	v6 =	vadd.f32 v44, v13  }
0x337: {  	v60 =	vmul.f32 $5.000000000e-01, v1;
	v13 =	vmin.f32 v19, v21;
	v21 =	vmul.f32 v56, v56  }
0x338: {  	v63 =	vsub.s32 $0x5F3759DF, v59;
	v2 =	vadd.f32 v7, v2;
	v6 =	vadd.f32 v8, v6  }
0x339: {  	v8 =	vadd.f32 $9.999999960e-13, v13;
	v28 =	vadd.f32 v21, v12;
	v12 =	vmin.f32 v16, v34  }
0x33a: {  	v2 =	vadd.f32 v55, v2;
	v21 =	vadd.f32 v48, v22;
	v0 =	vmin.f32 v0, v5  }
0x33b: {  	v36 =	vadd.f32 $9.999999960e-13, v12;
	v14 =	vmul.f32 v58, v58;
	v0 =	vadd.f32 $9.999999960e-13, v0  }
0x33c: {  	v29 =	vshra.s32 v8, $0x1;
	v13 =	vmul.f32 $5.000000000e-01, v8;
	v4 =	vadd.f32 v4, v6  }
0x33d: {  	v11 =	vadd.f32 v33, v28;
	v41 =	vshra.s32 v36, $0x1;
	v44 =	vmul.f32 $5.000000000e-01, v36  }
0x33e: {  	v6 =	vsub.s32 $0x5F3759DF, v29;
	v61 =	vshra.s32 v0, $0x1;
	v16 =	vsub.s32 $0x5F3759DF, v41  }
0x33f: {  	v62 =	vmul.f32 $5.000000000e-01, v0;
	v4 =	vadd.f32 v54, v4;
	v19 =	vmul.f32 v16, v44  }
0x340: {  	v7 =	vmul.f32 v6, v13;
	v11 =	vadd.f32 v53, v11;
	v53 =	vadd.f32 v25, v24  }
0x341: {  	v54 =	vmul.f32 v26, v26;
	v24 =	vsub.s32 $0x5F3759DF, v61;
	v19 =	vmul.f32 v16, v19  }
0x342: {  	v5 =	vadd.f32 v52, v21;
	v25 =	vmul.f32 v63, v60;
	v26 =	vmul.f32 v24, v62  }
0x343: {  	v7 =	vmul.f32 v6, v7;
	v2 =	vmin.f32 v4, v2;
	v19 =	vsub.f32 $1.500000000e+00, v19  }
0x344: {  	v21 =	vmul.f32 v63, v25;
	v22 =	vmul.f32 v24, v26;
	v2 =	vadd.f32 $9.999999960e-13, v2  }
0x345: {  	v9 =	vmin.f32 v9, v11;
	v7 =	vsub.f32 $1.500000000e+00, v7;
	v16 =	vmul.f32 v16, v19  }
0x346: {  	v9 =	vadd.f32 $9.999999960e-13, v9;
	v30 =	vsub.f32 $1.500000000e+00, v22;
	v34 =	vshra.s32 v2, $0x1  }
0x347: {  	v56 =	vld [tilespmem:$0x1F8B0];
	v6 =	vmul.f32 v6, v7;
	v7 =	vadd.f32 v45, v20;
	v55 =	vmul.f32 v16, v44  }
0x348: {  	v45 =	vadd.f32 v35, v23;
	v10 =	vsub.s32 $0x5F3759DF, v34;
	v35 =	vmul.f32 $5.000000000e-01, v2  }
0x349: {  	v49 =	vmul.f32 v6, v13;
	v7 =	vadd.f32 v40, v7;
	v57 =	vmul.f32 v55, v16  }
0x34a: {  	v19 =	vadd.f32 v54, v53;
	v33 =	vmul.f32 v24, v30;
	v50 =	vadd.f32 v18, v45  }
0x34b: {  	v51 =	vmul.f32 v49, v6;
	v7 =	vadd.f32 v15, v7;
	v3 =	vsub.f32 $1.500000000e+00, v57  }
0x34c: {  	v14 =	vadd.f32 v14, v19;
	v12 =	vadd.f32 v37, v50;
	v15 =	vmul.f32 v56, v56  }
0x34d: {  	v18 =	vsub.f32 $1.500000000e+00, v51;
	v7 =	vadd.f32 v42, v7;
	v3 =	vmul.f32 v3, v16  }
0x34e: {  	v38 =	vmul.f32 v10, v35;
	v12 =	vadd.f32 v39, v12;
	v5 =	vadd.f32 v15, v5  }
0x34f: {  	v29 =	vsub.f32 $1.500000000e+00, v21;
	v6 =	vmul.f32 v18, v6;
	v27 =	vmul.f32 v3, v44  }
0x350: {  	v7 =	vmin.f32 v7, v12;
	v5 =	vmin.f32 v5, v14;
	v14 =	vmul.f32 v10, v38  }
0x351: {  	v37 =	vmul.f32 $5.000000000e-01, v9;
	v7 =	vadd.f32 $9.999999960e-13, v7;
	v28 =	vmul.f32 v27, v3  }
0x352: {  	v5 =	vadd.f32 $9.999999960e-13, v5;
	v13 =	vmul.f32 v6, v13;
	v14 =	vsub.f32 $1.500000000e+00, v14  }
0x353: {  	v40 =	vshra.s32 v7, $0x1;
	v41 =	vmul.f32 $5.000000000e-01, v7;
	v31 =	vsub.f32 $1.500000000e+00, v28  }
0x354: {  	v42 =	vshra.s32 v5, $0x1;
	v43 =	vmul.f32 $5.000000000e-01, v5;
	v13 =	vmul.f32 v13, v6  }
0x355: {  	v18 =	vsub.s32 $0x5F3759DF, v40;
	v21 =	vsub.s32 $0x5F3759DF, v42;
	v3 =	vmul.f32 v31, v3  }
0x356: {  	v10 =	vmul.f32 v10, v14;
	v44 =	vmul.f32 v18, v41;
	v13 =	vsub.f32 $1.500000000e+00, v13  }
0x357: {  	v45 =	vmul.f32 v21, v43;
	v3 =	vmul.f32 v3, v36;
	v36 =	vshra.s32 v9, $0x1  }
0x358: {  	v48 =	vmul.f32 v10, v35;
	v6 =	vmul.f32 v13, v6;
	v13 =	vsub.s32 $0x5F3759DF, v36  }
0x359: {  	v24 =	vmul.f32 v18, v44;
	v39 =	vmul.f32 v13, v37  }
0x35a: {  	v32 =	vmul.f32 v63, v29;
	v25 =	vmul.f32 v21, v45  }
0x35b: {  	v16 =	vmul.f32 v48, v10;
	v46 =	vsub.f32 $1.500000000e+00, v24;
	v17 =	vmul.f32 v13, v39  }
0x35c: {  	v47 =	vsub.f32 $1.500000000e+00, v25;
	v4 =	vmul.f32 v6, v8;
	v6 =	vmul.f32 v32, v60  }
0x35d: {  	v8 =	vmul.f32 v33, v62;
	v14 =	vmul.f32 v18, v46;
	v17 =	vsub.f32 $1.500000000e+00, v17  }
0x35e: {  	v16 =	vsub.f32 $1.500000000e+00, v16;
	v15 =	vmul.f32 v21, v47;
	v6 =	vmul.f32 v6, v32  }
0x35f: {  	v8 =	vmul.f32 v8, v33;
	v13 =	vmul.f32 v13, v17  }
0x360: {  	v10 =	vmul.f32 v16, v10;
	v18 =	vmul.f32 v14, v41  }
0x361: {  	v21 =	vmul.f32 v15, v43;
	v17 =	vmul.f32 v13, v37  }
0x362: {  	v6 =	vsub.f32 $1.500000000e+00, v6;
	v8 =	vsub.f32 $1.500000000e+00, v8;
	v18 =	vmul.f32 v18, v14  }
0x363: {  	v21 =	vmul.f32 v21, v15;
	v17 =	vmul.f32 v17, v13  }
0x364: {  	v6 =	vmul.f32 v6, v32;
	v8 =	vmul.f32 v8, v33  }
0x365: {  	v11 =	vmul.f32 v10, v35;
	v49 =	vsub.f32 $1.500000000e+00, v18;
	v17 =	vsub.f32 $1.500000000e+00, v17  }
0x366: {  	v51 =	vsub.f32 $1.500000000e+00, v21;
	v20 =	vmul.f32 v6, v60;
	v23 =	vmul.f32 v8, v62  }
0x367: {  	v14 =	vmul.f32 v49, v14;
	v13 =	vmul.f32 v17, v13  }
0x368: {  	v15 =	vmul.f32 v51, v15;
	v20 =	vmul.f32 v20, v6  }
0x369: {  	v50 =	vmul.f32 v23, v8;
	v12 =	vmul.f32 v13, v37  }
0x36a: {  	v11 =	vmul.f32 v11, v10;
	v53 =	vmul.f32 v14, v41;
	v52 =	vsub.f32 $1.500000000e+00, v20  }
0x36b: {  	v54 =	vmul.f32 v15, v43;
	v18 =	vsub.f32 $1.500000000e+00, v50;
	v12 =	vmul.f32 v12, v13  }
0x36c: {  	v11 =	vsub.f32 $1.500000000e+00, v11;
	v55 =	vmul.f32 v53, v14;
	v6 =	vmul.f32 v52, v6  }
0x36d: {  	v56 =	vmul.f32 v54, v15;
	v8 =	vmul.f32 v18, v8;
	v12 =	vsub.f32 $1.500000000e+00, v12  }
0x36e: {  	[tilespmem:s7+$0x10040] =	vst v4;
	v4 =	vmul.f32 v11, v10;
	v1 =	vmul.f32 v6, v1;
	v6 =	vsub.f32 $1.500000000e+00, v55  }
0x36f: {  	s1 =	sadd.s32 $0x1, s1;
	[tilespmem:s6+$0x10040] =	vst v3;
	v0 =	vmul.f32 v8, v0;
	v8 =	vsub.f32 $1.500000000e+00, v56;
	v57 =	vmul.f32 v12, v13  }
0x370: {  	p1 =	sne.s32 s1, $0x4;
	v58 =	vmul.f32 v4, v2;
	[tilespmem:s0+$0x10040] =	vst v1;
	v59 =	vmul.f32 v6, v14  }
.Ltmp5:
0x371: {  	v61 =	vmul.f32 v8, v15;
	[tilespmem:s8+$0x10040] =	vst v0;
	v60 =	vmul.f32 v57, v9;
	(pc) =	sbr.rel @p1 .LBB2_11-.Ltmp5, $4  }
0x372: {  	[tilespmem:s9+$0x10040] =	vst v58;
	v62 =	vmul.f32 v59, v7  }
0x373: {  	v63 =	vmul.f32 v61, v5;
	[tilespmem:s15+$0x10040] =	vst v60  }
0x374: {  	[tilespmem:s10+$0x10040] =	vst v62  }
0x375: {  	v6 =	vlaneseq.u32;
	[tilespmem:s16+$0x10040] =	vst v63  }
0x376: {  	s0 =	sadd.s32 $0x80, s30  }
0x377: {  	[hbm4b:s0+s4] =	stream.linear.scatter [tilespmem:s22], [sflag:$0x5], $0x200, $0x38;
	[tilespmem:$0x10440] =	vst v63  }
0x378: {  	s1 =	simm.s32 @p0 $0x8040;
	s0 =	simm.s32 @p0 $0x0  }
0x379: {  	[tilespmem:s1], [sflag:$0x3] =	stream.linear.gather @p0 [hbm4b:s13+s0], $0x4000, $0x38;
	[tilespmem:$0x10440] =	vst v63  }
0x37a: {  	_ =	swait.ge [sflag:s26], $0x4000  }
0x37b: {  	[sflag:s26] =	ssyncset.done $0x0  }
0x37c: {  	[sflag:s26] =	ssyncadd.s32 $0xFFFFC000  }
0x37d: {  	_ =	swait.ge [sflag:s28], $0x200  }
0x37e: {  	[sflag:s28] =	ssyncset.done $0x0  }
0x37f: {  	s31 =	simm.s32 $0x0;
	s1 =	simm.s32 $0x0;
	[sflag:s28] =	ssyncadd.s32 $0xFFFFFE00  }
.LBB2_15:
0x380: {  	s7 =	sshll.u32 s1, $0x7  }
0x381: {  	v3 =	vadd.s32 s31, v6;
	s2 =	simm.s32 $0x3;
	s3 =	simm.s32 $0x2;
	v23 =	vlaneseq.u32;
	v0 =	vmov s7  }
0x382: {  	s6 =	sor.u32 $0x10, s7;
	s0 =	sor.u32 $0x20, s7;
	v3 =	vand.u32 $0x1F, v3;
	v4 =	vadd.s32 s2, v6;
	v6 =	vadd.s32 s3, v6  }
0x383: {  	s8 =	sor.u32 $0x30, s7;
	s9 =	sor.u32 $0x40, s7;
	v0 =	vshll.u32 v0, $0x5;
	v1 =	vmov s6;
	v2 =	vmov s0  }
0x384: {  	v16 =	vld [tilespmem:$0x1FFF0];
	s15 =	sor.u32 $0x50, s7;
	s10 =	sor.u32 $0x60, s7;
	v5 =	vmov s8;
	v4 =	vand.u32 $0x1F, v4;
	v7 =	vmov s9  }
0x385: {  	s16 =	sor.u32 $0x70, s7;
	s3 =	simm.s32 $0x1;
	v6 =	vand.u32 $0x1F, v6;
	v8 =	vmov s15;
	v9 =	vmov s10  }
0x386: {  	v13 =	vmov s16;
	v23 =	vadd.s32 s3, v23;
	v1 =	vshll.u32 v1, $0x5  }
0x387: {  	v2 =	vshll.u32 v2, $0x5;
	v5 =	vshll.u32 v5, $0x5;
	v7 =	vshll.u32 v7, $0x5  }
0x388: {  	v8 =	vshll.u32 v8, $0x5;
	v9 =	vshll.u32 v9, $0x5;
	v13 =	vshll.u32 v13, $0x5  }
0x389: {  	v26 =	vor.u32 $0x20, v6;
	v23 =	vand.u32 $0x1F, v23;
	v28 =	vor.u32 v16, v0  }
0x38a: {  	v0 =	vor.u32 $0x20, v3;
	v29 =	vor.u32 v16, v1;
	v34 =	vor.u32 v16, v2  }
0x38b: {  	v42 =	vor.u32 v16, v5;
	v43 =	vor.u32 v16, v7;
	v8 =	vor.u32 v16, v8;
	v2 =	vld.idx.msk [tilespmem:v3+s4+$0x0], $0xffff  }
0x38c: {  	v9 =	vor.u32 v16, v9;
	v61 =	vor.u32 v16, v13;
	v16 =	vor.u32 $0x20, v4;
	v11 =	vld.idx.msk [tilespmem:v4+s4+$0x0], $0xffff  }
0x38d: {  	v1 =	vor.u32 v28, v3;
	v12 =	vld.idx.msk [tilespmem:v6+s4+$0x0], $0xffff  }
0x38e: {  	v10 =	vor.u32 v29, v3;
	v26 =	vld.idx.msk [tilespmem:v26+s4+$0x0], $0xffff  }
0x38f: {  	v5 =	vor.u32 v34, v3;
	v50 =	vld.idx.msk [tilespmem:v23+s4+$0x0], $0xffff  }
0x390: {  	v7 =	vor.u32 v42, v3;
	v0 =	vld.idx.msk [tilespmem:v0+s4+$0x0], $0xffff  }
0x391: {  	v14 =	vor.u32 v43, v3;
	v16 =	vld.idx.msk [tilespmem:v16+s4+$0x0], $0xffff  }
0x392: {  	v15 =	vor.u32 v8, v3;
	v1 =	vld.idx.msk [tilespmem:v1+s20+$0x0], $0xffff  }
0x393: {  	v13 =	vor.u32 v9, v3;
	v10 =	vld.idx.msk [tilespmem:v10+s20+$0x0], $0xffff  }
0x394: {  	v3 =	vor.u32 v61, v3;
	v5 =	vld.idx.msk [tilespmem:v5+s20+$0x0], $0xffff  }
0x395: {  	v17 =	vor.u32 v28, v4;
	v7 =	vld.idx.msk [tilespmem:v7+s20+$0x0], $0xffff  }
0x396: {  	v19 =	vor.u32 v34, v4;
	v14 =	vld.idx.msk [tilespmem:v14+s20+$0x0], $0xffff  }
0x397: {  	v20 =	vor.u32 v42, v4;
	v15 =	vld.idx.msk [tilespmem:v15+s20+$0x0], $0xffff  }
0x398: {  	v22 =	vor.u32 v43, v4;
	v13 =	vld.idx.msk [tilespmem:v13+s20+$0x0], $0xffff  }
0x399: {  	v18 =	vor.u32 v29, v4;
	v3 =	vld.idx.msk [tilespmem:v3+s20+$0x0], $0xffff  }
0x39a: {  	v17 =	vld.idx.msk [tilespmem:v17+s20+$0x0], $0xffff  }
0x39b: {  	v24 =	vor.u32 v8, v4;
	v27 =	vor.u32 v28, v6;
	v19 =	vld.idx.msk [tilespmem:v19+s20+$0x0], $0xffff;
	v21 =	vsub.f32 v1, v2  }
0x39c: {  	v30 =	vor.u32 v29, v6;
	v20 =	vld.idx.msk [tilespmem:v20+s20+$0x0], $0xffff;
	v1 =	vsub.f32 v1, v0;
	v59 =	vsub.f32 v5, v2  }
0x39d: {  	v31 =	vor.u32 v34, v6;
	v22 =	vld.idx.msk [tilespmem:v22+s20+$0x0], $0xffff;
	v48 =	vsub.f32 v5, v0;
	v5 =	vsub.f32 v14, v0  }
0x39e: {  	v25 =	vsub.f32 v10, v2;
	v60 =	vsub.f32 v10, v0;
	v10 =	vld.idx.msk [tilespmem:v18+s20+$0x0], $0xffff;
	v18 =	vor.u32 v9, v4  }
0x39f: {  	v4 =	vor.u32 v61, v4;
	v46 =	vsub.f32 v7, v0;
	[tilespmem:$0x1F6A0] =	vst v5;
	v5 =	vsub.f32 v15, v0  }
0x3a0: {  	v32 =	vor.u32 v43, v6;
	v24 =	vld.idx.msk [tilespmem:v24+s20+$0x0], $0xffff;
	v36 =	vsub.f32 v13, v0;
	v0 =	vsub.f32 v3, v0  }
0x3a1: {  	v56 =	vsub.f32 v7, v2;
	[tilespmem:$0x1F6B0] =	vst v5;
	v5 =	vsub.f32 v3, v2;
	v3 =	vor.u32 v42, v6  }
0x3a2: {  	v27 =	vld.idx.msk [tilespmem:v27+s20+$0x0], $0xffff;
	v35 =	vsub.f32 v14, v2;
	[tilespmem:$0x1F6C0] =	vst v0;
	v0 =	vsub.f32 v17, v11  }
0x3a3: {  	v30 =	vld.idx.msk [tilespmem:v30+s20+$0x0], $0xffff;
	v49 =	vsub.f32 v15, v2;
	v37 =	vsub.f32 v13, v2  }
0x3a4: {  	v2 =	vsub.f32 v19, v16;
	v4 =	vld.idx.msk [tilespmem:v4+s20+$0x0], $0xffff;
	[tilespmem:$0x1F6D0] =	vst v0;
	v0 =	vor.u32 v9, v6  }
0x3a5: {  	v38 =	vor.u32 v29, v23;
	v31 =	vld.idx.msk [tilespmem:v31+s20+$0x0], $0xffff  }
0x3a6: {  	[tilespmem:$0x1F6E0] =	vst v2;
	v2 =	vsub.f32 v20, v11;
	v3 =	vld.idx.msk [tilespmem:v3+s20+$0x0], $0xffff  }
0x3a7: {  	v33 =	vor.u32 v8, v6;
	[tilespmem:$0x1F5D0] =	vst v28;
	v39 =	vor.u32 v28, v23;
	v32 =	vld.idx.msk [tilespmem:v32+s20+$0x0], $0xffff  }
0x3a8: {  	v55 =	vsub.f32 v27, v26;
	v6 =	vor.u32 v61, v6;
	[tilespmem:$0x1F6F0] =	vst v2;
	v2 =	vsub.f32 v20, v16  }
0x3a9: {  	[tilespmem:$0x1F610] =	vst v34;
	v63 =	vsub.f32 v10, v11;
	v45 =	vld.idx.msk [tilespmem:v0+s20+$0x0], $0xffff;
	v0 =	vsub.f32 v4, v16  }
0x3aa: {  	v57 =	vld.idx.msk [tilespmem:v38+s20+$0x0], $0xffff;
	v52 =	vsub.f32 v10, v16;
	[tilespmem:$0x1F700] =	vst v2;
	v2 =	vsub.f32 v22, v11  }
0x3ab: {  	v10 =	vsub.f32 v27, v12;
	v27 =	vor.u32 v42, v23;
	[tilespmem:$0x1F600] =	vst v0;
	v0 =	vsub.f32 v3, v12  }
0x3ac: {  	v41 =	vor.u32 $0x20, v23;
	v54 =	vsub.f32 v17, v16;
	v18 =	vld.idx.msk [tilespmem:v18+s20+$0x0], $0xffff;
	[tilespmem:$0x1F710] =	vst v2;
	v2 =	vsub.f32 v22, v16  }
0x3ad: {  	v6 =	vld.idx.msk [tilespmem:v6+s20+$0x0], $0xffff;
	[tilespmem:$0x1F640] =	vst v0;
	v0 =	vsub.f32 v3, v26;
	v3 =	vor.u32 v8, v23  }
0x3ae: {  	v51 =	vor.u32 v43, v23;
	v53 =	vsub.f32 v19, v11;
	[tilespmem:$0x1F720] =	vst v2;
	v2 =	vsub.f32 v24, v11  }
0x3af: {  	v58 =	vor.u32 v9, v23;
	v44 =	vld.idx.msk [tilespmem:v33+s20+$0x0], $0xffff;
	v28 =	vsub.f32 v57, v50;
	v19 =	vsub.f32 v30, v26  }
0x3b0: {  	v20 =	vsub.f32 v31, v26;
	v40 =	vld.idx.msk [tilespmem:v27+s20+$0x0], $0xffff;
	[tilespmem:$0x1F730] =	vst v2;
	v2 =	vsub.f32 v24, v16  }
0x3b1: {  	v24 =	vsub.f32 v18, v16;
	v16 =	vor.u32 v34, v23;
	v34 =	vld.idx.msk [tilespmem:v41+s4+$0x0], $0xffff;
	v41 =	vsub.f32 v32, v26  }
0x3b2: {  	v27 =	vsub.f32 v6, v12;
	[tilespmem:$0x1F740] =	vst v2;
	v2 =	vsub.f32 v18, v11;
	v3 =	vld.idx.msk [tilespmem:v3+s20+$0x0], $0xffff  }
0x3b3: {  	v18 =	vsub.f32 v30, v12;
	[tilespmem:$0x1F650] =	vst v0;
	v0 =	vsub.f32 v32, v12  }
0x3b4: {  	v23 =	vor.u32 v61, v23;
	v32 =	vsub.f32 v44, v26;
	[tilespmem:$0x1F750] =	vst v2;
	v2 =	vsub.f32 v4, v11  }
0x3b5: {  	v30 =	vsub.f32 v45, v26;
	v26 =	vsub.f32 v6, v26;
	v6 =	vld.idx.msk [tilespmem:v51+s20+$0x0], $0xffff;
	[tilespmem:$0x1F670] =	vst v0  }
0x3b6: {  	v51 =	vld.idx.msk [tilespmem:v58+s20+$0x0], $0xffff;
	v0 =	vmul.f32 v60, v60;
	[tilespmem:$0x1F5E0] =	vst v2;
	v2 =	vsub.f32 v57, v34  }
0x3b7: {  	v60 =	vmul.f32 v56, v56;
	v57 =	vsub.f32 v3, v50;
	v56 =	vsub.f32 v3, v34;
	v3 =	vld [tilespmem:$0x1F6A0];
	_ =	sdelay $0x1  }
0x3b8: {  	v47 =	vld.idx.msk [tilespmem:v39+s20+$0x0], $0xffff  }
0x3b9: {  	v16 =	vld.idx.msk [tilespmem:v16+s20+$0x0], $0xffff  }
0x3ba: {  	v15 =	vsub.f32 v40, v50;
	v23 =	vld.idx.msk [tilespmem:v23+s20+$0x0], $0xffff;
	v62 =	vsub.f32 v40, v34  }
0x3bb: {  	v40 =	vsub.f32 v51, v50;
	v38 =	vsub.f32 v51, v34;
	v51 =	vmul.f32 v3, v3;
	v3 =	vld [tilespmem:$0x1F6B0]  }
0x3bc: {  	v33 =	vsub.f32 v44, v12;
	v14 =	vmul.f32 v59, v59;
	v22 =	vsub.f32 v31, v12  }
0x3bd: {  	v31 =	vsub.f32 v45, v12;
	v12 =	vmul.f32 v21, v21;
	v21 =	vsub.f32 v47, v50  }
0x3be: {  	[tilespmem:$0x1F660] =	vst v8;
	v8 =	vimm.f32 $0.0e+00;
	v58 =	vsub.f32 v6, v50;
	v59 =	vsub.f32 v6, v34  }
0x3bf: {  	v6 =	vadd.f32 v12, v8;
	v4 =	vsub.f32 v16, v50  }
0x3c0: {  	v17 =	vsub.f32 v23, v50;
	v50 =	vmul.f32 v3, v3;
	v3 =	vmul.f32 v21, v21;
	_ =	sdelay $0x1  }
0x3c1: {  	[tilespmem:$0x1F680] =	vst v9;
	v9 =	vmul.f32 v10, v10;
	v3 =	vadd.f32 v3, v6  }
0x3c2: {  	[tilespmem:$0x1F690] =	vst v61;
	v61 =	vmul.f32 v46, v46;
	v46 =	vmul.f32 v5, v5;
	v5 =	vld [tilespmem:$0x1F6C0]  }
0x3c3: {  	v3 =	vadd.f32 v9, v3;
	v9 =	vld [tilespmem:$0x1F700]  }
0x3c4: {  	[tilespmem:$0x1F5F0] =	vst v29;
	v1 =	vmul.f32 v1, v1;
	v29 =	vsub.f32 v47, v34  }
0x3c5: {  	v25 =	vmul.f32 v25, v25;
	v13 =	vmul.f32 v48, v48;
	v10 =	vld [tilespmem:$0x1F710]  }
0x3c6: {  	v49 =	vmul.f32 v49, v49;
	v1 =	vadd.f32 v1, v8;
	v12 =	vmul.f32 v29, v29  }
0x3c7: {  	v47 =	vmul.f32 v5, v5;
	v0 =	vadd.f32 v0, v8;
	v2 =	vmul.f32 v2, v2  }
0x3c8: {  	v12 =	vadd.f32 v12, v1;
	v1 =	vmul.f32 v28, v28;
	v28 =	vmul.f32 v9, v9  }
0x3c9: {  	v5 =	vld [tilespmem:$0x1F6D0];
	v2 =	vadd.f32 v2, v0;
	v9 =	vmul.f32 v18, v18;
	v18 =	vmul.f32 v19, v19  }
0x3ca: {  	v25 =	vadd.f32 v25, v8;
	v21 =	vmul.f32 v54, v54;
	v54 =	vmul.f32 v10, v10;
	v10 =	vld [tilespmem:$0x1F720]  }
0x3cb: {  	v44 =	vmul.f32 v35, v35;
	v45 =	vmul.f32 v37, v37;
	v18 =	vadd.f32 v18, v2;
	v2 =	vld [tilespmem:$0x1F740]  }
0x3cc: {  	v35 =	vmul.f32 v36, v36;
	v39 =	vmul.f32 v24, v24;
	v0 =	vld [tilespmem:$0x1F6F0]  }
0x3cd: {  	v24 =	vimm.f32 $0.0e+00;
	v11 =	vimm.f32 $0.0e+00;
	v25 =	vadd.f32 v1, v25;
	v1 =	vld [tilespmem:$0x1F6E0]  }
0x3ce: {  	[tilespmem:$0x1F630] =	vst v43;
	v29 =	vmul.f32 v55, v55;
	v43 =	vsub.f32 v23, v34;
	v23 =	vmul.f32 v63, v63  }
0x3cf: {  	v7 =	vsub.f32 v16, v34;
	v63 =	vmul.f32 v53, v53;
	v55 =	vmul.f32 v10, v10;
	v10 =	vld [tilespmem:$0x1F730]  }
0x3d0: {  	v12 =	vadd.f32 v29, v12;
	v29 =	vmul.f32 v22, v22;
	v53 =	vmul.f32 v2, v2;
	v2 =	vld [tilespmem:$0x1F750]  }
0x3d1: {  	v22 =	vimm.f32 $0.0e+00;
	v6 =	vmul.f32 v5, v5;
	v5 =	vmul.f32 v52, v52  }
0x3d2: {  	v0 =	vmul.f32 v0, v0;
	v1 =	vmul.f32 v1, v1;
	v9 =	vadd.f32 v9, v25  }
0x3d3: {  	v21 =	vadd.f32 v21, v12;
	v12 =	vimm.f32 $0.0e+00;
	v5 =	vadd.f32 v5, v18  }
0x3d4: {  	[tilespmem:$0x1F620] =	vst v42;
	v52 =	vmul.f32 v10, v10;
	v16 =	vadd.f32 v23, v9;
	v9 =	vimm.f32 $0.0e+00  }
0x3d5: {  	v23 =	vimm.f32 $0.0e+00;
	[tilespmem:$0x1F770] =	vst v5;
	v5 =	vmul.f32 v15, v15;
	v42 =	vmul.f32 v2, v2  }
0x3d6: {  	v2 =	vadd.f32 v6, v3;
	v3 =	vmul.f32 v4, v4;
	v4 =	vmul.f32 v7, v7  }
0x3d7: {  	v6 =	vadd.f32 v14, v8;
	v7 =	vadd.f32 v13, v8;
	v13 =	vimm.f32 $0.0e+00  }
0x3d8: {  	s29 =	simm.s32 $0x4;
	v14 =	vimm.f32 $0.0e+00;
	[tilespmem:$0x1F760] =	vst v2;
	v2 =	vmul.f32 v20, v20;
	v20 =	vimm.f32 $0.0e+00  }
.LBB2_16:
0x3d9: {  	_ = 	snop  }
0x3da: {  	v3 =	vadd.f32 v3, v6;
	v6 =	vld [tilespmem:$0x1F640];
	_ =	sdelay $0x1  }
0x3db: {  	[tilespmem:$0x1F500] =	vst v16;
	v16 =	vadd.f32 v60, v8;
	v8 =	vld [tilespmem:$0x1F650];
	_ =	sdelay $0x1  }
0x3dc: {  	v48 =	vmul.f32 v62, v62  }
0x3dd: {  	v25 =	vadd.f32 v61, v9;
	v6 =	vmul.f32 v6, v6;
	v5 =	vadd.f32 v5, v16  }
0x3de: {  	v4 =	vadd.f32 v4, v7  }
0x3df: {  	v7 =	vadd.f32 v48, v25;
	v5 =	vadd.f32 v6, v5;
	v16 =	vmul.f32 v8, v8  }
0x3e0: {  	v3 =	vadd.f32 v29, v3  }
0x3e1: {  	v0 =	vadd.f32 v0, v5;
	v6 =	vadd.f32 v16, v7  }
0x3e2: {  	[tilespmem:$0x1F4F0] =	vst v21;
	v2 =	vadd.f32 v2, v4;
	v4 =	vld [tilespmem:$0x1F670];
	v3 =	vadd.f32 v63, v3  }
0x3e3: {  	[tilespmem:$0x1F590] =	vst v0;
	v0 =	vadd.f32 v28, v6  }
0x3e4: {  	v1 =	vadd.f32 v1, v2;
	[tilespmem:$0x1F5A0] =	vst v3  }
0x3e5: {  	v21 =	vmul.f32 v56, v56;
	v29 =	vmul.f32 v58, v58;
	[tilespmem:$0x1F580] =	vst v0;
	v0 =	vadd.f32 v44, v13  }
0x3e6: {  	v2 =	vadd.f32 v51, v14;
	[tilespmem:$0x1F5C0] =	vst v1;
	v1 =	vmul.f32 v59, v59;
	v3 =	vmul.f32 v57, v57  }
0x3e7: {  	v4 =	vmul.f32 v4, v4;
	v5 =	vadd.f32 v49, v11;
	v0 =	vadd.f32 v29, v0  }
0x3e8: {  	v1 =	vadd.f32 v1, v2;
	v7 =	vmul.f32 v41, v41;
	v6 =	vadd.f32 v50, v12  }
0x3e9: {  	v2 =	vmul.f32 v33, v33;
	v3 =	vadd.f32 v3, v5;
	v0 =	vadd.f32 v4, v0  }
0x3ea: {  	v1 =	vadd.f32 v7, v1;
	v5 =	vadd.f32 v21, v6;
	v6 =	vmul.f32 v32, v32  }
0x3eb: {  	v2 =	vadd.f32 v2, v3;
	v0 =	vadd.f32 v54, v0  }
0x3ec: {  	v3 =	vadd.f32 v6, v5  }
0x3ed: {  	[tilespmem:$0x1F520] =	vst v0;
	v0 =	vadd.f32 v55, v1;
	v1 =	vadd.f32 v52, v2;
	_ =	sdelay $0x1  }
0x3ee: {  	[tilespmem:$0x1F560] =	vst v1;
	v1 =	vadd.f32 v53, v3  }
0x3ef: {  	v2 =	vadd.f32 v35, v23;
	[tilespmem:$0x1F4C0] =	vst v0;
	v0 =	vmul.f32 v38, v38  }
0x3f0: {  	v6 =	vmul.f32 v40, v40;
	[tilespmem:$0x1F530] =	vst v1;
	v1 =	vadd.f32 v45, v20  }
0x3f1: {  	v5 =	vmul.f32 v30, v30;
	v0 =	vadd.f32 v0, v2  }
0x3f2: {  	v18 =	vld [tilespmem:$0x1F5F0];
	v7 =	vadd.f32 v46, v22;
	v4 =	vmul.f32 v31, v31;
	v1 =	vadd.f32 v6, v1  }
0x3f3: {  	v12 =	vadd.f32 v47, v24;
	v22 =	vld [tilespmem:$0x1F620];
	v0 =	vadd.f32 v5, v0  }
0x3f4: {  	v13 =	vmul.f32 v43, v43;
	v3 =	vmul.f32 v17, v17;
	v1 =	vadd.f32 v4, v1;
	v4 =	vld [tilespmem:$0x1F5E0]  }
0x3f5: {  	v8 =	vlaneseq.u32;
	v2 =	vmul.f32 v27, v27;
	v20 =	vld [tilespmem:$0x1F610];
	v0 =	vadd.f32 v39, v0  }
0x3f6: {  	v3 =	vadd.f32 v3, v7;
	v7 =	vmul.f32 v26, v26;
	v6 =	vadd.f32 v13, v12;
	v5 =	vld [tilespmem:$0x1F600]  }
0x3f7: {  	v24 =	vld [tilespmem:$0x1F630];
	[tilespmem:$0x1F4D0] =	vst v0;
	v0 =	vadd.s32 s29, v8  }
0x3f8: {  	v25 =	vld [tilespmem:$0x1F660];
	v2 =	vadd.f32 v2, v3;
	v3 =	vadd.f32 v7, v6;
	v0 =	vand.u32 $0x1F, v0  }
0x3f9: {  	v60 =	vld [tilespmem:$0x1F680];
	v1 =	vadd.f32 v42, v1;
	v6 =	vor.u32 v18, v0;
	v4 =	vmul.f32 v4, v4  }
0x3fa: {  	v16 =	vld [tilespmem:$0x1F5D0];
	v7 =	vor.u32 v20, v0  }
0x3fb: {  	v5 =	vmul.f32 v5, v5;
	[tilespmem:$0x1F540] =	vst v1;
	v11 =	vor.u32 v22, v0;
	v1 =	vadd.f32 v4, v2  }
0x3fc: {  	v61 =	vld [tilespmem:$0x1F690];
	v27 =	vor.u32 v24, v0  }
0x3fd: {  	v28 =	vor.u32 v25, v0;
	[tilespmem:$0x1F570] =	vst v1;
	v1 =	vadd.f32 v5, v3;
	v5 =	vld.idx.msk [tilespmem:v0+s4+$0x0], $0xffff  }
0x3fe: {  	s3 =	sadd.s32 $0x2, s29;
	v29 =	vor.u32 v60, v0;
	v6 =	vld.idx.msk [tilespmem:v6+s20+$0x0], $0xffff  }
0x3ff: {  	v2 =	vadd.s32 s3, v8;
	v4 =	vor.u32 v16, v0;
	v7 =	vld.idx.msk [tilespmem:v7+s20+$0x0], $0xffff  }
0x400: {  	v2 =	vand.u32 $0x1F, v2;
	v11 =	vld.idx.msk [tilespmem:v11+s20+$0x0], $0xffff  }
0x401: {  	s2 =	sadd.s32 $0x3, s29;
	v3 =	vor.u32 $0x20, v0;
	v27 =	vld.idx.msk [tilespmem:v27+s20+$0x0], $0xffff  }
0x402: {  	v0 =	vor.u32 v61, v0;
	v28 =	vld.idx.msk [tilespmem:v28+s20+$0x0], $0xffff;
	[tilespmem:$0x1F4E0] =	vst v1;
	v1 =	vadd.s32 s2, v8  }
0x403: {  	v29 =	vld.idx.msk [tilespmem:v29+s20+$0x0], $0xffff;
	v1 =	vand.u32 $0x1F, v1  }
0x404: {  	v4 =	vld.idx.msk [tilespmem:v4+s20+$0x0], $0xffff;
	v30 =	vor.u32 $0x20, v1  }
0x405: {  	v26 =	vld.idx.msk [tilespmem:v2+s4+$0x0], $0xffff;
	v31 =	vor.u32 v16, v1  }
0x406: {  	v56 =	vor.u32 v18, v1;
	v3 =	vld.idx.msk [tilespmem:v3+s4+$0x0], $0xffff  }
0x407: {  	v57 =	vor.u32 v20, v1;
	v0 =	vld.idx.msk [tilespmem:v0+s20+$0x0], $0xffff  }
0x408: {  	s3 =	sadd.s32 $0x1, s29;
	v34 =	vor.u32 v22, v1;
	v10 =	vld.idx.msk [tilespmem:v1+s4+$0x0], $0xffff  }
0x409: {  	v36 =	vadd.s32 s3, v8;
	v37 =	vor.u32 v24, v1;
	v30 =	vld.idx.msk [tilespmem:v30+s4+$0x0], $0xffff  }
0x40a: {  	v58 =	vor.u32 v25, v1;
	v8 =	vsub.f32 v6, v5;
	v15 =	vsub.f32 v7, v5;
	v31 =	vld.idx.msk [tilespmem:v31+s20+$0x0], $0xffff  }
0x40b: {  	v59 =	vor.u32 v60, v1;
	v38 =	vsub.f32 v11, v5;
	v46 =	vsub.f32 v27, v5;
	v32 =	vld.idx.msk [tilespmem:v56+s20+$0x0], $0xffff  }
0x40c: {  	v62 =	vor.u32 v18, v2;
	v49 =	vsub.f32 v28, v5;
	v19 =	vsub.f32 v29, v5;
	v33 =	vld.idx.msk [tilespmem:v57+s20+$0x0], $0xffff  }
0x40d: {  	v63 =	vor.u32 v20, v2;
	v44 =	vsub.f32 v4, v5;
	v34 =	vld.idx.msk [tilespmem:v34+s20+$0x0], $0xffff;
	v4 =	vsub.f32 v4, v3  }
0x40e: {  	v1 =	vor.u32 v61, v1;
	v37 =	vld.idx.msk [tilespmem:v37+s20+$0x0], $0xffff;
	v6 =	vsub.f32 v6, v3;
	v35 =	vsub.f32 v7, v3  }
0x40f: {  	v39 =	vld.idx.msk [tilespmem:v58+s20+$0x0], $0xffff;
	v45 =	vsub.f32 v11, v3;
	v11 =	vor.u32 $0x20, v2;
	v47 =	vsub.f32 v27, v3  }
0x410: {  	v41 =	vld.idx.msk [tilespmem:v59+s20+$0x0], $0xffff;
	v40 =	vsub.f32 v28, v3;
	v29 =	vsub.f32 v29, v3  }
0x411: {  	v58 =	vld.idx.msk [tilespmem:v62+s20+$0x0], $0xffff;
	v27 =	vor.u32 v16, v2;
	v5 =	vsub.f32 v0, v5;
	v0 =	vsub.f32 v0, v3  }
0x412: {  	v62 =	vld.idx.msk [tilespmem:v63+s20+$0x0], $0xffff;
	v3 =	vor.u32 v22, v2;
	v53 =	vsub.f32 v31, v10;
	v54 =	vsub.f32 v31, v30  }
0x413: {  	v59 =	vor.u32 v60, v2;
	v1 =	vld.idx.msk [tilespmem:v1+s20+$0x0], $0xffff;
	v55 =	vsub.f32 v32, v10;
	v56 =	vsub.f32 v32, v30  }
0x414: {  	v57 =	vsub.f32 v33, v10;
	v28 =	vsub.f32 v34, v10;
	v48 =	vld.idx.msk [tilespmem:v11+s4+$0x0], $0xffff;
	v11 =	vor.u32 v24, v2  }
0x415: {  	v31 =	vor.u32 v25, v2;
	v12 =	vsub.f32 v34, v30;
	v52 =	vsub.f32 v37, v10  }
0x416: {  	v34 =	vand.u32 $0x1F, v36;
	v14 =	vsub.f32 v37, v30;
	v9 =	vsub.f32 v39, v10;
	v27 =	vld.idx.msk [tilespmem:v27+s20+$0x0], $0xffff  }
0x417: {  	v17 =	vsub.f32 v41, v30;
	v7 =	vsub.f32 v62, v26;
	v3 =	vld.idx.msk [tilespmem:v3+s20+$0x0], $0xffff;
	v36 =	vor.u32 v16, v34  }
0x418: {  	v43 =	vld.idx.msk [tilespmem:v59+s20+$0x0], $0xffff;
	v2 =	vor.u32 v61, v2;
	v16 =	vsub.f32 v41, v10;
	v10 =	vsub.f32 v1, v10  }
0x419: {  	[tilespmem:$0x1F4B0] =	vst v8;
	v63 =	vor.u32 $0x20, v34;
	v41 =	vor.u32 v18, v34;
	v1 =	vsub.f32 v1, v30;
	v37 =	vld.idx.msk [tilespmem:v11+s20+$0x0], $0xffff  }
0x41a: {  	v32 =	vor.u32 v22, v34;
	v59 =	vor.u32 v24, v34;
	v24 =	vor.u32 v61, v34;
	[tilespmem:$0x1F5E0] =	vst v10  }
0x41b: {  	v31 =	vld.idx.msk [tilespmem:v31+s20+$0x0], $0xffff;
	v10 =	vsub.f32 v27, v26;
	[tilespmem:$0x1F600] =	vst v1;
	v1 =	vsub.f32 v58, v26  }
0x41c: {  	[tilespmem:$0x1F550] =	vst v7;
	v36 =	vld.idx.msk [tilespmem:v36+s20+$0x0], $0xffff;
	v7 =	vsub.f32 v3, v26;
	v3 =	vsub.f32 v3, v48  }
0x41d: {  	v18 =	vsub.f32 v27, v48;
	v27 =	vor.u32 v20, v34;
	[tilespmem:$0x1F510] =	vst v1;
	v1 =	vld.idx.msk [tilespmem:v2+s20+$0x0], $0xffff  }
0x41e: {  	v23 =	vld.idx.msk [tilespmem:v63+s4+$0x0], $0xffff;
	v63 =	vor.u32 v60, v34;
	[tilespmem:$0x1F650] =	vst v3;
	v3 =	vsub.f32 v37, v26  }
0x41f: {  	v60 =	vmul.f32 v38, v38;
	v38 =	vld.idx.msk [tilespmem:v59+s20+$0x0], $0xffff;
	[tilespmem:$0x1F640] =	vst v7;
	v7 =	vsub.f32 v37, v48  }
0x420: {  	v22 =	vsub.f32 v62, v48;
	v62 =	vor.u32 v25, v34;
	v24 =	vld.idx.msk [tilespmem:v24+s20+$0x0], $0xffff;
	[tilespmem:$0x1F670] =	vst v3  }
0x421: {  	v3 =	vld.idx.msk [tilespmem:v41+s20+$0x0], $0xffff;
	[tilespmem:$0x1F5B0] =	vst v7;
	v7 =	vsub.f32 v43, v26;
	v41 =	vsub.f32 v43, v48  }
0x422: {  	v43 =	vsub.f32 v1, v26;
	v42 =	vsub.f32 v1, v48;
	v1 =	vld [tilespmem:$0x1F4B0]  }
0x423: {  	v50 =	vmul.f32 v40, v40;
	v2 =	vld.idx.msk [tilespmem:v34+s4+$0x0], $0xffff  }
0x424: {  	v8 =	vsub.f32 v33, v30;
	v61 =	vmul.f32 v45, v45;
	v45 =	vmul.f32 v19, v19;
	v37 =	vld.idx.msk [tilespmem:v27+s20+$0x0], $0xffff  }
0x425: {  	v19 =	vmul.f32 v29, v29;
	v11 =	vsub.f32 v39, v30;
	v20 =	vsub.f32 v58, v48;
	v40 =	vld.idx.msk [tilespmem:v62+s20+$0x0], $0xffff  }
0x426: {  	v25 =	vmul.f32 v44, v44;
	v44 =	vmul.f32 v46, v46;
	v21 =	vsub.f32 v31, v26;
	v29 =	vld.idx.msk [tilespmem:v63+s20+$0x0], $0xffff  }
0x427: {  	v13 =	vsub.f32 v31, v48;
	v31 =	vsub.f32 v36, v23;
	v26 =	vmul.f32 v1, v1;
	v1 =	vld.idx.msk [tilespmem:v32+s20+$0x0], $0xffff  }
0x428: {  	v39 =	vmul.f32 v17, v17;
	v27 =	vsub.f32 v36, v2;
	v58 =	vsub.f32 v38, v2  }
0x429: {  	v63 =	vmul.f32 v57, v57;
	v17 =	vsub.f32 v24, v2;
	v33 =	vsub.f32 v37, v2  }
0x42a: {  	v48 =	vmul.f32 v56, v56;
	v57 =	vsub.f32 v40, v2;
	v56 =	vsub.f32 v40, v23  }
0x42b: {  	v46 =	vmul.f32 v5, v5;
	v40 =	vsub.f32 v29, v2;
	v32 =	vsub.f32 v3, v2  }
0x42c: {  	v5 =	vsub.f32 v1, v2;
	v2 =	vmul.f32 v10, v10;
	v10 =	vmul.f32 v31, v31;
	v31 =	vmovc v7;
	v7 =	vld [tilespmem:$0x1F760];
	_ =	sdelay $0x3  }
0x42d: {  	v30 =	vmul.f32 v15, v15;
	v15 =	vmul.f32 v35, v35  }
0x42e: {  	v35 =	vmul.f32 v53, v53;
	v53 =	vmul.f32 v11, v11;
	v11 =	vadd.f32 v25, v7;
	v7 =	vld [tilespmem:$0x1F4F0];
	_ =	sdelay $0x2  }
0x42f: {  	v4 =	vmul.f32 v4, v4;
	v51 =	vmul.f32 v47, v47  }
0x430: {  	v47 =	vmul.f32 v0, v0;
	v0 =	vmul.f32 v28, v28  }
0x431: {  	v28 =	vmul.f32 v12, v12;
	v36 =	vmul.f32 v54, v54;
	v4 =	vadd.f32 v4, v7;
	v7 =	vld [tilespmem:$0x1F770]  }
0x432: {  	v54 =	vmul.f32 v52, v52;
	v52 =	vmul.f32 v9, v9  }
0x433: {  	v9 =	vmul.f32 v27, v27;
	v12 =	vmul.f32 v32, v32;
	v32 =	vmov v13;
	v13 =	vld [tilespmem:$0x1F500]  }
0x434: {  	v6 =	vmul.f32 v6, v6;
	v34 =	vsub.f32 v37, v23;
	v3 =	vsub.f32 v3, v23  }
0x435: {  	v37 =	vmul.f32 v55, v55;
	v55 =	vmul.f32 v14, v14;
	v14 =	vld [tilespmem:$0x1F4C0];
	v9 =	vadd.f32 v9, v11  }
0x436: {  	v59 =	vsub.f32 v38, v23;
	v3 =	vmul.f32 v3, v3;
	v6 =	vadd.f32 v6, v7;
	v7 =	vld [tilespmem:$0x1F510]  }
0x437: {  	v27 =	vmov v43;
	v43 =	vsub.f32 v24, v23;
	v9 =	vadd.f32 v2, v9;
	v2 =	vld [tilespmem:$0x1F550]  }
0x438: {  	v24 =	vld [tilespmem:$0x1F4E0];
	v13 =	vadd.f32 v26, v13;
	v3 =	vadd.f32 v3, v6;
	v6 =	vmul.f32 v20, v20  }
0x439: {  	v38 =	vsub.f32 v29, v23;
	v62 =	vsub.f32 v1, v23;
	v23 =	vld [tilespmem:$0x1F4D0]  }
0x43a: {  	v1 =	vmul.f32 v8, v8;
	v11 =	vadd.f32 v12, v13;
	v13 =	vld [tilespmem:$0x1F520];
	v6 =	vadd.f32 v6, v3  }
0x43b: {  	v8 =	vmul.f32 v18, v18;
	v12 =	vld [tilespmem:$0x1F530];
	v4 =	vadd.f32 v10, v4;
	v10 =	vmul.f32 v7, v7  }
0x43c: {  	v29 =	vmul.f32 v2, v2;
	v2 =	vmul.f32 v22, v22;
	v22 =	vld [tilespmem:$0x1F570];
	v6 =	vadd.f32 v48, v6  }
0x43d: {  	v4 =	vadd.f32 v8, v4;
	v8 =	vadd.f32 v10, v11;
	v10 =	vld [tilespmem:$0x1F5C0]  }
0x43e: {  	p1 =	slt.u32 s29, $0x1C;
	[tilespmem:$0x1F770] =	vst v6;
	v6 =	vld [tilespmem:$0x1F5A0]  }
.Ltmp6:
0x43f: {  	v16 =	vmul.f32 v16, v16;
	v20 =	vld [tilespmem:$0x1F540];
	(pc) =	sbr.rel @p1 .LBB2_16-.Ltmp6, $4  }
0x440: {  	v49 =	vmul.f32 v49, v49;
	v7 =	vadd.f32 v35, v9;
	v9 =	vld [tilespmem:$0x1F580]  }
0x441: {  	v5 =	vmul.f32 v5, v5;
	v26 =	vmovc v42;
	v42 =	vmov v16;
	v3 =	vmul.f32 v33, v33;
	v11 =	vld [tilespmem:$0x1F560]  }
0x442: {  	v33 =	vmovc v21;
	v21 =	vadd.f32 v36, v4;
	v4 =	vmul.f32 v34, v34;
	v16 =	vadd.f32 v37, v8;
	v8 =	vld [tilespmem:$0x1F590]  }
0x443: {  	s29 =	sadd.s32 $0x4, s29;
	v35 =	vmovc v19;
	[tilespmem:$0x1F760] =	vst v7;
	v7 =	vadd.f32 v15, v10;
	v6 =	vadd.f32 v30, v6;
	v30 =	vmov v41;
	v41 =	vld [tilespmem:$0x1F5B0]  }
0x444: {  	v10 =	vmul.f32 v62, v62;
	v62 =	vmul.f32 v59, v59  }
0x445: {  	v18 =	vmul.f32 v57, v57;
	v12 =	vadd.f32 v50, v12;
	v22 =	vadd.f32 v46, v22  }
0x446: {  	v25 =	vmul.f32 v33, v33;
	v24 =	vadd.f32 v47, v24;
	v9 =	vadd.f32 v61, v9  }
0x447: {  	v33 =	vmul.f32 v32, v32;
	v3 =	vadd.f32 v3, v6;
	v8 =	vadd.f32 v60, v8  }
0x448: {  	v15 =	vmul.f32 v31, v31;
	v4 =	vadd.f32 v4, v7;
	v6 =	vld [tilespmem:$0x1F640];
	v11 =	vadd.f32 v49, v11  }
0x449: {  	v37 =	vmul.f32 v30, v30;
	v3 =	vadd.f32 v29, v3;
	v5 =	vadd.f32 v5, v8;
	v8 =	vld [tilespmem:$0x1F650]  }
0x44a: {  	v40 =	vmul.f32 v40, v40;
	v7 =	vadd.f32 v10, v9;
	v2 =	vadd.f32 v2, v4;
	v4 =	vld [tilespmem:$0x1F670]  }
0x44b: {  	v48 =	vmul.f32 v17, v17;
	v10 =	vadd.f32 v18, v11;
	v3 =	vadd.f32 v63, v3  }
0x44c: {  	v18 =	vmul.f32 v38, v38;
	v1 =	vadd.f32 v1, v2;
	v63 =	vadd.f32 v51, v14  }
0x44d: {  	v6 =	vmul.f32 v6, v6;
	v9 =	vadd.f32 v25, v10;
	v25 =	vmul.f32 v43, v43  }
0x44e: {  	v19 =	vld [tilespmem:$0x1F760];
	v2 =	vadd.f32 v62, v63;
	v1 =	vmin.f32 v3, v1;
	v8 =	vmul.f32 v8, v8  }
0x44f: {  	v4 =	vmul.f32 v4, v4;
	v5 =	vadd.f32 v6, v5;
	v1 =	vadd.f32 $9.999999960e-13, v1  }
0x450: {  	v34 =	vld [tilespmem:$0x1F770];
	v9 =	vadd.f32 v52, v9;
	v52 =	vmul.f32 v27, v27;
	v6 =	vadd.f32 v8, v7  }
0x451: {  	v0 =	vadd.f32 v0, v5;
	v59 =	vshra.s32 v1, $0x1;
	v7 =	vmul.f32 v41, v41  }
0x452: {  	v8 =	vmul.f32 v58, v58;
	v58 =	vld [tilespmem:$0x1F600];
	v5 =	vadd.f32 v28, v6;
	v6 =	vadd.f32 v44, v13  }
0x453: {  	v60 =	vmul.f32 $5.000000000e-01, v1;
	v13 =	vmin.f32 v19, v21;
	v21 =	vmul.f32 v56, v56  }
0x454: {  	v63 =	vsub.s32 $0x5F3759DF, v59;
	v2 =	vadd.f32 v7, v2;
	v6 =	vadd.f32 v8, v6  }
0x455: {  	v8 =	vadd.f32 $9.999999960e-13, v13;
	v28 =	vadd.f32 v21, v12;
	v12 =	vmin.f32 v16, v34  }
0x456: {  	v2 =	vadd.f32 v55, v2;
	v21 =	vadd.f32 v48, v22;
	v0 =	vmin.f32 v0, v5  }
0x457: {  	v36 =	vadd.f32 $9.999999960e-13, v12;
	v14 =	vmul.f32 v58, v58;
	v0 =	vadd.f32 $9.999999960e-13, v0  }
0x458: {  	v29 =	vshra.s32 v8, $0x1;
	v13 =	vmul.f32 $5.000000000e-01, v8;
	v4 =	vadd.f32 v4, v6  }
0x459: {  	v11 =	vadd.f32 v33, v28;
	v41 =	vshra.s32 v36, $0x1;
	v44 =	vmul.f32 $5.000000000e-01, v36  }
0x45a: {  	v6 =	vsub.s32 $0x5F3759DF, v29;
	v61 =	vshra.s32 v0, $0x1;
	v16 =	vsub.s32 $0x5F3759DF, v41  }
0x45b: {  	v62 =	vmul.f32 $5.000000000e-01, v0;
	v4 =	vadd.f32 v54, v4;
	v19 =	vmul.f32 v16, v44  }
0x45c: {  	v7 =	vmul.f32 v6, v13;
	v11 =	vadd.f32 v53, v11;
	v53 =	vadd.f32 v25, v24  }
0x45d: {  	v54 =	vmul.f32 v26, v26;
	v24 =	vsub.s32 $0x5F3759DF, v61;
	v19 =	vmul.f32 v16, v19  }
0x45e: {  	v5 =	vadd.f32 v52, v21;
	v25 =	vmul.f32 v63, v60;
	v26 =	vmul.f32 v24, v62  }
0x45f: {  	v7 =	vmul.f32 v6, v7;
	v2 =	vmin.f32 v4, v2;
	v19 =	vsub.f32 $1.500000000e+00, v19  }
0x460: {  	v21 =	vmul.f32 v63, v25;
	v22 =	vmul.f32 v24, v26;
	v2 =	vadd.f32 $9.999999960e-13, v2  }
0x461: {  	v9 =	vmin.f32 v9, v11;
	v7 =	vsub.f32 $1.500000000e+00, v7;
	v16 =	vmul.f32 v16, v19  }
0x462: {  	v9 =	vadd.f32 $9.999999960e-13, v9;
	v30 =	vsub.f32 $1.500000000e+00, v22;
	v34 =	vshra.s32 v2, $0x1  }
0x463: {  	v56 =	vld [tilespmem:$0x1F5E0];
	v6 =	vmul.f32 v6, v7;
	v7 =	vadd.f32 v45, v20;
	v55 =	vmul.f32 v16, v44  }
0x464: {  	v45 =	vadd.f32 v35, v23;
	v10 =	vsub.s32 $0x5F3759DF, v34;
	v35 =	vmul.f32 $5.000000000e-01, v2  }
0x465: {  	v49 =	vmul.f32 v6, v13;
	v7 =	vadd.f32 v40, v7;
	v57 =	vmul.f32 v55, v16  }
0x466: {  	v19 =	vadd.f32 v54, v53;
	v33 =	vmul.f32 v24, v30;
	v50 =	vadd.f32 v18, v45  }
0x467: {  	v51 =	vmul.f32 v49, v6;
	v7 =	vadd.f32 v15, v7;
	v3 =	vsub.f32 $1.500000000e+00, v57  }
0x468: {  	v14 =	vadd.f32 v14, v19;
	v12 =	vadd.f32 v37, v50;
	v15 =	vmul.f32 v56, v56  }
0x469: {  	v18 =	vsub.f32 $1.500000000e+00, v51;
	v7 =	vadd.f32 v42, v7;
	v3 =	vmul.f32 v3, v16  }
0x46a: {  	v38 =	vmul.f32 v10, v35;
	v12 =	vadd.f32 v39, v12;
	v5 =	vadd.f32 v15, v5  }
0x46b: {  	v29 =	vsub.f32 $1.500000000e+00, v21;
	v6 =	vmul.f32 v18, v6;
	v27 =	vmul.f32 v3, v44  }
0x46c: {  	v7 =	vmin.f32 v7, v12;
	v5 =	vmin.f32 v5, v14;
	v14 =	vmul.f32 v10, v38  }
0x46d: {  	v37 =	vmul.f32 $5.000000000e-01, v9;
	v7 =	vadd.f32 $9.999999960e-13, v7;
	v28 =	vmul.f32 v27, v3  }
0x46e: {  	v5 =	vadd.f32 $9.999999960e-13, v5;
	v13 =	vmul.f32 v6, v13;
	v14 =	vsub.f32 $1.500000000e+00, v14  }
0x46f: {  	v40 =	vshra.s32 v7, $0x1;
	v41 =	vmul.f32 $5.000000000e-01, v7;
	v31 =	vsub.f32 $1.500000000e+00, v28  }
0x470: {  	v42 =	vshra.s32 v5, $0x1;
	v43 =	vmul.f32 $5.000000000e-01, v5;
	v13 =	vmul.f32 v13, v6  }
0x471: {  	v18 =	vsub.s32 $0x5F3759DF, v40;
	v21 =	vsub.s32 $0x5F3759DF, v42;
	v3 =	vmul.f32 v31, v3  }
0x472: {  	v10 =	vmul.f32 v10, v14;
	v44 =	vmul.f32 v18, v41;
	v13 =	vsub.f32 $1.500000000e+00, v13  }
0x473: {  	v45 =	vmul.f32 v21, v43;
	v3 =	vmul.f32 v3, v36;
	v36 =	vshra.s32 v9, $0x1  }
0x474: {  	v48 =	vmul.f32 v10, v35;
	v6 =	vmul.f32 v13, v6;
	v13 =	vsub.s32 $0x5F3759DF, v36  }
0x475: {  	v24 =	vmul.f32 v18, v44;
	v39 =	vmul.f32 v13, v37  }
0x476: {  	v32 =	vmul.f32 v63, v29;
	v25 =	vmul.f32 v21, v45  }
0x477: {  	v16 =	vmul.f32 v48, v10;
	v46 =	vsub.f32 $1.500000000e+00, v24;
	v17 =	vmul.f32 v13, v39  }
0x478: {  	v47 =	vsub.f32 $1.500000000e+00, v25;
	v4 =	vmul.f32 v6, v8;
	v6 =	vmul.f32 v32, v60  }
0x479: {  	v8 =	vmul.f32 v33, v62;
	v14 =	vmul.f32 v18, v46;
	v17 =	vsub.f32 $1.500000000e+00, v17  }
0x47a: {  	v16 =	vsub.f32 $1.500000000e+00, v16;
	v15 =	vmul.f32 v21, v47;
	v6 =	vmul.f32 v6, v32  }
0x47b: {  	v8 =	vmul.f32 v8, v33;
	v13 =	vmul.f32 v13, v17  }
0x47c: {  	v10 =	vmul.f32 v16, v10;
	v18 =	vmul.f32 v14, v41  }
0x47d: {  	v21 =	vmul.f32 v15, v43;
	v17 =	vmul.f32 v13, v37  }
0x47e: {  	v6 =	vsub.f32 $1.500000000e+00, v6;
	v8 =	vsub.f32 $1.500000000e+00, v8;
	v18 =	vmul.f32 v18, v14  }
0x47f: {  	v21 =	vmul.f32 v21, v15;
	v17 =	vmul.f32 v17, v13  }
0x480: {  	v6 =	vmul.f32 v6, v32;
	v8 =	vmul.f32 v8, v33  }
0x481: {  	v11 =	vmul.f32 v10, v35;
	v49 =	vsub.f32 $1.500000000e+00, v18;
	v17 =	vsub.f32 $1.500000000e+00, v17  }
0x482: {  	v51 =	vsub.f32 $1.500000000e+00, v21;
	v20 =	vmul.f32 v6, v60;
	v23 =	vmul.f32 v8, v62  }
0x483: {  	v14 =	vmul.f32 v49, v14;
	v13 =	vmul.f32 v17, v13  }
0x484: {  	v15 =	vmul.f32 v51, v15;
	v20 =	vmul.f32 v20, v6  }
0x485: {  	v50 =	vmul.f32 v23, v8;
	v12 =	vmul.f32 v13, v37  }
0x486: {  	v11 =	vmul.f32 v11, v10;
	v53 =	vmul.f32 v14, v41;
	v52 =	vsub.f32 $1.500000000e+00, v20  }
0x487: {  	v54 =	vmul.f32 v15, v43;
	v18 =	vsub.f32 $1.500000000e+00, v50;
	v12 =	vmul.f32 v12, v13  }
0x488: {  	v11 =	vsub.f32 $1.500000000e+00, v11;
	v55 =	vmul.f32 v53, v14;
	v6 =	vmul.f32 v52, v6  }
0x489: {  	v56 =	vmul.f32 v54, v15;
	v8 =	vmul.f32 v18, v8;
	v12 =	vsub.f32 $1.500000000e+00, v12  }
0x48a: {  	[tilespmem:s7+$0x10240] =	vst v4;
	v4 =	vmul.f32 v11, v10;
	v1 =	vmul.f32 v6, v1;
	v6 =	vsub.f32 $1.500000000e+00, v55  }
0x48b: {  	s1 =	sadd.s32 $0x1, s1;
	[tilespmem:s6+$0x10240] =	vst v3;
	v0 =	vmul.f32 v8, v0;
	v8 =	vsub.f32 $1.500000000e+00, v56;
	v57 =	vmul.f32 v12, v13  }
0x48c: {  	p1 =	sne.s32 s1, $0x4;
	v58 =	vmul.f32 v4, v2;
	[tilespmem:s0+$0x10240] =	vst v1;
	v59 =	vmul.f32 v6, v14  }
.Ltmp7:
0x48d: {  	v61 =	vmul.f32 v8, v15;
	[tilespmem:s8+$0x10240] =	vst v0;
	v60 =	vmul.f32 v57, v9;
	(pc) =	sbr.rel @p1 .LBB2_15-.Ltmp7, $4  }
0x48e: {  	[tilespmem:s9+$0x10240] =	vst v58;
	v62 =	vmul.f32 v59, v7  }
0x48f: {  	v63 =	vmul.f32 v61, v5;
	[tilespmem:s15+$0x10240] =	vst v60  }
0x490: {  	[tilespmem:s10+$0x10240] =	vst v62  }
0x491: {  	v6 =	vlaneseq.u32;
	[tilespmem:s16+$0x10240] =	vst v63  }
.Ltmp8:
0x492: {  	(pc) =	sbr.rel @p0 .LBB2_2-.Ltmp8, $4  }
0x493: {  	_ = 	snop  }
0x494: {  	s0 =	sadd.s32 $0xC0, s30  }
0x495: {  	[hbm4b:s0+s4] =	stream.linear.scatter [tilespmem:s23], [sflag:$0x6], $0x200, $0x38;
	[tilespmem:$0x10440] =	vst v63  }
0x496: {  	s30 =	simm.s32 $0x800;
	p1 =	por $0x0, $0x0;
	s0 =	smov.u32 s14  }
0x497: {  	_ =	swait.ge [sflag:s25], $0x200  }
0x498: {  	[sflag:s25] =	ssyncset.done $0x0  }
0x499: {  	[sflag:s25] =	ssyncadd.s32 $0xFFFFFE00  }
0x49a: {  	_ =	swait.ge [sflag:s28], $0x200  }
0x49b: {  	s1 =	rddreg [dreg:$0xa]  }
0x49c: {  	s0 =	rddreg [dreg:$0x9];
	s1 =	sadd.s32 $0x1, s1  }
0x49d: {  	p0 =	sne.s32 s1, s0  }
.Ltmp9:
0x49e: {  	_ = 	snop;
	(pc) =	sbr.rel @p0 .LBB2_1-.Ltmp9, $3  }
0x49f: {  	_ =	sdelay $0x1  }
0x4a0: {  	[sflag:s28] =	ssyncset.done $0x0  }
0x4a1: {  	[sflag:s28] =	ssyncadd.s32 $0xFFFFFE00  }
0x4a2: {  	_ =	sfence.sel $0x180000  }
0x4a3: {  	[bflag:$0x0] =	sbarrier.arrive $0xFFFF  }
0x4a4: {  	_ =	strace $0x90000047  }
0x4a5: {  	s0 =	stileid.u32;
	[bflag:$0x2] =	sbarrier.arrive $0xFFFF  }
0x4a6: {  	p0 =	sne.s32 s0, $0x0;
	s0 =	rddreg [dreg:$0x2]  }
0x4a7: {  	s0 =	sadd.s32 @!p0 $0x100000, s0  }
0x4a8: {  	[sflag:s0] =	ssyncadd.tile.s32 @!p0 $0x1;
	_ =	shalt  }
.Lfunc_end2:
_tile_overlayer_lowered:
.L_overlay_start_2:
0x4a9: {  	(tag) =	ssettag $0x2  }
0x4aa: {  	s0 =	rddreg [dreg:$0x0];
	s2 =	stileid.u32  }
0x4ab: {  	s1 =	rddreg [dreg:$0x1];
	p0 =	sne.s32 s2, $0x0  }
0x4ac: {  	s3 =	rddreg [dreg:$0x2];
	[bflag:$0x3] =	sbarrier.arrive $0xFFFF;
	s2 =	simm.s32 @!p0 $0x1C07  }
0x4ad: {  	[timem:s3], [sflag:s2] =	dma.local @!p0 [hbm:s0], s1  }
0x4ae: {  	s0 =	simm.s32 @!p0 $0x7  }
0x4af: {  	_ =	swait.ge @!p0 [sflag:s0], s1  }
0x4b0: {  	s1 =	ssub.s32 @!p0 $0x0, s1;
	[sflag:s0] =	ssyncset.done @!p0 $0x0  }
0x4b1: {  	[sflag:s0] =	ssyncadd.s32 @!p0 s1  }
0x4b2: {  	[bflag:$0x3] =	sbarrier.arrive $0xFFFF  }
0x4b3: {  	_ =	shalt  }

</sc_bundles>
